<compile_context>
chip_gen: v7x
topology: tpu7x:2x2x1
jax: 0.10.2.dev20260603
libtpu: 0.0.44.dev20260713+nightly
codegen_flags: <defaults>
</compile_context>

<pallas_src>
import functools

import jax
import jax.numpy as jnp
from jax import lax
from jax.experimental import pallas as pl
from jax.experimental.pallas import tpu as pltpu
from jax.experimental.pallas import tpu_sc as plsc

B = 16384
EMB = 16
M = 128

_NC = 2
_NS = 16
_NW = _NC * _NS
_BPW = B // _NW
_NBUF = 8
_MCH = 128

_sc_mesh = plsc.VectorSubcoreMesh(core_axis_name="c", subcore_axis_name="s")


@functools.partial(
    pl.kernel,
    out_type=jax.ShapeDtypeStruct((2 * EMB, B), jnp.float32),
    mesh=_sc_mesh,
    scratch_types=[
        pltpu.VMEM((_BPW,), jnp.int32),
        pltpu.VMEM((_BPW,), jnp.int32),
        pltpu.VMEM((_BPW,), jnp.int32),
        pltpu.VMEM((_BPW // 16, 16), jnp.int32),
        pltpu.VMEM((_BPW // 16, 16), jnp.int32),
        pltpu.VMEM((2 * EMB, _BPW), jnp.float32),
        [pltpu.VMEM((EMB, 128), jnp.float32) for _ in range(_NBUF)],
        [pltpu.VMEM((_MCH, 128), jnp.float32) for _ in range(2)],
        [pltpu.SemaphoreType.DMA for _ in range(_NBUF)],
        [pltpu.SemaphoreType.DMA for _ in range(2)],
    ],
    compiler_params=pltpu.CompilerParams(needs_layout_passes=False),
)
def _sc_gather_t(ut_hbm, ml_hbm, uid_hbm, mid_hbm, x_hbm,
                 uid_v, mid_v, mrow_v, uid2, mid2, xbuf, ubufs, mchunks,
                 usems, msems):
    wid = lax.axis_index("s") * _NC + lax.axis_index("c")
    base = pl.multiple_of(wid * _BPW, 128)
    pltpu.sync_copy(uid_hbm.at[pl.ds(base, _BPW)], uid_v)
    pltpu.sync_copy(mid_hbm.at[pl.ds(base, _BPW)], mid_v)
    for c in range(_BPW // 16):
        uid2[c, :] = uid_v[pl.ds(c * 16, 16)]
        mid2[c, :] = mid_v[pl.ds(c * 16, 16)]
        mrow_v[pl.ds(c * 16, 16)] = lax.shift_right_logical(
            mid_v[pl.ds(c * 16, 16)], 3)

    def mfire(c):
        pltpu.async_copy(
            ml_hbm.at[mrow_v.at[pl.ds(c * _MCH, _MCH)]],
            mchunks[c % 2], msems[c % 2])

    lanes = lax.iota(jnp.int32, 16)

    def sid(ref2, i):
        chunk = ref2[lax.shift_right_logical(i, 4), :]
        sel = jnp.where(lanes == lax.bitwise_and(i, 15), chunk, -1)
        return jnp.max(sel)

    def fire(i, b):
        u = sid(uid2, i)
        uoff = pl.multiple_of(lax.shift_right_logical(u, 7) * 128, 128)
        pltpu.async_copy(ut_hbm.at[:, pl.ds(uoff, 128)], ubufs[b], usems[b])
        return u

    mfire(0)
    mfire(1)
    ids = [fire(b, b) for b in range(_NBUF)]

    rows = lax.iota(jnp.int32, 16)

    def process(u, i, b):
        pltpu.make_async_copy(ut_hbm.at[:, pl.ds(0, 128)],
                              ubufs[b], usems[b]).wait()
        ulane = jnp.full((16,), lax.rem(u, 128), jnp.int32)
        col = jnp.full((16,), i, jnp.int32)
        uvals = plsc.load_gather(ubufs[b], [rows, ulane])
        plsc.store_scatter(xbuf, [rows, col], uvals)

    def body(g, carry):
        carry_ids = carry
        new_ids = []
        for b in range(_NBUF):
            i = g * _NBUF + b
            u = carry_ids[b]
            process(u, i, b)
            nxt = jnp.minimum(i + _NBUF, _BPW - 1)
            new_ids.append(fire(nxt, b))
        return tuple(new_ids)

    nmch = _BPW // _MCH
    nseg = _BPW // _NBUF // nmch
    carry = tuple(ids)
    for c in range(nmch):
        carry = lax.fori_loop(c * nseg, (c + 1) * nseg, body, carry)
        pltpu.make_async_copy(
            ml_hbm.at[mrow_v.at[pl.ds(c * _MCH, _MCH)]],
            mchunks[c % 2], msems[c % 2]).wait()

        def mbody(k, mcarry, c=c):
            i = c * _MCH + k
            m = sid(mid2, i)
            grp = lax.bitwise_and(m, 7) * 16
            cols = jnp.full((16,), grp, jnp.int32) + rows
            krow = jnp.full((16,), k, jnp.int32)
            mvals = plsc.load_gather(mchunks[c % 2], [krow, cols])
            plsc.store_scatter(xbuf, [rows + EMB, jnp.full((16,), i,
                                                           jnp.int32)], mvals)
            return mcarry

        lax.fori_loop(0, _MCH, mbody, 0)
        if c + 2 < nmch:
            mfire(c + 2)

    for b in range(_NBUF):
        pltpu.make_async_copy(ut_hbm.at[:, pl.ds(0, 128)],
                              ubufs[b], usems[b]).wait()
    pltpu.sync_copy(xbuf, x_hbm.at[:, pl.ds(base, _BPW)])


_BLK = 2048


def _mlp_body(x_ref, w1_ref, b1_ref, w2_ref, b2_ref, w3_ref, b3_ref, o_ref):
    h1 = jnp.maximum(
        jnp.dot(w1_ref[...], x_ref[...], preferred_element_type=jnp.float32)
        + b1_ref[...], 0.0)
    h2 = jnp.maximum(
        jnp.dot(w2_ref[...], h1, preferred_element_type=jnp.float32)
        + b2_ref[...], 0.0)
    o_ref[...] = (jnp.dot(w3_ref[...], h2, preferred_element_type=jnp.float32)
                  + b3_ref[...])


_mlp = pl.pallas_call(
    _mlp_body,
    grid=(B // _BLK,),
    in_specs=[
        pl.BlockSpec((2 * EMB, _BLK), lambda i: (0, i)),
        pl.BlockSpec((M, 2 * EMB), lambda i: (0, 0)),
        pl.BlockSpec((M, 1), lambda i: (0, 0)),
        pl.BlockSpec((M // 2, M), lambda i: (0, 0)),
        pl.BlockSpec((M // 2, 1), lambda i: (0, 0)),
        pl.BlockSpec((1, M // 2), lambda i: (0, 0)),
        pl.BlockSpec((1, 1), lambda i: (0, 0)),
    ],
    out_specs=pl.BlockSpec((1, _BLK), lambda i: (0, i)),
    out_shape=jax.ShapeDtypeStruct((1, B), jnp.float32),
)


def kernel(userId, movieId, user_table, movie_table, W1, b1, W2, b2, W3, b3):
    ml = movie_table.reshape(-1, 8 * EMB)
    xt = _sc_gather_t(user_table.T, ml, userId, movieId)
    out_t = _mlp(xt, W1, b1.reshape(M, 1), W2, b2.reshape(M // 2, 1),
                 W3, b3.reshape(1, 1))
    return out_t.T

# --- scband reference (transcript-rebuilt; emitter-appended) ---
"""Pipeline reference for scband-net-36550171689369 (READ-ONLY COPY).

The authoritative reference and input builder live on the scoring server;
editing this copy changes nothing except your own understanding.
"""

import jax, jax.numpy as jnp
import numpy as np

NUM_USER = 1000000
NUM_MOVIE = 100000
EMB = 16
M = 128
B = 16384


def setup_inputs(seed: int = 0) -> dict:
    key = jax.random.key(seed)
    ks = jax.random.split(key, 12)
    userId = jax.random.randint(ks[0], (B,), 0, NUM_USER, dtype=jnp.int64 if jax.config.jax_enable_x64 else jnp.int32).astype(jnp.int32)
    movieId = jax.random.randint(ks[1], (B,), 0, NUM_MOVIE, dtype=jnp.int32)
    user_table = jax.random.normal(ks[2], (NUM_USER, EMB), dtype=jnp.float32)
    movie_table = jax.random.normal(ks[3], (NUM_MOVIE, EMB), dtype=jnp.float32)
    # Linear layers: PyTorch convention W[out, in], y = x @ W.T + b
    s1 = 1.0 / np.sqrt(EMB * 2)
    W1 = jax.random.uniform(ks[4], (M, EMB * 2), minval=-s1, maxval=s1, dtype=jnp.float32)
    b1 = jax.random.uniform(ks[5], (M,), minval=-s1, maxval=s1, dtype=jnp.float32)
    s2 = 1.0 / np.sqrt(M)
    W2 = jax.random.uniform(ks[6], (M // 2, M), minval=-s2, maxval=s2, dtype=jnp.float32)
    b2 = jax.random.uniform(ks[7], (M // 2,), minval=-s2, maxval=s2, dtype=jnp.float32)
    s3 = 1.0 / np.sqrt(M // 2)
    W3 = jax.random.uniform(ks[8], (1, M // 2), minval=-s3, maxval=s3, dtype=jnp.float32)
    b3 = jax.random.uniform(ks[9], (1,), minval=-s3, maxval=s3, dtype=jnp.float32)
    return {"userId": userId, "movieId": movieId,
            "user_table": user_table, "movie_table": movie_table,
            "W1": W1, "b1": b1, "W2": W2, "b2": b2, "W3": W3, "b3": b3}


def reference(userId, movieId, user_table, movie_table, W1, b1, W2, b2, W3, b3):
    # Embedding lookups (nn.Embedding -> gather)
    user_eb = jnp.take(user_table, userId, axis=0)
    movie_eb = jnp.take(movie_table, movieId, axis=0)
    x = jnp.concatenate([user_eb, movie_eb], axis=1)
    # Dropout layers are identity in eval/inference mode
    x = jax.nn.relu(x @ W1.T + b1)
    x = jax.nn.relu(x @ W2.T + b2)
    x = x @ W3.T + b3
    return x

if __name__ == "__main__":
    import jax
    _d = setup_inputs()
    print(jax.jit(kernel)(*tuple(_d.values())))

</pallas_src>

<mosaic_0001>
#map = affine_map<(d0, d1) -> (0, 0)>
#map1 = affine_map<(d0, d1) -> (0)>
module attributes {stable_mosaic.version = 14 : i64} {
  func.func @_sc_gather_t(%arg0: i32, %arg1: i32, %arg2: memref<16x1000000xf32, #tpu.memory_space<hbm>>, %arg3: memref<12500x128xf32, #tpu.memory_space<hbm>>, %arg4: memref<16384xi32, #tpu.memory_space<hbm>>, %arg5: memref<16384xi32, #tpu.memory_space<hbm>>, %arg6: memref<32x16384xf32, #tpu.memory_space<hbm>>, %arg7: memref<512xi32, #tpu.memory_space<vmem>>, %arg8: memref<512xi32, #tpu.memory_space<vmem>>, %arg9: memref<512xi32, #tpu.memory_space<vmem>>, %arg10: memref<32x16xi32, #tpu.memory_space<vmem>>, %arg11: memref<32x16xi32, #tpu.memory_space<vmem>>, %arg12: memref<32x512xf32, #tpu.memory_space<vmem>>, %arg13: memref<16x128xf32, #tpu.memory_space<vmem>>, %arg14: memref<16x128xf32, #tpu.memory_space<vmem>>, %arg15: memref<16x128xf32, #tpu.memory_space<vmem>>, %arg16: memref<16x128xf32, #tpu.memory_space<vmem>>, %arg17: memref<16x128xf32, #tpu.memory_space<vmem>>, %arg18: memref<16x128xf32, #tpu.memory_space<vmem>>, %arg19: memref<16x128xf32, #tpu.memory_space<vmem>>, %arg20: memref<16x128xf32, #tpu.memory_space<vmem>>, %arg21: memref<128x128xf32, #tpu.memory_space<vmem>>, %arg22: memref<128x128xf32, #tpu.memory_space<vmem>>, %arg23: memref<!tpu.dma_semaphore, #tpu.memory_space<semaphore_mem>>, %arg24: memref<!tpu.dma_semaphore, #tpu.memory_space<semaphore_mem>>, %arg25: memref<!tpu.dma_semaphore, #tpu.memory_space<semaphore_mem>>, %arg26: memref<!tpu.dma_semaphore, #tpu.memory_space<semaphore_mem>>, %arg27: memref<!tpu.dma_semaphore, #tpu.memory_space<semaphore_mem>>, %arg28: memref<!tpu.dma_semaphore, #tpu.memory_space<semaphore_mem>>, %arg29: memref<!tpu.dma_semaphore, #tpu.memory_space<semaphore_mem>>, %arg30: memref<!tpu.dma_semaphore, #tpu.memory_space<semaphore_mem>>, %arg31: memref<!tpu.dma_semaphore, #tpu.memory_space<semaphore_mem>>, %arg32: memref<!tpu.dma_semaphore, #tpu.memory_space<semaphore_mem>>) attributes {dimension_semantics = [#tpu.dimension_semantics<core_parallel>, #tpu.dimension_semantics<subcore_parallel>], iteration_bounds = array<i64: 2, 16>, scalar_prefetch = 0 : i64, scratch_operands = 26 : i64, tpu.core_type = #tpu.core_type<sc_vector_subcore>, window_params = [{transform_indices = #map}, {transform_indices = #map}, {transform_indices = #map1}, {transform_indices = #map1}, {transform_indices = #map}]} {
    %mul3A = arith.constant 2 : i32
    %mul3A_0 = arith.muli %arg1, %mul3A : i32
    %add3A = arith.addi %mul3A_0, %arg0 : i32
    %mul3A_1 = arith.constant 512 : i32
    %mul3A_2 = arith.muli %add3A, %mul3A_1 : i32
    %multiple_of3A = tpu.assume_multiple %mul3A_2, 128 : i32
    "tpu.region"() ({
      %run_scoped3A = tpu.sem_alloc : memref<!tpu.dma_semaphore, #tpu.memory_space<semaphore_mem>>
      %dma_start3A_984 = tpu.memref_slice %arg4[%multiple_of3A] : memref<16384xi32, #tpu.memory_space<hbm>> -> memref<512xi32, #tpu.memory_space<hbm>>
      %dma_start3A_985 = tpu.memref_slice %arg4[%multiple_of3A] : memref<16384xi32, #tpu.memory_space<hbm>> -> memref<512xi32, #tpu.memory_space<hbm>>
      tpu.enqueue_dma source(%dma_start3A_985 : memref<512xi32, #tpu.memory_space<hbm>>) target(%arg7 : memref<512xi32, #tpu.memory_space<vmem>>) target_semaphore(%run_scoped3A : memref<!tpu.dma_semaphore, #tpu.memory_space<semaphore_mem>>)
      %dma_wait3A_986 = tpu.memref_slice %arg4[%multiple_of3A] : memref<16384xi32, #tpu.memory_space<hbm>> -> memref<512xi32, #tpu.memory_space<hbm>>
      %dma_wait3A_987 = tpu.memref_slice %arg4[%multiple_of3A] : memref<16384xi32, #tpu.memory_space<hbm>> -> memref<512xi32, #tpu.memory_space<hbm>>
      tpu.wait_dma2 semaphore(%run_scoped3A : memref<!tpu.dma_semaphore, #tpu.memory_space<semaphore_mem>>) src(%dma_wait3A_987 : memref<512xi32, #tpu.memory_space<hbm>>) dst(%arg7 : memref<512xi32, #tpu.memory_space<vmem>>)
      tpu.yield
    }) : () -> ()
    "tpu.region"() ({
      %run_scoped3A = tpu.sem_alloc : memref<!tpu.dma_semaphore, #tpu.memory_space<semaphore_mem>>
      %dma_start3A_984 = tpu.memref_slice %arg5[%multiple_of3A] : memref<16384xi32, #tpu.memory_space<hbm>> -> memref<512xi32, #tpu.memory_space<hbm>>
      %dma_start3A_985 = tpu.memref_slice %arg5[%multiple_of3A] : memref<16384xi32, #tpu.memory_space<hbm>> -> memref<512xi32, #tpu.memory_space<hbm>>
      tpu.enqueue_dma source(%dma_start3A_985 : memref<512xi32, #tpu.memory_space<hbm>>) target(%arg8 : memref<512xi32, #tpu.memory_space<vmem>>) target_semaphore(%run_scoped3A : memref<!tpu.dma_semaphore, #tpu.memory_space<semaphore_mem>>)
      %dma_wait3A_986 = tpu.memref_slice %arg5[%multiple_of3A] : memref<16384xi32, #tpu.memory_space<hbm>> -> memref<512xi32, #tpu.memory_space<hbm>>
      %dma_wait3A_987 = tpu.memref_slice %arg5[%multiple_of3A] : memref<16384xi32, #tpu.memory_space<hbm>> -> memref<512xi32, #tpu.memory_space<hbm>>
      tpu.wait_dma2 semaphore(%run_scoped3A : memref<!tpu.dma_semaphore, #tpu.memory_space<semaphore_mem>>) src(%dma_wait3A_987 : memref<512xi32, #tpu.memory_space<hbm>>) dst(%arg8 : memref<512xi32, #tpu.memory_space<vmem>>)
      tpu.yield
    }) : () -> ()
    %get3A = arith.constant 0 : index
    %get3A_3 = tpu.vector_load %arg7[%get3A] {strides = array<i32>} : memref<512xi32, #tpu.memory_space<vmem>>, vector<16xi32>,
    %swap3A = arith.constant 0 : i32
    %swap3A_4 = arith.index_cast %swap3A : i32 to index
    %swap3A_5 = arith.constant 0 : index
    %swap3A_6 = tpu.vector_load %arg10[%swap3A_4, %swap3A_5] {strides = array<i32>} : memref<32x16xi32, #tpu.memory_space<vmem>>, vector<16xi32>,
    tpu.vector_store %arg10[%swap3A_4, %swap3A_5], %get3A_3 {strides = array<i32>} : memref<32x16xi32, #tpu.memory_space<vmem>>, vector<16xi32>,
    %get3A_7 = arith.constant 0 : index
    %get3A_8 = tpu.vector_load %arg8[%get3A_7] {strides = array<i32>} : memref<512xi32, #tpu.memory_space<vmem>>, vector<16xi32>,
    %swap3A_9 = arith.constant 0 : i32
    %swap3A_10 = arith.index_cast %swap3A_9 : i32 to index
    %swap3A_11 = arith.constant 0 : index
    %swap3A_12 = tpu.vector_load %arg11[%swap3A_10, %swap3A_11] {strides = array<i32>} : memref<32x16xi32, #tpu.memory_space<vmem>>, vector<16xi32>,
    tpu.vector_store %arg11[%swap3A_10, %swap3A_11], %get3A_8 {strides = array<i32>} : memref<32x16xi32, #tpu.memory_space<vmem>>, vector<16xi32>,
    %get3A_13 = arith.constant 0 : index
    %get3A_14 = tpu.vector_load %arg8[%get3A_13] {strides = array<i32>} : memref<512xi32, #tpu.memory_space<vmem>>, vector<16xi32>,
    %shift_right_logical3A = arith.constant 3 : i32
    %shift_right_logical3A_15 = vector.broadcast %shift_right_logical3A : i32 to vector<16xi32>
    %shift_right_logical3A_16 = arith.shrui %get3A_14, %shift_right_logical3A_15 : vector<16xi32>
    %swap3A_17 = arith.constant 0 : index
    %swap3A_18 = tpu.vector_load %arg9[%swap3A_17] {strides = array<i32>} : memref<512xi32, #tpu.memory_space<vmem>>, vector<16xi32>,
    tpu.vector_store %arg9[%swap3A_17], %shift_right_logical3A_16 {strides = array<i32>} : memref<512xi32, #tpu.memory_space<vmem>>, vector<16xi32>,
    %get3A_19 = arith.constant 16 : index
    %get3A_20 = tpu.vector_load %arg7[%get3A_19] {strides = array<i32>} : memref<512xi32, #tpu.memory_space<vmem>>, vector<16xi32>,
    %swap3A_21 = arith.constant 1 : i32
    %swap3A_22 = arith.index_cast %swap3A_21 : i32 to index
    %swap3A_23 = arith.constant 0 : index
    %swap3A_24 = tpu.vector_load %arg10[%swap3A_22, %swap3A_23] {strides = array<i32>} : memref<32x16xi32, #tpu.memory_space<vmem>>, vector<16xi32>,
    tpu.vector_store %arg10[%swap3A_22, %swap3A_23], %get3A_20 {strides = array<i32>} : memref<32x16xi32, #tpu.memory_space<vmem>>, vector<16xi32>,
    %get3A_25 = arith.constant 16 : index
    %get3A_26 = tpu.vector_load %arg8[%get3A_25] {strides = array<i32>} : memref<512xi32, #tpu.memory_space<vmem>>, vector<16xi32>,
    %swap3A_27 = arith.constant 1 : i32
    %swap3A_28 = arith.index_cast %swap3A_27 : i32 to index
    %swap3A_29 = arith.constant 0 : index
    %swap3A_30 = tpu.vector_load %arg11[%swap3A_28, %swap3A_29] {strides = array<i32>} : memref<32x16xi32, #tpu.memory_space<vmem>>, vector<16xi32>,
    tpu.vector_store %arg11[%swap3A_28, %swap3A_29], %get3A_26 {strides = array<i32>} : memref<32x16xi32, #tpu.memory_space<vmem>>, vector<16xi32>,
    %get3A_31 = arith.constant 16 : index
    %get3A_32 = tpu.vector_load %arg8[%get3A_31] {strides = array<i32>} : memref<512xi32, #tpu.memory_space<vmem>>, vector<16xi32>,
    %shift_right_logical3A_33 = arith.constant 3 : i32
    %shift_right_logical3A_34 = vector.broadcast %shift_right_logical3A_33 : i32 to vector<16xi32>
    %shift_right_logical3A_35 = arith.shrui %get3A_32, %shift_right_logical3A_34 : vector<16xi32>
    %swap3A_36 = arith.constant 16 : index
    %swap3A_37 = tpu.vector_load %arg9[%swap3A_36] {strides = array<i32>} : memref<512xi32, #tpu.memory_space<vmem>>, vector<16xi32>,
    tpu.vector_store %arg9[%swap3A_36], %shift_right_logical3A_35 {strides = array<i32>} : memref<512xi32, #tpu.memory_space<vmem>>, vector<16xi32>,
    %get3A_38 = arith.constant 32 : index
    %get3A_39 = tpu.vector_load %arg7[%get3A_38] {strides = array<i32>} : memref<512xi32, #tpu.memory_space<vmem>>, vector<16xi32>,
    %swap3A_40 = arith.constant 2 : i32
    %swap3A_41 = arith.index_cast %swap3A_40 : i32 to index
    %swap3A_42 = arith.constant 0 : index
    %swap3A_43 = tpu.vector_load %arg10[%swap3A_41, %swap3A_42] {strides = array<i32>} : memref<32x16xi32, #tpu.memory_space<vmem>>, vector<16xi32>,
    tpu.vector_store %arg10[%swap3A_41, %swap3A_42], %get3A_39 {strides = array<i32>} : memref<32x16xi32, #tpu.memory_space<vmem>>, vector<16xi32>,
    %get3A_44 = arith.constant 32 : index
    %get3A_45 = tpu.vector_load %arg8[%get3A_44] {strides = array<i32>} : memref<512xi32, #tpu.memory_space<vmem>>, vector<16xi32>,
    %swap3A_46 = arith.constant 2 : i32
    %swap3A_47 = arith.index_cast %swap3A_46 : i32 to index
    %swap3A_48 = arith.constant 0 : index
    %swap3A_49 = tpu.vector_load %arg11[%swap3A_47, %swap3A_48] {strides = array<i32>} : memref<32x16xi32, #tpu.memory_space<vmem>>, vector<16xi32>,
    tpu.vector_store %arg11[%swap3A_47, %swap3A_48], %get3A_45 {strides = array<i32>} : memref<32x16xi32, #tpu.memory_space<vmem>>, vector<16xi32>,
    %get3A_50 = arith.constant 32 : index
    %get3A_51 = tpu.vector_load %arg8[%get3A_50] {strides = array<i32>} : memref<512xi32, #tpu.memory_space<vmem>>, vector<16xi32>,
    %shift_right_logical3A_52 = arith.constant 3 : i32
    %shift_right_logical3A_53 = vector.broadcast %shift_right_logical3A_52 : i32 to vector<16xi32>
    %shift_right_logical3A_54 = arith.shrui %get3A_51, %shift_right_logical3A_53 : vector<16xi32>
    %swap3A_55 = arith.constant 32 : index
    %swap3A_56 = tpu.vector_load %arg9[%swap3A_55] {strides = array<i32>} : memref<512xi32, #tpu.memory_space<vmem>>, vector<16xi32>,
    tpu.vector_store %arg9[%swap3A_55], %shift_right_logical3A_54 {strides = array<i32>} : memref<512xi32, #tpu.memory_space<vmem>>, vector<16xi32>,
    %get3A_57 = arith.constant 48 : index
    %get3A_58 = tpu.vector_load %arg7[%get3A_57] {strides = array<i32>} : memref<512xi32, #tpu.memory_space<vmem>>, vector<16xi32>,
    %swap3A_59 = arith.constant 3 : i32
    %swap3A_60 = arith.index_cast %swap3A_59 : i32 to index
    %swap3A_61 = arith.constant 0 : index
    %swap3A_62 = tpu.vector_load %arg10[%swap3A_60, %swap3A_61] {strides = array<i32>} : memref<32x16xi32, #tpu.memory_space<vmem>>, vector<16xi32>,
    tpu.vector_store %arg10[%swap3A_60, %swap3A_61], %get3A_58 {strides = array<i32>} : memref<32x16xi32, #tpu.memory_space<vmem>>, vector<16xi32>,
    %get3A_63 = arith.constant 48 : index
    %get3A_64 = tpu.vector_load %arg8[%get3A_63] {strides = array<i32>} : memref<512xi32, #tpu.memory_space<vmem>>, vector<16xi32>,
    %swap3A_65 = arith.constant 3 : i32
    %swap3A_66 = arith.index_cast %swap3A_65 : i32 to index
    %swap3A_67 = arith.constant 0 : index
    %swap3A_68 = tpu.vector_load %arg11[%swap3A_66, %swap3A_67] {strides = array<i32>} : memref<32x16xi32, #tpu.memory_space<vmem>>, vector<16xi32>,
    tpu.vector_store %arg11[%swap3A_66, %swap3A_67], %get3A_64 {strides = array<i32>} : memref<32x16xi32, #tpu.memory_space<vmem>>, vector<16xi32>,
    %get3A_69 = arith.constant 48 : index
    %get3A_70 = tpu.vector_load %arg8[%get3A_69] {strides = array<i32>} : memref<512xi32, #tpu.memory_space<vmem>>, vector<16xi32>,
    %shift_right_logical3A_71 = arith.constant 3 : i32
    %shift_right_logical3A_72 = vector.broadcast %shift_right_logical3A_71 : i32 to vector<16xi32>
    %shift_right_logical3A_73 = arith.shrui %get3A_70, %shift_right_logical3A_72 : vector<16xi32>
    %swap3A_74 = arith.constant 48 : index
    %swap3A_75 = tpu.vector_load %arg9[%swap3A_74] {strides = array<i32>} : memref<512xi32, #tpu.memory_space<vmem>>, vector<16xi32>,
    tpu.vector_store %arg9[%swap3A_74], %shift_right_logical3A_73 {strides = array<i32>} : memref<512xi32, #tpu.memory_space<vmem>>, vector<16xi32>,
    %get3A_76 = arith.constant 64 : index
    %get3A_77 = tpu.vector_load %arg7[%get3A_76] {strides = array<i32>} : memref<512xi32, #tpu.memory_space<vmem>>, vector<16xi32>,
    %swap3A_78 = arith.constant 4 : i32
    %swap3A_79 = arith.index_cast %swap3A_78 : i32 to index
    %swap3A_80 = arith.constant 0 : index
    %swap3A_81 = tpu.vector_load %arg10[%swap3A_79, %swap3A_80] {strides = array<i32>} : memref<32x16xi32, #tpu.memory_space<vmem>>, vector<16xi32>,
    tpu.vector_store %arg10[%swap3A_79, %swap3A_80], %get3A_77 {strides = array<i32>} : memref<32x16xi32, #tpu.memory_space<vmem>>, vector<16xi32>,
    %get3A_82 = arith.constant 64 : index
    %get3A_83 = tpu.vector_load %arg8[%get3A_82] {strides = array<i32>} : memref<512xi32, #tpu.memory_space<vmem>>, vector<16xi32>,
    %swap3A_84 = arith.constant 4 : i32
    %swap3A_85 = arith.index_cast %swap3A_84 : i32 to index
    %swap3A_86 = arith.constant 0 : index
    %swap3A_87 = tpu.vector_load %arg11[%swap3A_85, %swap3A_86] {strides = array<i32>} : memref<32x16xi32, #tpu.memory_space<vmem>>, vector<16xi32>,
    tpu.vector_store %arg11[%swap3A_85, %swap3A_86], %get3A_83 {strides = array<i32>} : memref<32x16xi32, #tpu.memory_space<vmem>>, vector<16xi32>,
    %get3A_88 = arith.constant 64 : index
    %get3A_89 = tpu.vector_load %arg8[%get3A_88] {strides = array<i32>} : memref<512xi32, #tpu.memory_space<vmem>>, vector<16xi32>,
    %shift_right_logical3A_90 = arith.constant 3 : i32
    %shift_right_logical3A_91 = vector.broadcast %shift_right_logical3A_90 : i32 to vector<16xi32>
    %shift_right_logical3A_92 = arith.shrui %get3A_89, %shift_right_logical3A_91 : vector<16xi32>
    %swap3A_93 = arith.constant 64 : index
    %swap3A_94 = tpu.vector_load %arg9[%swap3A_93] {strides = array<i32>} : memref<512xi32, #tpu.memory_space<vmem>>, vector<16xi32>,
    tpu.vector_store %arg9[%swap3A_93], %shift_right_logical3A_92 {strides = array<i32>} : memref<512xi32, #tpu.memory_space<vmem>>, vector<16xi32>,
    %get3A_95 = arith.constant 80 : index
    %get3A_96 = tpu.vector_load %arg7[%get3A_95] {strides = array<i32>} : memref<512xi32, #tpu.memory_space<vmem>>, vector<16xi32>,
    %swap3A_97 = arith.constant 5 : i32
    %swap3A_98 = arith.index_cast %swap3A_97 : i32 to index
    %swap3A_99 = arith.constant 0 : index
    %swap3A_100 = tpu.vector_load %arg10[%swap3A_98, %swap3A_99] {strides = array<i32>} : memref<32x16xi32, #tpu.memory_space<vmem>>, vector<16xi32>,
    tpu.vector_store %arg10[%swap3A_98, %swap3A_99], %get3A_96 {strides = array<i32>} : memref<32x16xi32, #tpu.memory_space<vmem>>, vector<16xi32>,
    %get3A_101 = arith.constant 80 : index
    %get3A_102 = tpu.vector_load %arg8[%get3A_101] {strides = array<i32>} : memref<512xi32, #tpu.memory_space<vmem>>, vector<16xi32>,
    %swap3A_103 = arith.constant 5 : i32
    %swap3A_104 = arith.index_cast %swap3A_103 : i32 to index
    %swap3A_105 = arith.constant 0 : index
    %swap3A_106 = tpu.vector_load %arg11[%swap3A_104, %swap3A_105] {strides = array<i32>} : memref<32x16xi32, #tpu.memory_space<vmem>>, vector<16xi32>,
    tpu.vector_store %arg11[%swap3A_104, %swap3A_105], %get3A_102 {strides = array<i32>} : memref<32x16xi32, #tpu.memory_space<vmem>>, vector<16xi32>,
    %get3A_107 = arith.constant 80 : index
    %get3A_108 = tpu.vector_load %arg8[%get3A_107] {strides = array<i32>} : memref<512xi32, #tpu.memory_space<vmem>>, vector<16xi32>,
    %shift_right_logical3A_109 = arith.constant 3 : i32
    %shift_right_logical3A_110 = vector.broadcast %shift_right_logical3A_109 : i32 to vector<16xi32>
    %shift_right_logical3A_111 = arith.shrui %get3A_108, %shift_right_logical3A_110 : vector<16xi32>
    %swap3A_112 = arith.constant 80 : index
    %swap3A_113 = tpu.vector_load %arg9[%swap3A_112] {strides = array<i32>} : memref<512xi32, #tpu.memory_space<vmem>>, vector<16xi32>,
    tpu.vector_store %arg9[%swap3A_112], %shift_right_logical3A_111 {strides = array<i32>} : memref<512xi32, #tpu.memory_space<vmem>>, vector<16xi32>,
    %get3A_114 = arith.constant 96 : index
    %get3A_115 = tpu.vector_load %arg7[%get3A_114] {strides = array<i32>} : memref<512xi32, #tpu.memory_space<vmem>>, vector<16xi32>,
    %swap3A_116 = arith.constant 6 : i32
    %swap3A_117 = arith.index_cast %swap3A_116 : i32 to index
    %swap3A_118 = arith.constant 0 : index
    %swap3A_119 = tpu.vector_load %arg10[%swap3A_117, %swap3A_118] {strides = array<i32>} : memref<32x16xi32, #tpu.memory_space<vmem>>, vector<16xi32>,
    tpu.vector_store %arg10[%swap3A_117, %swap3A_118], %get3A_115 {strides = array<i32>} : memref<32x16xi32, #tpu.memory_space<vmem>>, vector<16xi32>,
    %get3A_120 = arith.constant 96 : index
    %get3A_121 = tpu.vector_load %arg8[%get3A_120] {strides = array<i32>} : memref<512xi32, #tpu.memory_space<vmem>>, vector<16xi32>,
    %swap3A_122 = arith.constant 6 : i32
    %swap3A_123 = arith.index_cast %swap3A_122 : i32 to index
    %swap3A_124 = arith.constant 0 : index
    %swap3A_125 = tpu.vector_load %arg11[%swap3A_123, %swap3A_124] {strides = array<i32>} : memref<32x16xi32, #tpu.memory_space<vmem>>, vector<16xi32>,
    tpu.vector_store %arg11[%swap3A_123, %swap3A_124], %get3A_121 {strides = array<i32>} : memref<32x16xi32, #tpu.memory_space<vmem>>, vector<16xi32>,
    %get3A_126 = arith.constant 96 : index
    %get3A_127 = tpu.vector_load %arg8[%get3A_126] {strides = array<i32>} : memref<512xi32, #tpu.memory_space<vmem>>, vector<16xi32>,
    %shift_right_logical3A_128 = arith.constant 3 : i32
    %shift_right_logical3A_129 = vector.broadcast %shift_right_logical3A_128 : i32 to vector<16xi32>
    %shift_right_logical3A_130 = arith.shrui %get3A_127, %shift_right_logical3A_129 : vector<16xi32>
    %swap3A_131 = arith.constant 96 : index
    %swap3A_132 = tpu.vector_load %arg9[%swap3A_131] {strides = array<i32>} : memref<512xi32, #tpu.memory_space<vmem>>, vector<16xi32>,
    tpu.vector_store %arg9[%swap3A_131], %shift_right_logical3A_130 {strides = array<i32>} : memref<512xi32, #tpu.memory_space<vmem>>, vector<16xi32>,
    %get3A_133 = arith.constant 112 : index
    %get3A_134 = tpu.vector_load %arg7[%get3A_133] {strides = array<i32>} : memref<512xi32, #tpu.memory_space<vmem>>, vector<16xi32>,
    %swap3A_135 = arith.constant 7 : i32
    %swap3A_136 = arith.index_cast %swap3A_135 : i32 to index
    %swap3A_137 = arith.constant 0 : index
    %swap3A_138 = tpu.vector_load %arg10[%swap3A_136, %swap3A_137] {strides = array<i32>} : memref<32x16xi32, #tpu.memory_space<vmem>>, vector<16xi32>,
    tpu.vector_store %arg10[%swap3A_136, %swap3A_137], %get3A_134 {strides = array<i32>} : memref<32x16xi32, #tpu.memory_space<vmem>>, vector<16xi32>,
    %get3A_139 = arith.constant 112 : index
    %get3A_140 = tpu.vector_load %arg8[%get3A_139] {strides = array<i32>} : memref<512xi32, #tpu.memory_space<vmem>>, vector<16xi32>,
    %swap3A_141 = arith.constant 7 : i32
    %swap3A_142 = arith.index_cast %swap3A_141 : i32 to index
    %swap3A_143 = arith.constant 0 : index
    %swap3A_144 = tpu.vector_load %arg11[%swap3A_142, %swap3A_143] {strides = array<i32>} : memref<32x16xi32, #tpu.memory_space<vmem>>, vector<16xi32>,
    tpu.vector_store %arg11[%swap3A_142, %swap3A_143], %get3A_140 {strides = array<i32>} : memref<32x16xi32, #tpu.memory_space<vmem>>, vector<16xi32>,
    %get3A_145 = arith.constant 112 : index
    %get3A_146 = tpu.vector_load %arg8[%get3A_145] {strides = array<i32>} : memref<512xi32, #tpu.memory_space<vmem>>, vector<16xi32>,
    %shift_right_logical3A_147 = arith.constant 3 : i32
    %shift_right_logical3A_148 = vector.broadcast %shift_right_logical3A_147 : i32 to vector<16xi32>
    %shift_right_logical3A_149 = arith.shrui %get3A_146, %shift_right_logical3A_148 : vector<16xi32>
    %swap3A_150 = arith.constant 112 : index
    %swap3A_151 = tpu.vector_load %arg9[%swap3A_150] {strides = array<i32>} : memref<512xi32, #tpu.memory_space<vmem>>, vector<16xi32>,
    tpu.vector_store %arg9[%swap3A_150], %shift_right_logical3A_149 {strides = array<i32>} : memref<512xi32, #tpu.memory_space<vmem>>, vector<16xi32>,
    %get3A_152 = arith.constant 128 : index
    %get3A_153 = tpu.vector_load %arg7[%get3A_152] {strides = array<i32>} : memref<512xi32, #tpu.memory_space<vmem>>, vector<16xi32>,
    %swap3A_154 = arith.constant 8 : i32
    %swap3A_155 = arith.index_cast %swap3A_154 : i32 to index
    %swap3A_156 = arith.constant 0 : index
    %swap3A_157 = tpu.vector_load %arg10[%swap3A_155, %swap3A_156] {strides = array<i32>} : memref<32x16xi32, #tpu.memory_space<vmem>>, vector<16xi32>,
    tpu.vector_store %arg10[%swap3A_155, %swap3A_156], %get3A_153 {strides = array<i32>} : memref<32x16xi32, #tpu.memory_space<vmem>>, vector<16xi32>,
    %get3A_158 = arith.constant 128 : index
    %get3A_159 = tpu.vector_load %arg8[%get3A_158] {strides = array<i32>} : memref<512xi32, #tpu.memory_space<vmem>>, vector<16xi32>,
    %swap3A_160 = arith.constant 8 : i32
    %swap3A_161 = arith.index_cast %swap3A_160 : i32 to index
    %swap3A_162 = arith.constant 0 : index
    %swap3A_163 = tpu.vector_load %arg11[%swap3A_161, %swap3A_162] {strides = array<i32>} : memref<32x16xi32, #tpu.memory_space<vmem>>, vector<16xi32>,
    tpu.vector_store %arg11[%swap3A_161, %swap3A_162], %get3A_159 {strides = array<i32>} : memref<32x16xi32, #tpu.memory_space<vmem>>, vector<16xi32>,
    %get3A_164 = arith.constant 128 : index
    %get3A_165 = tpu.vector_load %arg8[%get3A_164] {strides = array<i32>} : memref<512xi32, #tpu.memory_space<vmem>>, vector<16xi32>,
    %shift_right_logical3A_166 = arith.constant 3 : i32
    %shift_right_logical3A_167 = vector.broadcast %shift_right_logical3A_166 : i32 to vector<16xi32>
    %shift_right_logical3A_168 = arith.shrui %get3A_165, %shift_right_logical3A_167 : vector<16xi32>
    %swap3A_169 = arith.constant 128 : index
    %swap3A_170 = tpu.vector_load %arg9[%swap3A_169] {strides = array<i32>} : memref<512xi32, #tpu.memory_space<vmem>>, vector<16xi32>,
    tpu.vector_store %arg9[%swap3A_169], %shift_right_logical3A_168 {strides = array<i32>} : memref<512xi32, #tpu.memory_space<vmem>>, vector<16xi32>,
    %get3A_171 = arith.constant 144 : index
    %get3A_172 = tpu.vector_load %arg7[%get3A_171] {strides = array<i32>} : memref<512xi32, #tpu.memory_space<vmem>>, vector<16xi32>,
    %swap3A_173 = arith.constant 9 : i32
    %swap3A_174 = arith.index_cast %swap3A_173 : i32 to index
    %swap3A_175 = arith.constant 0 : index
    %swap3A_176 = tpu.vector_load %arg10[%swap3A_174, %swap3A_175] {strides = array<i32>} : memref<32x16xi32, #tpu.memory_space<vmem>>, vector<16xi32>,
    tpu.vector_store %arg10[%swap3A_174, %swap3A_175], %get3A_172 {strides = array<i32>} : memref<32x16xi32, #tpu.memory_space<vmem>>, vector<16xi32>,
    %get3A_177 = arith.constant 144 : index
    %get3A_178 = tpu.vector_load %arg8[%get3A_177] {strides = array<i32>} : memref<512xi32, #tpu.memory_space<vmem>>, vector<16xi32>,
    %swap3A_179 = arith.constant 9 : i32
    %swap3A_180 = arith.index_cast %swap3A_179 : i32 to index
    %swap3A_181 = arith.constant 0 : index
    %swap3A_182 = tpu.vector_load %arg11[%swap3A_180, %swap3A_181] {strides = array<i32>} : memref<32x16xi32, #tpu.memory_space<vmem>>, vector<16xi32>,
    tpu.vector_store %arg11[%swap3A_180, %swap3A_181], %get3A_178 {strides = array<i32>} : memref<32x16xi32, #tpu.memory_space<vmem>>, vector<16xi32>,
    %get3A_183 = arith.constant 144 : index
    %get3A_184 = tpu.vector_load %arg8[%get3A_183] {strides = array<i32>} : memref<512xi32, #tpu.memory_space<vmem>>, vector<16xi32>,
    %shift_right_logical3A_185 = arith.constant 3 : i32
    %shift_right_logical3A_186 = vector.broadcast %shift_right_logical3A_185 : i32 to vector<16xi32>
    %shift_right_logical3A_187 = arith.shrui %get3A_184, %shift_right_logical3A_186 : vector<16xi32>
    %swap3A_188 = arith.constant 144 : index
    %swap3A_189 = tpu.vector_load %arg9[%swap3A_188] {strides = array<i32>} : memref<512xi32, #tpu.memory_space<vmem>>, vector<16xi32>,
    tpu.vector_store %arg9[%swap3A_188], %shift_right_logical3A_187 {strides = array<i32>} : memref<512xi32, #tpu.memory_space<vmem>>, vector<16xi32>,
    %get3A_190 = arith.constant 160 : index
    %get3A_191 = tpu.vector_load %arg7[%get3A_190] {strides = array<i32>} : memref<512xi32, #tpu.memory_space<vmem>>, vector<16xi32>,
    %swap3A_192 = arith.constant 10 : i32
    %swap3A_193 = arith.index_cast %swap3A_192 : i32 to index
    %swap3A_194 = arith.constant 0 : index
    %swap3A_195 = tpu.vector_load %arg10[%swap3A_193, %swap3A_194] {strides = array<i32>} : memref<32x16xi32, #tpu.memory_space<vmem>>, vector<16xi32>,
    tpu.vector_store %arg10[%swap3A_193, %swap3A_194], %get3A_191 {strides = array<i32>} : memref<32x16xi32, #tpu.memory_space<vmem>>, vector<16xi32>,
    %get3A_196 = arith.constant 160 : index
    %get3A_197 = tpu.vector_load %arg8[%get3A_196] {strides = array<i32>} : memref<512xi32, #tpu.memory_space<vmem>>, vector<16xi32>,
    %swap3A_198 = arith.constant 10 : i32
    %swap3A_199 = arith.index_cast %swap3A_198 : i32 to index
    %swap3A_200 = arith.constant 0 : index
    %swap3A_201 = tpu.vector_load %arg11[%swap3A_199, %swap3A_200] {strides = array<i32>} : memref<32x16xi32, #tpu.memory_space<vmem>>, vector<16xi32>,
    tpu.vector_store %arg11[%swap3A_199, %swap3A_200], %get3A_197 {strides = array<i32>} : memref<32x16xi32, #tpu.memory_space<vmem>>, vector<16xi32>,
    %get3A_202 = arith.constant 160 : index
    %get3A_203 = tpu.vector_load %arg8[%get3A_202] {strides = array<i32>} : memref<512xi32, #tpu.memory_space<vmem>>, vector<16xi32>,
    %shift_right_logical3A_204 = arith.constant 3 : i32
    %shift_right_logical3A_205 = vector.broadcast %shift_right_logical3A_204 : i32 to vector<16xi32>
    %shift_right_logical3A_206 = arith.shrui %get3A_203, %shift_right_logical3A_205 : vector<16xi32>
    %swap3A_207 = arith.constant 160 : index
    %swap3A_208 = tpu.vector_load %arg9[%swap3A_207] {strides = array<i32>} : memref<512xi32, #tpu.memory_space<vmem>>, vector<16xi32>,
    tpu.vector_store %arg9[%swap3A_207], %shift_right_logical3A_206 {strides = array<i32>} : memref<512xi32, #tpu.memory_space<vmem>>, vector<16xi32>,
    %get3A_209 = arith.constant 176 : index
    %get3A_210 = tpu.vector_load %arg7[%get3A_209] {strides = array<i32>} : memref<512xi32, #tpu.memory_space<vmem>>, vector<16xi32>,
    %swap3A_211 = arith.constant 11 : i32
    %swap3A_212 = arith.index_cast %swap3A_211 : i32 to index
    %swap3A_213 = arith.constant 0 : index
    %swap3A_214 = tpu.vector_load %arg10[%swap3A_212, %swap3A_213] {strides = array<i32>} : memref<32x16xi32, #tpu.memory_space<vmem>>, vector<16xi32>,
    tpu.vector_store %arg10[%swap3A_212, %swap3A_213], %get3A_210 {strides = array<i32>} : memref<32x16xi32, #tpu.memory_space<vmem>>, vector<16xi32>,
    %get3A_215 = arith.constant 176 : index
    %get3A_216 = tpu.vector_load %arg8[%get3A_215] {strides = array<i32>} : memref<512xi32, #tpu.memory_space<vmem>>, vector<16xi32>,
    %swap3A_217 = arith.constant 11 : i32
    %swap3A_218 = arith.index_cast %swap3A_217 : i32 to index
    %swap3A_219 = arith.constant 0 : index
    %swap3A_220 = tpu.vector_load %arg11[%swap3A_218, %swap3A_219] {strides = array<i32>} : memref<32x16xi32, #tpu.memory_space<vmem>>, vector<16xi32>,
    tpu.vector_store %arg11[%swap3A_218, %swap3A_219], %get3A_216 {strides = array<i32>} : memref<32x16xi32, #tpu.memory_space<vmem>>, vector<16xi32>,
    %get3A_221 = arith.constant 176 : index
    %get3A_222 = tpu.vector_load %arg8[%get3A_221] {strides = array<i32>} : memref<512xi32, #tpu.memory_space<vmem>>, vector<16xi32>,
    %shift_right_logical3A_223 = arith.constant 3 : i32
    %shift_right_logical3A_224 = vector.broadcast %shift_right_logical3A_223 : i32 to vector<16xi32>
    %shift_right_logical3A_225 = arith.shrui %get3A_222, %shift_right_logical3A_224 : vector<16xi32>
    %swap3A_226 = arith.constant 176 : index
    %swap3A_227 = tpu.vector_load %arg9[%swap3A_226] {strides = array<i32>} : memref<512xi32, #tpu.memory_space<vmem>>, vector<16xi32>,
    tpu.vector_store %arg9[%swap3A_226], %shift_right_logical3A_225 {strides = array<i32>} : memref<512xi32, #tpu.memory_space<vmem>>, vector<16xi32>,
    %get3A_228 = arith.constant 192 : index
    %get3A_229 = tpu.vector_load %arg7[%get3A_228] {strides = array<i32>} : memref<512xi32, #tpu.memory_space<vmem>>, vector<16xi32>,
    %swap3A_230 = arith.constant 12 : i32
    %swap3A_231 = arith.index_cast %swap3A_230 : i32 to index
    %swap3A_232 = arith.constant 0 : index
    %swap3A_233 = tpu.vector_load %arg10[%swap3A_231, %swap3A_232] {strides = array<i32>} : memref<32x16xi32, #tpu.memory_space<vmem>>, vector<16xi32>,
    tpu.vector_store %arg10[%swap3A_231, %swap3A_232], %get3A_229 {strides = array<i32>} : memref<32x16xi32, #tpu.memory_space<vmem>>, vector<16xi32>,
    %get3A_234 = arith.constant 192 : index
    %get3A_235 = tpu.vector_load %arg8[%get3A_234] {strides = array<i32>} : memref<512xi32, #tpu.memory_space<vmem>>, vector<16xi32>,
    %swap3A_236 = arith.constant 12 : i32
    %swap3A_237 = arith.index_cast %swap3A_236 : i32 to index
    %swap3A_238 = arith.constant 0 : index
    %swap3A_239 = tpu.vector_load %arg11[%swap3A_237, %swap3A_238] {strides = array<i32>} : memref<32x16xi32, #tpu.memory_space<vmem>>, vector<16xi32>,
    tpu.vector_store %arg11[%swap3A_237, %swap3A_238], %get3A_235 {strides = array<i32>} : memref<32x16xi32, #tpu.memory_space<vmem>>, vector<16xi32>,
    %get3A_240 = arith.constant 192 : index
    %get3A_241 = tpu.vector_load %arg8[%get3A_240] {strides = array<i32>} : memref<512xi32, #tpu.memory_space<vmem>>, vector<16xi32>,
    %shift_right_logical3A_242 = arith.constant 3 : i32
    %shift_right_logical3A_243 = vector.broadcast %shift_right_logical3A_242 : i32 to vector<16xi32>
    %shift_right_logical3A_244 = arith.shrui %get3A_241, %shift_right_logical3A_243 : vector<16xi32>
    %swap3A_245 = arith.constant 192 : index
    %swap3A_246 = tpu.vector_load %arg9[%swap3A_245] {strides = array<i32>} : memref<512xi32, #tpu.memory_space<vmem>>, vector<16xi32>,
    tpu.vector_store %arg9[%swap3A_245], %shift_right_logical3A_244 {strides = array<i32>} : memref<512xi32, #tpu.memory_space<vmem>>, vector<16xi32>,
    %get3A_247 = arith.constant 208 : index
    %get3A_248 = tpu.vector_load %arg7[%get3A_247] {strides = array<i32>} : memref<512xi32, #tpu.memory_space<vmem>>, vector<16xi32>,
    %swap3A_249 = arith.constant 13 : i32
    %swap3A_250 = arith.index_cast %swap3A_249 : i32 to index
    %swap3A_251 = arith.constant 0 : index
    %swap3A_252 = tpu.vector_load %arg10[%swap3A_250, %swap3A_251] {strides = array<i32>} : memref<32x16xi32, #tpu.memory_space<vmem>>, vector<16xi32>,
    tpu.vector_store %arg10[%swap3A_250, %swap3A_251], %get3A_248 {strides = array<i32>} : memref<32x16xi32, #tpu.memory_space<vmem>>, vector<16xi32>,
    %get3A_253 = arith.constant 208 : index
    %get3A_254 = tpu.vector_load %arg8[%get3A_253] {strides = array<i32>} : memref<512xi32, #tpu.memory_space<vmem>>, vector<16xi32>,
    %swap3A_255 = arith.constant 13 : i32
    %swap3A_256 = arith.index_cast %swap3A_255 : i32 to index
    %swap3A_257 = arith.constant 0 : index
    %swap3A_258 = tpu.vector_load %arg11[%swap3A_256, %swap3A_257] {strides = array<i32>} : memref<32x16xi32, #tpu.memory_space<vmem>>, vector<16xi32>,
    tpu.vector_store %arg11[%swap3A_256, %swap3A_257], %get3A_254 {strides = array<i32>} : memref<32x16xi32, #tpu.memory_space<vmem>>, vector<16xi32>,
    %get3A_259 = arith.constant 208 : index
    %get3A_260 = tpu.vector_load %arg8[%get3A_259] {strides = array<i32>} : memref<512xi32, #tpu.memory_space<vmem>>, vector<16xi32>,
    %shift_right_logical3A_261 = arith.constant 3 : i32
    %shift_right_logical3A_262 = vector.broadcast %shift_right_logical3A_261 : i32 to vector<16xi32>
    %shift_right_logical3A_263 = arith.shrui %get3A_260, %shift_right_logical3A_262 : vector<16xi32>
    %swap3A_264 = arith.constant 208 : index
    %swap3A_265 = tpu.vector_load %arg9[%swap3A_264] {strides = array<i32>} : memref<512xi32, #tpu.memory_space<vmem>>, vector<16xi32>,
    tpu.vector_store %arg9[%swap3A_264], %shift_right_logical3A_263 {strides = array<i32>} : memref<512xi32, #tpu.memory_space<vmem>>, vector<16xi32>,
    %get3A_266 = arith.constant 224 : index
    %get3A_267 = tpu.vector_load %arg7[%get3A_266] {strides = array<i32>} : memref<512xi32, #tpu.memory_space<vmem>>, vector<16xi32>,
    %swap3A_268 = arith.constant 14 : i32
    %swap3A_269 = arith.index_cast %swap3A_268 : i32 to index
    %swap3A_270 = arith.constant 0 : index
    %swap3A_271 = tpu.vector_load %arg10[%swap3A_269, %swap3A_270] {strides = array<i32>} : memref<32x16xi32, #tpu.memory_space<vmem>>, vector<16xi32>,
    tpu.vector_store %arg10[%swap3A_269, %swap3A_270], %get3A_267 {strides = array<i32>} : memref<32x16xi32, #tpu.memory_space<vmem>>, vector<16xi32>,
    %get3A_272 = arith.constant 224 : index
    %get3A_273 = tpu.vector_load %arg8[%get3A_272] {strides = array<i32>} : memref<512xi32, #tpu.memory_space<vmem>>, vector<16xi32>,
    %swap3A_274 = arith.constant 14 : i32
    %swap3A_275 = arith.index_cast %swap3A_274 : i32 to index
    %swap3A_276 = arith.constant 0 : index
    %swap3A_277 = tpu.vector_load %arg11[%swap3A_275, %swap3A_276] {strides = array<i32>} : memref<32x16xi32, #tpu.memory_space<vmem>>, vector<16xi32>,
    tpu.vector_store %arg11[%swap3A_275, %swap3A_276], %get3A_273 {strides = array<i32>} : memref<32x16xi32, #tpu.memory_space<vmem>>, vector<16xi32>,
    %get3A_278 = arith.constant 224 : index
    %get3A_279 = tpu.vector_load %arg8[%get3A_278] {strides = array<i32>} : memref<512xi32, #tpu.memory_space<vmem>>, vector<16xi32>,
    %shift_right_logical3A_280 = arith.constant 3 : i32
    %shift_right_logical3A_281 = vector.broadcast %shift_right_logical3A_280 : i32 to vector<16xi32>
    %shift_right_logical3A_282 = arith.shrui %get3A_279, %shift_right_logical3A_281 : vector<16xi32>
    %swap3A_283 = arith.constant 224 : index
    %swap3A_284 = tpu.vector_load %arg9[%swap3A_283] {strides = array<i32>} : memref<512xi32, #tpu.memory_space<vmem>>, vector<16xi32>,
    tpu.vector_store %arg9[%swap3A_283], %shift_right_logical3A_282 {strides = array<i32>} : memref<512xi32, #tpu.memory_space<vmem>>, vector<16xi32>,
    %get3A_285 = arith.constant 240 : index
    %get3A_286 = tpu.vector_load %arg7[%get3A_285] {strides = array<i32>} : memref<512xi32, #tpu.memory_space<vmem>>, vector<16xi32>,
    %swap3A_287 = arith.constant 15 : i32
    %swap3A_288 = arith.index_cast %swap3A_287 : i32 to index
    %swap3A_289 = arith.constant 0 : index
    %swap3A_290 = tpu.vector_load %arg10[%swap3A_288, %swap3A_289] {strides = array<i32>} : memref<32x16xi32, #tpu.memory_space<vmem>>, vector<16xi32>,
    tpu.vector_store %arg10[%swap3A_288, %swap3A_289], %get3A_286 {strides = array<i32>} : memref<32x16xi32, #tpu.memory_space<vmem>>, vector<16xi32>,
    %get3A_291 = arith.constant 240 : index
    %get3A_292 = tpu.vector_load %arg8[%get3A_291] {strides = array<i32>} : memref<512xi32, #tpu.memory_space<vmem>>, vector<16xi32>,
    %swap3A_293 = arith.constant 15 : i32
    %swap3A_294 = arith.index_cast %swap3A_293 : i32 to index
    %swap3A_295 = arith.constant 0 : index
    %swap3A_296 = tpu.vector_load %arg11[%swap3A_294, %swap3A_295] {strides = array<i32>} : memref<32x16xi32, #tpu.memory_space<vmem>>, vector<16xi32>,
    tpu.vector_store %arg11[%swap3A_294, %swap3A_295], %get3A_292 {strides = array<i32>} : memref<32x16xi32, #tpu.memory_space<vmem>>, vector<16xi32>,
    %get3A_297 = arith.constant 240 : index
    %get3A_298 = tpu.vector_load %arg8[%get3A_297] {strides = array<i32>} : memref<512xi32, #tpu.memory_space<vmem>>, vector<16xi32>,
    %shift_right_logical3A_299 = arith.constant 3 : i32
    %shift_right_logical3A_300 = vector.broadcast %shift_right_logical3A_299 : i32 to vector<16xi32>
    %shift_right_logical3A_301 = arith.shrui %get3A_298, %shift_right_logical3A_300 : vector<16xi32>
    %swap3A_302 = arith.constant 240 : index
    %swap3A_303 = tpu.vector_load %arg9[%swap3A_302] {strides = array<i32>} : memref<512xi32, #tpu.memory_space<vmem>>, vector<16xi32>,
    tpu.vector_store %arg9[%swap3A_302], %shift_right_logical3A_301 {strides = array<i32>} : memref<512xi32, #tpu.memory_space<vmem>>, vector<16xi32>,
    %get3A_304 = arith.constant 256 : index
    %get3A_305 = tpu.vector_load %arg7[%get3A_304] {strides = array<i32>} : memref<512xi32, #tpu.memory_space<vmem>>, vector<16xi32>,
    %swap3A_306 = arith.constant 16 : i32
    %swap3A_307 = arith.index_cast %swap3A_306 : i32 to index
    %swap3A_308 = arith.constant 0 : index
    %swap3A_309 = tpu.vector_load %arg10[%swap3A_307, %swap3A_308] {strides = array<i32>} : memref<32x16xi32, #tpu.memory_space<vmem>>, vector<16xi32>,
    tpu.vector_store %arg10[%swap3A_307, %swap3A_308], %get3A_305 {strides = array<i32>} : memref<32x16xi32, #tpu.memory_space<vmem>>, vector<16xi32>,
    %get3A_310 = arith.constant 256 : index
    %get3A_311 = tpu.vector_load %arg8[%get3A_310] {strides = array<i32>} : memref<512xi32, #tpu.memory_space<vmem>>, vector<16xi32>,
    %swap3A_312 = arith.constant 16 : i32
    %swap3A_313 = arith.index_cast %swap3A_312 : i32 to index
    %swap3A_314 = arith.constant 0 : index
    %swap3A_315 = tpu.vector_load %arg11[%swap3A_313, %swap3A_314] {strides = array<i32>} : memref<32x16xi32, #tpu.memory_space<vmem>>, vector<16xi32>,
    tpu.vector_store %arg11[%swap3A_313, %swap3A_314], %get3A_311 {strides = array<i32>} : memref<32x16xi32, #tpu.memory_space<vmem>>, vector<16xi32>,
    %get3A_316 = arith.constant 256 : index
    %get3A_317 = tpu.vector_load %arg8[%get3A_316] {strides = array<i32>} : memref<512xi32, #tpu.memory_space<vmem>>, vector<16xi32>,
    %shift_right_logical3A_318 = arith.constant 3 : i32
    %shift_right_logical3A_319 = vector.broadcast %shift_right_logical3A_318 : i32 to vector<16xi32>
    %shift_right_logical3A_320 = arith.shrui %get3A_317, %shift_right_logical3A_319 : vector<16xi32>
    %swap3A_321 = arith.constant 256 : index
    %swap3A_322 = tpu.vector_load %arg9[%swap3A_321] {strides = array<i32>} : memref<512xi32, #tpu.memory_space<vmem>>, vector<16xi32>,
    tpu.vector_store %arg9[%swap3A_321], %shift_right_logical3A_320 {strides = array<i32>} : memref<512xi32, #tpu.memory_space<vmem>>, vector<16xi32>,
    %get3A_323 = arith.constant 272 : index
    %get3A_324 = tpu.vector_load %arg7[%get3A_323] {strides = array<i32>} : memref<512xi32, #tpu.memory_space<vmem>>, vector<16xi32>,
    %swap3A_325 = arith.constant 17 : i32
    %swap3A_326 = arith.index_cast %swap3A_325 : i32 to index
    %swap3A_327 = arith.constant 0 : index
    %swap3A_328 = tpu.vector_load %arg10[%swap3A_326, %swap3A_327] {strides = array<i32>} : memref<32x16xi32, #tpu.memory_space<vmem>>, vector<16xi32>,
    tpu.vector_store %arg10[%swap3A_326, %swap3A_327], %get3A_324 {strides = array<i32>} : memref<32x16xi32, #tpu.memory_space<vmem>>, vector<16xi32>,
    %get3A_329 = arith.constant 272 : index
    %get3A_330 = tpu.vector_load %arg8[%get3A_329] {strides = array<i32>} : memref<512xi32, #tpu.memory_space<vmem>>, vector<16xi32>,
    %swap3A_331 = arith.constant 17 : i32
    %swap3A_332 = arith.index_cast %swap3A_331 : i32 to index
    %swap3A_333 = arith.constant 0 : index
    %swap3A_334 = tpu.vector_load %arg11[%swap3A_332, %swap3A_333] {strides = array<i32>} : memref<32x16xi32, #tpu.memory_space<vmem>>, vector<16xi32>,
    tpu.vector_store %arg11[%swap3A_332, %swap3A_333], %get3A_330 {strides = array<i32>} : memref<32x16xi32, #tpu.memory_space<vmem>>, vector<16xi32>,
    %get3A_335 = arith.constant 272 : index
    %get3A_336 = tpu.vector_load %arg8[%get3A_335] {strides = array<i32>} : memref<512xi32, #tpu.memory_space<vmem>>, vector<16xi32>,
    %shift_right_logical3A_337 = arith.constant 3 : i32
    %shift_right_logical3A_338 = vector.broadcast %shift_right_logical3A_337 : i32 to vector<16xi32>
    %shift_right_logical3A_339 = arith.shrui %get3A_336, %shift_right_logical3A_338 : vector<16xi32>
    %swap3A_340 = arith.constant 272 : index
    %swap3A_341 = tpu.vector_load %arg9[%swap3A_340] {strides = array<i32>} : memref<512xi32, #tpu.memory_space<vmem>>, vector<16xi32>,
    tpu.vector_store %arg9[%swap3A_340], %shift_right_logical3A_339 {strides = array<i32>} : memref<512xi32, #tpu.memory_space<vmem>>, vector<16xi32>,
    %get3A_342 = arith.constant 288 : index
    %get3A_343 = tpu.vector_load %arg7[%get3A_342] {strides = array<i32>} : memref<512xi32, #tpu.memory_space<vmem>>, vector<16xi32>,
    %swap3A_344 = arith.constant 18 : i32
    %swap3A_345 = arith.index_cast %swap3A_344 : i32 to index
    %swap3A_346 = arith.constant 0 : index
    %swap3A_347 = tpu.vector_load %arg10[%swap3A_345, %swap3A_346] {strides = array<i32>} : memref<32x16xi32, #tpu.memory_space<vmem>>, vector<16xi32>,
    tpu.vector_store %arg10[%swap3A_345, %swap3A_346], %get3A_343 {strides = array<i32>} : memref<32x16xi32, #tpu.memory_space<vmem>>, vector<16xi32>,
    %get3A_348 = arith.constant 288 : index
    %get3A_349 = tpu.vector_load %arg8[%get3A_348] {strides = array<i32>} : memref<512xi32, #tpu.memory_space<vmem>>, vector<16xi32>,
    %swap3A_350 = arith.constant 18 : i32
    %swap3A_351 = arith.index_cast %swap3A_350 : i32 to index
    %swap3A_352 = arith.constant 0 : index
    %swap3A_353 = tpu.vector_load %arg11[%swap3A_351, %swap3A_352] {strides = array<i32>} : memref<32x16xi32, #tpu.memory_space<vmem>>, vector<16xi32>,
    tpu.vector_store %arg11[%swap3A_351, %swap3A_352], %get3A_349 {strides = array<i32>} : memref<32x16xi32, #tpu.memory_space<vmem>>, vector<16xi32>,
    %get3A_354 = arith.constant 288 : index
    %get3A_355 = tpu.vector_load %arg8[%get3A_354] {strides = array<i32>} : memref<512xi32, #tpu.memory_space<vmem>>, vector<16xi32>,
    %shift_right_logical3A_356 = arith.constant 3 : i32
    %shift_right_logical3A_357 = vector.broadcast %shift_right_logical3A_356 : i32 to vector<16xi32>
    %shift_right_logical3A_358 = arith.shrui %get3A_355, %shift_right_logical3A_357 : vector<16xi32>
    %swap3A_359 = arith.constant 288 : index
    %swap3A_360 = tpu.vector_load %arg9[%swap3A_359] {strides = array<i32>} : memref<512xi32, #tpu.memory_space<vmem>>, vector<16xi32>,
    tpu.vector_store %arg9[%swap3A_359], %shift_right_logical3A_358 {strides = array<i32>} : memref<512xi32, #tpu.memory_space<vmem>>, vector<16xi32>,
    %get3A_361 = arith.constant 304 : index
    %get3A_362 = tpu.vector_load %arg7[%get3A_361] {strides = array<i32>} : memref<512xi32, #tpu.memory_space<vmem>>, vector<16xi32>,
    %swap3A_363 = arith.constant 19 : i32
    %swap3A_364 = arith.index_cast %swap3A_363 : i32 to index
    %swap3A_365 = arith.constant 0 : index
    %swap3A_366 = tpu.vector_load %arg10[%swap3A_364, %swap3A_365] {strides = array<i32>} : memref<32x16xi32, #tpu.memory_space<vmem>>, vector<16xi32>,
    tpu.vector_store %arg10[%swap3A_364, %swap3A_365], %get3A_362 {strides = array<i32>} : memref<32x16xi32, #tpu.memory_space<vmem>>, vector<16xi32>,
    %get3A_367 = arith.constant 304 : index
    %get3A_368 = tpu.vector_load %arg8[%get3A_367] {strides = array<i32>} : memref<512xi32, #tpu.memory_space<vmem>>, vector<16xi32>,
    %swap3A_369 = arith.constant 19 : i32
    %swap3A_370 = arith.index_cast %swap3A_369 : i32 to index
    %swap3A_371 = arith.constant 0 : index
    %swap3A_372 = tpu.vector_load %arg11[%swap3A_370, %swap3A_371] {strides = array<i32>} : memref<32x16xi32, #tpu.memory_space<vmem>>, vector<16xi32>,
    tpu.vector_store %arg11[%swap3A_370, %swap3A_371], %get3A_368 {strides = array<i32>} : memref<32x16xi32, #tpu.memory_space<vmem>>, vector<16xi32>,
    %get3A_373 = arith.constant 304 : index
    %get3A_374 = tpu.vector_load %arg8[%get3A_373] {strides = array<i32>} : memref<512xi32, #tpu.memory_space<vmem>>, vector<16xi32>,
    %shift_right_logical3A_375 = arith.constant 3 : i32
    %shift_right_logical3A_376 = vector.broadcast %shift_right_logical3A_375 : i32 to vector<16xi32>
    %shift_right_logical3A_377 = arith.shrui %get3A_374, %shift_right_logical3A_376 : vector<16xi32>
    %swap3A_378 = arith.constant 304 : index
    %swap3A_379 = tpu.vector_load %arg9[%swap3A_378] {strides = array<i32>} : memref<512xi32, #tpu.memory_space<vmem>>, vector<16xi32>,
    tpu.vector_store %arg9[%swap3A_378], %shift_right_logical3A_377 {strides = array<i32>} : memref<512xi32, #tpu.memory_space<vmem>>, vector<16xi32>,
    %get3A_380 = arith.constant 320 : index
    %get3A_381 = tpu.vector_load %arg7[%get3A_380] {strides = array<i32>} : memref<512xi32, #tpu.memory_space<vmem>>, vector<16xi32>,
    %swap3A_382 = arith.constant 20 : i32
    %swap3A_383 = arith.index_cast %swap3A_382 : i32 to index
    %swap3A_384 = arith.constant 0 : index
    %swap3A_385 = tpu.vector_load %arg10[%swap3A_383, %swap3A_384] {strides = array<i32>} : memref<32x16xi32, #tpu.memory_space<vmem>>, vector<16xi32>,
    tpu.vector_store %arg10[%swap3A_383, %swap3A_384], %get3A_381 {strides = array<i32>} : memref<32x16xi32, #tpu.memory_space<vmem>>, vector<16xi32>,
    %get3A_386 = arith.constant 320 : index
    %get3A_387 = tpu.vector_load %arg8[%get3A_386] {strides = array<i32>} : memref<512xi32, #tpu.memory_space<vmem>>, vector<16xi32>,
    %swap3A_388 = arith.constant 20 : i32
    %swap3A_389 = arith.index_cast %swap3A_388 : i32 to index
    %swap3A_390 = arith.constant 0 : index
    %swap3A_391 = tpu.vector_load %arg11[%swap3A_389, %swap3A_390] {strides = array<i32>} : memref<32x16xi32, #tpu.memory_space<vmem>>, vector<16xi32>,
    tpu.vector_store %arg11[%swap3A_389, %swap3A_390], %get3A_387 {strides = array<i32>} : memref<32x16xi32, #tpu.memory_space<vmem>>, vector<16xi32>,
    %get3A_392 = arith.constant 320 : index
    %get3A_393 = tpu.vector_load %arg8[%get3A_392] {strides = array<i32>} : memref<512xi32, #tpu.memory_space<vmem>>, vector<16xi32>,
    %shift_right_logical3A_394 = arith.constant 3 : i32
    %shift_right_logical3A_395 = vector.broadcast %shift_right_logical3A_394 : i32 to vector<16xi32>
    %shift_right_logical3A_396 = arith.shrui %get3A_393, %shift_right_logical3A_395 : vector<16xi32>
    %swap3A_397 = arith.constant 320 : index
    %swap3A_398 = tpu.vector_load %arg9[%swap3A_397] {strides = array<i32>} : memref<512xi32, #tpu.memory_space<vmem>>, vector<16xi32>,
    tpu.vector_store %arg9[%swap3A_397], %shift_right_logical3A_396 {strides = array<i32>} : memref<512xi32, #tpu.memory_space<vmem>>, vector<16xi32>,
    %get3A_399 = arith.constant 336 : index
    %get3A_400 = tpu.vector_load %arg7[%get3A_399] {strides = array<i32>} : memref<512xi32, #tpu.memory_space<vmem>>, vector<16xi32>,
    %swap3A_401 = arith.constant 21 : i32
    %swap3A_402 = arith.index_cast %swap3A_401 : i32 to index
    %swap3A_403 = arith.constant 0 : index
    %swap3A_404 = tpu.vector_load %arg10[%swap3A_402, %swap3A_403] {strides = array<i32>} : memref<32x16xi32, #tpu.memory_space<vmem>>, vector<16xi32>,
    tpu.vector_store %arg10[%swap3A_402, %swap3A_403], %get3A_400 {strides = array<i32>} : memref<32x16xi32, #tpu.memory_space<vmem>>, vector<16xi32>,
    %get3A_405 = arith.constant 336 : index
    %get3A_406 = tpu.vector_load %arg8[%get3A_405] {strides = array<i32>} : memref<512xi32, #tpu.memory_space<vmem>>, vector<16xi32>,
    %swap3A_407 = arith.constant 21 : i32
    %swap3A_408 = arith.index_cast %swap3A_407 : i32 to index
    %swap3A_409 = arith.constant 0 : index
    %swap3A_410 = tpu.vector_load %arg11[%swap3A_408, %swap3A_409] {strides = array<i32>} : memref<32x16xi32, #tpu.memory_space<vmem>>, vector<16xi32>,
    tpu.vector_store %arg11[%swap3A_408, %swap3A_409], %get3A_406 {strides = array<i32>} : memref<32x16xi32, #tpu.memory_space<vmem>>, vector<16xi32>,
    %get3A_411 = arith.constant 336 : index
    %get3A_412 = tpu.vector_load %arg8[%get3A_411] {strides = array<i32>} : memref<512xi32, #tpu.memory_space<vmem>>, vector<16xi32>,
    %shift_right_logical3A_413 = arith.constant 3 : i32
    %shift_right_logical3A_414 = vector.broadcast %shift_right_logical3A_413 : i32 to vector<16xi32>
    %shift_right_logical3A_415 = arith.shrui %get3A_412, %shift_right_logical3A_414 : vector<16xi32>
    %swap3A_416 = arith.constant 336 : index
    %swap3A_417 = tpu.vector_load %arg9[%swap3A_416] {strides = array<i32>} : memref<512xi32, #tpu.memory_space<vmem>>, vector<16xi32>,
    tpu.vector_store %arg9[%swap3A_416], %shift_right_logical3A_415 {strides = array<i32>} : memref<512xi32, #tpu.memory_space<vmem>>, vector<16xi32>,
    %get3A_418 = arith.constant 352 : index
    %get3A_419 = tpu.vector_load %arg7[%get3A_418] {strides = array<i32>} : memref<512xi32, #tpu.memory_space<vmem>>, vector<16xi32>,
    %swap3A_420 = arith.constant 22 : i32
    %swap3A_421 = arith.index_cast %swap3A_420 : i32 to index
    %swap3A_422 = arith.constant 0 : index
    %swap3A_423 = tpu.vector_load %arg10[%swap3A_421, %swap3A_422] {strides = array<i32>} : memref<32x16xi32, #tpu.memory_space<vmem>>, vector<16xi32>,
    tpu.vector_store %arg10[%swap3A_421, %swap3A_422], %get3A_419 {strides = array<i32>} : memref<32x16xi32, #tpu.memory_space<vmem>>, vector<16xi32>,
    %get3A_424 = arith.constant 352 : index
    %get3A_425 = tpu.vector_load %arg8[%get3A_424] {strides = array<i32>} : memref<512xi32, #tpu.memory_space<vmem>>, vector<16xi32>,
    %swap3A_426 = arith.constant 22 : i32
    %swap3A_427 = arith.index_cast %swap3A_426 : i32 to index
    %swap3A_428 = arith.constant 0 : index
    %swap3A_429 = tpu.vector_load %arg11[%swap3A_427, %swap3A_428] {strides = array<i32>} : memref<32x16xi32, #tpu.memory_space<vmem>>, vector<16xi32>,
    tpu.vector_store %arg11[%swap3A_427, %swap3A_428], %get3A_425 {strides = array<i32>} : memref<32x16xi32, #tpu.memory_space<vmem>>, vector<16xi32>,
    %get3A_430 = arith.constant 352 : index
    %get3A_431 = tpu.vector_load %arg8[%get3A_430] {strides = array<i32>} : memref<512xi32, #tpu.memory_space<vmem>>, vector<16xi32>,
    %shift_right_logical3A_432 = arith.constant 3 : i32
    %shift_right_logical3A_433 = vector.broadcast %shift_right_logical3A_432 : i32 to vector<16xi32>
    %shift_right_logical3A_434 = arith.shrui %get3A_431, %shift_right_logical3A_433 : vector<16xi32>
    %swap3A_435 = arith.constant 352 : index
    %swap3A_436 = tpu.vector_load %arg9[%swap3A_435] {strides = array<i32>} : memref<512xi32, #tpu.memory_space<vmem>>, vector<16xi32>,
    tpu.vector_store %arg9[%swap3A_435], %shift_right_logical3A_434 {strides = array<i32>} : memref<512xi32, #tpu.memory_space<vmem>>, vector<16xi32>,
    %get3A_437 = arith.constant 368 : index
    %get3A_438 = tpu.vector_load %arg7[%get3A_437] {strides = array<i32>} : memref<512xi32, #tpu.memory_space<vmem>>, vector<16xi32>,
    %swap3A_439 = arith.constant 23 : i32
    %swap3A_440 = arith.index_cast %swap3A_439 : i32 to index
    %swap3A_441 = arith.constant 0 : index
    %swap3A_442 = tpu.vector_load %arg10[%swap3A_440, %swap3A_441] {strides = array<i32>} : memref<32x16xi32, #tpu.memory_space<vmem>>, vector<16xi32>,
    tpu.vector_store %arg10[%swap3A_440, %swap3A_441], %get3A_438 {strides = array<i32>} : memref<32x16xi32, #tpu.memory_space<vmem>>, vector<16xi32>,
    %get3A_443 = arith.constant 368 : index
    %get3A_444 = tpu.vector_load %arg8[%get3A_443] {strides = array<i32>} : memref<512xi32, #tpu.memory_space<vmem>>, vector<16xi32>,
    %swap3A_445 = arith.constant 23 : i32
    %swap3A_446 = arith.index_cast %swap3A_445 : i32 to index
    %swap3A_447 = arith.constant 0 : index
    %swap3A_448 = tpu.vector_load %arg11[%swap3A_446, %swap3A_447] {strides = array<i32>} : memref<32x16xi32, #tpu.memory_space<vmem>>, vector<16xi32>,
    tpu.vector_store %arg11[%swap3A_446, %swap3A_447], %get3A_444 {strides = array<i32>} : memref<32x16xi32, #tpu.memory_space<vmem>>, vector<16xi32>,
    %get3A_449 = arith.constant 368 : index
    %get3A_450 = tpu.vector_load %arg8[%get3A_449] {strides = array<i32>} : memref<512xi32, #tpu.memory_space<vmem>>, vector<16xi32>,
    %shift_right_logical3A_451 = arith.constant 3 : i32
    %shift_right_logical3A_452 = vector.broadcast %shift_right_logical3A_451 : i32 to vector<16xi32>
    %shift_right_logical3A_453 = arith.shrui %get3A_450, %shift_right_logical3A_452 : vector<16xi32>
    %swap3A_454 = arith.constant 368 : index
    %swap3A_455 = tpu.vector_load %arg9[%swap3A_454] {strides = array<i32>} : memref<512xi32, #tpu.memory_space<vmem>>, vector<16xi32>,
    tpu.vector_store %arg9[%swap3A_454], %shift_right_logical3A_453 {strides = array<i32>} : memref<512xi32, #tpu.memory_space<vmem>>, vector<16xi32>,
    %get3A_456 = arith.constant 384 : index
    %get3A_457 = tpu.vector_load %arg7[%get3A_456] {strides = array<i32>} : memref<512xi32, #tpu.memory_space<vmem>>, vector<16xi32>,
    %swap3A_458 = arith.constant 24 : i32
    %swap3A_459 = arith.index_cast %swap3A_458 : i32 to index
    %swap3A_460 = arith.constant 0 : index
    %swap3A_461 = tpu.vector_load %arg10[%swap3A_459, %swap3A_460] {strides = array<i32>} : memref<32x16xi32, #tpu.memory_space<vmem>>, vector<16xi32>,
    tpu.vector_store %arg10[%swap3A_459, %swap3A_460], %get3A_457 {strides = array<i32>} : memref<32x16xi32, #tpu.memory_space<vmem>>, vector<16xi32>,
    %get3A_462 = arith.constant 384 : index
    %get3A_463 = tpu.vector_load %arg8[%get3A_462] {strides = array<i32>} : memref<512xi32, #tpu.memory_space<vmem>>, vector<16xi32>,
    %swap3A_464 = arith.constant 24 : i32
    %swap3A_465 = arith.index_cast %swap3A_464 : i32 to index
    %swap3A_466 = arith.constant 0 : index
    %swap3A_467 = tpu.vector_load %arg11[%swap3A_465, %swap3A_466] {strides = array<i32>} : memref<32x16xi32, #tpu.memory_space<vmem>>, vector<16xi32>,
    tpu.vector_store %arg11[%swap3A_465, %swap3A_466], %get3A_463 {strides = array<i32>} : memref<32x16xi32, #tpu.memory_space<vmem>>, vector<16xi32>,
    %get3A_468 = arith.constant 384 : index
    %get3A_469 = tpu.vector_load %arg8[%get3A_468] {strides = array<i32>} : memref<512xi32, #tpu.memory_space<vmem>>, vector<16xi32>,
    %shift_right_logical3A_470 = arith.constant 3 : i32
    %shift_right_logical3A_471 = vector.broadcast %shift_right_logical3A_470 : i32 to vector<16xi32>
    %shift_right_logical3A_472 = arith.shrui %get3A_469, %shift_right_logical3A_471 : vector<16xi32>
    %swap3A_473 = arith.constant 384 : index
    %swap3A_474 = tpu.vector_load %arg9[%swap3A_473] {strides = array<i32>} : memref<512xi32, #tpu.memory_space<vmem>>, vector<16xi32>,
    tpu.vector_store %arg9[%swap3A_473], %shift_right_logical3A_472 {strides = array<i32>} : memref<512xi32, #tpu.memory_space<vmem>>, vector<16xi32>,
    %get3A_475 = arith.constant 400 : index
    %get3A_476 = tpu.vector_load %arg7[%get3A_475] {strides = array<i32>} : memref<512xi32, #tpu.memory_space<vmem>>, vector<16xi32>,
    %swap3A_477 = arith.constant 25 : i32
    %swap3A_478 = arith.index_cast %swap3A_477 : i32 to index
    %swap3A_479 = arith.constant 0 : index
    %swap3A_480 = tpu.vector_load %arg10[%swap3A_478, %swap3A_479] {strides = array<i32>} : memref<32x16xi32, #tpu.memory_space<vmem>>, vector<16xi32>,
    tpu.vector_store %arg10[%swap3A_478, %swap3A_479], %get3A_476 {strides = array<i32>} : memref<32x16xi32, #tpu.memory_space<vmem>>, vector<16xi32>,
    %get3A_481 = arith.constant 400 : index
    %get3A_482 = tpu.vector_load %arg8[%get3A_481] {strides = array<i32>} : memref<512xi32, #tpu.memory_space<vmem>>, vector<16xi32>,
    %swap3A_483 = arith.constant 25 : i32
    %swap3A_484 = arith.index_cast %swap3A_483 : i32 to index
    %swap3A_485 = arith.constant 0 : index
    %swap3A_486 = tpu.vector_load %arg11[%swap3A_484, %swap3A_485] {strides = array<i32>} : memref<32x16xi32, #tpu.memory_space<vmem>>, vector<16xi32>,
    tpu.vector_store %arg11[%swap3A_484, %swap3A_485], %get3A_482 {strides = array<i32>} : memref<32x16xi32, #tpu.memory_space<vmem>>, vector<16xi32>,
    %get3A_487 = arith.constant 400 : index
    %get3A_488 = tpu.vector_load %arg8[%get3A_487] {strides = array<i32>} : memref<512xi32, #tpu.memory_space<vmem>>, vector<16xi32>,
    %shift_right_logical3A_489 = arith.constant 3 : i32
    %shift_right_logical3A_490 = vector.broadcast %shift_right_logical3A_489 : i32 to vector<16xi32>
    %shift_right_logical3A_491 = arith.shrui %get3A_488, %shift_right_logical3A_490 : vector<16xi32>
    %swap3A_492 = arith.constant 400 : index
    %swap3A_493 = tpu.vector_load %arg9[%swap3A_492] {strides = array<i32>} : memref<512xi32, #tpu.memory_space<vmem>>, vector<16xi32>,
    tpu.vector_store %arg9[%swap3A_492], %shift_right_logical3A_491 {strides = array<i32>} : memref<512xi32, #tpu.memory_space<vmem>>, vector<16xi32>,
    %get3A_494 = arith.constant 416 : index
    %get3A_495 = tpu.vector_load %arg7[%get3A_494] {strides = array<i32>} : memref<512xi32, #tpu.memory_space<vmem>>, vector<16xi32>,
    %swap3A_496 = arith.constant 26 : i32
    %swap3A_497 = arith.index_cast %swap3A_496 : i32 to index
    %swap3A_498 = arith.constant 0 : index
    %swap3A_499 = tpu.vector_load %arg10[%swap3A_497, %swap3A_498] {strides = array<i32>} : memref<32x16xi32, #tpu.memory_space<vmem>>, vector<16xi32>,
    tpu.vector_store %arg10[%swap3A_497, %swap3A_498], %get3A_495 {strides = array<i32>} : memref<32x16xi32, #tpu.memory_space<vmem>>, vector<16xi32>,
    %get3A_500 = arith.constant 416 : index
    %get3A_501 = tpu.vector_load %arg8[%get3A_500] {strides = array<i32>} : memref<512xi32, #tpu.memory_space<vmem>>, vector<16xi32>,
    %swap3A_502 = arith.constant 26 : i32
    %swap3A_503 = arith.index_cast %swap3A_502 : i32 to index
    %swap3A_504 = arith.constant 0 : index
    %swap3A_505 = tpu.vector_load %arg11[%swap3A_503, %swap3A_504] {strides = array<i32>} : memref<32x16xi32, #tpu.memory_space<vmem>>, vector<16xi32>,
    tpu.vector_store %arg11[%swap3A_503, %swap3A_504], %get3A_501 {strides = array<i32>} : memref<32x16xi32, #tpu.memory_space<vmem>>, vector<16xi32>,
    %get3A_506 = arith.constant 416 : index
    %get3A_507 = tpu.vector_load %arg8[%get3A_506] {strides = array<i32>} : memref<512xi32, #tpu.memory_space<vmem>>, vector<16xi32>,
    %shift_right_logical3A_508 = arith.constant 3 : i32
    %shift_right_logical3A_509 = vector.broadcast %shift_right_logical3A_508 : i32 to vector<16xi32>
    %shift_right_logical3A_510 = arith.shrui %get3A_507, %shift_right_logical3A_509 : vector<16xi32>
    %swap3A_511 = arith.constant 416 : index
    %swap3A_512 = tpu.vector_load %arg9[%swap3A_511] {strides = array<i32>} : memref<512xi32, #tpu.memory_space<vmem>>, vector<16xi32>,
    tpu.vector_store %arg9[%swap3A_511], %shift_right_logical3A_510 {strides = array<i32>} : memref<512xi32, #tpu.memory_space<vmem>>, vector<16xi32>,
    %get3A_513 = arith.constant 432 : index
    %get3A_514 = tpu.vector_load %arg7[%get3A_513] {strides = array<i32>} : memref<512xi32, #tpu.memory_space<vmem>>, vector<16xi32>,
    %swap3A_515 = arith.constant 27 : i32
    %swap3A_516 = arith.index_cast %swap3A_515 : i32 to index
    %swap3A_517 = arith.constant 0 : index
    %swap3A_518 = tpu.vector_load %arg10[%swap3A_516, %swap3A_517] {strides = array<i32>} : memref<32x16xi32, #tpu.memory_space<vmem>>, vector<16xi32>,
    tpu.vector_store %arg10[%swap3A_516, %swap3A_517], %get3A_514 {strides = array<i32>} : memref<32x16xi32, #tpu.memory_space<vmem>>, vector<16xi32>,
    %get3A_519 = arith.constant 432 : index
    %get3A_520 = tpu.vector_load %arg8[%get3A_519] {strides = array<i32>} : memref<512xi32, #tpu.memory_space<vmem>>, vector<16xi32>,
    %swap3A_521 = arith.constant 27 : i32
    %swap3A_522 = arith.index_cast %swap3A_521 : i32 to index
    %swap3A_523 = arith.constant 0 : index
    %swap3A_524 = tpu.vector_load %arg11[%swap3A_522, %swap3A_523] {strides = array<i32>} : memref<32x16xi32, #tpu.memory_space<vmem>>, vector<16xi32>,
    tpu.vector_store %arg11[%swap3A_522, %swap3A_523], %get3A_520 {strides = array<i32>} : memref<32x16xi32, #tpu.memory_space<vmem>>, vector<16xi32>,
    %get3A_525 = arith.constant 432 : index
    %get3A_526 = tpu.vector_load %arg8[%get3A_525] {strides = array<i32>} : memref<512xi32, #tpu.memory_space<vmem>>, vector<16xi32>,
    %shift_right_logical3A_527 = arith.constant 3 : i32
    %shift_right_logical3A_528 = vector.broadcast %shift_right_logical3A_527 : i32 to vector<16xi32>
    %shift_right_logical3A_529 = arith.shrui %get3A_526, %shift_right_logical3A_528 : vector<16xi32>
    %swap3A_530 = arith.constant 432 : index
    %swap3A_531 = tpu.vector_load %arg9[%swap3A_530] {strides = array<i32>} : memref<512xi32, #tpu.memory_space<vmem>>, vector<16xi32>,
    tpu.vector_store %arg9[%swap3A_530], %shift_right_logical3A_529 {strides = array<i32>} : memref<512xi32, #tpu.memory_space<vmem>>, vector<16xi32>,
    %get3A_532 = arith.constant 448 : index
    %get3A_533 = tpu.vector_load %arg7[%get3A_532] {strides = array<i32>} : memref<512xi32, #tpu.memory_space<vmem>>, vector<16xi32>,
    %swap3A_534 = arith.constant 28 : i32
    %swap3A_535 = arith.index_cast %swap3A_534 : i32 to index
    %swap3A_536 = arith.constant 0 : index
    %swap3A_537 = tpu.vector_load %arg10[%swap3A_535, %swap3A_536] {strides = array<i32>} : memref<32x16xi32, #tpu.memory_space<vmem>>, vector<16xi32>,
    tpu.vector_store %arg10[%swap3A_535, %swap3A_536], %get3A_533 {strides = array<i32>} : memref<32x16xi32, #tpu.memory_space<vmem>>, vector<16xi32>,
    %get3A_538 = arith.constant 448 : index
    %get3A_539 = tpu.vector_load %arg8[%get3A_538] {strides = array<i32>} : memref<512xi32, #tpu.memory_space<vmem>>, vector<16xi32>,
    %swap3A_540 = arith.constant 28 : i32
    %swap3A_541 = arith.index_cast %swap3A_540 : i32 to index
    %swap3A_542 = arith.constant 0 : index
    %swap3A_543 = tpu.vector_load %arg11[%swap3A_541, %swap3A_542] {strides = array<i32>} : memref<32x16xi32, #tpu.memory_space<vmem>>, vector<16xi32>,
    tpu.vector_store %arg11[%swap3A_541, %swap3A_542], %get3A_539 {strides = array<i32>} : memref<32x16xi32, #tpu.memory_space<vmem>>, vector<16xi32>,
    %get3A_544 = arith.constant 448 : index
    %get3A_545 = tpu.vector_load %arg8[%get3A_544] {strides = array<i32>} : memref<512xi32, #tpu.memory_space<vmem>>, vector<16xi32>,
    %shift_right_logical3A_546 = arith.constant 3 : i32
    %shift_right_logical3A_547 = vector.broadcast %shift_right_logical3A_546 : i32 to vector<16xi32>
    %shift_right_logical3A_548 = arith.shrui %get3A_545, %shift_right_logical3A_547 : vector<16xi32>
    %swap3A_549 = arith.constant 448 : index
    %swap3A_550 = tpu.vector_load %arg9[%swap3A_549] {strides = array<i32>} : memref<512xi32, #tpu.memory_space<vmem>>, vector<16xi32>,
    tpu.vector_store %arg9[%swap3A_549], %shift_right_logical3A_548 {strides = array<i32>} : memref<512xi32, #tpu.memory_space<vmem>>, vector<16xi32>,
    %get3A_551 = arith.constant 464 : index
    %get3A_552 = tpu.vector_load %arg7[%get3A_551] {strides = array<i32>} : memref<512xi32, #tpu.memory_space<vmem>>, vector<16xi32>,
    %swap3A_553 = arith.constant 29 : i32
    %swap3A_554 = arith.index_cast %swap3A_553 : i32 to index
    %swap3A_555 = arith.constant 0 : index
    %swap3A_556 = tpu.vector_load %arg10[%swap3A_554, %swap3A_555] {strides = array<i32>} : memref<32x16xi32, #tpu.memory_space<vmem>>, vector<16xi32>,
    tpu.vector_store %arg10[%swap3A_554, %swap3A_555], %get3A_552 {strides = array<i32>} : memref<32x16xi32, #tpu.memory_space<vmem>>, vector<16xi32>,
    %get3A_557 = arith.constant 464 : index
    %get3A_558 = tpu.vector_load %arg8[%get3A_557] {strides = array<i32>} : memref<512xi32, #tpu.memory_space<vmem>>, vector<16xi32>,
    %swap3A_559 = arith.constant 29 : i32
    %swap3A_560 = arith.index_cast %swap3A_559 : i32 to index
    %swap3A_561 = arith.constant 0 : index
    %swap3A_562 = tpu.vector_load %arg11[%swap3A_560, %swap3A_561] {strides = array<i32>} : memref<32x16xi32, #tpu.memory_space<vmem>>, vector<16xi32>,
    tpu.vector_store %arg11[%swap3A_560, %swap3A_561], %get3A_558 {strides = array<i32>} : memref<32x16xi32, #tpu.memory_space<vmem>>, vector<16xi32>,
    %get3A_563 = arith.constant 464 : index
    %get3A_564 = tpu.vector_load %arg8[%get3A_563] {strides = array<i32>} : memref<512xi32, #tpu.memory_space<vmem>>, vector<16xi32>,
    %shift_right_logical3A_565 = arith.constant 3 : i32
    %shift_right_logical3A_566 = vector.broadcast %shift_right_logical3A_565 : i32 to vector<16xi32>
    %shift_right_logical3A_567 = arith.shrui %get3A_564, %shift_right_logical3A_566 : vector<16xi32>
    %swap3A_568 = arith.constant 464 : index
    %swap3A_569 = tpu.vector_load %arg9[%swap3A_568] {strides = array<i32>} : memref<512xi32, #tpu.memory_space<vmem>>, vector<16xi32>,
    tpu.vector_store %arg9[%swap3A_568], %shift_right_logical3A_567 {strides = array<i32>} : memref<512xi32, #tpu.memory_space<vmem>>, vector<16xi32>,
    %get3A_570 = arith.constant 480 : index
    %get3A_571 = tpu.vector_load %arg7[%get3A_570] {strides = array<i32>} : memref<512xi32, #tpu.memory_space<vmem>>, vector<16xi32>,
    %swap3A_572 = arith.constant 30 : i32
    %swap3A_573 = arith.index_cast %swap3A_572 : i32 to index
    %swap3A_574 = arith.constant 0 : index
    %swap3A_575 = tpu.vector_load %arg10[%swap3A_573, %swap3A_574] {strides = array<i32>} : memref<32x16xi32, #tpu.memory_space<vmem>>, vector<16xi32>,
    tpu.vector_store %arg10[%swap3A_573, %swap3A_574], %get3A_571 {strides = array<i32>} : memref<32x16xi32, #tpu.memory_space<vmem>>, vector<16xi32>,
    %get3A_576 = arith.constant 480 : index
    %get3A_577 = tpu.vector_load %arg8[%get3A_576] {strides = array<i32>} : memref<512xi32, #tpu.memory_space<vmem>>, vector<16xi32>,
    %swap3A_578 = arith.constant 30 : i32
    %swap3A_579 = arith.index_cast %swap3A_578 : i32 to index
    %swap3A_580 = arith.constant 0 : index
    %swap3A_581 = tpu.vector_load %arg11[%swap3A_579, %swap3A_580] {strides = array<i32>} : memref<32x16xi32, #tpu.memory_space<vmem>>, vector<16xi32>,
    tpu.vector_store %arg11[%swap3A_579, %swap3A_580], %get3A_577 {strides = array<i32>} : memref<32x16xi32, #tpu.memory_space<vmem>>, vector<16xi32>,
    %get3A_582 = arith.constant 480 : index
    %get3A_583 = tpu.vector_load %arg8[%get3A_582] {strides = array<i32>} : memref<512xi32, #tpu.memory_space<vmem>>, vector<16xi32>,
    %shift_right_logical3A_584 = arith.constant 3 : i32
    %shift_right_logical3A_585 = vector.broadcast %shift_right_logical3A_584 : i32 to vector<16xi32>
    %shift_right_logical3A_586 = arith.shrui %get3A_583, %shift_right_logical3A_585 : vector<16xi32>
    %swap3A_587 = arith.constant 480 : index
    %swap3A_588 = tpu.vector_load %arg9[%swap3A_587] {strides = array<i32>} : memref<512xi32, #tpu.memory_space<vmem>>, vector<16xi32>,
    tpu.vector_store %arg9[%swap3A_587], %shift_right_logical3A_586 {strides = array<i32>} : memref<512xi32, #tpu.memory_space<vmem>>, vector<16xi32>,
    %get3A_589 = arith.constant 496 : index
    %get3A_590 = tpu.vector_load %arg7[%get3A_589] {strides = array<i32>} : memref<512xi32, #tpu.memory_space<vmem>>, vector<16xi32>,
    %swap3A_591 = arith.constant 31 : i32
    %swap3A_592 = arith.index_cast %swap3A_591 : i32 to index
    %swap3A_593 = arith.constant 0 : index
    %swap3A_594 = tpu.vector_load %arg10[%swap3A_592, %swap3A_593] {strides = array<i32>} : memref<32x16xi32, #tpu.memory_space<vmem>>, vector<16xi32>,
    tpu.vector_store %arg10[%swap3A_592, %swap3A_593], %get3A_590 {strides = array<i32>} : memref<32x16xi32, #tpu.memory_space<vmem>>, vector<16xi32>,
    %get3A_595 = arith.constant 496 : index
    %get3A_596 = tpu.vector_load %arg8[%get3A_595] {strides = array<i32>} : memref<512xi32, #tpu.memory_space<vmem>>, vector<16xi32>,
    %swap3A_597 = arith.constant 31 : i32
    %swap3A_598 = arith.index_cast %swap3A_597 : i32 to index
    %swap3A_599 = arith.constant 0 : index
    %swap3A_600 = tpu.vector_load %arg11[%swap3A_598, %swap3A_599] {strides = array<i32>} : memref<32x16xi32, #tpu.memory_space<vmem>>, vector<16xi32>,
    tpu.vector_store %arg11[%swap3A_598, %swap3A_599], %get3A_596 {strides = array<i32>} : memref<32x16xi32, #tpu.memory_space<vmem>>, vector<16xi32>,
    %get3A_601 = arith.constant 496 : index
    %get3A_602 = tpu.vector_load %arg8[%get3A_601] {strides = array<i32>} : memref<512xi32, #tpu.memory_space<vmem>>, vector<16xi32>,
    %shift_right_logical3A_603 = arith.constant 3 : i32
    %shift_right_logical3A_604 = vector.broadcast %shift_right_logical3A_603 : i32 to vector<16xi32>
    %shift_right_logical3A_605 = arith.shrui %get3A_602, %shift_right_logical3A_604 : vector<16xi32>
    %swap3A_606 = arith.constant 496 : index
    %swap3A_607 = tpu.vector_load %arg9[%swap3A_606] {strides = array<i32>} : memref<512xi32, #tpu.memory_space<vmem>>, vector<16xi32>,
    tpu.vector_store %arg9[%swap3A_606], %shift_right_logical3A_605 {strides = array<i32>} : memref<512xi32, #tpu.memory_space<vmem>>, vector<16xi32>,
    %iota3A = tpu.iota {dimensions = array<i32: 0>} : vector<16xi32>
    %dma_start3A = arith.constant 0 : i32
    %dma_start3A_608 = tpu.memref_slice %arg9[%dma_start3A] : memref<512xi32, #tpu.memory_space<vmem>> -> memref<128xi32, #tpu.memory_space<vmem>>
    %dma_start3A_609 = arith.constant 0 : i32
    %dma_start3A_610 = arith.constant 0 : i32
    %dma_start3A_611 = tpu.memref_slice %arg3[%dma_start3A_609, %dma_start3A_610] : memref<12500x128xf32, #tpu.memory_space<hbm>> -> memref<12500x128xf32, #tpu.memory_space<hbm>>
    tpu.enqueue_indirect_dma source(%dma_start3A_611 : memref<12500x128xf32, #tpu.memory_space<hbm>>) target(%arg21 : memref<128x128xf32, #tpu.memory_space<vmem>>) offsets(%dma_start3A_608 : memref<128xi32, #tpu.memory_space<vmem>>) semaphore(%arg31 : memref<!tpu.dma_semaphore, #tpu.memory_space<semaphore_mem>>)
    %dma_start3A_612 = arith.constant 128 : i32
    %dma_start3A_613 = tpu.memref_slice %arg9[%dma_start3A_612] : memref<512xi32, #tpu.memory_space<vmem>> -> memref<128xi32, #tpu.memory_space<vmem>>
    %dma_start3A_614 = arith.constant 0 : i32
    %dma_start3A_615 = arith.constant 0 : i32
    %dma_start3A_616 = tpu.memref_slice %arg3[%dma_start3A_614, %dma_start3A_615] : memref<12500x128xf32, #tpu.memory_space<hbm>> -> memref<12500x128xf32, #tpu.memory_space<hbm>>
    tpu.enqueue_indirect_dma source(%dma_start3A_616 : memref<12500x128xf32, #tpu.memory_space<hbm>>) target(%arg22 : memref<128x128xf32, #tpu.memory_space<vmem>>) offsets(%dma_start3A_613 : memref<128xi32, #tpu.memory_space<vmem>>) semaphore(%arg32 : memref<!tpu.dma_semaphore, #tpu.memory_space<semaphore_mem>>)
    %shift_right_logical3A_617 = arith.constant 0 : i32
    %shift_right_logical3A_618 = arith.constant 4 : i32
    %shift_right_logical3A_619 = arith.shrui %shift_right_logical3A_617, %shift_right_logical3A_618 : i32
    %get3A_620 = arith.index_cast %shift_right_logical3A_619 : i32 to index
    %get3A_621 = arith.constant 0 : index
    %get3A_622 = tpu.vector_load %arg10[%get3A_620, %get3A_621] {strides = array<i32>} : memref<32x16xi32, #tpu.memory_space<vmem>>, vector<16xi32>,
    %and3A = arith.constant 0 : i32
    %and3A_623 = arith.constant 15 : i32
    %and3A_624 = arith.andi %and3A, %and3A_623 : i32
    %eq3A = vector.broadcast %and3A_624 : i32 to vector<16xi32>
    %eq3A_625 = arith.cmpi eq, %iota3A, %eq3A : vector<16xi32>
    %jit3A = arith.constant -1 : i32
    %broadcast_in_dim3A = vector.broadcast %jit3A : i32 to vector<16xi32>
    %select_n3A = arith.select %eq3A_625, %get3A_622, %broadcast_in_dim3A : vector<16xi1>, vector<16xi32>
    %reduce_max3A = arith.constant true
    %reduce_max3A_626 = vector.broadcast %reduce_max3A : i1 to vector<16xi1>
    %reduce_max3A_627 = arith.constant -2147483648 : i32
    %reduce_max3A_628 = vector.broadcast %reduce_max3A_627 : i32 to vector<16xi32>
    %reduce_max3A_629 = arith.xori %select_n3A, %reduce_max3A_628 : vector<16xi32>
    %reduce_max3A_630 = tpu.scan <max>, %reduce_max3A_629 masked %reduce_max3A_626 : vector<16xi32>, vector<16xi1> -> vector<16xi32>
    %reduce_max3A_631 = arith.xori %reduce_max3A_630, %reduce_max3A_628 : vector<16xi32>
    %reduce_max3A_632 = vector.extract %reduce_max3A_631[15] : i32 from vector<16xi32>
    %shift_right_logical3A_633 = arith.constant 7 : i32
    %shift_right_logical3A_634 = arith.shrui %reduce_max3A_632, %shift_right_logical3A_633 : i32
    %mul3A_635 = arith.constant 128 : i32
    %mul3A_636 = arith.muli %shift_right_logical3A_634, %mul3A_635 : i32
    %multiple_of3A_637 = tpu.assume_multiple %mul3A_636, 128 : i32
    %dma_start3A_638 = arith.constant 0 : i32
    %dma_start3A_639 = tpu.memref_slice %arg2[%dma_start3A_638, %multiple_of3A_637] : memref<16x1000000xf32, #tpu.memory_space<hbm>> -> memref<16x128xf32, #tpu.memory_space<hbm>>
    %dma_start3A_640 = arith.constant 0 : i32
    %dma_start3A_641 = tpu.memref_slice %arg2[%dma_start3A_640, %multiple_of3A_637] : memref<16x1000000xf32, #tpu.memory_space<hbm>> -> memref<16x128xf32, #tpu.memory_space<hbm>>
    tpu.enqueue_dma source(%dma_start3A_641 : memref<16x128xf32, #tpu.memory_space<hbm>>) target(%arg13 : memref<16x128xf32, #tpu.memory_space<vmem>>) target_semaphore(%arg23 : memref<!tpu.dma_semaphore, #tpu.memory_space<semaphore_mem>>)
    %shift_right_logical3A_642 = arith.constant 1 : i32
    %shift_right_logical3A_643 = arith.constant 4 : i32
    %shift_right_logical3A_644 = arith.shrui %shift_right_logical3A_642, %shift_right_logical3A_643 : i32
    %get3A_645 = arith.index_cast %shift_right_logical3A_644 : i32 to index
    %get3A_646 = arith.constant 0 : index
    %get3A_647 = tpu.vector_load %arg10[%get3A_645, %get3A_646] {strides = array<i32>} : memref<32x16xi32, #tpu.memory_space<vmem>>, vector<16xi32>,
    %and3A_648 = arith.constant 1 : i32
    %and3A_649 = arith.constant 15 : i32
    %and3A_650 = arith.andi %and3A_648, %and3A_649 : i32
    %eq3A_651 = vector.broadcast %and3A_650 : i32 to vector<16xi32>
    %eq3A_652 = arith.cmpi eq, %iota3A, %eq3A_651 : vector<16xi32>
    %jit3A_653 = arith.constant -1 : i32
    %broadcast_in_dim3A_654 = vector.broadcast %jit3A_653 : i32 to vector<16xi32>
    %select_n3A_655 = arith.select %eq3A_652, %get3A_647, %broadcast_in_dim3A_654 : vector<16xi1>, vector<16xi32>
    %reduce_max3A_656 = arith.constant true
    %reduce_max3A_657 = vector.broadcast %reduce_max3A_656 : i1 to vector<16xi1>
    %reduce_max3A_658 = arith.constant -2147483648 : i32
    %reduce_max3A_659 = vector.broadcast %reduce_max3A_658 : i32 to vector<16xi32>
    %reduce_max3A_660 = arith.xori %select_n3A_655, %reduce_max3A_659 : vector<16xi32>
    %reduce_max3A_661 = tpu.scan <max>, %reduce_max3A_660 masked %reduce_max3A_657 : vector<16xi32>, vector<16xi1> -> vector<16xi32>
    %reduce_max3A_662 = arith.xori %reduce_max3A_661, %reduce_max3A_659 : vector<16xi32>
    %reduce_max3A_663 = vector.extract %reduce_max3A_662[15] : i32 from vector<16xi32>
    %shift_right_logical3A_664 = arith.constant 7 : i32
    %shift_right_logical3A_665 = arith.shrui %reduce_max3A_663, %shift_right_logical3A_664 : i32
    %mul3A_666 = arith.constant 128 : i32
    %mul3A_667 = arith.muli %shift_right_logical3A_665, %mul3A_666 : i32
    %multiple_of3A_668 = tpu.assume_multiple %mul3A_667, 128 : i32
    %dma_start3A_669 = arith.constant 0 : i32
    %dma_start3A_670 = tpu.memref_slice %arg2[%dma_start3A_669, %multiple_of3A_668] : memref<16x1000000xf32, #tpu.memory_space<hbm>> -> memref<16x128xf32, #tpu.memory_space<hbm>>
    %dma_start3A_671 = arith.constant 0 : i32
    %dma_start3A_672 = tpu.memref_slice %arg2[%dma_start3A_671, %multiple_of3A_668] : memref<16x1000000xf32, #tpu.memory_space<hbm>> -> memref<16x128xf32, #tpu.memory_space<hbm>>
    tpu.enqueue_dma source(%dma_start3A_672 : memref<16x128xf32, #tpu.memory_space<hbm>>) target(%arg14 : memref<16x128xf32, #tpu.memory_space<vmem>>) target_semaphore(%arg24 : memref<!tpu.dma_semaphore, #tpu.memory_space<semaphore_mem>>)
    %shift_right_logical3A_673 = arith.constant 2 : i32
    %shift_right_logical3A_674 = arith.constant 4 : i32
    %shift_right_logical3A_675 = arith.shrui %shift_right_logical3A_673, %shift_right_logical3A_674 : i32
    %get3A_676 = arith.index_cast %shift_right_logical3A_675 : i32 to index
    %get3A_677 = arith.constant 0 : index
    %get3A_678 = tpu.vector_load %arg10[%get3A_676, %get3A_677] {strides = array<i32>} : memref<32x16xi32, #tpu.memory_space<vmem>>, vector<16xi32>,
    %and3A_679 = arith.constant 2 : i32
    %and3A_680 = arith.constant 15 : i32
    %and3A_681 = arith.andi %and3A_679, %and3A_680 : i32
    %eq3A_682 = vector.broadcast %and3A_681 : i32 to vector<16xi32>
    %eq3A_683 = arith.cmpi eq, %iota3A, %eq3A_682 : vector<16xi32>
    %jit3A_684 = arith.constant -1 : i32
    %broadcast_in_dim3A_685 = vector.broadcast %jit3A_684 : i32 to vector<16xi32>
    %select_n3A_686 = arith.select %eq3A_683, %get3A_678, %broadcast_in_dim3A_685 : vector<16xi1>, vector<16xi32>
    %reduce_max3A_687 = arith.constant true
    %reduce_max3A_688 = vector.broadcast %reduce_max3A_687 : i1 to vector<16xi1>
    %reduce_max3A_689 = arith.constant -2147483648 : i32
    %reduce_max3A_690 = vector.broadcast %reduce_max3A_689 : i32 to vector<16xi32>
    %reduce_max3A_691 = arith.xori %select_n3A_686, %reduce_max3A_690 : vector<16xi32>
    %reduce_max3A_692 = tpu.scan <max>, %reduce_max3A_691 masked %reduce_max3A_688 : vector<16xi32>, vector<16xi1> -> vector<16xi32>
    %reduce_max3A_693 = arith.xori %reduce_max3A_692, %reduce_max3A_690 : vector<16xi32>
    %reduce_max3A_694 = vector.extract %reduce_max3A_693[15] : i32 from vector<16xi32>
    %shift_right_logical3A_695 = arith.constant 7 : i32
    %shift_right_logical3A_696 = arith.shrui %reduce_max3A_694, %shift_right_logical3A_695 : i32
    %mul3A_697 = arith.constant 128 : i32
    %mul3A_698 = arith.muli %shift_right_logical3A_696, %mul3A_697 : i32
    %multiple_of3A_699 = tpu.assume_multiple %mul3A_698, 128 : i32
    %dma_start3A_700 = arith.constant 0 : i32
    %dma_start3A_701 = tpu.memref_slice %arg2[%dma_start3A_700, %multiple_of3A_699] : memref<16x1000000xf32, #tpu.memory_space<hbm>> -> memref<16x128xf32, #tpu.memory_space<hbm>>
    %dma_start3A_702 = arith.constant 0 : i32
    %dma_start3A_703 = tpu.memref_slice %arg2[%dma_start3A_702, %multiple_of3A_699] : memref<16x1000000xf32, #tpu.memory_space<hbm>> -> memref<16x128xf32, #tpu.memory_space<hbm>>
    tpu.enqueue_dma source(%dma_start3A_703 : memref<16x128xf32, #tpu.memory_space<hbm>>) target(%arg15 : memref<16x128xf32, #tpu.memory_space<vmem>>) target_semaphore(%arg25 : memref<!tpu.dma_semaphore, #tpu.memory_space<semaphore_mem>>)
    %shift_right_logical3A_704 = arith.constant 3 : i32
    %shift_right_logical3A_705 = arith.constant 4 : i32
    %shift_right_logical3A_706 = arith.shrui %shift_right_logical3A_704, %shift_right_logical3A_705 : i32
    %get3A_707 = arith.index_cast %shift_right_logical3A_706 : i32 to index
    %get3A_708 = arith.constant 0 : index
    %get3A_709 = tpu.vector_load %arg10[%get3A_707, %get3A_708] {strides = array<i32>} : memref<32x16xi32, #tpu.memory_space<vmem>>, vector<16xi32>,
    %and3A_710 = arith.constant 3 : i32
    %and3A_711 = arith.constant 15 : i32
    %and3A_712 = arith.andi %and3A_710, %and3A_711 : i32
    %eq3A_713 = vector.broadcast %and3A_712 : i32 to vector<16xi32>
    %eq3A_714 = arith.cmpi eq, %iota3A, %eq3A_713 : vector<16xi32>
    %jit3A_715 = arith.constant -1 : i32
    %broadcast_in_dim3A_716 = vector.broadcast %jit3A_715 : i32 to vector<16xi32>
    %select_n3A_717 = arith.select %eq3A_714, %get3A_709, %broadcast_in_dim3A_716 : vector<16xi1>, vector<16xi32>
    %reduce_max3A_718 = arith.constant true
    %reduce_max3A_719 = vector.broadcast %reduce_max3A_718 : i1 to vector<16xi1>
    %reduce_max3A_720 = arith.constant -2147483648 : i32
    %reduce_max3A_721 = vector.broadcast %reduce_max3A_720 : i32 to vector<16xi32>
    %reduce_max3A_722 = arith.xori %select_n3A_717, %reduce_max3A_721 : vector<16xi32>
    %reduce_max3A_723 = tpu.scan <max>, %reduce_max3A_722 masked %reduce_max3A_719 : vector<16xi32>, vector<16xi1> -> vector<16xi32>
    %reduce_max3A_724 = arith.xori %reduce_max3A_723, %reduce_max3A_721 : vector<16xi32>
    %reduce_max3A_725 = vector.extract %reduce_max3A_724[15] : i32 from vector<16xi32>
    %shift_right_logical3A_726 = arith.constant 7 : i32
    %shift_right_logical3A_727 = arith.shrui %reduce_max3A_725, %shift_right_logical3A_726 : i32
    %mul3A_728 = arith.constant 128 : i32
    %mul3A_729 = arith.muli %shift_right_logical3A_727, %mul3A_728 : i32
    %multiple_of3A_730 = tpu.assume_multiple %mul3A_729, 128 : i32
    %dma_start3A_731 = arith.constant 0 : i32
    %dma_start3A_732 = tpu.memref_slice %arg2[%dma_start3A_731, %multiple_of3A_730] : memref<16x1000000xf32, #tpu.memory_space<hbm>> -> memref<16x128xf32, #tpu.memory_space<hbm>>
    %dma_start3A_733 = arith.constant 0 : i32
    %dma_start3A_734 = tpu.memref_slice %arg2[%dma_start3A_733, %multiple_of3A_730] : memref<16x1000000xf32, #tpu.memory_space<hbm>> -> memref<16x128xf32, #tpu.memory_space<hbm>>
    tpu.enqueue_dma source(%dma_start3A_734 : memref<16x128xf32, #tpu.memory_space<hbm>>) target(%arg16 : memref<16x128xf32, #tpu.memory_space<vmem>>) target_semaphore(%arg26 : memref<!tpu.dma_semaphore, #tpu.memory_space<semaphore_mem>>)
    %shift_right_logical3A_735 = arith.constant 4 : i32
    %shift_right_logical3A_736 = arith.constant 4 : i32
    %shift_right_logical3A_737 = arith.shrui %shift_right_logical3A_735, %shift_right_logical3A_736 : i32
    %get3A_738 = arith.index_cast %shift_right_logical3A_737 : i32 to index
    %get3A_739 = arith.constant 0 : index
    %get3A_740 = tpu.vector_load %arg10[%get3A_738, %get3A_739] {strides = array<i32>} : memref<32x16xi32, #tpu.memory_space<vmem>>, vector<16xi32>,
    %and3A_741 = arith.constant 4 : i32
    %and3A_742 = arith.constant 15 : i32
    %and3A_743 = arith.andi %and3A_741, %and3A_742 : i32
    %eq3A_744 = vector.broadcast %and3A_743 : i32 to vector<16xi32>
    %eq3A_745 = arith.cmpi eq, %iota3A, %eq3A_744 : vector<16xi32>
    %jit3A_746 = arith.constant -1 : i32
    %broadcast_in_dim3A_747 = vector.broadcast %jit3A_746 : i32 to vector<16xi32>
    %select_n3A_748 = arith.select %eq3A_745, %get3A_740, %broadcast_in_dim3A_747 : vector<16xi1>, vector<16xi32>
    %reduce_max3A_749 = arith.constant true
    %reduce_max3A_750 = vector.broadcast %reduce_max3A_749 : i1 to vector<16xi1>
    %reduce_max3A_751 = arith.constant -2147483648 : i32
    %reduce_max3A_752 = vector.broadcast %reduce_max3A_751 : i32 to vector<16xi32>
    %reduce_max3A_753 = arith.xori %select_n3A_748, %reduce_max3A_752 : vector<16xi32>
    %reduce_max3A_754 = tpu.scan <max>, %reduce_max3A_753 masked %reduce_max3A_750 : vector<16xi32>, vector<16xi1> -> vector<16xi32>
    %reduce_max3A_755 = arith.xori %reduce_max3A_754, %reduce_max3A_752 : vector<16xi32>
    %reduce_max3A_756 = vector.extract %reduce_max3A_755[15] : i32 from vector<16xi32>
    %shift_right_logical3A_757 = arith.constant 7 : i32
    %shift_right_logical3A_758 = arith.shrui %reduce_max3A_756, %shift_right_logical3A_757 : i32
    %mul3A_759 = arith.constant 128 : i32
    %mul3A_760 = arith.muli %shift_right_logical3A_758, %mul3A_759 : i32
    %multiple_of3A_761 = tpu.assume_multiple %mul3A_760, 128 : i32
    %dma_start3A_762 = arith.constant 0 : i32
    %dma_start3A_763 = tpu.memref_slice %arg2[%dma_start3A_762, %multiple_of3A_761] : memref<16x1000000xf32, #tpu.memory_space<hbm>> -> memref<16x128xf32, #tpu.memory_space<hbm>>
    %dma_start3A_764 = arith.constant 0 : i32
    %dma_start3A_765 = tpu.memref_slice %arg2[%dma_start3A_764, %multiple_of3A_761] : memref<16x1000000xf32, #tpu.memory_space<hbm>> -> memref<16x128xf32, #tpu.memory_space<hbm>>
    tpu.enqueue_dma source(%dma_start3A_765 : memref<16x128xf32, #tpu.memory_space<hbm>>) target(%arg17 : memref<16x128xf32, #tpu.memory_space<vmem>>) target_semaphore(%arg27 : memref<!tpu.dma_semaphore, #tpu.memory_space<semaphore_mem>>)
    %shift_right_logical3A_766 = arith.constant 5 : i32
    %shift_right_logical3A_767 = arith.constant 4 : i32
    %shift_right_logical3A_768 = arith.shrui %shift_right_logical3A_766, %shift_right_logical3A_767 : i32
    %get3A_769 = arith.index_cast %shift_right_logical3A_768 : i32 to index
    %get3A_770 = arith.constant 0 : index
    %get3A_771 = tpu.vector_load %arg10[%get3A_769, %get3A_770] {strides = array<i32>} : memref<32x16xi32, #tpu.memory_space<vmem>>, vector<16xi32>,
    %and3A_772 = arith.constant 5 : i32
    %and3A_773 = arith.constant 15 : i32
    %and3A_774 = arith.andi %and3A_772, %and3A_773 : i32
    %eq3A_775 = vector.broadcast %and3A_774 : i32 to vector<16xi32>
    %eq3A_776 = arith.cmpi eq, %iota3A, %eq3A_775 : vector<16xi32>
    %jit3A_777 = arith.constant -1 : i32
    %broadcast_in_dim3A_778 = vector.broadcast %jit3A_777 : i32 to vector<16xi32>
    %select_n3A_779 = arith.select %eq3A_776, %get3A_771, %broadcast_in_dim3A_778 : vector<16xi1>, vector<16xi32>
    %reduce_max3A_780 = arith.constant true
    %reduce_max3A_781 = vector.broadcast %reduce_max3A_780 : i1 to vector<16xi1>
    %reduce_max3A_782 = arith.constant -2147483648 : i32
    %reduce_max3A_783 = vector.broadcast %reduce_max3A_782 : i32 to vector<16xi32>
    %reduce_max3A_784 = arith.xori %select_n3A_779, %reduce_max3A_783 : vector<16xi32>
    %reduce_max3A_785 = tpu.scan <max>, %reduce_max3A_784 masked %reduce_max3A_781 : vector<16xi32>, vector<16xi1> -> vector<16xi32>
    %reduce_max3A_786 = arith.xori %reduce_max3A_785, %reduce_max3A_783 : vector<16xi32>
    %reduce_max3A_787 = vector.extract %reduce_max3A_786[15] : i32 from vector<16xi32>
    %shift_right_logical3A_788 = arith.constant 7 : i32
    %shift_right_logical3A_789 = arith.shrui %reduce_max3A_787, %shift_right_logical3A_788 : i32
    %mul3A_790 = arith.constant 128 : i32
    %mul3A_791 = arith.muli %shift_right_logical3A_789, %mul3A_790 : i32
    %multiple_of3A_792 = tpu.assume_multiple %mul3A_791, 128 : i32
    %dma_start3A_793 = arith.constant 0 : i32
    %dma_start3A_794 = tpu.memref_slice %arg2[%dma_start3A_793, %multiple_of3A_792] : memref<16x1000000xf32, #tpu.memory_space<hbm>> -> memref<16x128xf32, #tpu.memory_space<hbm>>
    %dma_start3A_795 = arith.constant 0 : i32
    %dma_start3A_796 = tpu.memref_slice %arg2[%dma_start3A_795, %multiple_of3A_792] : memref<16x1000000xf32, #tpu.memory_space<hbm>> -> memref<16x128xf32, #tpu.memory_space<hbm>>
    tpu.enqueue_dma source(%dma_start3A_796 : memref<16x128xf32, #tpu.memory_space<hbm>>) target(%arg18 : memref<16x128xf32, #tpu.memory_space<vmem>>) target_semaphore(%arg28 : memref<!tpu.dma_semaphore, #tpu.memory_space<semaphore_mem>>)
    %shift_right_logical3A_797 = arith.constant 6 : i32
    %shift_right_logical3A_798 = arith.constant 4 : i32
    %shift_right_logical3A_799 = arith.shrui %shift_right_logical3A_797, %shift_right_logical3A_798 : i32
    %get3A_800 = arith.index_cast %shift_right_logical3A_799 : i32 to index
    %get3A_801 = arith.constant 0 : index
    %get3A_802 = tpu.vector_load %arg10[%get3A_800, %get3A_801] {strides = array<i32>} : memref<32x16xi32, #tpu.memory_space<vmem>>, vector<16xi32>,
    %and3A_803 = arith.constant 6 : i32
    %and3A_804 = arith.constant 15 : i32
    %and3A_805 = arith.andi %and3A_803, %and3A_804 : i32
    %eq3A_806 = vector.broadcast %and3A_805 : i32 to vector<16xi32>
    %eq3A_807 = arith.cmpi eq, %iota3A, %eq3A_806 : vector<16xi32>
    %jit3A_808 = arith.constant -1 : i32
    %broadcast_in_dim3A_809 = vector.broadcast %jit3A_808 : i32 to vector<16xi32>
    %select_n3A_810 = arith.select %eq3A_807, %get3A_802, %broadcast_in_dim3A_809 : vector<16xi1>, vector<16xi32>
    %reduce_max3A_811 = arith.constant true
    %reduce_max3A_812 = vector.broadcast %reduce_max3A_811 : i1 to vector<16xi1>
    %reduce_max3A_813 = arith.constant -2147483648 : i32
    %reduce_max3A_814 = vector.broadcast %reduce_max3A_813 : i32 to vector<16xi32>
    %reduce_max3A_815 = arith.xori %select_n3A_810, %reduce_max3A_814 : vector<16xi32>
    %reduce_max3A_816 = tpu.scan <max>, %reduce_max3A_815 masked %reduce_max3A_812 : vector<16xi32>, vector<16xi1> -> vector<16xi32>
    %reduce_max3A_817 = arith.xori %reduce_max3A_816, %reduce_max3A_814 : vector<16xi32>
    %reduce_max3A_818 = vector.extract %reduce_max3A_817[15] : i32 from vector<16xi32>
    %shift_right_logical3A_819 = arith.constant 7 : i32
    %shift_right_logical3A_820 = arith.shrui %reduce_max3A_818, %shift_right_logical3A_819 : i32
    %mul3A_821 = arith.constant 128 : i32
    %mul3A_822 = arith.muli %shift_right_logical3A_820, %mul3A_821 : i32
    %multiple_of3A_823 = tpu.assume_multiple %mul3A_822, 128 : i32
    %dma_start3A_824 = arith.constant 0 : i32
    %dma_start3A_825 = tpu.memref_slice %arg2[%dma_start3A_824, %multiple_of3A_823] : memref<16x1000000xf32, #tpu.memory_space<hbm>> -> memref<16x128xf32, #tpu.memory_space<hbm>>
    %dma_start3A_826 = arith.constant 0 : i32
    %dma_start3A_827 = tpu.memref_slice %arg2[%dma_start3A_826, %multiple_of3A_823] : memref<16x1000000xf32, #tpu.memory_space<hbm>> -> memref<16x128xf32, #tpu.memory_space<hbm>>
    tpu.enqueue_dma source(%dma_start3A_827 : memref<16x128xf32, #tpu.memory_space<hbm>>) target(%arg19 : memref<16x128xf32, #tpu.memory_space<vmem>>) target_semaphore(%arg29 : memref<!tpu.dma_semaphore, #tpu.memory_space<semaphore_mem>>)
    %shift_right_logical3A_828 = arith.constant 7 : i32
    %shift_right_logical3A_829 = arith.constant 4 : i32
    %shift_right_logical3A_830 = arith.shrui %shift_right_logical3A_828, %shift_right_logical3A_829 : i32
    %get3A_831 = arith.index_cast %shift_right_logical3A_830 : i32 to index
    %get3A_832 = arith.constant 0 : index
    %get3A_833 = tpu.vector_load %arg10[%get3A_831, %get3A_832] {strides = array<i32>} : memref<32x16xi32, #tpu.memory_space<vmem>>, vector<16xi32>,
    %and3A_834 = arith.constant 7 : i32
    %and3A_835 = arith.constant 15 : i32
    %and3A_836 = arith.andi %and3A_834, %and3A_835 : i32
    %eq3A_837 = vector.broadcast %and3A_836 : i32 to vector<16xi32>
    %eq3A_838 = arith.cmpi eq, %iota3A, %eq3A_837 : vector<16xi32>
    %jit3A_839 = arith.constant -1 : i32
    %broadcast_in_dim3A_840 = vector.broadcast %jit3A_839 : i32 to vector<16xi32>
    %select_n3A_841 = arith.select %eq3A_838, %get3A_833, %broadcast_in_dim3A_840 : vector<16xi1>, vector<16xi32>
    %reduce_max3A_842 = arith.constant true
    %reduce_max3A_843 = vector.broadcast %reduce_max3A_842 : i1 to vector<16xi1>
    %reduce_max3A_844 = arith.constant -2147483648 : i32
    %reduce_max3A_845 = vector.broadcast %reduce_max3A_844 : i32 to vector<16xi32>
    %reduce_max3A_846 = arith.xori %select_n3A_841, %reduce_max3A_845 : vector<16xi32>
    %reduce_max3A_847 = tpu.scan <max>, %reduce_max3A_846 masked %reduce_max3A_843 : vector<16xi32>, vector<16xi1> -> vector<16xi32>
    %reduce_max3A_848 = arith.xori %reduce_max3A_847, %reduce_max3A_845 : vector<16xi32>
    %reduce_max3A_849 = vector.extract %reduce_max3A_848[15] : i32 from vector<16xi32>
    %shift_right_logical3A_850 = arith.constant 7 : i32
    %shift_right_logical3A_851 = arith.shrui %reduce_max3A_849, %shift_right_logical3A_850 : i32
    %mul3A_852 = arith.constant 128 : i32
    %mul3A_853 = arith.muli %shift_right_logical3A_851, %mul3A_852 : i32
    %multiple_of3A_854 = tpu.assume_multiple %mul3A_853, 128 : i32
    %dma_start3A_855 = arith.constant 0 : i32
    %dma_start3A_856 = tpu.memref_slice %arg2[%dma_start3A_855, %multiple_of3A_854] : memref<16x1000000xf32, #tpu.memory_space<hbm>> -> memref<16x128xf32, #tpu.memory_space<hbm>>
    %dma_start3A_857 = arith.constant 0 : i32
    %dma_start3A_858 = tpu.memref_slice %arg2[%dma_start3A_857, %multiple_of3A_854] : memref<16x1000000xf32, #tpu.memory_space<hbm>> -> memref<16x128xf32, #tpu.memory_space<hbm>>
    tpu.enqueue_dma source(%dma_start3A_858 : memref<16x128xf32, #tpu.memory_space<hbm>>) target(%arg20 : memref<16x128xf32, #tpu.memory_space<vmem>>) target_semaphore(%arg30 : memref<!tpu.dma_semaphore, #tpu.memory_space<semaphore_mem>>)
    %iota3A_859 = tpu.iota {dimensions = array<i32: 0>} : vector<16xi32>
    %scan3A = arith.constant 0 : i32
    %scan3A_860 = arith.constant 16 : i32
    %scan3A_861 = arith.addi %scan3A, %scan3A_860 : i32
    %scan3A_862 = arith.constant 1 : i32
    %scan3A_863:8 = scf.for %scan3A_984 = %scan3A to %scan3A_861 step %scan3A_862 iter_args(%scan3A_985 = %reduce_max3A_632, %scan3A_986 = %reduce_max3A_663, %scan3A_987 = %reduce_max3A_694, %scan3A_988 = %reduce_max3A_725, %scan3A_989 = %reduce_max3A_756, %scan3A_990 = %reduce_max3A_787, %scan3A_991 = %reduce_max3A_818, %scan3A_992 = %reduce_max3A_849) -> (i32, i32, i32, i32, i32, i32, i32, i32)  : i32 {
      %mul3A_993 = arith.constant 8 : i32
      %mul3A_994 = arith.muli %scan3A_984, %mul3A_993 : i32
      %add3A_995 = arith.constant 0 : i32
      %add3A_996 = arith.addi %mul3A_994, %add3A_995 : i32
      %dma_wait3A_997 = arith.constant 0 : i32
      %dma_wait3A_998 = arith.constant 0 : i32
      %dma_wait3A_999 = tpu.memref_slice %arg2[%dma_wait3A_997, %dma_wait3A_998] : memref<16x1000000xf32, #tpu.memory_space<hbm>> -> memref<16x128xf32, #tpu.memory_space<hbm>>
      %dma_wait3A_1000 = arith.constant 0 : i32
      %dma_wait3A_1001 = arith.constant 0 : i32
      %dma_wait3A_1002 = tpu.memref_slice %arg2[%dma_wait3A_1000, %dma_wait3A_1001] : memref<16x1000000xf32, #tpu.memory_space<hbm>> -> memref<16x128xf32, #tpu.memory_space<hbm>>
      tpu.wait_dma2 semaphore(%arg23 : memref<!tpu.dma_semaphore, #tpu.memory_space<semaphore_mem>>) src(%dma_wait3A_1002 : memref<16x128xf32, #tpu.memory_space<hbm>>) dst(%arg13 : memref<16x128xf32, #tpu.memory_space<vmem>>)
      %rem3A = arith.constant 128 : i32
      %rem3A_1003 = arith.remsi %scan3A_985, %rem3A : i32
      %broadcast_in_dim3A_1004 = vector.broadcast %rem3A_1003 : i32 to vector<16xi32>
      %broadcast_in_dim3A_1005 = vector.broadcast %add3A_996 : i32 to vector<16xi32>
      %gather3A = tpu.vector_load_idx %arg13[%iota3A_859, %broadcast_in_dim3A_1004] : memref<16x128xf32, #tpu.memory_space<vmem>>[vector<16xi32>, vector<16xi32>], vector<16xf32>,
      tpu.vector_store_idx %arg12[%iota3A_859, %broadcast_in_dim3A_1005], %gather3A : memref<32x512xf32, #tpu.memory_space<vmem>>[vector<16xi32>, vector<16xi32>], vector<16xf32>,
      %add3A_1006 = arith.constant 8 : i32
      %add3A_1007 = arith.addi %add3A_996, %add3A_1006 : i32
      %min3A = arith.constant 511 : i32
      %min3A_1008 = arith.minsi %add3A_1007, %min3A : i32
      %shift_right_logical3A_1009 = arith.constant 4 : i32
      %shift_right_logical3A_1010 = arith.shrui %min3A_1008, %shift_right_logical3A_1009 : i32
      %get3A_1011 = arith.index_cast %shift_right_logical3A_1010 : i32 to index
      %get3A_1012 = arith.constant 0 : index
      %get3A_1013 = tpu.vector_load %arg10[%get3A_1011, %get3A_1012] {strides = array<i32>} : memref<32x16xi32, #tpu.memory_space<vmem>>, vector<16xi32>,
      %and3A_1014 = arith.constant 15 : i32
      %and3A_1015 = arith.andi %min3A_1008, %and3A_1014 : i32
      %eq3A_1016 = vector.broadcast %and3A_1015 : i32 to vector<16xi32>
      %eq3A_1017 = arith.cmpi eq, %iota3A, %eq3A_1016 : vector<16xi32>
      %jit3A_1018 = arith.constant -1 : i32
      %broadcast_in_dim3A_1019 = vector.broadcast %jit3A_1018 : i32 to vector<16xi32>
      %select_n3A_1020 = arith.select %eq3A_1017, %get3A_1013, %broadcast_in_dim3A_1019 : vector<16xi1>, vector<16xi32>
      %reduce_max3A_1021 = arith.constant true
      %reduce_max3A_1022 = vector.broadcast %reduce_max3A_1021 : i1 to vector<16xi1>
      %reduce_max3A_1023 = arith.constant -2147483648 : i32
      %reduce_max3A_1024 = vector.broadcast %reduce_max3A_1023 : i32 to vector<16xi32>
      %reduce_max3A_1025 = arith.xori %select_n3A_1020, %reduce_max3A_1024 : vector<16xi32>
      %reduce_max3A_1026 = tpu.scan <max>, %reduce_max3A_1025 masked %reduce_max3A_1022 : vector<16xi32>, vector<16xi1> -> vector<16xi32>
      %reduce_max3A_1027 = arith.xori %reduce_max3A_1026, %reduce_max3A_1024 : vector<16xi32>
      %reduce_max3A_1028 = vector.extract %reduce_max3A_1027[15] : i32 from vector<16xi32>
      %shift_right_logical3A_1029 = arith.constant 7 : i32
      %shift_right_logical3A_1030 = arith.shrui %reduce_max3A_1028, %shift_right_logical3A_1029 : i32
      %mul3A_1031 = arith.constant 128 : i32
      %mul3A_1032 = arith.muli %shift_right_logical3A_1030, %mul3A_1031 : i32
      %multiple_of3A_1033 = tpu.assume_multiple %mul3A_1032, 128 : i32
      %dma_start3A_1034 = arith.constant 0 : i32
      %dma_start3A_1035 = tpu.memref_slice %arg2[%dma_start3A_1034, %multiple_of3A_1033] : memref<16x1000000xf32, #tpu.memory_space<hbm>> -> memref<16x128xf32, #tpu.memory_space<hbm>>
      %dma_start3A_1036 = arith.constant 0 : i32
      %dma_start3A_1037 = tpu.memref_slice %arg2[%dma_start3A_1036, %multiple_of3A_1033] : memref<16x1000000xf32, #tpu.memory_space<hbm>> -> memref<16x128xf32, #tpu.memory_space<hbm>>
      tpu.enqueue_dma source(%dma_start3A_1037 : memref<16x128xf32, #tpu.memory_space<hbm>>) target(%arg13 : memref<16x128xf32, #tpu.memory_space<vmem>>) target_semaphore(%arg23 : memref<!tpu.dma_semaphore, #tpu.memory_space<semaphore_mem>>)
      %mul3A_1038 = arith.constant 8 : i32
      %mul3A_1039 = arith.muli %scan3A_984, %mul3A_1038 : i32
      %add3A_1040 = arith.constant 1 : i32
      %add3A_1041 = arith.addi %mul3A_1039, %add3A_1040 : i32
      %dma_wait3A_1042 = arith.constant 0 : i32
      %dma_wait3A_1043 = arith.constant 0 : i32
      %dma_wait3A_1044 = tpu.memref_slice %arg2[%dma_wait3A_1042, %dma_wait3A_1043] : memref<16x1000000xf32, #tpu.memory_space<hbm>> -> memref<16x128xf32, #tpu.memory_space<hbm>>
      %dma_wait3A_1045 = arith.constant 0 : i32
      %dma_wait3A_1046 = arith.constant 0 : i32
      %dma_wait3A_1047 = tpu.memref_slice %arg2[%dma_wait3A_1045, %dma_wait3A_1046] : memref<16x1000000xf32, #tpu.memory_space<hbm>> -> memref<16x128xf32, #tpu.memory_space<hbm>>
      tpu.wait_dma2 semaphore(%arg24 : memref<!tpu.dma_semaphore, #tpu.memory_space<semaphore_mem>>) src(%dma_wait3A_1047 : memref<16x128xf32, #tpu.memory_space<hbm>>) dst(%arg14 : memref<16x128xf32, #tpu.memory_space<vmem>>)
      %rem3A_1048 = arith.constant 128 : i32
      %rem3A_1049 = arith.remsi %scan3A_986, %rem3A_1048 : i32
      %broadcast_in_dim3A_1050 = vector.broadcast %rem3A_1049 : i32 to vector<16xi32>
      %broadcast_in_dim3A_1051 = vector.broadcast %add3A_1041 : i32 to vector<16xi32>
      %gather3A_1052 = tpu.vector_load_idx %arg14[%iota3A_859, %broadcast_in_dim3A_1050] : memref<16x128xf32, #tpu.memory_space<vmem>>[vector<16xi32>, vector<16xi32>], vector<16xf32>,
      tpu.vector_store_idx %arg12[%iota3A_859, %broadcast_in_dim3A_1051], %gather3A_1052 : memref<32x512xf32, #tpu.memory_space<vmem>>[vector<16xi32>, vector<16xi32>], vector<16xf32>,
      %add3A_1053 = arith.constant 8 : i32
      %add3A_1054 = arith.addi %add3A_1041, %add3A_1053 : i32
      %min3A_1055 = arith.constant 511 : i32
      %min3A_1056 = arith.minsi %add3A_1054, %min3A_1055 : i32
      %shift_right_logical3A_1057 = arith.constant 4 : i32
      %shift_right_logical3A_1058 = arith.shrui %min3A_1056, %shift_right_logical3A_1057 : i32
      %get3A_1059 = arith.index_cast %shift_right_logical3A_1058 : i32 to index
      %get3A_1060 = arith.constant 0 : index
      %get3A_1061 = tpu.vector_load %arg10[%get3A_1059, %get3A_1060] {strides = array<i32>} : memref<32x16xi32, #tpu.memory_space<vmem>>, vector<16xi32>,
      %and3A_1062 = arith.constant 15 : i32
      %and3A_1063 = arith.andi %min3A_1056, %and3A_1062 : i32
      %eq3A_1064 = vector.broadcast %and3A_1063 : i32 to vector<16xi32>
      %eq3A_1065 = arith.cmpi eq, %iota3A, %eq3A_1064 : vector<16xi32>
      %jit3A_1066 = arith.constant -1 : i32
      %broadcast_in_dim3A_1067 = vector.broadcast %jit3A_1066 : i32 to vector<16xi32>
      %select_n3A_1068 = arith.select %eq3A_1065, %get3A_1061, %broadcast_in_dim3A_1067 : vector<16xi1>, vector<16xi32>
      %reduce_max3A_1069 = arith.constant true
      %reduce_max3A_1070 = vector.broadcast %reduce_max3A_1069 : i1 to vector<16xi1>
      %reduce_max3A_1071 = arith.constant -2147483648 : i32
      %reduce_max3A_1072 = vector.broadcast %reduce_max3A_1071 : i32 to vector<16xi32>
      %reduce_max3A_1073 = arith.xori %select_n3A_1068, %reduce_max3A_1072 : vector<16xi32>
      %reduce_max3A_1074 = tpu.scan <max>, %reduce_max3A_1073 masked %reduce_max3A_1070 : vector<16xi32>, vector<16xi1> -> vector<16xi32>
      %reduce_max3A_1075 = arith.xori %reduce_max3A_1074, %reduce_max3A_1072 : vector<16xi32>
      %reduce_max3A_1076 = vector.extract %reduce_max3A_1075[15] : i32 from vector<16xi32>
      %shift_right_logical3A_1077 = arith.constant 7 : i32
      %shift_right_logical3A_1078 = arith.shrui %reduce_max3A_1076, %shift_right_logical3A_1077 : i32
      %mul3A_1079 = arith.constant 128 : i32
      %mul3A_1080 = arith.muli %shift_right_logical3A_1078, %mul3A_1079 : i32
      %multiple_of3A_1081 = tpu.assume_multiple %mul3A_1080, 128 : i32
      %dma_start3A_1082 = arith.constant 0 : i32
      %dma_start3A_1083 = tpu.memref_slice %arg2[%dma_start3A_1082, %multiple_of3A_1081] : memref<16x1000000xf32, #tpu.memory_space<hbm>> -> memref<16x128xf32, #tpu.memory_space<hbm>>
      %dma_start3A_1084 = arith.constant 0 : i32
      %dma_start3A_1085 = tpu.memref_slice %arg2[%dma_start3A_1084, %multiple_of3A_1081] : memref<16x1000000xf32, #tpu.memory_space<hbm>> -> memref<16x128xf32, #tpu.memory_space<hbm>>
      tpu.enqueue_dma source(%dma_start3A_1085 : memref<16x128xf32, #tpu.memory_space<hbm>>) target(%arg14 : memref<16x128xf32, #tpu.memory_space<vmem>>) target_semaphore(%arg24 : memref<!tpu.dma_semaphore, #tpu.memory_space<semaphore_mem>>)
      %mul3A_1086 = arith.constant 8 : i32
      %mul3A_1087 = arith.muli %scan3A_984, %mul3A_1086 : i32
      %add3A_1088 = arith.constant 2 : i32
      %add3A_1089 = arith.addi %mul3A_1087, %add3A_1088 : i32
      %dma_wait3A_1090 = arith.constant 0 : i32
      %dma_wait3A_1091 = arith.constant 0 : i32
      %dma_wait3A_1092 = tpu.memref_slice %arg2[%dma_wait3A_1090, %dma_wait3A_1091] : memref<16x1000000xf32, #tpu.memory_space<hbm>> -> memref<16x128xf32, #tpu.memory_space<hbm>>
      %dma_wait3A_1093 = arith.constant 0 : i32
      %dma_wait3A_1094 = arith.constant 0 : i32
      %dma_wait3A_1095 = tpu.memref_slice %arg2[%dma_wait3A_1093, %dma_wait3A_1094] : memref<16x1000000xf32, #tpu.memory_space<hbm>> -> memref<16x128xf32, #tpu.memory_space<hbm>>
      tpu.wait_dma2 semaphore(%arg25 : memref<!tpu.dma_semaphore, #tpu.memory_space<semaphore_mem>>) src(%dma_wait3A_1095 : memref<16x128xf32, #tpu.memory_space<hbm>>) dst(%arg15 : memref<16x128xf32, #tpu.memory_space<vmem>>)
      %rem3A_1096 = arith.constant 128 : i32
      %rem3A_1097 = arith.remsi %scan3A_987, %rem3A_1096 : i32
      %broadcast_in_dim3A_1098 = vector.broadcast %rem3A_1097 : i32 to vector<16xi32>
      %broadcast_in_dim3A_1099 = vector.broadcast %add3A_1089 : i32 to vector<16xi32>
      %gather3A_1100 = tpu.vector_load_idx %arg15[%iota3A_859, %broadcast_in_dim3A_1098] : memref<16x128xf32, #tpu.memory_space<vmem>>[vector<16xi32>, vector<16xi32>], vector<16xf32>,
      tpu.vector_store_idx %arg12[%iota3A_859, %broadcast_in_dim3A_1099], %gather3A_1100 : memref<32x512xf32, #tpu.memory_space<vmem>>[vector<16xi32>, vector<16xi32>], vector<16xf32>,
      %add3A_1101 = arith.constant 8 : i32
      %add3A_1102 = arith.addi %add3A_1089, %add3A_1101 : i32
      %min3A_1103 = arith.constant 511 : i32
      %min3A_1104 = arith.minsi %add3A_1102, %min3A_1103 : i32
      %shift_right_logical3A_1105 = arith.constant 4 : i32
      %shift_right_logical3A_1106 = arith.shrui %min3A_1104, %shift_right_logical3A_1105 : i32
      %get3A_1107 = arith.index_cast %shift_right_logical3A_1106 : i32 to index
      %get3A_1108 = arith.constant 0 : index
      %get3A_1109 = tpu.vector_load %arg10[%get3A_1107, %get3A_1108] {strides = array<i32>} : memref<32x16xi32, #tpu.memory_space<vmem>>, vector<16xi32>,
      %and3A_1110 = arith.constant 15 : i32
      %and3A_1111 = arith.andi %min3A_1104, %and3A_1110 : i32
      %eq3A_1112 = vector.broadcast %and3A_1111 : i32 to vector<16xi32>
      %eq3A_1113 = arith.cmpi eq, %iota3A, %eq3A_1112 : vector<16xi32>
      %jit3A_1114 = arith.constant -1 : i32
      %broadcast_in_dim3A_1115 = vector.broadcast %jit3A_1114 : i32 to vector<16xi32>
      %select_n3A_1116 = arith.select %eq3A_1113, %get3A_1109, %broadcast_in_dim3A_1115 : vector<16xi1>, vector<16xi32>
      %reduce_max3A_1117 = arith.constant true
      %reduce_max3A_1118 = vector.broadcast %reduce_max3A_1117 : i1 to vector<16xi1>
      %reduce_max3A_1119 = arith.constant -2147483648 : i32
      %reduce_max3A_1120 = vector.broadcast %reduce_max3A_1119 : i32 to vector<16xi32>
      %reduce_max3A_1121 = arith.xori %select_n3A_1116, %reduce_max3A_1120 : vector<16xi32>
      %reduce_max3A_1122 = tpu.scan <max>, %reduce_max3A_1121 masked %reduce_max3A_1118 : vector<16xi32>, vector<16xi1> -> vector<16xi32>
      %reduce_max3A_1123 = arith.xori %reduce_max3A_1122, %reduce_max3A_1120 : vector<16xi32>
      %reduce_max3A_1124 = vector.extract %reduce_max3A_1123[15] : i32 from vector<16xi32>
      %shift_right_logical3A_1125 = arith.constant 7 : i32
      %shift_right_logical3A_1126 = arith.shrui %reduce_max3A_1124, %shift_right_logical3A_1125 : i32
      %mul3A_1127 = arith.constant 128 : i32
      %mul3A_1128 = arith.muli %shift_right_logical3A_1126, %mul3A_1127 : i32
      %multiple_of3A_1129 = tpu.assume_multiple %mul3A_1128, 128 : i32
      %dma_start3A_1130 = arith.constant 0 : i32
      %dma_start3A_1131 = tpu.memref_slice %arg2[%dma_start3A_1130, %multiple_of3A_1129] : memref<16x1000000xf32, #tpu.memory_space<hbm>> -> memref<16x128xf32, #tpu.memory_space<hbm>>
      %dma_start3A_1132 = arith.constant 0 : i32
      %dma_start3A_1133 = tpu.memref_slice %arg2[%dma_start3A_1132, %multiple_of3A_1129] : memref<16x1000000xf32, #tpu.memory_space<hbm>> -> memref<16x128xf32, #tpu.memory_space<hbm>>
      tpu.enqueue_dma source(%dma_start3A_1133 : memref<16x128xf32, #tpu.memory_space<hbm>>) target(%arg15 : memref<16x128xf32, #tpu.memory_space<vmem>>) target_semaphore(%arg25 : memref<!tpu.dma_semaphore, #tpu.memory_space<semaphore_mem>>)
      %mul3A_1134 = arith.constant 8 : i32
      %mul3A_1135 = arith.muli %scan3A_984, %mul3A_1134 : i32
      %add3A_1136 = arith.constant 3 : i32
      %add3A_1137 = arith.addi %mul3A_1135, %add3A_1136 : i32
      %dma_wait3A_1138 = arith.constant 0 : i32
      %dma_wait3A_1139 = arith.constant 0 : i32
      %dma_wait3A_1140 = tpu.memref_slice %arg2[%dma_wait3A_1138, %dma_wait3A_1139] : memref<16x1000000xf32, #tpu.memory_space<hbm>> -> memref<16x128xf32, #tpu.memory_space<hbm>>
      %dma_wait3A_1141 = arith.constant 0 : i32
      %dma_wait3A_1142 = arith.constant 0 : i32
      %dma_wait3A_1143 = tpu.memref_slice %arg2[%dma_wait3A_1141, %dma_wait3A_1142] : memref<16x1000000xf32, #tpu.memory_space<hbm>> -> memref<16x128xf32, #tpu.memory_space<hbm>>
      tpu.wait_dma2 semaphore(%arg26 : memref<!tpu.dma_semaphore, #tpu.memory_space<semaphore_mem>>) src(%dma_wait3A_1143 : memref<16x128xf32, #tpu.memory_space<hbm>>) dst(%arg16 : memref<16x128xf32, #tpu.memory_space<vmem>>)
      %rem3A_1144 = arith.constant 128 : i32
      %rem3A_1145 = arith.remsi %scan3A_988, %rem3A_1144 : i32
      %broadcast_in_dim3A_1146 = vector.broadcast %rem3A_1145 : i32 to vector<16xi32>
      %broadcast_in_dim3A_1147 = vector.broadcast %add3A_1137 : i32 to vector<16xi32>
      %gather3A_1148 = tpu.vector_load_idx %arg16[%iota3A_859, %broadcast_in_dim3A_1146] : memref<16x128xf32, #tpu.memory_space<vmem>>[vector<16xi32>, vector<16xi32>], vector<16xf32>,
      tpu.vector_store_idx %arg12[%iota3A_859, %broadcast_in_dim3A_1147], %gather3A_1148 : memref<32x512xf32, #tpu.memory_space<vmem>>[vector<16xi32>, vector<16xi32>], vector<16xf32>,
      %add3A_1149 = arith.constant 8 : i32
      %add3A_1150 = arith.addi %add3A_1137, %add3A_1149 : i32
      %min3A_1151 = arith.constant 511 : i32
      %min3A_1152 = arith.minsi %add3A_1150, %min3A_1151 : i32
      %shift_right_logical3A_1153 = arith.constant 4 : i32
      %shift_right_logical3A_1154 = arith.shrui %min3A_1152, %shift_right_logical3A_1153 : i32
      %get3A_1155 = arith.index_cast %shift_right_logical3A_1154 : i32 to index
      %get3A_1156 = arith.constant 0 : index
      %get3A_1157 = tpu.vector_load %arg10[%get3A_1155, %get3A_1156] {strides = array<i32>} : memref<32x16xi32, #tpu.memory_space<vmem>>, vector<16xi32>,
      %and3A_1158 = arith.constant 15 : i32
      %and3A_1159 = arith.andi %min3A_1152, %and3A_1158 : i32
      %eq3A_1160 = vector.broadcast %and3A_1159 : i32 to vector<16xi32>
      %eq3A_1161 = arith.cmpi eq, %iota3A, %eq3A_1160 : vector<16xi32>
      %jit3A_1162 = arith.constant -1 : i32
      %broadcast_in_dim3A_1163 = vector.broadcast %jit3A_1162 : i32 to vector<16xi32>
      %select_n3A_1164 = arith.select %eq3A_1161, %get3A_1157, %broadcast_in_dim3A_1163 : vector<16xi1>, vector<16xi32>
      %reduce_max3A_1165 = arith.constant true
      %reduce_max3A_1166 = vector.broadcast %reduce_max3A_1165 : i1 to vector<16xi1>
      %reduce_max3A_1167 = arith.constant -2147483648 : i32
      %reduce_max3A_1168 = vector.broadcast %reduce_max3A_1167 : i32 to vector<16xi32>
      %reduce_max3A_1169 = arith.xori %select_n3A_1164, %reduce_max3A_1168 : vector<16xi32>
      %reduce_max3A_1170 = tpu.scan <max>, %reduce_max3A_1169 masked %reduce_max3A_1166 : vector<16xi32>, vector<16xi1> -> vector<16xi32>
      %reduce_max3A_1171 = arith.xori %reduce_max3A_1170, %reduce_max3A_1168 : vector<16xi32>
      %reduce_max3A_1172 = vector.extract %reduce_max3A_1171[15] : i32 from vector<16xi32>
      %shift_right_logical3A_1173 = arith.constant 7 : i32
      %shift_right_logical3A_1174 = arith.shrui %reduce_max3A_1172, %shift_right_logical3A_1173 : i32
      %mul3A_1175 = arith.constant 128 : i32
      %mul3A_1176 = arith.muli %shift_right_logical3A_1174, %mul3A_1175 : i32
      %multiple_of3A_1177 = tpu.assume_multiple %mul3A_1176, 128 : i32
      %dma_start3A_1178 = arith.constant 0 : i32
      %dma_start3A_1179 = tpu.memref_slice %arg2[%dma_start3A_1178, %multiple_of3A_1177] : memref<16x1000000xf32, #tpu.memory_space<hbm>> -> memref<16x128xf32, #tpu.memory_space<hbm>>
      %dma_start3A_1180 = arith.constant 0 : i32
      %dma_start3A_1181 = tpu.memref_slice %arg2[%dma_start3A_1180, %multiple_of3A_1177] : memref<16x1000000xf32, #tpu.memory_space<hbm>> -> memref<16x128xf32, #tpu.memory_space<hbm>>
      tpu.enqueue_dma source(%dma_start3A_1181 : memref<16x128xf32, #tpu.memory_space<hbm>>) target(%arg16 : memref<16x128xf32, #tpu.memory_space<vmem>>) target_semaphore(%arg26 : memref<!tpu.dma_semaphore, #tpu.memory_space<semaphore_mem>>)
      %mul3A_1182 = arith.constant 8 : i32
      %mul3A_1183 = arith.muli %scan3A_984, %mul3A_1182 : i32
      %add3A_1184 = arith.constant 4 : i32
      %add3A_1185 = arith.addi %mul3A_1183, %add3A_1184 : i32
      %dma_wait3A_1186 = arith.constant 0 : i32
      %dma_wait3A_1187 = arith.constant 0 : i32
      %dma_wait3A_1188 = tpu.memref_slice %arg2[%dma_wait3A_1186, %dma_wait3A_1187] : memref<16x1000000xf32, #tpu.memory_space<hbm>> -> memref<16x128xf32, #tpu.memory_space<hbm>>
      %dma_wait3A_1189 = arith.constant 0 : i32
      %dma_wait3A_1190 = arith.constant 0 : i32
      %dma_wait3A_1191 = tpu.memref_slice %arg2[%dma_wait3A_1189, %dma_wait3A_1190] : memref<16x1000000xf32, #tpu.memory_space<hbm>> -> memref<16x128xf32, #tpu.memory_space<hbm>>
      tpu.wait_dma2 semaphore(%arg27 : memref<!tpu.dma_semaphore, #tpu.memory_space<semaphore_mem>>) src(%dma_wait3A_1191 : memref<16x128xf32, #tpu.memory_space<hbm>>) dst(%arg17 : memref<16x128xf32, #tpu.memory_space<vmem>>)
      %rem3A_1192 = arith.constant 128 : i32
      %rem3A_1193 = arith.remsi %scan3A_989, %rem3A_1192 : i32
      %broadcast_in_dim3A_1194 = vector.broadcast %rem3A_1193 : i32 to vector<16xi32>
      %broadcast_in_dim3A_1195 = vector.broadcast %add3A_1185 : i32 to vector<16xi32>
      %gather3A_1196 = tpu.vector_load_idx %arg17[%iota3A_859, %broadcast_in_dim3A_1194] : memref<16x128xf32, #tpu.memory_space<vmem>>[vector<16xi32>, vector<16xi32>], vector<16xf32>,
      tpu.vector_store_idx %arg12[%iota3A_859, %broadcast_in_dim3A_1195], %gather3A_1196 : memref<32x512xf32, #tpu.memory_space<vmem>>[vector<16xi32>, vector<16xi32>], vector<16xf32>,
      %add3A_1197 = arith.constant 8 : i32
      %add3A_1198 = arith.addi %add3A_1185, %add3A_1197 : i32
      %min3A_1199 = arith.constant 511 : i32
      %min3A_1200 = arith.minsi %add3A_1198, %min3A_1199 : i32
      %shift_right_logical3A_1201 = arith.constant 4 : i32
      %shift_right_logical3A_1202 = arith.shrui %min3A_1200, %shift_right_logical3A_1201 : i32
      %get3A_1203 = arith.index_cast %shift_right_logical3A_1202 : i32 to index
      %get3A_1204 = arith.constant 0 : index
      %get3A_1205 = tpu.vector_load %arg10[%get3A_1203, %get3A_1204] {strides = array<i32>} : memref<32x16xi32, #tpu.memory_space<vmem>>, vector<16xi32>,
      %and3A_1206 = arith.constant 15 : i32
      %and3A_1207 = arith.andi %min3A_1200, %and3A_1206 : i32
      %eq3A_1208 = vector.broadcast %and3A_1207 : i32 to vector<16xi32>
      %eq3A_1209 = arith.cmpi eq, %iota3A, %eq3A_1208 : vector<16xi32>
      %jit3A_1210 = arith.constant -1 : i32
      %broadcast_in_dim3A_1211 = vector.broadcast %jit3A_1210 : i32 to vector<16xi32>
      %select_n3A_1212 = arith.select %eq3A_1209, %get3A_1205, %broadcast_in_dim3A_1211 : vector<16xi1>, vector<16xi32>
      %reduce_max3A_1213 = arith.constant true
      %reduce_max3A_1214 = vector.broadcast %reduce_max3A_1213 : i1 to vector<16xi1>
      %reduce_max3A_1215 = arith.constant -2147483648 : i32
      %reduce_max3A_1216 = vector.broadcast %reduce_max3A_1215 : i32 to vector<16xi32>
      %reduce_max3A_1217 = arith.xori %select_n3A_1212, %reduce_max3A_1216 : vector<16xi32>
      %reduce_max3A_1218 = tpu.scan <max>, %reduce_max3A_1217 masked %reduce_max3A_1214 : vector<16xi32>, vector<16xi1> -> vector<16xi32>
      %reduce_max3A_1219 = arith.xori %reduce_max3A_1218, %reduce_max3A_1216 : vector<16xi32>
      %reduce_max3A_1220 = vector.extract %reduce_max3A_1219[15] : i32 from vector<16xi32>
      %shift_right_logical3A_1221 = arith.constant 7 : i32
      %shift_right_logical3A_1222 = arith.shrui %reduce_max3A_1220, %shift_right_logical3A_1221 : i32
      %mul3A_1223 = arith.constant 128 : i32
      %mul3A_1224 = arith.muli %shift_right_logical3A_1222, %mul3A_1223 : i32
      %multiple_of3A_1225 = tpu.assume_multiple %mul3A_1224, 128 : i32
      %dma_start3A_1226 = arith.constant 0 : i32
      %dma_start3A_1227 = tpu.memref_slice %arg2[%dma_start3A_1226, %multiple_of3A_1225] : memref<16x1000000xf32, #tpu.memory_space<hbm>> -> memref<16x128xf32, #tpu.memory_space<hbm>>
      %dma_start3A_1228 = arith.constant 0 : i32
      %dma_start3A_1229 = tpu.memref_slice %arg2[%dma_start3A_1228, %multiple_of3A_1225] : memref<16x1000000xf32, #tpu.memory_space<hbm>> -> memref<16x128xf32, #tpu.memory_space<hbm>>
      tpu.enqueue_dma source(%dma_start3A_1229 : memref<16x128xf32, #tpu.memory_space<hbm>>) target(%arg17 : memref<16x128xf32, #tpu.memory_space<vmem>>) target_semaphore(%arg27 : memref<!tpu.dma_semaphore, #tpu.memory_space<semaphore_mem>>)
      %mul3A_1230 = arith.constant 8 : i32
      %mul3A_1231 = arith.muli %scan3A_984, %mul3A_1230 : i32
      %add3A_1232 = arith.constant 5 : i32
      %add3A_1233 = arith.addi %mul3A_1231, %add3A_1232 : i32
      %dma_wait3A_1234 = arith.constant 0 : i32
      %dma_wait3A_1235 = arith.constant 0 : i32
      %dma_wait3A_1236 = tpu.memref_slice %arg2[%dma_wait3A_1234, %dma_wait3A_1235] : memref<16x1000000xf32, #tpu.memory_space<hbm>> -> memref<16x128xf32, #tpu.memory_space<hbm>>
      %dma_wait3A_1237 = arith.constant 0 : i32
      %dma_wait3A_1238 = arith.constant 0 : i32
      %dma_wait3A_1239 = tpu.memref_slice %arg2[%dma_wait3A_1237, %dma_wait3A_1238] : memref<16x1000000xf32, #tpu.memory_space<hbm>> -> memref<16x128xf32, #tpu.memory_space<hbm>>
      tpu.wait_dma2 semaphore(%arg28 : memref<!tpu.dma_semaphore, #tpu.memory_space<semaphore_mem>>) src(%dma_wait3A_1239 : memref<16x128xf32, #tpu.memory_space<hbm>>) dst(%arg18 : memref<16x128xf32, #tpu.memory_space<vmem>>)
      %rem3A_1240 = arith.constant 128 : i32
      %rem3A_1241 = arith.remsi %scan3A_990, %rem3A_1240 : i32
      %broadcast_in_dim3A_1242 = vector.broadcast %rem3A_1241 : i32 to vector<16xi32>
      %broadcast_in_dim3A_1243 = vector.broadcast %add3A_1233 : i32 to vector<16xi32>
      %gather3A_1244 = tpu.vector_load_idx %arg18[%iota3A_859, %broadcast_in_dim3A_1242] : memref<16x128xf32, #tpu.memory_space<vmem>>[vector<16xi32>, vector<16xi32>], vector<16xf32>,
      tpu.vector_store_idx %arg12[%iota3A_859, %broadcast_in_dim3A_1243], %gather3A_1244 : memref<32x512xf32, #tpu.memory_space<vmem>>[vector<16xi32>, vector<16xi32>], vector<16xf32>,
      %add3A_1245 = arith.constant 8 : i32
      %add3A_1246 = arith.addi %add3A_1233, %add3A_1245 : i32
      %min3A_1247 = arith.constant 511 : i32
      %min3A_1248 = arith.minsi %add3A_1246, %min3A_1247 : i32
      %shift_right_logical3A_1249 = arith.constant 4 : i32
      %shift_right_logical3A_1250 = arith.shrui %min3A_1248, %shift_right_logical3A_1249 : i32
      %get3A_1251 = arith.index_cast %shift_right_logical3A_1250 : i32 to index
      %get3A_1252 = arith.constant 0 : index
      %get3A_1253 = tpu.vector_load %arg10[%get3A_1251, %get3A_1252] {strides = array<i32>} : memref<32x16xi32, #tpu.memory_space<vmem>>, vector<16xi32>,
      %and3A_1254 = arith.constant 15 : i32
      %and3A_1255 = arith.andi %min3A_1248, %and3A_1254 : i32
      %eq3A_1256 = vector.broadcast %and3A_1255 : i32 to vector<16xi32>
      %eq3A_1257 = arith.cmpi eq, %iota3A, %eq3A_1256 : vector<16xi32>
      %jit3A_1258 = arith.constant -1 : i32
      %broadcast_in_dim3A_1259 = vector.broadcast %jit3A_1258 : i32 to vector<16xi32>
      %select_n3A_1260 = arith.select %eq3A_1257, %get3A_1253, %broadcast_in_dim3A_1259 : vector<16xi1>, vector<16xi32>
      %reduce_max3A_1261 = arith.constant true
      %reduce_max3A_1262 = vector.broadcast %reduce_max3A_1261 : i1 to vector<16xi1>
      %reduce_max3A_1263 = arith.constant -2147483648 : i32
      %reduce_max3A_1264 = vector.broadcast %reduce_max3A_1263 : i32 to vector<16xi32>
      %reduce_max3A_1265 = arith.xori %select_n3A_1260, %reduce_max3A_1264 : vector<16xi32>
      %reduce_max3A_1266 = tpu.scan <max>, %reduce_max3A_1265 masked %reduce_max3A_1262 : vector<16xi32>, vector<16xi1> -> vector<16xi32>
      %reduce_max3A_1267 = arith.xori %reduce_max3A_1266, %reduce_max3A_1264 : vector<16xi32>
      %reduce_max3A_1268 = vector.extract %reduce_max3A_1267[15] : i32 from vector<16xi32>
      %shift_right_logical3A_1269 = arith.constant 7 : i32
      %shift_right_logical3A_1270 = arith.shrui %reduce_max3A_1268, %shift_right_logical3A_1269 : i32
      %mul3A_1271 = arith.constant 128 : i32
      %mul3A_1272 = arith.muli %shift_right_logical3A_1270, %mul3A_1271 : i32
      %multiple_of3A_1273 = tpu.assume_multiple %mul3A_1272, 128 : i32
      %dma_start3A_1274 = arith.constant 0 : i32
      %dma_start3A_1275 = tpu.memref_slice %arg2[%dma_start3A_1274, %multiple_of3A_1273] : memref<16x1000000xf32, #tpu.memory_space<hbm>> -> memref<16x128xf32, #tpu.memory_space<hbm>>
      %dma_start3A_1276 = arith.constant 0 : i32
      %dma_start3A_1277 = tpu.memref_slice %arg2[%dma_start3A_1276, %multiple_of3A_1273] : memref<16x1000000xf32, #tpu.memory_space<hbm>> -> memref<16x128xf32, #tpu.memory_space<hbm>>
      tpu.enqueue_dma source(%dma_start3A_1277 : memref<16x128xf32, #tpu.memory_space<hbm>>) target(%arg18 : memref<16x128xf32, #tpu.memory_space<vmem>>) target_semaphore(%arg28 : memref<!tpu.dma_semaphore, #tpu.memory_space<semaphore_mem>>)
      %mul3A_1278 = arith.constant 8 : i32
      %mul3A_1279 = arith.muli %scan3A_984, %mul3A_1278 : i32
      %add3A_1280 = arith.constant 6 : i32
      %add3A_1281 = arith.addi %mul3A_1279, %add3A_1280 : i32
      %dma_wait3A_1282 = arith.constant 0 : i32
      %dma_wait3A_1283 = arith.constant 0 : i32
      %dma_wait3A_1284 = tpu.memref_slice %arg2[%dma_wait3A_1282, %dma_wait3A_1283] : memref<16x1000000xf32, #tpu.memory_space<hbm>> -> memref<16x128xf32, #tpu.memory_space<hbm>>
      %dma_wait3A_1285 = arith.constant 0 : i32
      %dma_wait3A_1286 = arith.constant 0 : i32
      %dma_wait3A_1287 = tpu.memref_slice %arg2[%dma_wait3A_1285, %dma_wait3A_1286] : memref<16x1000000xf32, #tpu.memory_space<hbm>> -> memref<16x128xf32, #tpu.memory_space<hbm>>
      tpu.wait_dma2 semaphore(%arg29 : memref<!tpu.dma_semaphore, #tpu.memory_space<semaphore_mem>>) src(%dma_wait3A_1287 : memref<16x128xf32, #tpu.memory_space<hbm>>) dst(%arg19 : memref<16x128xf32, #tpu.memory_space<vmem>>)
      %rem3A_1288 = arith.constant 128 : i32
      %rem3A_1289 = arith.remsi %scan3A_991, %rem3A_1288 : i32
      %broadcast_in_dim3A_1290 = vector.broadcast %rem3A_1289 : i32 to vector<16xi32>
      %broadcast_in_dim3A_1291 = vector.broadcast %add3A_1281 : i32 to vector<16xi32>
      %gather3A_1292 = tpu.vector_load_idx %arg19[%iota3A_859, %broadcast_in_dim3A_1290] : memref<16x128xf32, #tpu.memory_space<vmem>>[vector<16xi32>, vector<16xi32>], vector<16xf32>,
      tpu.vector_store_idx %arg12[%iota3A_859, %broadcast_in_dim3A_1291], %gather3A_1292 : memref<32x512xf32, #tpu.memory_space<vmem>>[vector<16xi32>, vector<16xi32>], vector<16xf32>,
      %add3A_1293 = arith.constant 8 : i32
      %add3A_1294 = arith.addi %add3A_1281, %add3A_1293 : i32
      %min3A_1295 = arith.constant 511 : i32
      %min3A_1296 = arith.minsi %add3A_1294, %min3A_1295 : i32
      %shift_right_logical3A_1297 = arith.constant 4 : i32
      %shift_right_logical3A_1298 = arith.shrui %min3A_1296, %shift_right_logical3A_1297 : i32
      %get3A_1299 = arith.index_cast %shift_right_logical3A_1298 : i32 to index
      %get3A_1300 = arith.constant 0 : index
      %get3A_1301 = tpu.vector_load %arg10[%get3A_1299, %get3A_1300] {strides = array<i32>} : memref<32x16xi32, #tpu.memory_space<vmem>>, vector<16xi32>,
      %and3A_1302 = arith.constant 15 : i32
      %and3A_1303 = arith.andi %min3A_1296, %and3A_1302 : i32
      %eq3A_1304 = vector.broadcast %and3A_1303 : i32 to vector<16xi32>
      %eq3A_1305 = arith.cmpi eq, %iota3A, %eq3A_1304 : vector<16xi32>
      %jit3A_1306 = arith.constant -1 : i32
      %broadcast_in_dim3A_1307 = vector.broadcast %jit3A_1306 : i32 to vector<16xi32>
      %select_n3A_1308 = arith.select %eq3A_1305, %get3A_1301, %broadcast_in_dim3A_1307 : vector<16xi1>, vector<16xi32>
      %reduce_max3A_1309 = arith.constant true
      %reduce_max3A_1310 = vector.broadcast %reduce_max3A_1309 : i1 to vector<16xi1>
      %reduce_max3A_1311 = arith.constant -2147483648 : i32
      %reduce_max3A_1312 = vector.broadcast %reduce_max3A_1311 : i32 to vector<16xi32>
      %reduce_max3A_1313 = arith.xori %select_n3A_1308, %reduce_max3A_1312 : vector<16xi32>
      %reduce_max3A_1314 = tpu.scan <max>, %reduce_max3A_1313 masked %reduce_max3A_1310 : vector<16xi32>, vector<16xi1> -> vector<16xi32>
      %reduce_max3A_1315 = arith.xori %reduce_max3A_1314, %reduce_max3A_1312 : vector<16xi32>
      %reduce_max3A_1316 = vector.extract %reduce_max3A_1315[15] : i32 from vector<16xi32>
      %shift_right_logical3A_1317 = arith.constant 7 : i32
      %shift_right_logical3A_1318 = arith.shrui %reduce_max3A_1316, %shift_right_logical3A_1317 : i32
      %mul3A_1319 = arith.constant 128 : i32
      %mul3A_1320 = arith.muli %shift_right_logical3A_1318, %mul3A_1319 : i32
      %multiple_of3A_1321 = tpu.assume_multiple %mul3A_1320, 128 : i32
      %dma_start3A_1322 = arith.constant 0 : i32
      %dma_start3A_1323 = tpu.memref_slice %arg2[%dma_start3A_1322, %multiple_of3A_1321] : memref<16x1000000xf32, #tpu.memory_space<hbm>> -> memref<16x128xf32, #tpu.memory_space<hbm>>
      %dma_start3A_1324 = arith.constant 0 : i32
      %dma_start3A_1325 = tpu.memref_slice %arg2[%dma_start3A_1324, %multiple_of3A_1321] : memref<16x1000000xf32, #tpu.memory_space<hbm>> -> memref<16x128xf32, #tpu.memory_space<hbm>>
      tpu.enqueue_dma source(%dma_start3A_1325 : memref<16x128xf32, #tpu.memory_space<hbm>>) target(%arg19 : memref<16x128xf32, #tpu.memory_space<vmem>>) target_semaphore(%arg29 : memref<!tpu.dma_semaphore, #tpu.memory_space<semaphore_mem>>)
      %mul3A_1326 = arith.constant 8 : i32
      %mul3A_1327 = arith.muli %scan3A_984, %mul3A_1326 : i32
      %add3A_1328 = arith.constant 7 : i32
      %add3A_1329 = arith.addi %mul3A_1327, %add3A_1328 : i32
      %dma_wait3A_1330 = arith.constant 0 : i32
      %dma_wait3A_1331 = arith.constant 0 : i32
      %dma_wait3A_1332 = tpu.memref_slice %arg2[%dma_wait3A_1330, %dma_wait3A_1331] : memref<16x1000000xf32, #tpu.memory_space<hbm>> -> memref<16x128xf32, #tpu.memory_space<hbm>>
      %dma_wait3A_1333 = arith.constant 0 : i32
      %dma_wait3A_1334 = arith.constant 0 : i32
      %dma_wait3A_1335 = tpu.memref_slice %arg2[%dma_wait3A_1333, %dma_wait3A_1334] : memref<16x1000000xf32, #tpu.memory_space<hbm>> -> memref<16x128xf32, #tpu.memory_space<hbm>>
      tpu.wait_dma2 semaphore(%arg30 : memref<!tpu.dma_semaphore, #tpu.memory_space<semaphore_mem>>) src(%dma_wait3A_1335 : memref<16x128xf32, #tpu.memory_space<hbm>>) dst(%arg20 : memref<16x128xf32, #tpu.memory_space<vmem>>)
      %rem3A_1336 = arith.constant 128 : i32
      %rem3A_1337 = arith.remsi %scan3A_992, %rem3A_1336 : i32
      %broadcast_in_dim3A_1338 = vector.broadcast %rem3A_1337 : i32 to vector<16xi32>
      %broadcast_in_dim3A_1339 = vector.broadcast %add3A_1329 : i32 to vector<16xi32>
      %gather3A_1340 = tpu.vector_load_idx %arg20[%iota3A_859, %broadcast_in_dim3A_1338] : memref<16x128xf32, #tpu.memory_space<vmem>>[vector<16xi32>, vector<16xi32>], vector<16xf32>,
      tpu.vector_store_idx %arg12[%iota3A_859, %broadcast_in_dim3A_1339], %gather3A_1340 : memref<32x512xf32, #tpu.memory_space<vmem>>[vector<16xi32>, vector<16xi32>], vector<16xf32>,
      %add3A_1341 = arith.constant 8 : i32
      %add3A_1342 = arith.addi %add3A_1329, %add3A_1341 : i32
      %min3A_1343 = arith.constant 511 : i32
      %min3A_1344 = arith.minsi %add3A_1342, %min3A_1343 : i32
      %shift_right_logical3A_1345 = arith.constant 4 : i32
      %shift_right_logical3A_1346 = arith.shrui %min3A_1344, %shift_right_logical3A_1345 : i32
      %get3A_1347 = arith.index_cast %shift_right_logical3A_1346 : i32 to index
      %get3A_1348 = arith.constant 0 : index
      %get3A_1349 = tpu.vector_load %arg10[%get3A_1347, %get3A_1348] {strides = array<i32>} : memref<32x16xi32, #tpu.memory_space<vmem>>, vector<16xi32>,
      %and3A_1350 = arith.constant 15 : i32
      %and3A_1351 = arith.andi %min3A_1344, %and3A_1350 : i32
      %eq3A_1352 = vector.broadcast %and3A_1351 : i32 to vector<16xi32>
      %eq3A_1353 = arith.cmpi eq, %iota3A, %eq3A_1352 : vector<16xi32>
      %jit3A_1354 = arith.constant -1 : i32
      %broadcast_in_dim3A_1355 = vector.broadcast %jit3A_1354 : i32 to vector<16xi32>
      %select_n3A_1356 = arith.select %eq3A_1353, %get3A_1349, %broadcast_in_dim3A_1355 : vector<16xi1>, vector<16xi32>
      %reduce_max3A_1357 = arith.constant true
      %reduce_max3A_1358 = vector.broadcast %reduce_max3A_1357 : i1 to vector<16xi1>
      %reduce_max3A_1359 = arith.constant -2147483648 : i32
      %reduce_max3A_1360 = vector.broadcast %reduce_max3A_1359 : i32 to vector<16xi32>
      %reduce_max3A_1361 = arith.xori %select_n3A_1356, %reduce_max3A_1360 : vector<16xi32>
      %reduce_max3A_1362 = tpu.scan <max>, %reduce_max3A_1361 masked %reduce_max3A_1358 : vector<16xi32>, vector<16xi1> -> vector<16xi32>
      %reduce_max3A_1363 = arith.xori %reduce_max3A_1362, %reduce_max3A_1360 : vector<16xi32>
      %reduce_max3A_1364 = vector.extract %reduce_max3A_1363[15] : i32 from vector<16xi32>
      %shift_right_logical3A_1365 = arith.constant 7 : i32
      %shift_right_logical3A_1366 = arith.shrui %reduce_max3A_1364, %shift_right_logical3A_1365 : i32
      %mul3A_1367 = arith.constant 128 : i32
      %mul3A_1368 = arith.muli %shift_right_logical3A_1366, %mul3A_1367 : i32
      %multiple_of3A_1369 = tpu.assume_multiple %mul3A_1368, 128 : i32
      %dma_start3A_1370 = arith.constant 0 : i32
      %dma_start3A_1371 = tpu.memref_slice %arg2[%dma_start3A_1370, %multiple_of3A_1369] : memref<16x1000000xf32, #tpu.memory_space<hbm>> -> memref<16x128xf32, #tpu.memory_space<hbm>>
      %dma_start3A_1372 = arith.constant 0 : i32
      %dma_start3A_1373 = tpu.memref_slice %arg2[%dma_start3A_1372, %multiple_of3A_1369] : memref<16x1000000xf32, #tpu.memory_space<hbm>> -> memref<16x128xf32, #tpu.memory_space<hbm>>
      tpu.enqueue_dma source(%dma_start3A_1373 : memref<16x128xf32, #tpu.memory_space<hbm>>) target(%arg20 : memref<16x128xf32, #tpu.memory_space<vmem>>) target_semaphore(%arg30 : memref<!tpu.dma_semaphore, #tpu.memory_space<semaphore_mem>>)
      scf.yield %reduce_max3A_1028, %reduce_max3A_1076, %reduce_max3A_1124, %reduce_max3A_1172, %reduce_max3A_1220, %reduce_max3A_1268, %reduce_max3A_1316, %reduce_max3A_1364 : i32, i32, i32, i32, i32, i32, i32, i32
    }
    %scan3A_864 = arith.constant 16 : i32
    %dma_wait3A = arith.constant 0 : i32
    %dma_wait3A_865 = tpu.memref_slice %arg9[%dma_wait3A] : memref<512xi32, #tpu.memory_space<vmem>> -> memref<128xi32, #tpu.memory_space<vmem>>
    %dma_wait3A_866 = arith.constant 0 : i32
    %dma_wait3A_867 = arith.constant 0 : i32
    %dma_wait3A_868 = tpu.memref_slice %arg3[%dma_wait3A_866, %dma_wait3A_867] : memref<12500x128xf32, #tpu.memory_space<hbm>> -> memref<12500x128xf32, #tpu.memory_space<hbm>>
    tpu.wait_indirect_dma semaphore(%arg31 : memref<!tpu.dma_semaphore, #tpu.memory_space<semaphore_mem>>) src(%dma_wait3A_868 : memref<12500x128xf32, #tpu.memory_space<hbm>>) dst(%arg21 : memref<128x128xf32, #tpu.memory_space<vmem>>)
    %scan3A_869 = arith.constant 0 : i32
    %scan3A_870 = arith.constant 0 : i32
    %scan3A_871 = arith.constant 128 : i32
    %scan3A_872 = arith.addi %scan3A_870, %scan3A_871 : i32
    %scan3A_873 = arith.constant 1 : i32
    scf.for %scan3A_984 = %scan3A_870 to %scan3A_872 step %scan3A_873  : i32 {
      %add3A_985 = arith.constant 0 : i32
      %add3A_986 = arith.addi %add3A_985, %scan3A_984 : i32
      %shift_right_logical3A_987 = arith.constant 4 : i32
      %shift_right_logical3A_988 = arith.shrui %add3A_986, %shift_right_logical3A_987 : i32
      %get3A_989 = arith.index_cast %shift_right_logical3A_988 : i32 to index
      %get3A_990 = arith.constant 0 : index
      %get3A_991 = tpu.vector_load %arg11[%get3A_989, %get3A_990] {strides = array<i32>} : memref<32x16xi32, #tpu.memory_space<vmem>>, vector<16xi32>,
      %and3A_992 = arith.constant 15 : i32
      %and3A_993 = arith.andi %add3A_986, %and3A_992 : i32
      %eq3A_994 = vector.broadcast %and3A_993 : i32 to vector<16xi32>
      %eq3A_995 = arith.cmpi eq, %iota3A, %eq3A_994 : vector<16xi32>
      %jit3A_996 = arith.constant -1 : i32
      %broadcast_in_dim3A_997 = vector.broadcast %jit3A_996 : i32 to vector<16xi32>
      %select_n3A_998 = arith.select %eq3A_995, %get3A_991, %broadcast_in_dim3A_997 : vector<16xi1>, vector<16xi32>
      %reduce_max3A_999 = arith.constant true
      %reduce_max3A_1000 = vector.broadcast %reduce_max3A_999 : i1 to vector<16xi1>
      %reduce_max3A_1001 = arith.constant -2147483648 : i32
      %reduce_max3A_1002 = vector.broadcast %reduce_max3A_1001 : i32 to vector<16xi32>
      %reduce_max3A_1003 = arith.xori %select_n3A_998, %reduce_max3A_1002 : vector<16xi32>
      %reduce_max3A_1004 = tpu.scan <max>, %reduce_max3A_1003 masked %reduce_max3A_1000 : vector<16xi32>, vector<16xi1> -> vector<16xi32>
      %reduce_max3A_1005 = arith.xori %reduce_max3A_1004, %reduce_max3A_1002 : vector<16xi32>
      %reduce_max3A_1006 = vector.extract %reduce_max3A_1005[15] : i32 from vector<16xi32>
      %and3A_1007 = arith.constant 7 : i32
      %and3A_1008 = arith.andi %reduce_max3A_1006, %and3A_1007 : i32
      %mul3A_1009 = arith.constant 16 : i32
      %mul3A_1010 = arith.muli %and3A_1008, %mul3A_1009 : i32
      %broadcast_in_dim3A_1011 = vector.broadcast %mul3A_1010 : i32 to vector<16xi32>
      %add3A_1012 = arith.addi %broadcast_in_dim3A_1011, %iota3A_859 : vector<16xi32>
      %broadcast_in_dim3A_1013 = vector.broadcast %scan3A_984 : i32 to vector<16xi32>
      %gather3A = tpu.vector_load_idx %arg21[%broadcast_in_dim3A_1013, %add3A_1012] : memref<128x128xf32, #tpu.memory_space<vmem>>[vector<16xi32>, vector<16xi32>], vector<16xf32>,
      %add3A_1014 = arith.constant 16 : i32
      %add3A_1015 = vector.broadcast %add3A_1014 : i32 to vector<16xi32>
      %add3A_1016 = arith.addi %iota3A_859, %add3A_1015 : vector<16xi32>
      %broadcast_in_dim3A_1017 = vector.broadcast %add3A_986 : i32 to vector<16xi32>
      tpu.vector_store_idx %arg12[%add3A_1016, %broadcast_in_dim3A_1017], %gather3A : memref<32x512xf32, #tpu.memory_space<vmem>>[vector<16xi32>, vector<16xi32>], vector<16xf32>,
    }
    %scan3A_874 = arith.constant 128 : i32
    %dma_start3A_875 = arith.constant 256 : i32
    %dma_start3A_876 = tpu.memref_slice %arg9[%dma_start3A_875] : memref<512xi32, #tpu.memory_space<vmem>> -> memref<128xi32, #tpu.memory_space<vmem>>
    %dma_start3A_877 = arith.constant 0 : i32
    %dma_start3A_878 = arith.constant 0 : i32
    %dma_start3A_879 = tpu.memref_slice %arg3[%dma_start3A_877, %dma_start3A_878] : memref<12500x128xf32, #tpu.memory_space<hbm>> -> memref<12500x128xf32, #tpu.memory_space<hbm>>
    tpu.enqueue_indirect_dma source(%dma_start3A_879 : memref<12500x128xf32, #tpu.memory_space<hbm>>) target(%arg21 : memref<128x128xf32, #tpu.memory_space<vmem>>) offsets(%dma_start3A_876 : memref<128xi32, #tpu.memory_space<vmem>>) semaphore(%arg31 : memref<!tpu.dma_semaphore, #tpu.memory_space<semaphore_mem>>)
    %scan3A_880 = arith.constant 16 : i32
    %scan3A_881 = arith.constant 16 : i32
    %scan3A_882 = arith.addi %scan3A_880, %scan3A_881 : i32
    %scan3A_883 = arith.constant 1 : i32
    %scan3A_884:8 = scf.for %scan3A_984 = %scan3A_880 to %scan3A_882 step %scan3A_883 iter_args(%scan3A_985 = %scan3A_863#0, %scan3A_986 = %scan3A_863#1, %scan3A_987 = %scan3A_863#2, %scan3A_988 = %scan3A_863#3, %scan3A_989 = %scan3A_863#4, %scan3A_990 = %scan3A_863#5, %scan3A_991 = %scan3A_863#6, %scan3A_992 = %scan3A_863#7) -> (i32, i32, i32, i32, i32, i32, i32, i32)  : i32 {
      %mul3A_993 = arith.constant 8 : i32
      %mul3A_994 = arith.muli %scan3A_984, %mul3A_993 : i32
      %add3A_995 = arith.constant 0 : i32
      %add3A_996 = arith.addi %mul3A_994, %add3A_995 : i32
      %dma_wait3A_997 = arith.constant 0 : i32
      %dma_wait3A_998 = arith.constant 0 : i32
      %dma_wait3A_999 = tpu.memref_slice %arg2[%dma_wait3A_997, %dma_wait3A_998] : memref<16x1000000xf32, #tpu.memory_space<hbm>> -> memref<16x128xf32, #tpu.memory_space<hbm>>
      %dma_wait3A_1000 = arith.constant 0 : i32
      %dma_wait3A_1001 = arith.constant 0 : i32
      %dma_wait3A_1002 = tpu.memref_slice %arg2[%dma_wait3A_1000, %dma_wait3A_1001] : memref<16x1000000xf32, #tpu.memory_space<hbm>> -> memref<16x128xf32, #tpu.memory_space<hbm>>
      tpu.wait_dma2 semaphore(%arg23 : memref<!tpu.dma_semaphore, #tpu.memory_space<semaphore_mem>>) src(%dma_wait3A_1002 : memref<16x128xf32, #tpu.memory_space<hbm>>) dst(%arg13 : memref<16x128xf32, #tpu.memory_space<vmem>>)
      %rem3A = arith.constant 128 : i32
      %rem3A_1003 = arith.remsi %scan3A_985, %rem3A : i32
      %broadcast_in_dim3A_1004 = vector.broadcast %rem3A_1003 : i32 to vector<16xi32>
      %broadcast_in_dim3A_1005 = vector.broadcast %add3A_996 : i32 to vector<16xi32>
      %gather3A = tpu.vector_load_idx %arg13[%iota3A_859, %broadcast_in_dim3A_1004] : memref<16x128xf32, #tpu.memory_space<vmem>>[vector<16xi32>, vector<16xi32>], vector<16xf32>,
      tpu.vector_store_idx %arg12[%iota3A_859, %broadcast_in_dim3A_1005], %gather3A : memref<32x512xf32, #tpu.memory_space<vmem>>[vector<16xi32>, vector<16xi32>], vector<16xf32>,
      %add3A_1006 = arith.constant 8 : i32
      %add3A_1007 = arith.addi %add3A_996, %add3A_1006 : i32
      %min3A = arith.constant 511 : i32
      %min3A_1008 = arith.minsi %add3A_1007, %min3A : i32
      %shift_right_logical3A_1009 = arith.constant 4 : i32
      %shift_right_logical3A_1010 = arith.shrui %min3A_1008, %shift_right_logical3A_1009 : i32
      %get3A_1011 = arith.index_cast %shift_right_logical3A_1010 : i32 to index
      %get3A_1012 = arith.constant 0 : index
      %get3A_1013 = tpu.vector_load %arg10[%get3A_1011, %get3A_1012] {strides = array<i32>} : memref<32x16xi32, #tpu.memory_space<vmem>>, vector<16xi32>,
      %and3A_1014 = arith.constant 15 : i32
      %and3A_1015 = arith.andi %min3A_1008, %and3A_1014 : i32
      %eq3A_1016 = vector.broadcast %and3A_1015 : i32 to vector<16xi32>
      %eq3A_1017 = arith.cmpi eq, %iota3A, %eq3A_1016 : vector<16xi32>
      %jit3A_1018 = arith.constant -1 : i32
      %broadcast_in_dim3A_1019 = vector.broadcast %jit3A_1018 : i32 to vector<16xi32>
      %select_n3A_1020 = arith.select %eq3A_1017, %get3A_1013, %broadcast_in_dim3A_1019 : vector<16xi1>, vector<16xi32>
      %reduce_max3A_1021 = arith.constant true
      %reduce_max3A_1022 = vector.broadcast %reduce_max3A_1021 : i1 to vector<16xi1>
      %reduce_max3A_1023 = arith.constant -2147483648 : i32
      %reduce_max3A_1024 = vector.broadcast %reduce_max3A_1023 : i32 to vector<16xi32>
      %reduce_max3A_1025 = arith.xori %select_n3A_1020, %reduce_max3A_1024 : vector<16xi32>
      %reduce_max3A_1026 = tpu.scan <max>, %reduce_max3A_1025 masked %reduce_max3A_1022 : vector<16xi32>, vector<16xi1> -> vector<16xi32>
      %reduce_max3A_1027 = arith.xori %reduce_max3A_1026, %reduce_max3A_1024 : vector<16xi32>
      %reduce_max3A_1028 = vector.extract %reduce_max3A_1027[15] : i32 from vector<16xi32>
      %shift_right_logical3A_1029 = arith.constant 7 : i32
      %shift_right_logical3A_1030 = arith.shrui %reduce_max3A_1028, %shift_right_logical3A_1029 : i32
      %mul3A_1031 = arith.constant 128 : i32
      %mul3A_1032 = arith.muli %shift_right_logical3A_1030, %mul3A_1031 : i32
      %multiple_of3A_1033 = tpu.assume_multiple %mul3A_1032, 128 : i32
      %dma_start3A_1034 = arith.constant 0 : i32
      %dma_start3A_1035 = tpu.memref_slice %arg2[%dma_start3A_1034, %multiple_of3A_1033] : memref<16x1000000xf32, #tpu.memory_space<hbm>> -> memref<16x128xf32, #tpu.memory_space<hbm>>
      %dma_start3A_1036 = arith.constant 0 : i32
      %dma_start3A_1037 = tpu.memref_slice %arg2[%dma_start3A_1036, %multiple_of3A_1033] : memref<16x1000000xf32, #tpu.memory_space<hbm>> -> memref<16x128xf32, #tpu.memory_space<hbm>>
      tpu.enqueue_dma source(%dma_start3A_1037 : memref<16x128xf32, #tpu.memory_space<hbm>>) target(%arg13 : memref<16x128xf32, #tpu.memory_space<vmem>>) target_semaphore(%arg23 : memref<!tpu.dma_semaphore, #tpu.memory_space<semaphore_mem>>)
      %mul3A_1038 = arith.constant 8 : i32
      %mul3A_1039 = arith.muli %scan3A_984, %mul3A_1038 : i32
      %add3A_1040 = arith.constant 1 : i32
      %add3A_1041 = arith.addi %mul3A_1039, %add3A_1040 : i32
      %dma_wait3A_1042 = arith.constant 0 : i32
      %dma_wait3A_1043 = arith.constant 0 : i32
      %dma_wait3A_1044 = tpu.memref_slice %arg2[%dma_wait3A_1042, %dma_wait3A_1043] : memref<16x1000000xf32, #tpu.memory_space<hbm>> -> memref<16x128xf32, #tpu.memory_space<hbm>>
      %dma_wait3A_1045 = arith.constant 0 : i32
      %dma_wait3A_1046 = arith.constant 0 : i32
      %dma_wait3A_1047 = tpu.memref_slice %arg2[%dma_wait3A_1045, %dma_wait3A_1046] : memref<16x1000000xf32, #tpu.memory_space<hbm>> -> memref<16x128xf32, #tpu.memory_space<hbm>>
      tpu.wait_dma2 semaphore(%arg24 : memref<!tpu.dma_semaphore, #tpu.memory_space<semaphore_mem>>) src(%dma_wait3A_1047 : memref<16x128xf32, #tpu.memory_space<hbm>>) dst(%arg14 : memref<16x128xf32, #tpu.memory_space<vmem>>)
      %rem3A_1048 = arith.constant 128 : i32
      %rem3A_1049 = arith.remsi %scan3A_986, %rem3A_1048 : i32
      %broadcast_in_dim3A_1050 = vector.broadcast %rem3A_1049 : i32 to vector<16xi32>
      %broadcast_in_dim3A_1051 = vector.broadcast %add3A_1041 : i32 to vector<16xi32>
      %gather3A_1052 = tpu.vector_load_idx %arg14[%iota3A_859, %broadcast_in_dim3A_1050] : memref<16x128xf32, #tpu.memory_space<vmem>>[vector<16xi32>, vector<16xi32>], vector<16xf32>,
      tpu.vector_store_idx %arg12[%iota3A_859, %broadcast_in_dim3A_1051], %gather3A_1052 : memref<32x512xf32, #tpu.memory_space<vmem>>[vector<16xi32>, vector<16xi32>], vector<16xf32>,
      %add3A_1053 = arith.constant 8 : i32
      %add3A_1054 = arith.addi %add3A_1041, %add3A_1053 : i32
      %min3A_1055 = arith.constant 511 : i32
      %min3A_1056 = arith.minsi %add3A_1054, %min3A_1055 : i32
      %shift_right_logical3A_1057 = arith.constant 4 : i32
      %shift_right_logical3A_1058 = arith.shrui %min3A_1056, %shift_right_logical3A_1057 : i32
      %get3A_1059 = arith.index_cast %shift_right_logical3A_1058 : i32 to index
      %get3A_1060 = arith.constant 0 : index
      %get3A_1061 = tpu.vector_load %arg10[%get3A_1059, %get3A_1060] {strides = array<i32>} : memref<32x16xi32, #tpu.memory_space<vmem>>, vector<16xi32>,
      %and3A_1062 = arith.constant 15 : i32
      %and3A_1063 = arith.andi %min3A_1056, %and3A_1062 : i32
      %eq3A_1064 = vector.broadcast %and3A_1063 : i32 to vector<16xi32>
      %eq3A_1065 = arith.cmpi eq, %iota3A, %eq3A_1064 : vector<16xi32>
      %jit3A_1066 = arith.constant -1 : i32
      %broadcast_in_dim3A_1067 = vector.broadcast %jit3A_1066 : i32 to vector<16xi32>
      %select_n3A_1068 = arith.select %eq3A_1065, %get3A_1061, %broadcast_in_dim3A_1067 : vector<16xi1>, vector<16xi32>
      %reduce_max3A_1069 = arith.constant true
      %reduce_max3A_1070 = vector.broadcast %reduce_max3A_1069 : i1 to vector<16xi1>
      %reduce_max3A_1071 = arith.constant -2147483648 : i32
      %reduce_max3A_1072 = vector.broadcast %reduce_max3A_1071 : i32 to vector<16xi32>
      %reduce_max3A_1073 = arith.xori %select_n3A_1068, %reduce_max3A_1072 : vector<16xi32>
      %reduce_max3A_1074 = tpu.scan <max>, %reduce_max3A_1073 masked %reduce_max3A_1070 : vector<16xi32>, vector<16xi1> -> vector<16xi32>
      %reduce_max3A_1075 = arith.xori %reduce_max3A_1074, %reduce_max3A_1072 : vector<16xi32>
      %reduce_max3A_1076 = vector.extract %reduce_max3A_1075[15] : i32 from vector<16xi32>
      %shift_right_logical3A_1077 = arith.constant 7 : i32
      %shift_right_logical3A_1078 = arith.shrui %reduce_max3A_1076, %shift_right_logical3A_1077 : i32
      %mul3A_1079 = arith.constant 128 : i32
      %mul3A_1080 = arith.muli %shift_right_logical3A_1078, %mul3A_1079 : i32
      %multiple_of3A_1081 = tpu.assume_multiple %mul3A_1080, 128 : i32
      %dma_start3A_1082 = arith.constant 0 : i32
      %dma_start3A_1083 = tpu.memref_slice %arg2[%dma_start3A_1082, %multiple_of3A_1081] : memref<16x1000000xf32, #tpu.memory_space<hbm>> -> memref<16x128xf32, #tpu.memory_space<hbm>>
      %dma_start3A_1084 = arith.constant 0 : i32
      %dma_start3A_1085 = tpu.memref_slice %arg2[%dma_start3A_1084, %multiple_of3A_1081] : memref<16x1000000xf32, #tpu.memory_space<hbm>> -> memref<16x128xf32, #tpu.memory_space<hbm>>
      tpu.enqueue_dma source(%dma_start3A_1085 : memref<16x128xf32, #tpu.memory_space<hbm>>) target(%arg14 : memref<16x128xf32, #tpu.memory_space<vmem>>) target_semaphore(%arg24 : memref<!tpu.dma_semaphore, #tpu.memory_space<semaphore_mem>>)
      %mul3A_1086 = arith.constant 8 : i32
      %mul3A_1087 = arith.muli %scan3A_984, %mul3A_1086 : i32
      %add3A_1088 = arith.constant 2 : i32
      %add3A_1089 = arith.addi %mul3A_1087, %add3A_1088 : i32
      %dma_wait3A_1090 = arith.constant 0 : i32
      %dma_wait3A_1091 = arith.constant 0 : i32
      %dma_wait3A_1092 = tpu.memref_slice %arg2[%dma_wait3A_1090, %dma_wait3A_1091] : memref<16x1000000xf32, #tpu.memory_space<hbm>> -> memref<16x128xf32, #tpu.memory_space<hbm>>
      %dma_wait3A_1093 = arith.constant 0 : i32
      %dma_wait3A_1094 = arith.constant 0 : i32
      %dma_wait3A_1095 = tpu.memref_slice %arg2[%dma_wait3A_1093, %dma_wait3A_1094] : memref<16x1000000xf32, #tpu.memory_space<hbm>> -> memref<16x128xf32, #tpu.memory_space<hbm>>
      tpu.wait_dma2 semaphore(%arg25 : memref<!tpu.dma_semaphore, #tpu.memory_space<semaphore_mem>>) src(%dma_wait3A_1095 : memref<16x128xf32, #tpu.memory_space<hbm>>) dst(%arg15 : memref<16x128xf32, #tpu.memory_space<vmem>>)
      %rem3A_1096 = arith.constant 128 : i32
      %rem3A_1097 = arith.remsi %scan3A_987, %rem3A_1096 : i32
      %broadcast_in_dim3A_1098 = vector.broadcast %rem3A_1097 : i32 to vector<16xi32>
      %broadcast_in_dim3A_1099 = vector.broadcast %add3A_1089 : i32 to vector<16xi32>
      %gather3A_1100 = tpu.vector_load_idx %arg15[%iota3A_859, %broadcast_in_dim3A_1098] : memref<16x128xf32, #tpu.memory_space<vmem>>[vector<16xi32>, vector<16xi32>], vector<16xf32>,
      tpu.vector_store_idx %arg12[%iota3A_859, %broadcast_in_dim3A_1099], %gather3A_1100 : memref<32x512xf32, #tpu.memory_space<vmem>>[vector<16xi32>, vector<16xi32>], vector<16xf32>,
      %add3A_1101 = arith.constant 8 : i32
      %add3A_1102 = arith.addi %add3A_1089, %add3A_1101 : i32
      %min3A_1103 = arith.constant 511 : i32
      %min3A_1104 = arith.minsi %add3A_1102, %min3A_1103 : i32
      %shift_right_logical3A_1105 = arith.constant 4 : i32
      %shift_right_logical3A_1106 = arith.shrui %min3A_1104, %shift_right_logical3A_1105 : i32
      %get3A_1107 = arith.index_cast %shift_right_logical3A_1106 : i32 to index
      %get3A_1108 = arith.constant 0 : index
      %get3A_1109 = tpu.vector_load %arg10[%get3A_1107, %get3A_1108] {strides = array<i32>} : memref<32x16xi32, #tpu.memory_space<vmem>>, vector<16xi32>,
      %and3A_1110 = arith.constant 15 : i32
      %and3A_1111 = arith.andi %min3A_1104, %and3A_1110 : i32
      %eq3A_1112 = vector.broadcast %and3A_1111 : i32 to vector<16xi32>
      %eq3A_1113 = arith.cmpi eq, %iota3A, %eq3A_1112 : vector<16xi32>
      %jit3A_1114 = arith.constant -1 : i32
      %broadcast_in_dim3A_1115 = vector.broadcast %jit3A_1114 : i32 to vector<16xi32>
      %select_n3A_1116 = arith.select %eq3A_1113, %get3A_1109, %broadcast_in_dim3A_1115 : vector<16xi1>, vector<16xi32>
      %reduce_max3A_1117 = arith.constant true
      %reduce_max3A_1118 = vector.broadcast %reduce_max3A_1117 : i1 to vector<16xi1>
      %reduce_max3A_1119 = arith.constant -2147483648 : i32
      %reduce_max3A_1120 = vector.broadcast %reduce_max3A_1119 : i32 to vector<16xi32>
      %reduce_max3A_1121 = arith.xori %select_n3A_1116, %reduce_max3A_1120 : vector<16xi32>
      %reduce_max3A_1122 = tpu.scan <max>, %reduce_max3A_1121 masked %reduce_max3A_1118 : vector<16xi32>, vector<16xi1> -> vector<16xi32>
      %reduce_max3A_1123 = arith.xori %reduce_max3A_1122, %reduce_max3A_1120 : vector<16xi32>
      %reduce_max3A_1124 = vector.extract %reduce_max3A_1123[15] : i32 from vector<16xi32>
      %shift_right_logical3A_1125 = arith.constant 7 : i32
      %shift_right_logical3A_1126 = arith.shrui %reduce_max3A_1124, %shift_right_logical3A_1125 : i32
      %mul3A_1127 = arith.constant 128 : i32
      %mul3A_1128 = arith.muli %shift_right_logical3A_1126, %mul3A_1127 : i32
      %multiple_of3A_1129 = tpu.assume_multiple %mul3A_1128, 128 : i32
      %dma_start3A_1130 = arith.constant 0 : i32
      %dma_start3A_1131 = tpu.memref_slice %arg2[%dma_start3A_1130, %multiple_of3A_1129] : memref<16x1000000xf32, #tpu.memory_space<hbm>> -> memref<16x128xf32, #tpu.memory_space<hbm>>
      %dma_start3A_1132 = arith.constant 0 : i32
      %dma_start3A_1133 = tpu.memref_slice %arg2[%dma_start3A_1132, %multiple_of3A_1129] : memref<16x1000000xf32, #tpu.memory_space<hbm>> -> memref<16x128xf32, #tpu.memory_space<hbm>>
      tpu.enqueue_dma source(%dma_start3A_1133 : memref<16x128xf32, #tpu.memory_space<hbm>>) target(%arg15 : memref<16x128xf32, #tpu.memory_space<vmem>>) target_semaphore(%arg25 : memref<!tpu.dma_semaphore, #tpu.memory_space<semaphore_mem>>)
      %mul3A_1134 = arith.constant 8 : i32
      %mul3A_1135 = arith.muli %scan3A_984, %mul3A_1134 : i32
      %add3A_1136 = arith.constant 3 : i32
      %add3A_1137 = arith.addi %mul3A_1135, %add3A_1136 : i32
      %dma_wait3A_1138 = arith.constant 0 : i32
      %dma_wait3A_1139 = arith.constant 0 : i32
      %dma_wait3A_1140 = tpu.memref_slice %arg2[%dma_wait3A_1138, %dma_wait3A_1139] : memref<16x1000000xf32, #tpu.memory_space<hbm>> -> memref<16x128xf32, #tpu.memory_space<hbm>>
      %dma_wait3A_1141 = arith.constant 0 : i32
      %dma_wait3A_1142 = arith.constant 0 : i32
      %dma_wait3A_1143 = tpu.memref_slice %arg2[%dma_wait3A_1141, %dma_wait3A_1142] : memref<16x1000000xf32, #tpu.memory_space<hbm>> -> memref<16x128xf32, #tpu.memory_space<hbm>>
      tpu.wait_dma2 semaphore(%arg26 : memref<!tpu.dma_semaphore, #tpu.memory_space<semaphore_mem>>) src(%dma_wait3A_1143 : memref<16x128xf32, #tpu.memory_space<hbm>>) dst(%arg16 : memref<16x128xf32, #tpu.memory_space<vmem>>)
      %rem3A_1144 = arith.constant 128 : i32
      %rem3A_1145 = arith.remsi %scan3A_988, %rem3A_1144 : i32
      %broadcast_in_dim3A_1146 = vector.broadcast %rem3A_1145 : i32 to vector<16xi32>
      %broadcast_in_dim3A_1147 = vector.broadcast %add3A_1137 : i32 to vector<16xi32>
      %gather3A_1148 = tpu.vector_load_idx %arg16[%iota3A_859, %broadcast_in_dim3A_1146] : memref<16x128xf32, #tpu.memory_space<vmem>>[vector<16xi32>, vector<16xi32>], vector<16xf32>,
      tpu.vector_store_idx %arg12[%iota3A_859, %broadcast_in_dim3A_1147], %gather3A_1148 : memref<32x512xf32, #tpu.memory_space<vmem>>[vector<16xi32>, vector<16xi32>], vector<16xf32>,
      %add3A_1149 = arith.constant 8 : i32
      %add3A_1150 = arith.addi %add3A_1137, %add3A_1149 : i32
      %min3A_1151 = arith.constant 511 : i32
      %min3A_1152 = arith.minsi %add3A_1150, %min3A_1151 : i32
      %shift_right_logical3A_1153 = arith.constant 4 : i32
      %shift_right_logical3A_1154 = arith.shrui %min3A_1152, %shift_right_logical3A_1153 : i32
      %get3A_1155 = arith.index_cast %shift_right_logical3A_1154 : i32 to index
      %get3A_1156 = arith.constant 0 : index
      %get3A_1157 = tpu.vector_load %arg10[%get3A_1155, %get3A_1156] {strides = array<i32>} : memref<32x16xi32, #tpu.memory_space<vmem>>, vector<16xi32>,
      %and3A_1158 = arith.constant 15 : i32
      %and3A_1159 = arith.andi %min3A_1152, %and3A_1158 : i32
      %eq3A_1160 = vector.broadcast %and3A_1159 : i32 to vector<16xi32>
      %eq3A_1161 = arith.cmpi eq, %iota3A, %eq3A_1160 : vector<16xi32>
      %jit3A_1162 = arith.constant -1 : i32
      %broadcast_in_dim3A_1163 = vector.broadcast %jit3A_1162 : i32 to vector<16xi32>
      %select_n3A_1164 = arith.select %eq3A_1161, %get3A_1157, %broadcast_in_dim3A_1163 : vector<16xi1>, vector<16xi32>
      %reduce_max3A_1165 = arith.constant true
      %reduce_max3A_1166 = vector.broadcast %reduce_max3A_1165 : i1 to vector<16xi1>
      %reduce_max3A_1167 = arith.constant -2147483648 : i32
      %reduce_max3A_1168 = vector.broadcast %reduce_max3A_1167 : i32 to vector<16xi32>
      %reduce_max3A_1169 = arith.xori %select_n3A_1164, %reduce_max3A_1168 : vector<16xi32>
      %reduce_max3A_1170 = tpu.scan <max>, %reduce_max3A_1169 masked %reduce_max3A_1166 : vector<16xi32>, vector<16xi1> -> vector<16xi32>
      %reduce_max3A_1171 = arith.xori %reduce_max3A_1170, %reduce_max3A_1168 : vector<16xi32>
      %reduce_max3A_1172 = vector.extract %reduce_max3A_1171[15] : i32 from vector<16xi32>
      %shift_right_logical3A_1173 = arith.constant 7 : i32
      %shift_right_logical3A_1174 = arith.shrui %reduce_max3A_1172, %shift_right_logical3A_1173 : i32
      %mul3A_1175 = arith.constant 128 : i32
      %mul3A_1176 = arith.muli %shift_right_logical3A_1174, %mul3A_1175 : i32
      %multiple_of3A_1177 = tpu.assume_multiple %mul3A_1176, 128 : i32
      %dma_start3A_1178 = arith.constant 0 : i32
      %dma_start3A_1179 = tpu.memref_slice %arg2[%dma_start3A_1178, %multiple_of3A_1177] : memref<16x1000000xf32, #tpu.memory_space<hbm>> -> memref<16x128xf32, #tpu.memory_space<hbm>>
      %dma_start3A_1180 = arith.constant 0 : i32
      %dma_start3A_1181 = tpu.memref_slice %arg2[%dma_start3A_1180, %multiple_of3A_1177] : memref<16x1000000xf32, #tpu.memory_space<hbm>> -> memref<16x128xf32, #tpu.memory_space<hbm>>
      tpu.enqueue_dma source(%dma_start3A_1181 : memref<16x128xf32, #tpu.memory_space<hbm>>) target(%arg16 : memref<16x128xf32, #tpu.memory_space<vmem>>) target_semaphore(%arg26 : memref<!tpu.dma_semaphore, #tpu.memory_space<semaphore_mem>>)
      %mul3A_1182 = arith.constant 8 : i32
      %mul3A_1183 = arith.muli %scan3A_984, %mul3A_1182 : i32
      %add3A_1184 = arith.constant 4 : i32
      %add3A_1185 = arith.addi %mul3A_1183, %add3A_1184 : i32
      %dma_wait3A_1186 = arith.constant 0 : i32
      %dma_wait3A_1187 = arith.constant 0 : i32
      %dma_wait3A_1188 = tpu.memref_slice %arg2[%dma_wait3A_1186, %dma_wait3A_1187] : memref<16x1000000xf32, #tpu.memory_space<hbm>> -> memref<16x128xf32, #tpu.memory_space<hbm>>
      %dma_wait3A_1189 = arith.constant 0 : i32
      %dma_wait3A_1190 = arith.constant 0 : i32
      %dma_wait3A_1191 = tpu.memref_slice %arg2[%dma_wait3A_1189, %dma_wait3A_1190] : memref<16x1000000xf32, #tpu.memory_space<hbm>> -> memref<16x128xf32, #tpu.memory_space<hbm>>
      tpu.wait_dma2 semaphore(%arg27 : memref<!tpu.dma_semaphore, #tpu.memory_space<semaphore_mem>>) src(%dma_wait3A_1191 : memref<16x128xf32, #tpu.memory_space<hbm>>) dst(%arg17 : memref<16x128xf32, #tpu.memory_space<vmem>>)
      %rem3A_1192 = arith.constant 128 : i32
      %rem3A_1193 = arith.remsi %scan3A_989, %rem3A_1192 : i32
      %broadcast_in_dim3A_1194 = vector.broadcast %rem3A_1193 : i32 to vector<16xi32>
      %broadcast_in_dim3A_1195 = vector.broadcast %add3A_1185 : i32 to vector<16xi32>
      %gather3A_1196 = tpu.vector_load_idx %arg17[%iota3A_859, %broadcast_in_dim3A_1194] : memref<16x128xf32, #tpu.memory_space<vmem>>[vector<16xi32>, vector<16xi32>], vector<16xf32>,
      tpu.vector_store_idx %arg12[%iota3A_859, %broadcast_in_dim3A_1195], %gather3A_1196 : memref<32x512xf32, #tpu.memory_space<vmem>>[vector<16xi32>, vector<16xi32>], vector<16xf32>,
      %add3A_1197 = arith.constant 8 : i32
      %add3A_1198 = arith.addi %add3A_1185, %add3A_1197 : i32
      %min3A_1199 = arith.constant 511 : i32
      %min3A_1200 = arith.minsi %add3A_1198, %min3A_1199 : i32
      %shift_right_logical3A_1201 = arith.constant 4 : i32
      %shift_right_logical3A_1202 = arith.shrui %min3A_1200, %shift_right_logical3A_1201 : i32
      %get3A_1203 = arith.index_cast %shift_right_logical3A_1202 : i32 to index
      %get3A_1204 = arith.constant 0 : index
      %get3A_1205 = tpu.vector_load %arg10[%get3A_1203, %get3A_1204] {strides = array<i32>} : memref<32x16xi32, #tpu.memory_space<vmem>>, vector<16xi32>,
      %and3A_1206 = arith.constant 15 : i32
      %and3A_1207 = arith.andi %min3A_1200, %and3A_1206 : i32
      %eq3A_1208 = vector.broadcast %and3A_1207 : i32 to vector<16xi32>
      %eq3A_1209 = arith.cmpi eq, %iota3A, %eq3A_1208 : vector<16xi32>
      %jit3A_1210 = arith.constant -1 : i32
      %broadcast_in_dim3A_1211 = vector.broadcast %jit3A_1210 : i32 to vector<16xi32>
      %select_n3A_1212 = arith.select %eq3A_1209, %get3A_1205, %broadcast_in_dim3A_1211 : vector<16xi1>, vector<16xi32>
      %reduce_max3A_1213 = arith.constant true
      %reduce_max3A_1214 = vector.broadcast %reduce_max3A_1213 : i1 to vector<16xi1>
      %reduce_max3A_1215 = arith.constant -2147483648 : i32
      %reduce_max3A_1216 = vector.broadcast %reduce_max3A_1215 : i32 to vector<16xi32>
      %reduce_max3A_1217 = arith.xori %select_n3A_1212, %reduce_max3A_1216 : vector<16xi32>
      %reduce_max3A_1218 = tpu.scan <max>, %reduce_max3A_1217 masked %reduce_max3A_1214 : vector<16xi32>, vector<16xi1> -> vector<16xi32>
      %reduce_max3A_1219 = arith.xori %reduce_max3A_1218, %reduce_max3A_1216 : vector<16xi32>
      %reduce_max3A_1220 = vector.extract %reduce_max3A_1219[15] : i32 from vector<16xi32>
      %shift_right_logical3A_1221 = arith.constant 7 : i32
      %shift_right_logical3A_1222 = arith.shrui %reduce_max3A_1220, %shift_right_logical3A_1221 : i32
      %mul3A_1223 = arith.constant 128 : i32
      %mul3A_1224 = arith.muli %shift_right_logical3A_1222, %mul3A_1223 : i32
      %multiple_of3A_1225 = tpu.assume_multiple %mul3A_1224, 128 : i32
      %dma_start3A_1226 = arith.constant 0 : i32
      %dma_start3A_1227 = tpu.memref_slice %arg2[%dma_start3A_1226, %multiple_of3A_1225] : memref<16x1000000xf32, #tpu.memory_space<hbm>> -> memref<16x128xf32, #tpu.memory_space<hbm>>
      %dma_start3A_1228 = arith.constant 0 : i32
      %dma_start3A_1229 = tpu.memref_slice %arg2[%dma_start3A_1228, %multiple_of3A_1225] : memref<16x1000000xf32, #tpu.memory_space<hbm>> -> memref<16x128xf32, #tpu.memory_space<hbm>>
      tpu.enqueue_dma source(%dma_start3A_1229 : memref<16x128xf32, #tpu.memory_space<hbm>>) target(%arg17 : memref<16x128xf32, #tpu.memory_space<vmem>>) target_semaphore(%arg27 : memref<!tpu.dma_semaphore, #tpu.memory_space<semaphore_mem>>)
      %mul3A_1230 = arith.constant 8 : i32
      %mul3A_1231 = arith.muli %scan3A_984, %mul3A_1230 : i32
      %add3A_1232 = arith.constant 5 : i32
      %add3A_1233 = arith.addi %mul3A_1231, %add3A_1232 : i32
      %dma_wait3A_1234 = arith.constant 0 : i32
      %dma_wait3A_1235 = arith.constant 0 : i32
      %dma_wait3A_1236 = tpu.memref_slice %arg2[%dma_wait3A_1234, %dma_wait3A_1235] : memref<16x1000000xf32, #tpu.memory_space<hbm>> -> memref<16x128xf32, #tpu.memory_space<hbm>>
      %dma_wait3A_1237 = arith.constant 0 : i32
      %dma_wait3A_1238 = arith.constant 0 : i32
      %dma_wait3A_1239 = tpu.memref_slice %arg2[%dma_wait3A_1237, %dma_wait3A_1238] : memref<16x1000000xf32, #tpu.memory_space<hbm>> -> memref<16x128xf32, #tpu.memory_space<hbm>>
      tpu.wait_dma2 semaphore(%arg28 : memref<!tpu.dma_semaphore, #tpu.memory_space<semaphore_mem>>) src(%dma_wait3A_1239 : memref<16x128xf32, #tpu.memory_space<hbm>>) dst(%arg18 : memref<16x128xf32, #tpu.memory_space<vmem>>)
      %rem3A_1240 = arith.constant 128 : i32
      %rem3A_1241 = arith.remsi %scan3A_990, %rem3A_1240 : i32
      %broadcast_in_dim3A_1242 = vector.broadcast %rem3A_1241 : i32 to vector<16xi32>
      %broadcast_in_dim3A_1243 = vector.broadcast %add3A_1233 : i32 to vector<16xi32>
      %gather3A_1244 = tpu.vector_load_idx %arg18[%iota3A_859, %broadcast_in_dim3A_1242] : memref<16x128xf32, #tpu.memory_space<vmem>>[vector<16xi32>, vector<16xi32>], vector<16xf32>,
      tpu.vector_store_idx %arg12[%iota3A_859, %broadcast_in_dim3A_1243], %gather3A_1244 : memref<32x512xf32, #tpu.memory_space<vmem>>[vector<16xi32>, vector<16xi32>], vector<16xf32>,
      %add3A_1245 = arith.constant 8 : i32
      %add3A_1246 = arith.addi %add3A_1233, %add3A_1245 : i32
      %min3A_1247 = arith.constant 511 : i32
      %min3A_1248 = arith.minsi %add3A_1246, %min3A_1247 : i32
      %shift_right_logical3A_1249 = arith.constant 4 : i32
      %shift_right_logical3A_1250 = arith.shrui %min3A_1248, %shift_right_logical3A_1249 : i32
      %get3A_1251 = arith.index_cast %shift_right_logical3A_1250 : i32 to index
      %get3A_1252 = arith.constant 0 : index
      %get3A_1253 = tpu.vector_load %arg10[%get3A_1251, %get3A_1252] {strides = array<i32>} : memref<32x16xi32, #tpu.memory_space<vmem>>, vector<16xi32>,
      %and3A_1254 = arith.constant 15 : i32
      %and3A_1255 = arith.andi %min3A_1248, %and3A_1254 : i32
      %eq3A_1256 = vector.broadcast %and3A_1255 : i32 to vector<16xi32>
      %eq3A_1257 = arith.cmpi eq, %iota3A, %eq3A_1256 : vector<16xi32>
      %jit3A_1258 = arith.constant -1 : i32
      %broadcast_in_dim3A_1259 = vector.broadcast %jit3A_1258 : i32 to vector<16xi32>
      %select_n3A_1260 = arith.select %eq3A_1257, %get3A_1253, %broadcast_in_dim3A_1259 : vector<16xi1>, vector<16xi32>
      %reduce_max3A_1261 = arith.constant true
      %reduce_max3A_1262 = vector.broadcast %reduce_max3A_1261 : i1 to vector<16xi1>
      %reduce_max3A_1263 = arith.constant -2147483648 : i32
      %reduce_max3A_1264 = vector.broadcast %reduce_max3A_1263 : i32 to vector<16xi32>
      %reduce_max3A_1265 = arith.xori %select_n3A_1260, %reduce_max3A_1264 : vector<16xi32>
      %reduce_max3A_1266 = tpu.scan <max>, %reduce_max3A_1265 masked %reduce_max3A_1262 : vector<16xi32>, vector<16xi1> -> vector<16xi32>
      %reduce_max3A_1267 = arith.xori %reduce_max3A_1266, %reduce_max3A_1264 : vector<16xi32>
      %reduce_max3A_1268 = vector.extract %reduce_max3A_1267[15] : i32 from vector<16xi32>
      %shift_right_logical3A_1269 = arith.constant 7 : i32
      %shift_right_logical3A_1270 = arith.shrui %reduce_max3A_1268, %shift_right_logical3A_1269 : i32
      %mul3A_1271 = arith.constant 128 : i32
      %mul3A_1272 = arith.muli %shift_right_logical3A_1270, %mul3A_1271 : i32
      %multiple_of3A_1273 = tpu.assume_multiple %mul3A_1272, 128 : i32
      %dma_start3A_1274 = arith.constant 0 : i32
      %dma_start3A_1275 = tpu.memref_slice %arg2[%dma_start3A_1274, %multiple_of3A_1273] : memref<16x1000000xf32, #tpu.memory_space<hbm>> -> memref<16x128xf32, #tpu.memory_space<hbm>>
      %dma_start3A_1276 = arith.constant 0 : i32
      %dma_start3A_1277 = tpu.memref_slice %arg2[%dma_start3A_1276, %multiple_of3A_1273] : memref<16x1000000xf32, #tpu.memory_space<hbm>> -> memref<16x128xf32, #tpu.memory_space<hbm>>
      tpu.enqueue_dma source(%dma_start3A_1277 : memref<16x128xf32, #tpu.memory_space<hbm>>) target(%arg18 : memref<16x128xf32, #tpu.memory_space<vmem>>) target_semaphore(%arg28 : memref<!tpu.dma_semaphore, #tpu.memory_space<semaphore_mem>>)
      %mul3A_1278 = arith.constant 8 : i32
      %mul3A_1279 = arith.muli %scan3A_984, %mul3A_1278 : i32
      %add3A_1280 = arith.constant 6 : i32
      %add3A_1281 = arith.addi %mul3A_1279, %add3A_1280 : i32
      %dma_wait3A_1282 = arith.constant 0 : i32
      %dma_wait3A_1283 = arith.constant 0 : i32
      %dma_wait3A_1284 = tpu.memref_slice %arg2[%dma_wait3A_1282, %dma_wait3A_1283] : memref<16x1000000xf32, #tpu.memory_space<hbm>> -> memref<16x128xf32, #tpu.memory_space<hbm>>
      %dma_wait3A_1285 = arith.constant 0 : i32
      %dma_wait3A_1286 = arith.constant 0 : i32
      %dma_wait3A_1287 = tpu.memref_slice %arg2[%dma_wait3A_1285, %dma_wait3A_1286] : memref<16x1000000xf32, #tpu.memory_space<hbm>> -> memref<16x128xf32, #tpu.memory_space<hbm>>
      tpu.wait_dma2 semaphore(%arg29 : memref<!tpu.dma_semaphore, #tpu.memory_space<semaphore_mem>>) src(%dma_wait3A_1287 : memref<16x128xf32, #tpu.memory_space<hbm>>) dst(%arg19 : memref<16x128xf32, #tpu.memory_space<vmem>>)
      %rem3A_1288 = arith.constant 128 : i32
      %rem3A_1289 = arith.remsi %scan3A_991, %rem3A_1288 : i32
      %broadcast_in_dim3A_1290 = vector.broadcast %rem3A_1289 : i32 to vector<16xi32>
      %broadcast_in_dim3A_1291 = vector.broadcast %add3A_1281 : i32 to vector<16xi32>
      %gather3A_1292 = tpu.vector_load_idx %arg19[%iota3A_859, %broadcast_in_dim3A_1290] : memref<16x128xf32, #tpu.memory_space<vmem>>[vector<16xi32>, vector<16xi32>], vector<16xf32>,
      tpu.vector_store_idx %arg12[%iota3A_859, %broadcast_in_dim3A_1291], %gather3A_1292 : memref<32x512xf32, #tpu.memory_space<vmem>>[vector<16xi32>, vector<16xi32>], vector<16xf32>,
      %add3A_1293 = arith.constant 8 : i32
      %add3A_1294 = arith.addi %add3A_1281, %add3A_1293 : i32
      %min3A_1295 = arith.constant 511 : i32
      %min3A_1296 = arith.minsi %add3A_1294, %min3A_1295 : i32
      %shift_right_logical3A_1297 = arith.constant 4 : i32
      %shift_right_logical3A_1298 = arith.shrui %min3A_1296, %shift_right_logical3A_1297 : i32
      %get3A_1299 = arith.index_cast %shift_right_logical3A_1298 : i32 to index
      %get3A_1300 = arith.constant 0 : index
      %get3A_1301 = tpu.vector_load %arg10[%get3A_1299, %get3A_1300] {strides = array<i32>} : memref<32x16xi32, #tpu.memory_space<vmem>>, vector<16xi32>,
      %and3A_1302 = arith.constant 15 : i32
      %and3A_1303 = arith.andi %min3A_1296, %and3A_1302 : i32
      %eq3A_1304 = vector.broadcast %and3A_1303 : i32 to vector<16xi32>
      %eq3A_1305 = arith.cmpi eq, %iota3A, %eq3A_1304 : vector<16xi32>
      %jit3A_1306 = arith.constant -1 : i32
      %broadcast_in_dim3A_1307 = vector.broadcast %jit3A_1306 : i32 to vector<16xi32>
      %select_n3A_1308 = arith.select %eq3A_1305, %get3A_1301, %broadcast_in_dim3A_1307 : vector<16xi1>, vector<16xi32>
      %reduce_max3A_1309 = arith.constant true
      %reduce_max3A_1310 = vector.broadcast %reduce_max3A_1309 : i1 to vector<16xi1>
      %reduce_max3A_1311 = arith.constant -2147483648 : i32
      %reduce_max3A_1312 = vector.broadcast %reduce_max3A_1311 : i32 to vector<16xi32>
      %reduce_max3A_1313 = arith.xori %select_n3A_1308, %reduce_max3A_1312 : vector<16xi32>
      %reduce_max3A_1314 = tpu.scan <max>, %reduce_max3A_1313 masked %reduce_max3A_1310 : vector<16xi32>, vector<16xi1> -> vector<16xi32>
      %reduce_max3A_1315 = arith.xori %reduce_max3A_1314, %reduce_max3A_1312 : vector<16xi32>
      %reduce_max3A_1316 = vector.extract %reduce_max3A_1315[15] : i32 from vector<16xi32>
      %shift_right_logical3A_1317 = arith.constant 7 : i32
      %shift_right_logical3A_1318 = arith.shrui %reduce_max3A_1316, %shift_right_logical3A_1317 : i32
      %mul3A_1319 = arith.constant 128 : i32
      %mul3A_1320 = arith.muli %shift_right_logical3A_1318, %mul3A_1319 : i32
      %multiple_of3A_1321 = tpu.assume_multiple %mul3A_1320, 128 : i32
      %dma_start3A_1322 = arith.constant 0 : i32
      %dma_start3A_1323 = tpu.memref_slice %arg2[%dma_start3A_1322, %multiple_of3A_1321] : memref<16x1000000xf32, #tpu.memory_space<hbm>> -> memref<16x128xf32, #tpu.memory_space<hbm>>
      %dma_start3A_1324 = arith.constant 0 : i32
      %dma_start3A_1325 = tpu.memref_slice %arg2[%dma_start3A_1324, %multiple_of3A_1321] : memref<16x1000000xf32, #tpu.memory_space<hbm>> -> memref<16x128xf32, #tpu.memory_space<hbm>>
      tpu.enqueue_dma source(%dma_start3A_1325 : memref<16x128xf32, #tpu.memory_space<hbm>>) target(%arg19 : memref<16x128xf32, #tpu.memory_space<vmem>>) target_semaphore(%arg29 : memref<!tpu.dma_semaphore, #tpu.memory_space<semaphore_mem>>)
      %mul3A_1326 = arith.constant 8 : i32
      %mul3A_1327 = arith.muli %scan3A_984, %mul3A_1326 : i32
      %add3A_1328 = arith.constant 7 : i32
      %add3A_1329 = arith.addi %mul3A_1327, %add3A_1328 : i32
      %dma_wait3A_1330 = arith.constant 0 : i32
      %dma_wait3A_1331 = arith.constant 0 : i32
      %dma_wait3A_1332 = tpu.memref_slice %arg2[%dma_wait3A_1330, %dma_wait3A_1331] : memref<16x1000000xf32, #tpu.memory_space<hbm>> -> memref<16x128xf32, #tpu.memory_space<hbm>>
      %dma_wait3A_1333 = arith.constant 0 : i32
      %dma_wait3A_1334 = arith.constant 0 : i32
      %dma_wait3A_1335 = tpu.memref_slice %arg2[%dma_wait3A_1333, %dma_wait3A_1334] : memref<16x1000000xf32, #tpu.memory_space<hbm>> -> memref<16x128xf32, #tpu.memory_space<hbm>>
      tpu.wait_dma2 semaphore(%arg30 : memref<!tpu.dma_semaphore, #tpu.memory_space<semaphore_mem>>) src(%dma_wait3A_1335 : memref<16x128xf32, #tpu.memory_space<hbm>>) dst(%arg20 : memref<16x128xf32, #tpu.memory_space<vmem>>)
      %rem3A_1336 = arith.constant 128 : i32
      %rem3A_1337 = arith.remsi %scan3A_992, %rem3A_1336 : i32
      %broadcast_in_dim3A_1338 = vector.broadcast %rem3A_1337 : i32 to vector<16xi32>
      %broadcast_in_dim3A_1339 = vector.broadcast %add3A_1329 : i32 to vector<16xi32>
      %gather3A_1340 = tpu.vector_load_idx %arg20[%iota3A_859, %broadcast_in_dim3A_1338] : memref<16x128xf32, #tpu.memory_space<vmem>>[vector<16xi32>, vector<16xi32>], vector<16xf32>,
      tpu.vector_store_idx %arg12[%iota3A_859, %broadcast_in_dim3A_1339], %gather3A_1340 : memref<32x512xf32, #tpu.memory_space<vmem>>[vector<16xi32>, vector<16xi32>], vector<16xf32>,
      %add3A_1341 = arith.constant 8 : i32
      %add3A_1342 = arith.addi %add3A_1329, %add3A_1341 : i32
      %min3A_1343 = arith.constant 511 : i32
      %min3A_1344 = arith.minsi %add3A_1342, %min3A_1343 : i32
      %shift_right_logical3A_1345 = arith.constant 4 : i32
      %shift_right_logical3A_1346 = arith.shrui %min3A_1344, %shift_right_logical3A_1345 : i32
      %get3A_1347 = arith.index_cast %shift_right_logical3A_1346 : i32 to index
      %get3A_1348 = arith.constant 0 : index
      %get3A_1349 = tpu.vector_load %arg10[%get3A_1347, %get3A_1348] {strides = array<i32>} : memref<32x16xi32, #tpu.memory_space<vmem>>, vector<16xi32>,
      %and3A_1350 = arith.constant 15 : i32
      %and3A_1351 = arith.andi %min3A_1344, %and3A_1350 : i32
      %eq3A_1352 = vector.broadcast %and3A_1351 : i32 to vector<16xi32>
      %eq3A_1353 = arith.cmpi eq, %iota3A, %eq3A_1352 : vector<16xi32>
      %jit3A_1354 = arith.constant -1 : i32
      %broadcast_in_dim3A_1355 = vector.broadcast %jit3A_1354 : i32 to vector<16xi32>
      %select_n3A_1356 = arith.select %eq3A_1353, %get3A_1349, %broadcast_in_dim3A_1355 : vector<16xi1>, vector<16xi32>
      %reduce_max3A_1357 = arith.constant true
      %reduce_max3A_1358 = vector.broadcast %reduce_max3A_1357 : i1 to vector<16xi1>
      %reduce_max3A_1359 = arith.constant -2147483648 : i32
      %reduce_max3A_1360 = vector.broadcast %reduce_max3A_1359 : i32 to vector<16xi32>
      %reduce_max3A_1361 = arith.xori %select_n3A_1356, %reduce_max3A_1360 : vector<16xi32>
      %reduce_max3A_1362 = tpu.scan <max>, %reduce_max3A_1361 masked %reduce_max3A_1358 : vector<16xi32>, vector<16xi1> -> vector<16xi32>
      %reduce_max3A_1363 = arith.xori %reduce_max3A_1362, %reduce_max3A_1360 : vector<16xi32>
      %reduce_max3A_1364 = vector.extract %reduce_max3A_1363[15] : i32 from vector<16xi32>
      %shift_right_logical3A_1365 = arith.constant 7 : i32
      %shift_right_logical3A_1366 = arith.shrui %reduce_max3A_1364, %shift_right_logical3A_1365 : i32
      %mul3A_1367 = arith.constant 128 : i32
      %mul3A_1368 = arith.muli %shift_right_logical3A_1366, %mul3A_1367 : i32
      %multiple_of3A_1369 = tpu.assume_multiple %mul3A_1368, 128 : i32
      %dma_start3A_1370 = arith.constant 0 : i32
      %dma_start3A_1371 = tpu.memref_slice %arg2[%dma_start3A_1370, %multiple_of3A_1369] : memref<16x1000000xf32, #tpu.memory_space<hbm>> -> memref<16x128xf32, #tpu.memory_space<hbm>>
      %dma_start3A_1372 = arith.constant 0 : i32
      %dma_start3A_1373 = tpu.memref_slice %arg2[%dma_start3A_1372, %multiple_of3A_1369] : memref<16x1000000xf32, #tpu.memory_space<hbm>> -> memref<16x128xf32, #tpu.memory_space<hbm>>
      tpu.enqueue_dma source(%dma_start3A_1373 : memref<16x128xf32, #tpu.memory_space<hbm>>) target(%arg20 : memref<16x128xf32, #tpu.memory_space<vmem>>) target_semaphore(%arg30 : memref<!tpu.dma_semaphore, #tpu.memory_space<semaphore_mem>>)
      scf.yield %reduce_max3A_1028, %reduce_max3A_1076, %reduce_max3A_1124, %reduce_max3A_1172, %reduce_max3A_1220, %reduce_max3A_1268, %reduce_max3A_1316, %reduce_max3A_1364 : i32, i32, i32, i32, i32, i32, i32, i32
    }
    %scan3A_885 = arith.constant 16 : i32
    %dma_wait3A_886 = arith.constant 128 : i32
    %dma_wait3A_887 = tpu.memref_slice %arg9[%dma_wait3A_886] : memref<512xi32, #tpu.memory_space<vmem>> -> memref<128xi32, #tpu.memory_space<vmem>>
    %dma_wait3A_888 = arith.constant 0 : i32
    %dma_wait3A_889 = arith.constant 0 : i32
    %dma_wait3A_890 = tpu.memref_slice %arg3[%dma_wait3A_888, %dma_wait3A_889] : memref<12500x128xf32, #tpu.memory_space<hbm>> -> memref<12500x128xf32, #tpu.memory_space<hbm>>
    tpu.wait_indirect_dma semaphore(%arg32 : memref<!tpu.dma_semaphore, #tpu.memory_space<semaphore_mem>>) src(%dma_wait3A_890 : memref<12500x128xf32, #tpu.memory_space<hbm>>) dst(%arg22 : memref<128x128xf32, #tpu.memory_space<vmem>>)
    %scan3A_891 = arith.constant 0 : i32
    %scan3A_892 = arith.constant 0 : i32
    %scan3A_893 = arith.constant 128 : i32
    %scan3A_894 = arith.addi %scan3A_892, %scan3A_893 : i32
    %scan3A_895 = arith.constant 1 : i32
    scf.for %scan3A_984 = %scan3A_892 to %scan3A_894 step %scan3A_895  : i32 {
      %add3A_985 = arith.constant 128 : i32
      %add3A_986 = arith.addi %add3A_985, %scan3A_984 : i32
      %shift_right_logical3A_987 = arith.constant 4 : i32
      %shift_right_logical3A_988 = arith.shrui %add3A_986, %shift_right_logical3A_987 : i32
      %get3A_989 = arith.index_cast %shift_right_logical3A_988 : i32 to index
      %get3A_990 = arith.constant 0 : index
      %get3A_991 = tpu.vector_load %arg11[%get3A_989, %get3A_990] {strides = array<i32>} : memref<32x16xi32, #tpu.memory_space<vmem>>, vector<16xi32>,
      %and3A_992 = arith.constant 15 : i32
      %and3A_993 = arith.andi %add3A_986, %and3A_992 : i32
      %eq3A_994 = vector.broadcast %and3A_993 : i32 to vector<16xi32>
      %eq3A_995 = arith.cmpi eq, %iota3A, %eq3A_994 : vector<16xi32>
      %jit3A_996 = arith.constant -1 : i32
      %broadcast_in_dim3A_997 = vector.broadcast %jit3A_996 : i32 to vector<16xi32>
      %select_n3A_998 = arith.select %eq3A_995, %get3A_991, %broadcast_in_dim3A_997 : vector<16xi1>, vector<16xi32>
      %reduce_max3A_999 = arith.constant true
      %reduce_max3A_1000 = vector.broadcast %reduce_max3A_999 : i1 to vector<16xi1>
      %reduce_max3A_1001 = arith.constant -2147483648 : i32
      %reduce_max3A_1002 = vector.broadcast %reduce_max3A_1001 : i32 to vector<16xi32>
      %reduce_max3A_1003 = arith.xori %select_n3A_998, %reduce_max3A_1002 : vector<16xi32>
      %reduce_max3A_1004 = tpu.scan <max>, %reduce_max3A_1003 masked %reduce_max3A_1000 : vector<16xi32>, vector<16xi1> -> vector<16xi32>
      %reduce_max3A_1005 = arith.xori %reduce_max3A_1004, %reduce_max3A_1002 : vector<16xi32>
      %reduce_max3A_1006 = vector.extract %reduce_max3A_1005[15] : i32 from vector<16xi32>
      %and3A_1007 = arith.constant 7 : i32
      %and3A_1008 = arith.andi %reduce_max3A_1006, %and3A_1007 : i32
      %mul3A_1009 = arith.constant 16 : i32
      %mul3A_1010 = arith.muli %and3A_1008, %mul3A_1009 : i32
      %broadcast_in_dim3A_1011 = vector.broadcast %mul3A_1010 : i32 to vector<16xi32>
      %add3A_1012 = arith.addi %broadcast_in_dim3A_1011, %iota3A_859 : vector<16xi32>
      %broadcast_in_dim3A_1013 = vector.broadcast %scan3A_984 : i32 to vector<16xi32>
      %gather3A = tpu.vector_load_idx %arg22[%broadcast_in_dim3A_1013, %add3A_1012] : memref<128x128xf32, #tpu.memory_space<vmem>>[vector<16xi32>, vector<16xi32>], vector<16xf32>,
      %add3A_1014 = arith.constant 16 : i32
      %add3A_1015 = vector.broadcast %add3A_1014 : i32 to vector<16xi32>
      %add3A_1016 = arith.addi %iota3A_859, %add3A_1015 : vector<16xi32>
      %broadcast_in_dim3A_1017 = vector.broadcast %add3A_986 : i32 to vector<16xi32>
      tpu.vector_store_idx %arg12[%add3A_1016, %broadcast_in_dim3A_1017], %gather3A : memref<32x512xf32, #tpu.memory_space<vmem>>[vector<16xi32>, vector<16xi32>], vector<16xf32>,
    }
    %scan3A_896 = arith.constant 128 : i32
    %dma_start3A_897 = arith.constant 384 : i32
    %dma_start3A_898 = tpu.memref_slice %arg9[%dma_start3A_897] : memref<512xi32, #tpu.memory_space<vmem>> -> memref<128xi32, #tpu.memory_space<vmem>>
    %dma_start3A_899 = arith.constant 0 : i32
    %dma_start3A_900 = arith.constant 0 : i32
    %dma_start3A_901 = tpu.memref_slice %arg3[%dma_start3A_899, %dma_start3A_900] : memref<12500x128xf32, #tpu.memory_space<hbm>> -> memref<12500x128xf32, #tpu.memory_space<hbm>>
    tpu.enqueue_indirect_dma source(%dma_start3A_901 : memref<12500x128xf32, #tpu.memory_space<hbm>>) target(%arg22 : memref<128x128xf32, #tpu.memory_space<vmem>>) offsets(%dma_start3A_898 : memref<128xi32, #tpu.memory_space<vmem>>) semaphore(%arg32 : memref<!tpu.dma_semaphore, #tpu.memory_space<semaphore_mem>>)
    %scan3A_902 = arith.constant 32 : i32
    %scan3A_903 = arith.constant 16 : i32
    %scan3A_904 = arith.addi %scan3A_902, %scan3A_903 : i32
    %scan3A_905 = arith.constant 1 : i32
    %scan3A_906:8 = scf.for %scan3A_984 = %scan3A_902 to %scan3A_904 step %scan3A_905 iter_args(%scan3A_985 = %scan3A_884#0, %scan3A_986 = %scan3A_884#1, %scan3A_987 = %scan3A_884#2, %scan3A_988 = %scan3A_884#3, %scan3A_989 = %scan3A_884#4, %scan3A_990 = %scan3A_884#5, %scan3A_991 = %scan3A_884#6, %scan3A_992 = %scan3A_884#7) -> (i32, i32, i32, i32, i32, i32, i32, i32)  : i32 {
      %mul3A_993 = arith.constant 8 : i32
      %mul3A_994 = arith.muli %scan3A_984, %mul3A_993 : i32
      %add3A_995 = arith.constant 0 : i32
      %add3A_996 = arith.addi %mul3A_994, %add3A_995 : i32
      %dma_wait3A_997 = arith.constant 0 : i32
      %dma_wait3A_998 = arith.constant 0 : i32
      %dma_wait3A_999 = tpu.memref_slice %arg2[%dma_wait3A_997, %dma_wait3A_998] : memref<16x1000000xf32, #tpu.memory_space<hbm>> -> memref<16x128xf32, #tpu.memory_space<hbm>>
      %dma_wait3A_1000 = arith.constant 0 : i32
      %dma_wait3A_1001 = arith.constant 0 : i32
      %dma_wait3A_1002 = tpu.memref_slice %arg2[%dma_wait3A_1000, %dma_wait3A_1001] : memref<16x1000000xf32, #tpu.memory_space<hbm>> -> memref<16x128xf32, #tpu.memory_space<hbm>>
      tpu.wait_dma2 semaphore(%arg23 : memref<!tpu.dma_semaphore, #tpu.memory_space<semaphore_mem>>) src(%dma_wait3A_1002 : memref<16x128xf32, #tpu.memory_space<hbm>>) dst(%arg13 : memref<16x128xf32, #tpu.memory_space<vmem>>)
      %rem3A = arith.constant 128 : i32
      %rem3A_1003 = arith.remsi %scan3A_985, %rem3A : i32
      %broadcast_in_dim3A_1004 = vector.broadcast %rem3A_1003 : i32 to vector<16xi32>
      %broadcast_in_dim3A_1005 = vector.broadcast %add3A_996 : i32 to vector<16xi32>
      %gather3A = tpu.vector_load_idx %arg13[%iota3A_859, %broadcast_in_dim3A_1004] : memref<16x128xf32, #tpu.memory_space<vmem>>[vector<16xi32>, vector<16xi32>], vector<16xf32>,
      tpu.vector_store_idx %arg12[%iota3A_859, %broadcast_in_dim3A_1005], %gather3A : memref<32x512xf32, #tpu.memory_space<vmem>>[vector<16xi32>, vector<16xi32>], vector<16xf32>,
      %add3A_1006 = arith.constant 8 : i32
      %add3A_1007 = arith.addi %add3A_996, %add3A_1006 : i32
      %min3A = arith.constant 511 : i32
      %min3A_1008 = arith.minsi %add3A_1007, %min3A : i32
      %shift_right_logical3A_1009 = arith.constant 4 : i32
      %shift_right_logical3A_1010 = arith.shrui %min3A_1008, %shift_right_logical3A_1009 : i32
      %get3A_1011 = arith.index_cast %shift_right_logical3A_1010 : i32 to index
      %get3A_1012 = arith.constant 0 : index
      %get3A_1013 = tpu.vector_load %arg10[%get3A_1011, %get3A_1012] {strides = array<i32>} : memref<32x16xi32, #tpu.memory_space<vmem>>, vector<16xi32>,
      %and3A_1014 = arith.constant 15 : i32
      %and3A_1015 = arith.andi %min3A_1008, %and3A_1014 : i32
      %eq3A_1016 = vector.broadcast %and3A_1015 : i32 to vector<16xi32>
      %eq3A_1017 = arith.cmpi eq, %iota3A, %eq3A_1016 : vector<16xi32>
      %jit3A_1018 = arith.constant -1 : i32
      %broadcast_in_dim3A_1019 = vector.broadcast %jit3A_1018 : i32 to vector<16xi32>
      %select_n3A_1020 = arith.select %eq3A_1017, %get3A_1013, %broadcast_in_dim3A_1019 : vector<16xi1>, vector<16xi32>
      %reduce_max3A_1021 = arith.constant true
      %reduce_max3A_1022 = vector.broadcast %reduce_max3A_1021 : i1 to vector<16xi1>
      %reduce_max3A_1023 = arith.constant -2147483648 : i32
      %reduce_max3A_1024 = vector.broadcast %reduce_max3A_1023 : i32 to vector<16xi32>
      %reduce_max3A_1025 = arith.xori %select_n3A_1020, %reduce_max3A_1024 : vector<16xi32>
      %reduce_max3A_1026 = tpu.scan <max>, %reduce_max3A_1025 masked %reduce_max3A_1022 : vector<16xi32>, vector<16xi1> -> vector<16xi32>
      %reduce_max3A_1027 = arith.xori %reduce_max3A_1026, %reduce_max3A_1024 : vector<16xi32>
      %reduce_max3A_1028 = vector.extract %reduce_max3A_1027[15] : i32 from vector<16xi32>
      %shift_right_logical3A_1029 = arith.constant 7 : i32
      %shift_right_logical3A_1030 = arith.shrui %reduce_max3A_1028, %shift_right_logical3A_1029 : i32
      %mul3A_1031 = arith.constant 128 : i32
      %mul3A_1032 = arith.muli %shift_right_logical3A_1030, %mul3A_1031 : i32
      %multiple_of3A_1033 = tpu.assume_multiple %mul3A_1032, 128 : i32
      %dma_start3A_1034 = arith.constant 0 : i32
      %dma_start3A_1035 = tpu.memref_slice %arg2[%dma_start3A_1034, %multiple_of3A_1033] : memref<16x1000000xf32, #tpu.memory_space<hbm>> -> memref<16x128xf32, #tpu.memory_space<hbm>>
      %dma_start3A_1036 = arith.constant 0 : i32
      %dma_start3A_1037 = tpu.memref_slice %arg2[%dma_start3A_1036, %multiple_of3A_1033] : memref<16x1000000xf32, #tpu.memory_space<hbm>> -> memref<16x128xf32, #tpu.memory_space<hbm>>
      tpu.enqueue_dma source(%dma_start3A_1037 : memref<16x128xf32, #tpu.memory_space<hbm>>) target(%arg13 : memref<16x128xf32, #tpu.memory_space<vmem>>) target_semaphore(%arg23 : memref<!tpu.dma_semaphore, #tpu.memory_space<semaphore_mem>>)
      %mul3A_1038 = arith.constant 8 : i32
      %mul3A_1039 = arith.muli %scan3A_984, %mul3A_1038 : i32
      %add3A_1040 = arith.constant 1 : i32
      %add3A_1041 = arith.addi %mul3A_1039, %add3A_1040 : i32
      %dma_wait3A_1042 = arith.constant 0 : i32
      %dma_wait3A_1043 = arith.constant 0 : i32
      %dma_wait3A_1044 = tpu.memref_slice %arg2[%dma_wait3A_1042, %dma_wait3A_1043] : memref<16x1000000xf32, #tpu.memory_space<hbm>> -> memref<16x128xf32, #tpu.memory_space<hbm>>
      %dma_wait3A_1045 = arith.constant 0 : i32
      %dma_wait3A_1046 = arith.constant 0 : i32
      %dma_wait3A_1047 = tpu.memref_slice %arg2[%dma_wait3A_1045, %dma_wait3A_1046] : memref<16x1000000xf32, #tpu.memory_space<hbm>> -> memref<16x128xf32, #tpu.memory_space<hbm>>
      tpu.wait_dma2 semaphore(%arg24 : memref<!tpu.dma_semaphore, #tpu.memory_space<semaphore_mem>>) src(%dma_wait3A_1047 : memref<16x128xf32, #tpu.memory_space<hbm>>) dst(%arg14 : memref<16x128xf32, #tpu.memory_space<vmem>>)
      %rem3A_1048 = arith.constant 128 : i32
      %rem3A_1049 = arith.remsi %scan3A_986, %rem3A_1048 : i32
      %broadcast_in_dim3A_1050 = vector.broadcast %rem3A_1049 : i32 to vector<16xi32>
      %broadcast_in_dim3A_1051 = vector.broadcast %add3A_1041 : i32 to vector<16xi32>
      %gather3A_1052 = tpu.vector_load_idx %arg14[%iota3A_859, %broadcast_in_dim3A_1050] : memref<16x128xf32, #tpu.memory_space<vmem>>[vector<16xi32>, vector<16xi32>], vector<16xf32>,
      tpu.vector_store_idx %arg12[%iota3A_859, %broadcast_in_dim3A_1051], %gather3A_1052 : memref<32x512xf32, #tpu.memory_space<vmem>>[vector<16xi32>, vector<16xi32>], vector<16xf32>,
      %add3A_1053 = arith.constant 8 : i32
      %add3A_1054 = arith.addi %add3A_1041, %add3A_1053 : i32
      %min3A_1055 = arith.constant 511 : i32
      %min3A_1056 = arith.minsi %add3A_1054, %min3A_1055 : i32
      %shift_right_logical3A_1057 = arith.constant 4 : i32
      %shift_right_logical3A_1058 = arith.shrui %min3A_1056, %shift_right_logical3A_1057 : i32
      %get3A_1059 = arith.index_cast %shift_right_logical3A_1058 : i32 to index
      %get3A_1060 = arith.constant 0 : index
      %get3A_1061 = tpu.vector_load %arg10[%get3A_1059, %get3A_1060] {strides = array<i32>} : memref<32x16xi32, #tpu.memory_space<vmem>>, vector<16xi32>,
      %and3A_1062 = arith.constant 15 : i32
      %and3A_1063 = arith.andi %min3A_1056, %and3A_1062 : i32
      %eq3A_1064 = vector.broadcast %and3A_1063 : i32 to vector<16xi32>
      %eq3A_1065 = arith.cmpi eq, %iota3A, %eq3A_1064 : vector<16xi32>
      %jit3A_1066 = arith.constant -1 : i32
      %broadcast_in_dim3A_1067 = vector.broadcast %jit3A_1066 : i32 to vector<16xi32>
      %select_n3A_1068 = arith.select %eq3A_1065, %get3A_1061, %broadcast_in_dim3A_1067 : vector<16xi1>, vector<16xi32>
      %reduce_max3A_1069 = arith.constant true
      %reduce_max3A_1070 = vector.broadcast %reduce_max3A_1069 : i1 to vector<16xi1>
      %reduce_max3A_1071 = arith.constant -2147483648 : i32
      %reduce_max3A_1072 = vector.broadcast %reduce_max3A_1071 : i32 to vector<16xi32>
      %reduce_max3A_1073 = arith.xori %select_n3A_1068, %reduce_max3A_1072 : vector<16xi32>
      %reduce_max3A_1074 = tpu.scan <max>, %reduce_max3A_1073 masked %reduce_max3A_1070 : vector<16xi32>, vector<16xi1> -> vector<16xi32>
      %reduce_max3A_1075 = arith.xori %reduce_max3A_1074, %reduce_max3A_1072 : vector<16xi32>
      %reduce_max3A_1076 = vector.extract %reduce_max3A_1075[15] : i32 from vector<16xi32>
      %shift_right_logical3A_1077 = arith.constant 7 : i32
      %shift_right_logical3A_1078 = arith.shrui %reduce_max3A_1076, %shift_right_logical3A_1077 : i32
      %mul3A_1079 = arith.constant 128 : i32
      %mul3A_1080 = arith.muli %shift_right_logical3A_1078, %mul3A_1079 : i32
      %multiple_of3A_1081 = tpu.assume_multiple %mul3A_1080, 128 : i32
      %dma_start3A_1082 = arith.constant 0 : i32
      %dma_start3A_1083 = tpu.memref_slice %arg2[%dma_start3A_1082, %multiple_of3A_1081] : memref<16x1000000xf32, #tpu.memory_space<hbm>> -> memref<16x128xf32, #tpu.memory_space<hbm>>
      %dma_start3A_1084 = arith.constant 0 : i32
      %dma_start3A_1085 = tpu.memref_slice %arg2[%dma_start3A_1084, %multiple_of3A_1081] : memref<16x1000000xf32, #tpu.memory_space<hbm>> -> memref<16x128xf32, #tpu.memory_space<hbm>>
      tpu.enqueue_dma source(%dma_start3A_1085 : memref<16x128xf32, #tpu.memory_space<hbm>>) target(%arg14 : memref<16x128xf32, #tpu.memory_space<vmem>>) target_semaphore(%arg24 : memref<!tpu.dma_semaphore, #tpu.memory_space<semaphore_mem>>)
      %mul3A_1086 = arith.constant 8 : i32
      %mul3A_1087 = arith.muli %scan3A_984, %mul3A_1086 : i32
      %add3A_1088 = arith.constant 2 : i32
      %add3A_1089 = arith.addi %mul3A_1087, %add3A_1088 : i32
      %dma_wait3A_1090 = arith.constant 0 : i32
      %dma_wait3A_1091 = arith.constant 0 : i32
      %dma_wait3A_1092 = tpu.memref_slice %arg2[%dma_wait3A_1090, %dma_wait3A_1091] : memref<16x1000000xf32, #tpu.memory_space<hbm>> -> memref<16x128xf32, #tpu.memory_space<hbm>>
      %dma_wait3A_1093 = arith.constant 0 : i32
      %dma_wait3A_1094 = arith.constant 0 : i32
      %dma_wait3A_1095 = tpu.memref_slice %arg2[%dma_wait3A_1093, %dma_wait3A_1094] : memref<16x1000000xf32, #tpu.memory_space<hbm>> -> memref<16x128xf32, #tpu.memory_space<hbm>>
      tpu.wait_dma2 semaphore(%arg25 : memref<!tpu.dma_semaphore, #tpu.memory_space<semaphore_mem>>) src(%dma_wait3A_1095 : memref<16x128xf32, #tpu.memory_space<hbm>>) dst(%arg15 : memref<16x128xf32, #tpu.memory_space<vmem>>)
      %rem3A_1096 = arith.constant 128 : i32
      %rem3A_1097 = arith.remsi %scan3A_987, %rem3A_1096 : i32
      %broadcast_in_dim3A_1098 = vector.broadcast %rem3A_1097 : i32 to vector<16xi32>
      %broadcast_in_dim3A_1099 = vector.broadcast %add3A_1089 : i32 to vector<16xi32>
      %gather3A_1100 = tpu.vector_load_idx %arg15[%iota3A_859, %broadcast_in_dim3A_1098] : memref<16x128xf32, #tpu.memory_space<vmem>>[vector<16xi32>, vector<16xi32>], vector<16xf32>,
      tpu.vector_store_idx %arg12[%iota3A_859, %broadcast_in_dim3A_1099], %gather3A_1100 : memref<32x512xf32, #tpu.memory_space<vmem>>[vector<16xi32>, vector<16xi32>], vector<16xf32>,
      %add3A_1101 = arith.constant 8 : i32
      %add3A_1102 = arith.addi %add3A_1089, %add3A_1101 : i32
      %min3A_1103 = arith.constant 511 : i32
      %min3A_1104 = arith.minsi %add3A_1102, %min3A_1103 : i32
      %shift_right_logical3A_1105 = arith.constant 4 : i32
      %shift_right_logical3A_1106 = arith.shrui %min3A_1104, %shift_right_logical3A_1105 : i32
      %get3A_1107 = arith.index_cast %shift_right_logical3A_1106 : i32 to index
      %get3A_1108 = arith.constant 0 : index
      %get3A_1109 = tpu.vector_load %arg10[%get3A_1107, %get3A_1108] {strides = array<i32>} : memref<32x16xi32, #tpu.memory_space<vmem>>, vector<16xi32>,
      %and3A_1110 = arith.constant 15 : i32
      %and3A_1111 = arith.andi %min3A_1104, %and3A_1110 : i32
      %eq3A_1112 = vector.broadcast %and3A_1111 : i32 to vector<16xi32>
      %eq3A_1113 = arith.cmpi eq, %iota3A, %eq3A_1112 : vector<16xi32>
      %jit3A_1114 = arith.constant -1 : i32
      %broadcast_in_dim3A_1115 = vector.broadcast %jit3A_1114 : i32 to vector<16xi32>
      %select_n3A_1116 = arith.select %eq3A_1113, %get3A_1109, %broadcast_in_dim3A_1115 : vector<16xi1>, vector<16xi32>
      %reduce_max3A_1117 = arith.constant true
      %reduce_max3A_1118 = vector.broadcast %reduce_max3A_1117 : i1 to vector<16xi1>
      %reduce_max3A_1119 = arith.constant -2147483648 : i32
      %reduce_max3A_1120 = vector.broadcast %reduce_max3A_1119 : i32 to vector<16xi32>
      %reduce_max3A_1121 = arith.xori %select_n3A_1116, %reduce_max3A_1120 : vector<16xi32>
      %reduce_max3A_1122 = tpu.scan <max>, %reduce_max3A_1121 masked %reduce_max3A_1118 : vector<16xi32>, vector<16xi1> -> vector<16xi32>
      %reduce_max3A_1123 = arith.xori %reduce_max3A_1122, %reduce_max3A_1120 : vector<16xi32>
      %reduce_max3A_1124 = vector.extract %reduce_max3A_1123[15] : i32 from vector<16xi32>
      %shift_right_logical3A_1125 = arith.constant 7 : i32
      %shift_right_logical3A_1126 = arith.shrui %reduce_max3A_1124, %shift_right_logical3A_1125 : i32
      %mul3A_1127 = arith.constant 128 : i32
      %mul3A_1128 = arith.muli %shift_right_logical3A_1126, %mul3A_1127 : i32
      %multiple_of3A_1129 = tpu.assume_multiple %mul3A_1128, 128 : i32
      %dma_start3A_1130 = arith.constant 0 : i32
      %dma_start3A_1131 = tpu.memref_slice %arg2[%dma_start3A_1130, %multiple_of3A_1129] : memref<16x1000000xf32, #tpu.memory_space<hbm>> -> memref<16x128xf32, #tpu.memory_space<hbm>>
      %dma_start3A_1132 = arith.constant 0 : i32
      %dma_start3A_1133 = tpu.memref_slice %arg2[%dma_start3A_1132, %multiple_of3A_1129] : memref<16x1000000xf32, #tpu.memory_space<hbm>> -> memref<16x128xf32, #tpu.memory_space<hbm>>
      tpu.enqueue_dma source(%dma_start3A_1133 : memref<16x128xf32, #tpu.memory_space<hbm>>) target(%arg15 : memref<16x128xf32, #tpu.memory_space<vmem>>) target_semaphore(%arg25 : memref<!tpu.dma_semaphore, #tpu.memory_space<semaphore_mem>>)
      %mul3A_1134 = arith.constant 8 : i32
      %mul3A_1135 = arith.muli %scan3A_984, %mul3A_1134 : i32
      %add3A_1136 = arith.constant 3 : i32
      %add3A_1137 = arith.addi %mul3A_1135, %add3A_1136 : i32
      %dma_wait3A_1138 = arith.constant 0 : i32
      %dma_wait3A_1139 = arith.constant 0 : i32
      %dma_wait3A_1140 = tpu.memref_slice %arg2[%dma_wait3A_1138, %dma_wait3A_1139] : memref<16x1000000xf32, #tpu.memory_space<hbm>> -> memref<16x128xf32, #tpu.memory_space<hbm>>
      %dma_wait3A_1141 = arith.constant 0 : i32
      %dma_wait3A_1142 = arith.constant 0 : i32
      %dma_wait3A_1143 = tpu.memref_slice %arg2[%dma_wait3A_1141, %dma_wait3A_1142] : memref<16x1000000xf32, #tpu.memory_space<hbm>> -> memref<16x128xf32, #tpu.memory_space<hbm>>
      tpu.wait_dma2 semaphore(%arg26 : memref<!tpu.dma_semaphore, #tpu.memory_space<semaphore_mem>>) src(%dma_wait3A_1143 : memref<16x128xf32, #tpu.memory_space<hbm>>) dst(%arg16 : memref<16x128xf32, #tpu.memory_space<vmem>>)
      %rem3A_1144 = arith.constant 128 : i32
      %rem3A_1145 = arith.remsi %scan3A_988, %rem3A_1144 : i32
      %broadcast_in_dim3A_1146 = vector.broadcast %rem3A_1145 : i32 to vector<16xi32>
      %broadcast_in_dim3A_1147 = vector.broadcast %add3A_1137 : i32 to vector<16xi32>
      %gather3A_1148 = tpu.vector_load_idx %arg16[%iota3A_859, %broadcast_in_dim3A_1146] : memref<16x128xf32, #tpu.memory_space<vmem>>[vector<16xi32>, vector<16xi32>], vector<16xf32>,
      tpu.vector_store_idx %arg12[%iota3A_859, %broadcast_in_dim3A_1147], %gather3A_1148 : memref<32x512xf32, #tpu.memory_space<vmem>>[vector<16xi32>, vector<16xi32>], vector<16xf32>,
      %add3A_1149 = arith.constant 8 : i32
      %add3A_1150 = arith.addi %add3A_1137, %add3A_1149 : i32
      %min3A_1151 = arith.constant 511 : i32
      %min3A_1152 = arith.minsi %add3A_1150, %min3A_1151 : i32
      %shift_right_logical3A_1153 = arith.constant 4 : i32
      %shift_right_logical3A_1154 = arith.shrui %min3A_1152, %shift_right_logical3A_1153 : i32
      %get3A_1155 = arith.index_cast %shift_right_logical3A_1154 : i32 to index
      %get3A_1156 = arith.constant 0 : index
      %get3A_1157 = tpu.vector_load %arg10[%get3A_1155, %get3A_1156] {strides = array<i32>} : memref<32x16xi32, #tpu.memory_space<vmem>>, vector<16xi32>,
      %and3A_1158 = arith.constant 15 : i32
      %and3A_1159 = arith.andi %min3A_1152, %and3A_1158 : i32
      %eq3A_1160 = vector.broadcast %and3A_1159 : i32 to vector<16xi32>
      %eq3A_1161 = arith.cmpi eq, %iota3A, %eq3A_1160 : vector<16xi32>
      %jit3A_1162 = arith.constant -1 : i32
      %broadcast_in_dim3A_1163 = vector.broadcast %jit3A_1162 : i32 to vector<16xi32>
      %select_n3A_1164 = arith.select %eq3A_1161, %get3A_1157, %broadcast_in_dim3A_1163 : vector<16xi1>, vector<16xi32>
      %reduce_max3A_1165 = arith.constant true
      %reduce_max3A_1166 = vector.broadcast %reduce_max3A_1165 : i1 to vector<16xi1>
      %reduce_max3A_1167 = arith.constant -2147483648 : i32
      %reduce_max3A_1168 = vector.broadcast %reduce_max3A_1167 : i32 to vector<16xi32>
      %reduce_max3A_1169 = arith.xori %select_n3A_1164, %reduce_max3A_1168 : vector<16xi32>
      %reduce_max3A_1170 = tpu.scan <max>, %reduce_max3A_1169 masked %reduce_max3A_1166 : vector<16xi32>, vector<16xi1> -> vector<16xi32>
      %reduce_max3A_1171 = arith.xori %reduce_max3A_1170, %reduce_max3A_1168 : vector<16xi32>
      %reduce_max3A_1172 = vector.extract %reduce_max3A_1171[15] : i32 from vector<16xi32>
      %shift_right_logical3A_1173 = arith.constant 7 : i32
      %shift_right_logical3A_1174 = arith.shrui %reduce_max3A_1172, %shift_right_logical3A_1173 : i32
      %mul3A_1175 = arith.constant 128 : i32
      %mul3A_1176 = arith.muli %shift_right_logical3A_1174, %mul3A_1175 : i32
      %multiple_of3A_1177 = tpu.assume_multiple %mul3A_1176, 128 : i32
      %dma_start3A_1178 = arith.constant 0 : i32
      %dma_start3A_1179 = tpu.memref_slice %arg2[%dma_start3A_1178, %multiple_of3A_1177] : memref<16x1000000xf32, #tpu.memory_space<hbm>> -> memref<16x128xf32, #tpu.memory_space<hbm>>
      %dma_start3A_1180 = arith.constant 0 : i32
      %dma_start3A_1181 = tpu.memref_slice %arg2[%dma_start3A_1180, %multiple_of3A_1177] : memref<16x1000000xf32, #tpu.memory_space<hbm>> -> memref<16x128xf32, #tpu.memory_space<hbm>>
      tpu.enqueue_dma source(%dma_start3A_1181 : memref<16x128xf32, #tpu.memory_space<hbm>>) target(%arg16 : memref<16x128xf32, #tpu.memory_space<vmem>>) target_semaphore(%arg26 : memref<!tpu.dma_semaphore, #tpu.memory_space<semaphore_mem>>)
      %mul3A_1182 = arith.constant 8 : i32
      %mul3A_1183 = arith.muli %scan3A_984, %mul3A_1182 : i32
      %add3A_1184 = arith.constant 4 : i32
      %add3A_1185 = arith.addi %mul3A_1183, %add3A_1184 : i32
      %dma_wait3A_1186 = arith.constant 0 : i32
      %dma_wait3A_1187 = arith.constant 0 : i32
      %dma_wait3A_1188 = tpu.memref_slice %arg2[%dma_wait3A_1186, %dma_wait3A_1187] : memref<16x1000000xf32, #tpu.memory_space<hbm>> -> memref<16x128xf32, #tpu.memory_space<hbm>>
      %dma_wait3A_1189 = arith.constant 0 : i32
      %dma_wait3A_1190 = arith.constant 0 : i32
      %dma_wait3A_1191 = tpu.memref_slice %arg2[%dma_wait3A_1189, %dma_wait3A_1190] : memref<16x1000000xf32, #tpu.memory_space<hbm>> -> memref<16x128xf32, #tpu.memory_space<hbm>>
      tpu.wait_dma2 semaphore(%arg27 : memref<!tpu.dma_semaphore, #tpu.memory_space<semaphore_mem>>) src(%dma_wait3A_1191 : memref<16x128xf32, #tpu.memory_space<hbm>>) dst(%arg17 : memref<16x128xf32, #tpu.memory_space<vmem>>)
      %rem3A_1192 = arith.constant 128 : i32
      %rem3A_1193 = arith.remsi %scan3A_989, %rem3A_1192 : i32
      %broadcast_in_dim3A_1194 = vector.broadcast %rem3A_1193 : i32 to vector<16xi32>
      %broadcast_in_dim3A_1195 = vector.broadcast %add3A_1185 : i32 to vector<16xi32>
      %gather3A_1196 = tpu.vector_load_idx %arg17[%iota3A_859, %broadcast_in_dim3A_1194] : memref<16x128xf32, #tpu.memory_space<vmem>>[vector<16xi32>, vector<16xi32>], vector<16xf32>,
      tpu.vector_store_idx %arg12[%iota3A_859, %broadcast_in_dim3A_1195], %gather3A_1196 : memref<32x512xf32, #tpu.memory_space<vmem>>[vector<16xi32>, vector<16xi32>], vector<16xf32>,
      %add3A_1197 = arith.constant 8 : i32
      %add3A_1198 = arith.addi %add3A_1185, %add3A_1197 : i32
      %min3A_1199 = arith.constant 511 : i32
      %min3A_1200 = arith.minsi %add3A_1198, %min3A_1199 : i32
      %shift_right_logical3A_1201 = arith.constant 4 : i32
      %shift_right_logical3A_1202 = arith.shrui %min3A_1200, %shift_right_logical3A_1201 : i32
      %get3A_1203 = arith.index_cast %shift_right_logical3A_1202 : i32 to index
      %get3A_1204 = arith.constant 0 : index
      %get3A_1205 = tpu.vector_load %arg10[%get3A_1203, %get3A_1204] {strides = array<i32>} : memref<32x16xi32, #tpu.memory_space<vmem>>, vector<16xi32>,
      %and3A_1206 = arith.constant 15 : i32
      %and3A_1207 = arith.andi %min3A_1200, %and3A_1206 : i32
      %eq3A_1208 = vector.broadcast %and3A_1207 : i32 to vector<16xi32>
      %eq3A_1209 = arith.cmpi eq, %iota3A, %eq3A_1208 : vector<16xi32>
      %jit3A_1210 = arith.constant -1 : i32
      %broadcast_in_dim3A_1211 = vector.broadcast %jit3A_1210 : i32 to vector<16xi32>
      %select_n3A_1212 = arith.select %eq3A_1209, %get3A_1205, %broadcast_in_dim3A_1211 : vector<16xi1>, vector<16xi32>
      %reduce_max3A_1213 = arith.constant true
      %reduce_max3A_1214 = vector.broadcast %reduce_max3A_1213 : i1 to vector<16xi1>
      %reduce_max3A_1215 = arith.constant -2147483648 : i32
      %reduce_max3A_1216 = vector.broadcast %reduce_max3A_1215 : i32 to vector<16xi32>
      %reduce_max3A_1217 = arith.xori %select_n3A_1212, %reduce_max3A_1216 : vector<16xi32>
      %reduce_max3A_1218 = tpu.scan <max>, %reduce_max3A_1217 masked %reduce_max3A_1214 : vector<16xi32>, vector<16xi1> -> vector<16xi32>
      %reduce_max3A_1219 = arith.xori %reduce_max3A_1218, %reduce_max3A_1216 : vector<16xi32>
      %reduce_max3A_1220 = vector.extract %reduce_max3A_1219[15] : i32 from vector<16xi32>
      %shift_right_logical3A_1221 = arith.constant 7 : i32
      %shift_right_logical3A_1222 = arith.shrui %reduce_max3A_1220, %shift_right_logical3A_1221 : i32
      %mul3A_1223 = arith.constant 128 : i32
      %mul3A_1224 = arith.muli %shift_right_logical3A_1222, %mul3A_1223 : i32
      %multiple_of3A_1225 = tpu.assume_multiple %mul3A_1224, 128 : i32
      %dma_start3A_1226 = arith.constant 0 : i32
      %dma_start3A_1227 = tpu.memref_slice %arg2[%dma_start3A_1226, %multiple_of3A_1225] : memref<16x1000000xf32, #tpu.memory_space<hbm>> -> memref<16x128xf32, #tpu.memory_space<hbm>>
      %dma_start3A_1228 = arith.constant 0 : i32
      %dma_start3A_1229 = tpu.memref_slice %arg2[%dma_start3A_1228, %multiple_of3A_1225] : memref<16x1000000xf32, #tpu.memory_space<hbm>> -> memref<16x128xf32, #tpu.memory_space<hbm>>
      tpu.enqueue_dma source(%dma_start3A_1229 : memref<16x128xf32, #tpu.memory_space<hbm>>) target(%arg17 : memref<16x128xf32, #tpu.memory_space<vmem>>) target_semaphore(%arg27 : memref<!tpu.dma_semaphore, #tpu.memory_space<semaphore_mem>>)
      %mul3A_1230 = arith.constant 8 : i32
      %mul3A_1231 = arith.muli %scan3A_984, %mul3A_1230 : i32
      %add3A_1232 = arith.constant 5 : i32
      %add3A_1233 = arith.addi %mul3A_1231, %add3A_1232 : i32
      %dma_wait3A_1234 = arith.constant 0 : i32
      %dma_wait3A_1235 = arith.constant 0 : i32
      %dma_wait3A_1236 = tpu.memref_slice %arg2[%dma_wait3A_1234, %dma_wait3A_1235] : memref<16x1000000xf32, #tpu.memory_space<hbm>> -> memref<16x128xf32, #tpu.memory_space<hbm>>
      %dma_wait3A_1237 = arith.constant 0 : i32
      %dma_wait3A_1238 = arith.constant 0 : i32
      %dma_wait3A_1239 = tpu.memref_slice %arg2[%dma_wait3A_1237, %dma_wait3A_1238] : memref<16x1000000xf32, #tpu.memory_space<hbm>> -> memref<16x128xf32, #tpu.memory_space<hbm>>
      tpu.wait_dma2 semaphore(%arg28 : memref<!tpu.dma_semaphore, #tpu.memory_space<semaphore_mem>>) src(%dma_wait3A_1239 : memref<16x128xf32, #tpu.memory_space<hbm>>) dst(%arg18 : memref<16x128xf32, #tpu.memory_space<vmem>>)
      %rem3A_1240 = arith.constant 128 : i32
      %rem3A_1241 = arith.remsi %scan3A_990, %rem3A_1240 : i32
      %broadcast_in_dim3A_1242 = vector.broadcast %rem3A_1241 : i32 to vector<16xi32>
      %broadcast_in_dim3A_1243 = vector.broadcast %add3A_1233 : i32 to vector<16xi32>
      %gather3A_1244 = tpu.vector_load_idx %arg18[%iota3A_859, %broadcast_in_dim3A_1242] : memref<16x128xf32, #tpu.memory_space<vmem>>[vector<16xi32>, vector<16xi32>], vector<16xf32>,
      tpu.vector_store_idx %arg12[%iota3A_859, %broadcast_in_dim3A_1243], %gather3A_1244 : memref<32x512xf32, #tpu.memory_space<vmem>>[vector<16xi32>, vector<16xi32>], vector<16xf32>,
      %add3A_1245 = arith.constant 8 : i32
      %add3A_1246 = arith.addi %add3A_1233, %add3A_1245 : i32
      %min3A_1247 = arith.constant 511 : i32
      %min3A_1248 = arith.minsi %add3A_1246, %min3A_1247 : i32
      %shift_right_logical3A_1249 = arith.constant 4 : i32
      %shift_right_logical3A_1250 = arith.shrui %min3A_1248, %shift_right_logical3A_1249 : i32
      %get3A_1251 = arith.index_cast %shift_right_logical3A_1250 : i32 to index
      %get3A_1252 = arith.constant 0 : index
      %get3A_1253 = tpu.vector_load %arg10[%get3A_1251, %get3A_1252] {strides = array<i32>} : memref<32x16xi32, #tpu.memory_space<vmem>>, vector<16xi32>,
      %and3A_1254 = arith.constant 15 : i32
      %and3A_1255 = arith.andi %min3A_1248, %and3A_1254 : i32
      %eq3A_1256 = vector.broadcast %and3A_1255 : i32 to vector<16xi32>
      %eq3A_1257 = arith.cmpi eq, %iota3A, %eq3A_1256 : vector<16xi32>
      %jit3A_1258 = arith.constant -1 : i32
      %broadcast_in_dim3A_1259 = vector.broadcast %jit3A_1258 : i32 to vector<16xi32>
      %select_n3A_1260 = arith.select %eq3A_1257, %get3A_1253, %broadcast_in_dim3A_1259 : vector<16xi1>, vector<16xi32>
      %reduce_max3A_1261 = arith.constant true
      %reduce_max3A_1262 = vector.broadcast %reduce_max3A_1261 : i1 to vector<16xi1>
      %reduce_max3A_1263 = arith.constant -2147483648 : i32
      %reduce_max3A_1264 = vector.broadcast %reduce_max3A_1263 : i32 to vector<16xi32>
      %reduce_max3A_1265 = arith.xori %select_n3A_1260, %reduce_max3A_1264 : vector<16xi32>
      %reduce_max3A_1266 = tpu.scan <max>, %reduce_max3A_1265 masked %reduce_max3A_1262 : vector<16xi32>, vector<16xi1> -> vector<16xi32>
      %reduce_max3A_1267 = arith.xori %reduce_max3A_1266, %reduce_max3A_1264 : vector<16xi32>
      %reduce_max3A_1268 = vector.extract %reduce_max3A_1267[15] : i32 from vector<16xi32>
      %shift_right_logical3A_1269 = arith.constant 7 : i32
      %shift_right_logical3A_1270 = arith.shrui %reduce_max3A_1268, %shift_right_logical3A_1269 : i32
      %mul3A_1271 = arith.constant 128 : i32
      %mul3A_1272 = arith.muli %shift_right_logical3A_1270, %mul3A_1271 : i32
      %multiple_of3A_1273 = tpu.assume_multiple %mul3A_1272, 128 : i32
      %dma_start3A_1274 = arith.constant 0 : i32
      %dma_start3A_1275 = tpu.memref_slice %arg2[%dma_start3A_1274, %multiple_of3A_1273] : memref<16x1000000xf32, #tpu.memory_space<hbm>> -> memref<16x128xf32, #tpu.memory_space<hbm>>
      %dma_start3A_1276 = arith.constant 0 : i32
      %dma_start3A_1277 = tpu.memref_slice %arg2[%dma_start3A_1276, %multiple_of3A_1273] : memref<16x1000000xf32, #tpu.memory_space<hbm>> -> memref<16x128xf32, #tpu.memory_space<hbm>>
      tpu.enqueue_dma source(%dma_start3A_1277 : memref<16x128xf32, #tpu.memory_space<hbm>>) target(%arg18 : memref<16x128xf32, #tpu.memory_space<vmem>>) target_semaphore(%arg28 : memref<!tpu.dma_semaphore, #tpu.memory_space<semaphore_mem>>)
      %mul3A_1278 = arith.constant 8 : i32
      %mul3A_1279 = arith.muli %scan3A_984, %mul3A_1278 : i32
      %add3A_1280 = arith.constant 6 : i32
      %add3A_1281 = arith.addi %mul3A_1279, %add3A_1280 : i32
      %dma_wait3A_1282 = arith.constant 0 : i32
      %dma_wait3A_1283 = arith.constant 0 : i32
      %dma_wait3A_1284 = tpu.memref_slice %arg2[%dma_wait3A_1282, %dma_wait3A_1283] : memref<16x1000000xf32, #tpu.memory_space<hbm>> -> memref<16x128xf32, #tpu.memory_space<hbm>>
      %dma_wait3A_1285 = arith.constant 0 : i32
      %dma_wait3A_1286 = arith.constant 0 : i32
      %dma_wait3A_1287 = tpu.memref_slice %arg2[%dma_wait3A_1285, %dma_wait3A_1286] : memref<16x1000000xf32, #tpu.memory_space<hbm>> -> memref<16x128xf32, #tpu.memory_space<hbm>>
      tpu.wait_dma2 semaphore(%arg29 : memref<!tpu.dma_semaphore, #tpu.memory_space<semaphore_mem>>) src(%dma_wait3A_1287 : memref<16x128xf32, #tpu.memory_space<hbm>>) dst(%arg19 : memref<16x128xf32, #tpu.memory_space<vmem>>)
      %rem3A_1288 = arith.constant 128 : i32
      %rem3A_1289 = arith.remsi %scan3A_991, %rem3A_1288 : i32
      %broadcast_in_dim3A_1290 = vector.broadcast %rem3A_1289 : i32 to vector<16xi32>
      %broadcast_in_dim3A_1291 = vector.broadcast %add3A_1281 : i32 to vector<16xi32>
      %gather3A_1292 = tpu.vector_load_idx %arg19[%iota3A_859, %broadcast_in_dim3A_1290] : memref<16x128xf32, #tpu.memory_space<vmem>>[vector<16xi32>, vector<16xi32>], vector<16xf32>,
      tpu.vector_store_idx %arg12[%iota3A_859, %broadcast_in_dim3A_1291], %gather3A_1292 : memref<32x512xf32, #tpu.memory_space<vmem>>[vector<16xi32>, vector<16xi32>], vector<16xf32>,
      %add3A_1293 = arith.constant 8 : i32
      %add3A_1294 = arith.addi %add3A_1281, %add3A_1293 : i32
      %min3A_1295 = arith.constant 511 : i32
      %min3A_1296 = arith.minsi %add3A_1294, %min3A_1295 : i32
      %shift_right_logical3A_1297 = arith.constant 4 : i32
      %shift_right_logical3A_1298 = arith.shrui %min3A_1296, %shift_right_logical3A_1297 : i32
      %get3A_1299 = arith.index_cast %shift_right_logical3A_1298 : i32 to index
      %get3A_1300 = arith.constant 0 : index
      %get3A_1301 = tpu.vector_load %arg10[%get3A_1299, %get3A_1300] {strides = array<i32>} : memref<32x16xi32, #tpu.memory_space<vmem>>, vector<16xi32>,
      %and3A_1302 = arith.constant 15 : i32
      %and3A_1303 = arith.andi %min3A_1296, %and3A_1302 : i32
      %eq3A_1304 = vector.broadcast %and3A_1303 : i32 to vector<16xi32>
      %eq3A_1305 = arith.cmpi eq, %iota3A, %eq3A_1304 : vector<16xi32>
      %jit3A_1306 = arith.constant -1 : i32
      %broadcast_in_dim3A_1307 = vector.broadcast %jit3A_1306 : i32 to vector<16xi32>
      %select_n3A_1308 = arith.select %eq3A_1305, %get3A_1301, %broadcast_in_dim3A_1307 : vector<16xi1>, vector<16xi32>
      %reduce_max3A_1309 = arith.constant true
      %reduce_max3A_1310 = vector.broadcast %reduce_max3A_1309 : i1 to vector<16xi1>
      %reduce_max3A_1311 = arith.constant -2147483648 : i32
      %reduce_max3A_1312 = vector.broadcast %reduce_max3A_1311 : i32 to vector<16xi32>
      %reduce_max3A_1313 = arith.xori %select_n3A_1308, %reduce_max3A_1312 : vector<16xi32>
      %reduce_max3A_1314 = tpu.scan <max>, %reduce_max3A_1313 masked %reduce_max3A_1310 : vector<16xi32>, vector<16xi1> -> vector<16xi32>
      %reduce_max3A_1315 = arith.xori %reduce_max3A_1314, %reduce_max3A_1312 : vector<16xi32>
      %reduce_max3A_1316 = vector.extract %reduce_max3A_1315[15] : i32 from vector<16xi32>
      %shift_right_logical3A_1317 = arith.constant 7 : i32
      %shift_right_logical3A_1318 = arith.shrui %reduce_max3A_1316, %shift_right_logical3A_1317 : i32
      %mul3A_1319 = arith.constant 128 : i32
      %mul3A_1320 = arith.muli %shift_right_logical3A_1318, %mul3A_1319 : i32
      %multiple_of3A_1321 = tpu.assume_multiple %mul3A_1320, 128 : i32
      %dma_start3A_1322 = arith.constant 0 : i32
      %dma_start3A_1323 = tpu.memref_slice %arg2[%dma_start3A_1322, %multiple_of3A_1321] : memref<16x1000000xf32, #tpu.memory_space<hbm>> -> memref<16x128xf32, #tpu.memory_space<hbm>>
      %dma_start3A_1324 = arith.constant 0 : i32
      %dma_start3A_1325 = tpu.memref_slice %arg2[%dma_start3A_1324, %multiple_of3A_1321] : memref<16x1000000xf32, #tpu.memory_space<hbm>> -> memref<16x128xf32, #tpu.memory_space<hbm>>
      tpu.enqueue_dma source(%dma_start3A_1325 : memref<16x128xf32, #tpu.memory_space<hbm>>) target(%arg19 : memref<16x128xf32, #tpu.memory_space<vmem>>) target_semaphore(%arg29 : memref<!tpu.dma_semaphore, #tpu.memory_space<semaphore_mem>>)
      %mul3A_1326 = arith.constant 8 : i32
      %mul3A_1327 = arith.muli %scan3A_984, %mul3A_1326 : i32
      %add3A_1328 = arith.constant 7 : i32
      %add3A_1329 = arith.addi %mul3A_1327, %add3A_1328 : i32
      %dma_wait3A_1330 = arith.constant 0 : i32
      %dma_wait3A_1331 = arith.constant 0 : i32
      %dma_wait3A_1332 = tpu.memref_slice %arg2[%dma_wait3A_1330, %dma_wait3A_1331] : memref<16x1000000xf32, #tpu.memory_space<hbm>> -> memref<16x128xf32, #tpu.memory_space<hbm>>
      %dma_wait3A_1333 = arith.constant 0 : i32
      %dma_wait3A_1334 = arith.constant 0 : i32
      %dma_wait3A_1335 = tpu.memref_slice %arg2[%dma_wait3A_1333, %dma_wait3A_1334] : memref<16x1000000xf32, #tpu.memory_space<hbm>> -> memref<16x128xf32, #tpu.memory_space<hbm>>
      tpu.wait_dma2 semaphore(%arg30 : memref<!tpu.dma_semaphore, #tpu.memory_space<semaphore_mem>>) src(%dma_wait3A_1335 : memref<16x128xf32, #tpu.memory_space<hbm>>) dst(%arg20 : memref<16x128xf32, #tpu.memory_space<vmem>>)
      %rem3A_1336 = arith.constant 128 : i32
      %rem3A_1337 = arith.remsi %scan3A_992, %rem3A_1336 : i32
      %broadcast_in_dim3A_1338 = vector.broadcast %rem3A_1337 : i32 to vector<16xi32>
      %broadcast_in_dim3A_1339 = vector.broadcast %add3A_1329 : i32 to vector<16xi32>
      %gather3A_1340 = tpu.vector_load_idx %arg20[%iota3A_859, %broadcast_in_dim3A_1338] : memref<16x128xf32, #tpu.memory_space<vmem>>[vector<16xi32>, vector<16xi32>], vector<16xf32>,
      tpu.vector_store_idx %arg12[%iota3A_859, %broadcast_in_dim3A_1339], %gather3A_1340 : memref<32x512xf32, #tpu.memory_space<vmem>>[vector<16xi32>, vector<16xi32>], vector<16xf32>,
      %add3A_1341 = arith.constant 8 : i32
      %add3A_1342 = arith.addi %add3A_1329, %add3A_1341 : i32
      %min3A_1343 = arith.constant 511 : i32
      %min3A_1344 = arith.minsi %add3A_1342, %min3A_1343 : i32
      %shift_right_logical3A_1345 = arith.constant 4 : i32
      %shift_right_logical3A_1346 = arith.shrui %min3A_1344, %shift_right_logical3A_1345 : i32
      %get3A_1347 = arith.index_cast %shift_right_logical3A_1346 : i32 to index
      %get3A_1348 = arith.constant 0 : index
      %get3A_1349 = tpu.vector_load %arg10[%get3A_1347, %get3A_1348] {strides = array<i32>} : memref<32x16xi32, #tpu.memory_space<vmem>>, vector<16xi32>,
      %and3A_1350 = arith.constant 15 : i32
      %and3A_1351 = arith.andi %min3A_1344, %and3A_1350 : i32
      %eq3A_1352 = vector.broadcast %and3A_1351 : i32 to vector<16xi32>
      %eq3A_1353 = arith.cmpi eq, %iota3A, %eq3A_1352 : vector<16xi32>
      %jit3A_1354 = arith.constant -1 : i32
      %broadcast_in_dim3A_1355 = vector.broadcast %jit3A_1354 : i32 to vector<16xi32>
      %select_n3A_1356 = arith.select %eq3A_1353, %get3A_1349, %broadcast_in_dim3A_1355 : vector<16xi1>, vector<16xi32>
      %reduce_max3A_1357 = arith.constant true
      %reduce_max3A_1358 = vector.broadcast %reduce_max3A_1357 : i1 to vector<16xi1>
      %reduce_max3A_1359 = arith.constant -2147483648 : i32
      %reduce_max3A_1360 = vector.broadcast %reduce_max3A_1359 : i32 to vector<16xi32>
      %reduce_max3A_1361 = arith.xori %select_n3A_1356, %reduce_max3A_1360 : vector<16xi32>
      %reduce_max3A_1362 = tpu.scan <max>, %reduce_max3A_1361 masked %reduce_max3A_1358 : vector<16xi32>, vector<16xi1> -> vector<16xi32>
      %reduce_max3A_1363 = arith.xori %reduce_max3A_1362, %reduce_max3A_1360 : vector<16xi32>
      %reduce_max3A_1364 = vector.extract %reduce_max3A_1363[15] : i32 from vector<16xi32>
      %shift_right_logical3A_1365 = arith.constant 7 : i32
      %shift_right_logical3A_1366 = arith.shrui %reduce_max3A_1364, %shift_right_logical3A_1365 : i32
      %mul3A_1367 = arith.constant 128 : i32
      %mul3A_1368 = arith.muli %shift_right_logical3A_1366, %mul3A_1367 : i32
      %multiple_of3A_1369 = tpu.assume_multiple %mul3A_1368, 128 : i32
      %dma_start3A_1370 = arith.constant 0 : i32
      %dma_start3A_1371 = tpu.memref_slice %arg2[%dma_start3A_1370, %multiple_of3A_1369] : memref<16x1000000xf32, #tpu.memory_space<hbm>> -> memref<16x128xf32, #tpu.memory_space<hbm>>
      %dma_start3A_1372 = arith.constant 0 : i32
      %dma_start3A_1373 = tpu.memref_slice %arg2[%dma_start3A_1372, %multiple_of3A_1369] : memref<16x1000000xf32, #tpu.memory_space<hbm>> -> memref<16x128xf32, #tpu.memory_space<hbm>>
      tpu.enqueue_dma source(%dma_start3A_1373 : memref<16x128xf32, #tpu.memory_space<hbm>>) target(%arg20 : memref<16x128xf32, #tpu.memory_space<vmem>>) target_semaphore(%arg30 : memref<!tpu.dma_semaphore, #tpu.memory_space<semaphore_mem>>)
      scf.yield %reduce_max3A_1028, %reduce_max3A_1076, %reduce_max3A_1124, %reduce_max3A_1172, %reduce_max3A_1220, %reduce_max3A_1268, %reduce_max3A_1316, %reduce_max3A_1364 : i32, i32, i32, i32, i32, i32, i32, i32
    }
    %scan3A_907 = arith.constant 16 : i32
    %dma_wait3A_908 = arith.constant 256 : i32
    %dma_wait3A_909 = tpu.memref_slice %arg9[%dma_wait3A_908] : memref<512xi32, #tpu.memory_space<vmem>> -> memref<128xi32, #tpu.memory_space<vmem>>
    %dma_wait3A_910 = arith.constant 0 : i32
    %dma_wait3A_911 = arith.constant 0 : i32
    %dma_wait3A_912 = tpu.memref_slice %arg3[%dma_wait3A_910, %dma_wait3A_911] : memref<12500x128xf32, #tpu.memory_space<hbm>> -> memref<12500x128xf32, #tpu.memory_space<hbm>>
    tpu.wait_indirect_dma semaphore(%arg31 : memref<!tpu.dma_semaphore, #tpu.memory_space<semaphore_mem>>) src(%dma_wait3A_912 : memref<12500x128xf32, #tpu.memory_space<hbm>>) dst(%arg21 : memref<128x128xf32, #tpu.memory_space<vmem>>)
    %scan3A_913 = arith.constant 0 : i32
    %scan3A_914 = arith.constant 0 : i32
    %scan3A_915 = arith.constant 128 : i32
    %scan3A_916 = arith.addi %scan3A_914, %scan3A_915 : i32
    %scan3A_917 = arith.constant 1 : i32
    scf.for %scan3A_984 = %scan3A_914 to %scan3A_916 step %scan3A_917  : i32 {
      %add3A_985 = arith.constant 256 : i32
      %add3A_986 = arith.addi %add3A_985, %scan3A_984 : i32
      %shift_right_logical3A_987 = arith.constant 4 : i32
      %shift_right_logical3A_988 = arith.shrui %add3A_986, %shift_right_logical3A_987 : i32
      %get3A_989 = arith.index_cast %shift_right_logical3A_988 : i32 to index
      %get3A_990 = arith.constant 0 : index
      %get3A_991 = tpu.vector_load %arg11[%get3A_989, %get3A_990] {strides = array<i32>} : memref<32x16xi32, #tpu.memory_space<vmem>>, vector<16xi32>,
      %and3A_992 = arith.constant 15 : i32
      %and3A_993 = arith.andi %add3A_986, %and3A_992 : i32
      %eq3A_994 = vector.broadcast %and3A_993 : i32 to vector<16xi32>
      %eq3A_995 = arith.cmpi eq, %iota3A, %eq3A_994 : vector<16xi32>
      %jit3A_996 = arith.constant -1 : i32
      %broadcast_in_dim3A_997 = vector.broadcast %jit3A_996 : i32 to vector<16xi32>
      %select_n3A_998 = arith.select %eq3A_995, %get3A_991, %broadcast_in_dim3A_997 : vector<16xi1>, vector<16xi32>
      %reduce_max3A_999 = arith.constant true
      %reduce_max3A_1000 = vector.broadcast %reduce_max3A_999 : i1 to vector<16xi1>
      %reduce_max3A_1001 = arith.constant -2147483648 : i32
      %reduce_max3A_1002 = vector.broadcast %reduce_max3A_1001 : i32 to vector<16xi32>
      %reduce_max3A_1003 = arith.xori %select_n3A_998, %reduce_max3A_1002 : vector<16xi32>
      %reduce_max3A_1004 = tpu.scan <max>, %reduce_max3A_1003 masked %reduce_max3A_1000 : vector<16xi32>, vector<16xi1> -> vector<16xi32>
      %reduce_max3A_1005 = arith.xori %reduce_max3A_1004, %reduce_max3A_1002 : vector<16xi32>
      %reduce_max3A_1006 = vector.extract %reduce_max3A_1005[15] : i32 from vector<16xi32>
      %and3A_1007 = arith.constant 7 : i32
      %and3A_1008 = arith.andi %reduce_max3A_1006, %and3A_1007 : i32
      %mul3A_1009 = arith.constant 16 : i32
      %mul3A_1010 = arith.muli %and3A_1008, %mul3A_1009 : i32
      %broadcast_in_dim3A_1011 = vector.broadcast %mul3A_1010 : i32 to vector<16xi32>
      %add3A_1012 = arith.addi %broadcast_in_dim3A_1011, %iota3A_859 : vector<16xi32>
      %broadcast_in_dim3A_1013 = vector.broadcast %scan3A_984 : i32 to vector<16xi32>
      %gather3A = tpu.vector_load_idx %arg21[%broadcast_in_dim3A_1013, %add3A_1012] : memref<128x128xf32, #tpu.memory_space<vmem>>[vector<16xi32>, vector<16xi32>], vector<16xf32>,
      %add3A_1014 = arith.constant 16 : i32
      %add3A_1015 = vector.broadcast %add3A_1014 : i32 to vector<16xi32>
      %add3A_1016 = arith.addi %iota3A_859, %add3A_1015 : vector<16xi32>
      %broadcast_in_dim3A_1017 = vector.broadcast %add3A_986 : i32 to vector<16xi32>
      tpu.vector_store_idx %arg12[%add3A_1016, %broadcast_in_dim3A_1017], %gather3A : memref<32x512xf32, #tpu.memory_space<vmem>>[vector<16xi32>, vector<16xi32>], vector<16xf32>,
    }
    %scan3A_918 = arith.constant 128 : i32
    %scan3A_919 = arith.constant 48 : i32
    %scan3A_920 = arith.constant 16 : i32
    %scan3A_921 = arith.addi %scan3A_919, %scan3A_920 : i32
    %scan3A_922 = arith.constant 1 : i32
    %scan3A_923:8 = scf.for %scan3A_984 = %scan3A_919 to %scan3A_921 step %scan3A_922 iter_args(%scan3A_985 = %scan3A_906#0, %scan3A_986 = %scan3A_906#1, %scan3A_987 = %scan3A_906#2, %scan3A_988 = %scan3A_906#3, %scan3A_989 = %scan3A_906#4, %scan3A_990 = %scan3A_906#5, %scan3A_991 = %scan3A_906#6, %scan3A_992 = %scan3A_906#7) -> (i32, i32, i32, i32, i32, i32, i32, i32)  : i32 {
      %mul3A_993 = arith.constant 8 : i32
      %mul3A_994 = arith.muli %scan3A_984, %mul3A_993 : i32
      %add3A_995 = arith.constant 0 : i32
      %add3A_996 = arith.addi %mul3A_994, %add3A_995 : i32
      %dma_wait3A_997 = arith.constant 0 : i32
      %dma_wait3A_998 = arith.constant 0 : i32
      %dma_wait3A_999 = tpu.memref_slice %arg2[%dma_wait3A_997, %dma_wait3A_998] : memref<16x1000000xf32, #tpu.memory_space<hbm>> -> memref<16x128xf32, #tpu.memory_space<hbm>>
      %dma_wait3A_1000 = arith.constant 0 : i32
      %dma_wait3A_1001 = arith.constant 0 : i32
      %dma_wait3A_1002 = tpu.memref_slice %arg2[%dma_wait3A_1000, %dma_wait3A_1001] : memref<16x1000000xf32, #tpu.memory_space<hbm>> -> memref<16x128xf32, #tpu.memory_space<hbm>>
      tpu.wait_dma2 semaphore(%arg23 : memref<!tpu.dma_semaphore, #tpu.memory_space<semaphore_mem>>) src(%dma_wait3A_1002 : memref<16x128xf32, #tpu.memory_space<hbm>>) dst(%arg13 : memref<16x128xf32, #tpu.memory_space<vmem>>)
      %rem3A = arith.constant 128 : i32
      %rem3A_1003 = arith.remsi %scan3A_985, %rem3A : i32
      %broadcast_in_dim3A_1004 = vector.broadcast %rem3A_1003 : i32 to vector<16xi32>
      %broadcast_in_dim3A_1005 = vector.broadcast %add3A_996 : i32 to vector<16xi32>
      %gather3A = tpu.vector_load_idx %arg13[%iota3A_859, %broadcast_in_dim3A_1004] : memref<16x128xf32, #tpu.memory_space<vmem>>[vector<16xi32>, vector<16xi32>], vector<16xf32>,
      tpu.vector_store_idx %arg12[%iota3A_859, %broadcast_in_dim3A_1005], %gather3A : memref<32x512xf32, #tpu.memory_space<vmem>>[vector<16xi32>, vector<16xi32>], vector<16xf32>,
      %add3A_1006 = arith.constant 8 : i32
      %add3A_1007 = arith.addi %add3A_996, %add3A_1006 : i32
      %min3A = arith.constant 511 : i32
      %min3A_1008 = arith.minsi %add3A_1007, %min3A : i32
      %shift_right_logical3A_1009 = arith.constant 4 : i32
      %shift_right_logical3A_1010 = arith.shrui %min3A_1008, %shift_right_logical3A_1009 : i32
      %get3A_1011 = arith.index_cast %shift_right_logical3A_1010 : i32 to index
      %get3A_1012 = arith.constant 0 : index
      %get3A_1013 = tpu.vector_load %arg10[%get3A_1011, %get3A_1012] {strides = array<i32>} : memref<32x16xi32, #tpu.memory_space<vmem>>, vector<16xi32>,
      %and3A_1014 = arith.constant 15 : i32
      %and3A_1015 = arith.andi %min3A_1008, %and3A_1014 : i32
      %eq3A_1016 = vector.broadcast %and3A_1015 : i32 to vector<16xi32>
      %eq3A_1017 = arith.cmpi eq, %iota3A, %eq3A_1016 : vector<16xi32>
      %jit3A_1018 = arith.constant -1 : i32
      %broadcast_in_dim3A_1019 = vector.broadcast %jit3A_1018 : i32 to vector<16xi32>
      %select_n3A_1020 = arith.select %eq3A_1017, %get3A_1013, %broadcast_in_dim3A_1019 : vector<16xi1>, vector<16xi32>
      %reduce_max3A_1021 = arith.constant true
      %reduce_max3A_1022 = vector.broadcast %reduce_max3A_1021 : i1 to vector<16xi1>
      %reduce_max3A_1023 = arith.constant -2147483648 : i32
      %reduce_max3A_1024 = vector.broadcast %reduce_max3A_1023 : i32 to vector<16xi32>
      %reduce_max3A_1025 = arith.xori %select_n3A_1020, %reduce_max3A_1024 : vector<16xi32>
      %reduce_max3A_1026 = tpu.scan <max>, %reduce_max3A_1025 masked %reduce_max3A_1022 : vector<16xi32>, vector<16xi1> -> vector<16xi32>
      %reduce_max3A_1027 = arith.xori %reduce_max3A_1026, %reduce_max3A_1024 : vector<16xi32>
      %reduce_max3A_1028 = vector.extract %reduce_max3A_1027[15] : i32 from vector<16xi32>
      %shift_right_logical3A_1029 = arith.constant 7 : i32
      %shift_right_logical3A_1030 = arith.shrui %reduce_max3A_1028, %shift_right_logical3A_1029 : i32
      %mul3A_1031 = arith.constant 128 : i32
      %mul3A_1032 = arith.muli %shift_right_logical3A_1030, %mul3A_1031 : i32
      %multiple_of3A_1033 = tpu.assume_multiple %mul3A_1032, 128 : i32
      %dma_start3A_1034 = arith.constant 0 : i32
      %dma_start3A_1035 = tpu.memref_slice %arg2[%dma_start3A_1034, %multiple_of3A_1033] : memref<16x1000000xf32, #tpu.memory_space<hbm>> -> memref<16x128xf32, #tpu.memory_space<hbm>>
      %dma_start3A_1036 = arith.constant 0 : i32
      %dma_start3A_1037 = tpu.memref_slice %arg2[%dma_start3A_1036, %multiple_of3A_1033] : memref<16x1000000xf32, #tpu.memory_space<hbm>> -> memref<16x128xf32, #tpu.memory_space<hbm>>
      tpu.enqueue_dma source(%dma_start3A_1037 : memref<16x128xf32, #tpu.memory_space<hbm>>) target(%arg13 : memref<16x128xf32, #tpu.memory_space<vmem>>) target_semaphore(%arg23 : memref<!tpu.dma_semaphore, #tpu.memory_space<semaphore_mem>>)
      %mul3A_1038 = arith.constant 8 : i32
      %mul3A_1039 = arith.muli %scan3A_984, %mul3A_1038 : i32
      %add3A_1040 = arith.constant 1 : i32
      %add3A_1041 = arith.addi %mul3A_1039, %add3A_1040 : i32
      %dma_wait3A_1042 = arith.constant 0 : i32
      %dma_wait3A_1043 = arith.constant 0 : i32
      %dma_wait3A_1044 = tpu.memref_slice %arg2[%dma_wait3A_1042, %dma_wait3A_1043] : memref<16x1000000xf32, #tpu.memory_space<hbm>> -> memref<16x128xf32, #tpu.memory_space<hbm>>
      %dma_wait3A_1045 = arith.constant 0 : i32
      %dma_wait3A_1046 = arith.constant 0 : i32
      %dma_wait3A_1047 = tpu.memref_slice %arg2[%dma_wait3A_1045, %dma_wait3A_1046] : memref<16x1000000xf32, #tpu.memory_space<hbm>> -> memref<16x128xf32, #tpu.memory_space<hbm>>
      tpu.wait_dma2 semaphore(%arg24 : memref<!tpu.dma_semaphore, #tpu.memory_space<semaphore_mem>>) src(%dma_wait3A_1047 : memref<16x128xf32, #tpu.memory_space<hbm>>) dst(%arg14 : memref<16x128xf32, #tpu.memory_space<vmem>>)
      %rem3A_1048 = arith.constant 128 : i32
      %rem3A_1049 = arith.remsi %scan3A_986, %rem3A_1048 : i32
      %broadcast_in_dim3A_1050 = vector.broadcast %rem3A_1049 : i32 to vector<16xi32>
      %broadcast_in_dim3A_1051 = vector.broadcast %add3A_1041 : i32 to vector<16xi32>
      %gather3A_1052 = tpu.vector_load_idx %arg14[%iota3A_859, %broadcast_in_dim3A_1050] : memref<16x128xf32, #tpu.memory_space<vmem>>[vector<16xi32>, vector<16xi32>], vector<16xf32>,
      tpu.vector_store_idx %arg12[%iota3A_859, %broadcast_in_dim3A_1051], %gather3A_1052 : memref<32x512xf32, #tpu.memory_space<vmem>>[vector<16xi32>, vector<16xi32>], vector<16xf32>,
      %add3A_1053 = arith.constant 8 : i32
      %add3A_1054 = arith.addi %add3A_1041, %add3A_1053 : i32
      %min3A_1055 = arith.constant 511 : i32
      %min3A_1056 = arith.minsi %add3A_1054, %min3A_1055 : i32
      %shift_right_logical3A_1057 = arith.constant 4 : i32
      %shift_right_logical3A_1058 = arith.shrui %min3A_1056, %shift_right_logical3A_1057 : i32
      %get3A_1059 = arith.index_cast %shift_right_logical3A_1058 : i32 to index
      %get3A_1060 = arith.constant 0 : index
      %get3A_1061 = tpu.vector_load %arg10[%get3A_1059, %get3A_1060] {strides = array<i32>} : memref<32x16xi32, #tpu.memory_space<vmem>>, vector<16xi32>,
      %and3A_1062 = arith.constant 15 : i32
      %and3A_1063 = arith.andi %min3A_1056, %and3A_1062 : i32
      %eq3A_1064 = vector.broadcast %and3A_1063 : i32 to vector<16xi32>
      %eq3A_1065 = arith.cmpi eq, %iota3A, %eq3A_1064 : vector<16xi32>
      %jit3A_1066 = arith.constant -1 : i32
      %broadcast_in_dim3A_1067 = vector.broadcast %jit3A_1066 : i32 to vector<16xi32>
      %select_n3A_1068 = arith.select %eq3A_1065, %get3A_1061, %broadcast_in_dim3A_1067 : vector<16xi1>, vector<16xi32>
      %reduce_max3A_1069 = arith.constant true
      %reduce_max3A_1070 = vector.broadcast %reduce_max3A_1069 : i1 to vector<16xi1>
      %reduce_max3A_1071 = arith.constant -2147483648 : i32
      %reduce_max3A_1072 = vector.broadcast %reduce_max3A_1071 : i32 to vector<16xi32>
      %reduce_max3A_1073 = arith.xori %select_n3A_1068, %reduce_max3A_1072 : vector<16xi32>
      %reduce_max3A_1074 = tpu.scan <max>, %reduce_max3A_1073 masked %reduce_max3A_1070 : vector<16xi32>, vector<16xi1> -> vector<16xi32>
      %reduce_max3A_1075 = arith.xori %reduce_max3A_1074, %reduce_max3A_1072 : vector<16xi32>
      %reduce_max3A_1076 = vector.extract %reduce_max3A_1075[15] : i32 from vector<16xi32>
      %shift_right_logical3A_1077 = arith.constant 7 : i32
      %shift_right_logical3A_1078 = arith.shrui %reduce_max3A_1076, %shift_right_logical3A_1077 : i32
      %mul3A_1079 = arith.constant 128 : i32
      %mul3A_1080 = arith.muli %shift_right_logical3A_1078, %mul3A_1079 : i32
      %multiple_of3A_1081 = tpu.assume_multiple %mul3A_1080, 128 : i32
      %dma_start3A_1082 = arith.constant 0 : i32
      %dma_start3A_1083 = tpu.memref_slice %arg2[%dma_start3A_1082, %multiple_of3A_1081] : memref<16x1000000xf32, #tpu.memory_space<hbm>> -> memref<16x128xf32, #tpu.memory_space<hbm>>
      %dma_start3A_1084 = arith.constant 0 : i32
      %dma_start3A_1085 = tpu.memref_slice %arg2[%dma_start3A_1084, %multiple_of3A_1081] : memref<16x1000000xf32, #tpu.memory_space<hbm>> -> memref<16x128xf32, #tpu.memory_space<hbm>>
      tpu.enqueue_dma source(%dma_start3A_1085 : memref<16x128xf32, #tpu.memory_space<hbm>>) target(%arg14 : memref<16x128xf32, #tpu.memory_space<vmem>>) target_semaphore(%arg24 : memref<!tpu.dma_semaphore, #tpu.memory_space<semaphore_mem>>)
      %mul3A_1086 = arith.constant 8 : i32
      %mul3A_1087 = arith.muli %scan3A_984, %mul3A_1086 : i32
      %add3A_1088 = arith.constant 2 : i32
      %add3A_1089 = arith.addi %mul3A_1087, %add3A_1088 : i32
      %dma_wait3A_1090 = arith.constant 0 : i32
      %dma_wait3A_1091 = arith.constant 0 : i32
      %dma_wait3A_1092 = tpu.memref_slice %arg2[%dma_wait3A_1090, %dma_wait3A_1091] : memref<16x1000000xf32, #tpu.memory_space<hbm>> -> memref<16x128xf32, #tpu.memory_space<hbm>>
      %dma_wait3A_1093 = arith.constant 0 : i32
      %dma_wait3A_1094 = arith.constant 0 : i32
      %dma_wait3A_1095 = tpu.memref_slice %arg2[%dma_wait3A_1093, %dma_wait3A_1094] : memref<16x1000000xf32, #tpu.memory_space<hbm>> -> memref<16x128xf32, #tpu.memory_space<hbm>>
      tpu.wait_dma2 semaphore(%arg25 : memref<!tpu.dma_semaphore, #tpu.memory_space<semaphore_mem>>) src(%dma_wait3A_1095 : memref<16x128xf32, #tpu.memory_space<hbm>>) dst(%arg15 : memref<16x128xf32, #tpu.memory_space<vmem>>)
      %rem3A_1096 = arith.constant 128 : i32
      %rem3A_1097 = arith.remsi %scan3A_987, %rem3A_1096 : i32
      %broadcast_in_dim3A_1098 = vector.broadcast %rem3A_1097 : i32 to vector<16xi32>
      %broadcast_in_dim3A_1099 = vector.broadcast %add3A_1089 : i32 to vector<16xi32>
      %gather3A_1100 = tpu.vector_load_idx %arg15[%iota3A_859, %broadcast_in_dim3A_1098] : memref<16x128xf32, #tpu.memory_space<vmem>>[vector<16xi32>, vector<16xi32>], vector<16xf32>,
      tpu.vector_store_idx %arg12[%iota3A_859, %broadcast_in_dim3A_1099], %gather3A_1100 : memref<32x512xf32, #tpu.memory_space<vmem>>[vector<16xi32>, vector<16xi32>], vector<16xf32>,
      %add3A_1101 = arith.constant 8 : i32
      %add3A_1102 = arith.addi %add3A_1089, %add3A_1101 : i32
      %min3A_1103 = arith.constant 511 : i32
      %min3A_1104 = arith.minsi %add3A_1102, %min3A_1103 : i32
      %shift_right_logical3A_1105 = arith.constant 4 : i32
      %shift_right_logical3A_1106 = arith.shrui %min3A_1104, %shift_right_logical3A_1105 : i32
      %get3A_1107 = arith.index_cast %shift_right_logical3A_1106 : i32 to index
      %get3A_1108 = arith.constant 0 : index
      %get3A_1109 = tpu.vector_load %arg10[%get3A_1107, %get3A_1108] {strides = array<i32>} : memref<32x16xi32, #tpu.memory_space<vmem>>, vector<16xi32>,
      %and3A_1110 = arith.constant 15 : i32
      %and3A_1111 = arith.andi %min3A_1104, %and3A_1110 : i32
      %eq3A_1112 = vector.broadcast %and3A_1111 : i32 to vector<16xi32>
      %eq3A_1113 = arith.cmpi eq, %iota3A, %eq3A_1112 : vector<16xi32>
      %jit3A_1114 = arith.constant -1 : i32
      %broadcast_in_dim3A_1115 = vector.broadcast %jit3A_1114 : i32 to vector<16xi32>
      %select_n3A_1116 = arith.select %eq3A_1113, %get3A_1109, %broadcast_in_dim3A_1115 : vector<16xi1>, vector<16xi32>
      %reduce_max3A_1117 = arith.constant true
      %reduce_max3A_1118 = vector.broadcast %reduce_max3A_1117 : i1 to vector<16xi1>
      %reduce_max3A_1119 = arith.constant -2147483648 : i32
      %reduce_max3A_1120 = vector.broadcast %reduce_max3A_1119 : i32 to vector<16xi32>
      %reduce_max3A_1121 = arith.xori %select_n3A_1116, %reduce_max3A_1120 : vector<16xi32>
      %reduce_max3A_1122 = tpu.scan <max>, %reduce_max3A_1121 masked %reduce_max3A_1118 : vector<16xi32>, vector<16xi1> -> vector<16xi32>
      %reduce_max3A_1123 = arith.xori %reduce_max3A_1122, %reduce_max3A_1120 : vector<16xi32>
      %reduce_max3A_1124 = vector.extract %reduce_max3A_1123[15] : i32 from vector<16xi32>
      %shift_right_logical3A_1125 = arith.constant 7 : i32
      %shift_right_logical3A_1126 = arith.shrui %reduce_max3A_1124, %shift_right_logical3A_1125 : i32
      %mul3A_1127 = arith.constant 128 : i32
      %mul3A_1128 = arith.muli %shift_right_logical3A_1126, %mul3A_1127 : i32
      %multiple_of3A_1129 = tpu.assume_multiple %mul3A_1128, 128 : i32
      %dma_start3A_1130 = arith.constant 0 : i32
      %dma_start3A_1131 = tpu.memref_slice %arg2[%dma_start3A_1130, %multiple_of3A_1129] : memref<16x1000000xf32, #tpu.memory_space<hbm>> -> memref<16x128xf32, #tpu.memory_space<hbm>>
      %dma_start3A_1132 = arith.constant 0 : i32
      %dma_start3A_1133 = tpu.memref_slice %arg2[%dma_start3A_1132, %multiple_of3A_1129] : memref<16x1000000xf32, #tpu.memory_space<hbm>> -> memref<16x128xf32, #tpu.memory_space<hbm>>
      tpu.enqueue_dma source(%dma_start3A_1133 : memref<16x128xf32, #tpu.memory_space<hbm>>) target(%arg15 : memref<16x128xf32, #tpu.memory_space<vmem>>) target_semaphore(%arg25 : memref<!tpu.dma_semaphore, #tpu.memory_space<semaphore_mem>>)
      %mul3A_1134 = arith.constant 8 : i32
      %mul3A_1135 = arith.muli %scan3A_984, %mul3A_1134 : i32
      %add3A_1136 = arith.constant 3 : i32
      %add3A_1137 = arith.addi %mul3A_1135, %add3A_1136 : i32
      %dma_wait3A_1138 = arith.constant 0 : i32
      %dma_wait3A_1139 = arith.constant 0 : i32
      %dma_wait3A_1140 = tpu.memref_slice %arg2[%dma_wait3A_1138, %dma_wait3A_1139] : memref<16x1000000xf32, #tpu.memory_space<hbm>> -> memref<16x128xf32, #tpu.memory_space<hbm>>
      %dma_wait3A_1141 = arith.constant 0 : i32
      %dma_wait3A_1142 = arith.constant 0 : i32
      %dma_wait3A_1143 = tpu.memref_slice %arg2[%dma_wait3A_1141, %dma_wait3A_1142] : memref<16x1000000xf32, #tpu.memory_space<hbm>> -> memref<16x128xf32, #tpu.memory_space<hbm>>
      tpu.wait_dma2 semaphore(%arg26 : memref<!tpu.dma_semaphore, #tpu.memory_space<semaphore_mem>>) src(%dma_wait3A_1143 : memref<16x128xf32, #tpu.memory_space<hbm>>) dst(%arg16 : memref<16x128xf32, #tpu.memory_space<vmem>>)
      %rem3A_1144 = arith.constant 128 : i32
      %rem3A_1145 = arith.remsi %scan3A_988, %rem3A_1144 : i32
      %broadcast_in_dim3A_1146 = vector.broadcast %rem3A_1145 : i32 to vector<16xi32>
      %broadcast_in_dim3A_1147 = vector.broadcast %add3A_1137 : i32 to vector<16xi32>
      %gather3A_1148 = tpu.vector_load_idx %arg16[%iota3A_859, %broadcast_in_dim3A_1146] : memref<16x128xf32, #tpu.memory_space<vmem>>[vector<16xi32>, vector<16xi32>], vector<16xf32>,
      tpu.vector_store_idx %arg12[%iota3A_859, %broadcast_in_dim3A_1147], %gather3A_1148 : memref<32x512xf32, #tpu.memory_space<vmem>>[vector<16xi32>, vector<16xi32>], vector<16xf32>,
      %add3A_1149 = arith.constant 8 : i32
      %add3A_1150 = arith.addi %add3A_1137, %add3A_1149 : i32
      %min3A_1151 = arith.constant 511 : i32
      %min3A_1152 = arith.minsi %add3A_1150, %min3A_1151 : i32
      %shift_right_logical3A_1153 = arith.constant 4 : i32
      %shift_right_logical3A_1154 = arith.shrui %min3A_1152, %shift_right_logical3A_1153 : i32
      %get3A_1155 = arith.index_cast %shift_right_logical3A_1154 : i32 to index
      %get3A_1156 = arith.constant 0 : index
      %get3A_1157 = tpu.vector_load %arg10[%get3A_1155, %get3A_1156] {strides = array<i32>} : memref<32x16xi32, #tpu.memory_space<vmem>>, vector<16xi32>,
      %and3A_1158 = arith.constant 15 : i32
      %and3A_1159 = arith.andi %min3A_1152, %and3A_1158 : i32
      %eq3A_1160 = vector.broadcast %and3A_1159 : i32 to vector<16xi32>
      %eq3A_1161 = arith.cmpi eq, %iota3A, %eq3A_1160 : vector<16xi32>
      %jit3A_1162 = arith.constant -1 : i32
      %broadcast_in_dim3A_1163 = vector.broadcast %jit3A_1162 : i32 to vector<16xi32>
      %select_n3A_1164 = arith.select %eq3A_1161, %get3A_1157, %broadcast_in_dim3A_1163 : vector<16xi1>, vector<16xi32>
      %reduce_max3A_1165 = arith.constant true
      %reduce_max3A_1166 = vector.broadcast %reduce_max3A_1165 : i1 to vector<16xi1>
      %reduce_max3A_1167 = arith.constant -2147483648 : i32
      %reduce_max3A_1168 = vector.broadcast %reduce_max3A_1167 : i32 to vector<16xi32>
      %reduce_max3A_1169 = arith.xori %select_n3A_1164, %reduce_max3A_1168 : vector<16xi32>
      %reduce_max3A_1170 = tpu.scan <max>, %reduce_max3A_1169 masked %reduce_max3A_1166 : vector<16xi32>, vector<16xi1> -> vector<16xi32>
      %reduce_max3A_1171 = arith.xori %reduce_max3A_1170, %reduce_max3A_1168 : vector<16xi32>
      %reduce_max3A_1172 = vector.extract %reduce_max3A_1171[15] : i32 from vector<16xi32>
      %shift_right_logical3A_1173 = arith.constant 7 : i32
      %shift_right_logical3A_1174 = arith.shrui %reduce_max3A_1172, %shift_right_logical3A_1173 : i32
      %mul3A_1175 = arith.constant 128 : i32
      %mul3A_1176 = arith.muli %shift_right_logical3A_1174, %mul3A_1175 : i32
      %multiple_of3A_1177 = tpu.assume_multiple %mul3A_1176, 128 : i32
      %dma_start3A_1178 = arith.constant 0 : i32
      %dma_start3A_1179 = tpu.memref_slice %arg2[%dma_start3A_1178, %multiple_of3A_1177] : memref<16x1000000xf32, #tpu.memory_space<hbm>> -> memref<16x128xf32, #tpu.memory_space<hbm>>
      %dma_start3A_1180 = arith.constant 0 : i32
      %dma_start3A_1181 = tpu.memref_slice %arg2[%dma_start3A_1180, %multiple_of3A_1177] : memref<16x1000000xf32, #tpu.memory_space<hbm>> -> memref<16x128xf32, #tpu.memory_space<hbm>>
      tpu.enqueue_dma source(%dma_start3A_1181 : memref<16x128xf32, #tpu.memory_space<hbm>>) target(%arg16 : memref<16x128xf32, #tpu.memory_space<vmem>>) target_semaphore(%arg26 : memref<!tpu.dma_semaphore, #tpu.memory_space<semaphore_mem>>)
      %mul3A_1182 = arith.constant 8 : i32
      %mul3A_1183 = arith.muli %scan3A_984, %mul3A_1182 : i32
      %add3A_1184 = arith.constant 4 : i32
      %add3A_1185 = arith.addi %mul3A_1183, %add3A_1184 : i32
      %dma_wait3A_1186 = arith.constant 0 : i32
      %dma_wait3A_1187 = arith.constant 0 : i32
      %dma_wait3A_1188 = tpu.memref_slice %arg2[%dma_wait3A_1186, %dma_wait3A_1187] : memref<16x1000000xf32, #tpu.memory_space<hbm>> -> memref<16x128xf32, #tpu.memory_space<hbm>>
      %dma_wait3A_1189 = arith.constant 0 : i32
      %dma_wait3A_1190 = arith.constant 0 : i32
      %dma_wait3A_1191 = tpu.memref_slice %arg2[%dma_wait3A_1189, %dma_wait3A_1190] : memref<16x1000000xf32, #tpu.memory_space<hbm>> -> memref<16x128xf32, #tpu.memory_space<hbm>>
      tpu.wait_dma2 semaphore(%arg27 : memref<!tpu.dma_semaphore, #tpu.memory_space<semaphore_mem>>) src(%dma_wait3A_1191 : memref<16x128xf32, #tpu.memory_space<hbm>>) dst(%arg17 : memref<16x128xf32, #tpu.memory_space<vmem>>)
      %rem3A_1192 = arith.constant 128 : i32
      %rem3A_1193 = arith.remsi %scan3A_989, %rem3A_1192 : i32
      %broadcast_in_dim3A_1194 = vector.broadcast %rem3A_1193 : i32 to vector<16xi32>
      %broadcast_in_dim3A_1195 = vector.broadcast %add3A_1185 : i32 to vector<16xi32>
      %gather3A_1196 = tpu.vector_load_idx %arg17[%iota3A_859, %broadcast_in_dim3A_1194] : memref<16x128xf32, #tpu.memory_space<vmem>>[vector<16xi32>, vector<16xi32>], vector<16xf32>,
      tpu.vector_store_idx %arg12[%iota3A_859, %broadcast_in_dim3A_1195], %gather3A_1196 : memref<32x512xf32, #tpu.memory_space<vmem>>[vector<16xi32>, vector<16xi32>], vector<16xf32>,
      %add3A_1197 = arith.constant 8 : i32
      %add3A_1198 = arith.addi %add3A_1185, %add3A_1197 : i32
      %min3A_1199 = arith.constant 511 : i32
      %min3A_1200 = arith.minsi %add3A_1198, %min3A_1199 : i32
      %shift_right_logical3A_1201 = arith.constant 4 : i32
      %shift_right_logical3A_1202 = arith.shrui %min3A_1200, %shift_right_logical3A_1201 : i32
      %get3A_1203 = arith.index_cast %shift_right_logical3A_1202 : i32 to index
      %get3A_1204 = arith.constant 0 : index
      %get3A_1205 = tpu.vector_load %arg10[%get3A_1203, %get3A_1204] {strides = array<i32>} : memref<32x16xi32, #tpu.memory_space<vmem>>, vector<16xi32>,
      %and3A_1206 = arith.constant 15 : i32
      %and3A_1207 = arith.andi %min3A_1200, %and3A_1206 : i32
      %eq3A_1208 = vector.broadcast %and3A_1207 : i32 to vector<16xi32>
      %eq3A_1209 = arith.cmpi eq, %iota3A, %eq3A_1208 : vector<16xi32>
      %jit3A_1210 = arith.constant -1 : i32
      %broadcast_in_dim3A_1211 = vector.broadcast %jit3A_1210 : i32 to vector<16xi32>
      %select_n3A_1212 = arith.select %eq3A_1209, %get3A_1205, %broadcast_in_dim3A_1211 : vector<16xi1>, vector<16xi32>
      %reduce_max3A_1213 = arith.constant true
      %reduce_max3A_1214 = vector.broadcast %reduce_max3A_1213 : i1 to vector<16xi1>
      %reduce_max3A_1215 = arith.constant -2147483648 : i32
      %reduce_max3A_1216 = vector.broadcast %reduce_max3A_1215 : i32 to vector<16xi32>
      %reduce_max3A_1217 = arith.xori %select_n3A_1212, %reduce_max3A_1216 : vector<16xi32>
      %reduce_max3A_1218 = tpu.scan <max>, %reduce_max3A_1217 masked %reduce_max3A_1214 : vector<16xi32>, vector<16xi1> -> vector<16xi32>
      %reduce_max3A_1219 = arith.xori %reduce_max3A_1218, %reduce_max3A_1216 : vector<16xi32>
      %reduce_max3A_1220 = vector.extract %reduce_max3A_1219[15] : i32 from vector<16xi32>
      %shift_right_logical3A_1221 = arith.constant 7 : i32
      %shift_right_logical3A_1222 = arith.shrui %reduce_max3A_1220, %shift_right_logical3A_1221 : i32
      %mul3A_1223 = arith.constant 128 : i32
      %mul3A_1224 = arith.muli %shift_right_logical3A_1222, %mul3A_1223 : i32
      %multiple_of3A_1225 = tpu.assume_multiple %mul3A_1224, 128 : i32
      %dma_start3A_1226 = arith.constant 0 : i32
      %dma_start3A_1227 = tpu.memref_slice %arg2[%dma_start3A_1226, %multiple_of3A_1225] : memref<16x1000000xf32, #tpu.memory_space<hbm>> -> memref<16x128xf32, #tpu.memory_space<hbm>>
      %dma_start3A_1228 = arith.constant 0 : i32
      %dma_start3A_1229 = tpu.memref_slice %arg2[%dma_start3A_1228, %multiple_of3A_1225] : memref<16x1000000xf32, #tpu.memory_space<hbm>> -> memref<16x128xf32, #tpu.memory_space<hbm>>
      tpu.enqueue_dma source(%dma_start3A_1229 : memref<16x128xf32, #tpu.memory_space<hbm>>) target(%arg17 : memref<16x128xf32, #tpu.memory_space<vmem>>) target_semaphore(%arg27 : memref<!tpu.dma_semaphore, #tpu.memory_space<semaphore_mem>>)
      %mul3A_1230 = arith.constant 8 : i32
      %mul3A_1231 = arith.muli %scan3A_984, %mul3A_1230 : i32
      %add3A_1232 = arith.constant 5 : i32
      %add3A_1233 = arith.addi %mul3A_1231, %add3A_1232 : i32
      %dma_wait3A_1234 = arith.constant 0 : i32
      %dma_wait3A_1235 = arith.constant 0 : i32
      %dma_wait3A_1236 = tpu.memref_slice %arg2[%dma_wait3A_1234, %dma_wait3A_1235] : memref<16x1000000xf32, #tpu.memory_space<hbm>> -> memref<16x128xf32, #tpu.memory_space<hbm>>
      %dma_wait3A_1237 = arith.constant 0 : i32
      %dma_wait3A_1238 = arith.constant 0 : i32
      %dma_wait3A_1239 = tpu.memref_slice %arg2[%dma_wait3A_1237, %dma_wait3A_1238] : memref<16x1000000xf32, #tpu.memory_space<hbm>> -> memref<16x128xf32, #tpu.memory_space<hbm>>
      tpu.wait_dma2 semaphore(%arg28 : memref<!tpu.dma_semaphore, #tpu.memory_space<semaphore_mem>>) src(%dma_wait3A_1239 : memref<16x128xf32, #tpu.memory_space<hbm>>) dst(%arg18 : memref<16x128xf32, #tpu.memory_space<vmem>>)
      %rem3A_1240 = arith.constant 128 : i32
      %rem3A_1241 = arith.remsi %scan3A_990, %rem3A_1240 : i32
      %broadcast_in_dim3A_1242 = vector.broadcast %rem3A_1241 : i32 to vector<16xi32>
      %broadcast_in_dim3A_1243 = vector.broadcast %add3A_1233 : i32 to vector<16xi32>
      %gather3A_1244 = tpu.vector_load_idx %arg18[%iota3A_859, %broadcast_in_dim3A_1242] : memref<16x128xf32, #tpu.memory_space<vmem>>[vector<16xi32>, vector<16xi32>], vector<16xf32>,
      tpu.vector_store_idx %arg12[%iota3A_859, %broadcast_in_dim3A_1243], %gather3A_1244 : memref<32x512xf32, #tpu.memory_space<vmem>>[vector<16xi32>, vector<16xi32>], vector<16xf32>,
      %add3A_1245 = arith.constant 8 : i32
      %add3A_1246 = arith.addi %add3A_1233, %add3A_1245 : i32
      %min3A_1247 = arith.constant 511 : i32
      %min3A_1248 = arith.minsi %add3A_1246, %min3A_1247 : i32
      %shift_right_logical3A_1249 = arith.constant 4 : i32
      %shift_right_logical3A_1250 = arith.shrui %min3A_1248, %shift_right_logical3A_1249 : i32
      %get3A_1251 = arith.index_cast %shift_right_logical3A_1250 : i32 to index
      %get3A_1252 = arith.constant 0 : index
      %get3A_1253 = tpu.vector_load %arg10[%get3A_1251, %get3A_1252] {strides = array<i32>} : memref<32x16xi32, #tpu.memory_space<vmem>>, vector<16xi32>,
      %and3A_1254 = arith.constant 15 : i32
      %and3A_1255 = arith.andi %min3A_1248, %and3A_1254 : i32
      %eq3A_1256 = vector.broadcast %and3A_1255 : i32 to vector<16xi32>
      %eq3A_1257 = arith.cmpi eq, %iota3A, %eq3A_1256 : vector<16xi32>
      %jit3A_1258 = arith.constant -1 : i32
      %broadcast_in_dim3A_1259 = vector.broadcast %jit3A_1258 : i32 to vector<16xi32>
      %select_n3A_1260 = arith.select %eq3A_1257, %get3A_1253, %broadcast_in_dim3A_1259 : vector<16xi1>, vector<16xi32>
      %reduce_max3A_1261 = arith.constant true
      %reduce_max3A_1262 = vector.broadcast %reduce_max3A_1261 : i1 to vector<16xi1>
      %reduce_max3A_1263 = arith.constant -2147483648 : i32
      %reduce_max3A_1264 = vector.broadcast %reduce_max3A_1263 : i32 to vector<16xi32>
      %reduce_max3A_1265 = arith.xori %select_n3A_1260, %reduce_max3A_1264 : vector<16xi32>
      %reduce_max3A_1266 = tpu.scan <max>, %reduce_max3A_1265 masked %reduce_max3A_1262 : vector<16xi32>, vector<16xi1> -> vector<16xi32>
      %reduce_max3A_1267 = arith.xori %reduce_max3A_1266, %reduce_max3A_1264 : vector<16xi32>
      %reduce_max3A_1268 = vector.extract %reduce_max3A_1267[15] : i32 from vector<16xi32>
      %shift_right_logical3A_1269 = arith.constant 7 : i32
      %shift_right_logical3A_1270 = arith.shrui %reduce_max3A_1268, %shift_right_logical3A_1269 : i32
      %mul3A_1271 = arith.constant 128 : i32
      %mul3A_1272 = arith.muli %shift_right_logical3A_1270, %mul3A_1271 : i32
      %multiple_of3A_1273 = tpu.assume_multiple %mul3A_1272, 128 : i32
      %dma_start3A_1274 = arith.constant 0 : i32
      %dma_start3A_1275 = tpu.memref_slice %arg2[%dma_start3A_1274, %multiple_of3A_1273] : memref<16x1000000xf32, #tpu.memory_space<hbm>> -> memref<16x128xf32, #tpu.memory_space<hbm>>
      %dma_start3A_1276 = arith.constant 0 : i32
      %dma_start3A_1277 = tpu.memref_slice %arg2[%dma_start3A_1276, %multiple_of3A_1273] : memref<16x1000000xf32, #tpu.memory_space<hbm>> -> memref<16x128xf32, #tpu.memory_space<hbm>>
      tpu.enqueue_dma source(%dma_start3A_1277 : memref<16x128xf32, #tpu.memory_space<hbm>>) target(%arg18 : memref<16x128xf32, #tpu.memory_space<vmem>>) target_semaphore(%arg28 : memref<!tpu.dma_semaphore, #tpu.memory_space<semaphore_mem>>)
      %mul3A_1278 = arith.constant 8 : i32
      %mul3A_1279 = arith.muli %scan3A_984, %mul3A_1278 : i32
      %add3A_1280 = arith.constant 6 : i32
      %add3A_1281 = arith.addi %mul3A_1279, %add3A_1280 : i32
      %dma_wait3A_1282 = arith.constant 0 : i32
      %dma_wait3A_1283 = arith.constant 0 : i32
      %dma_wait3A_1284 = tpu.memref_slice %arg2[%dma_wait3A_1282, %dma_wait3A_1283] : memref<16x1000000xf32, #tpu.memory_space<hbm>> -> memref<16x128xf32, #tpu.memory_space<hbm>>
      %dma_wait3A_1285 = arith.constant 0 : i32
      %dma_wait3A_1286 = arith.constant 0 : i32
      %dma_wait3A_1287 = tpu.memref_slice %arg2[%dma_wait3A_1285, %dma_wait3A_1286] : memref<16x1000000xf32, #tpu.memory_space<hbm>> -> memref<16x128xf32, #tpu.memory_space<hbm>>
      tpu.wait_dma2 semaphore(%arg29 : memref<!tpu.dma_semaphore, #tpu.memory_space<semaphore_mem>>) src(%dma_wait3A_1287 : memref<16x128xf32, #tpu.memory_space<hbm>>) dst(%arg19 : memref<16x128xf32, #tpu.memory_space<vmem>>)
      %rem3A_1288 = arith.constant 128 : i32
      %rem3A_1289 = arith.remsi %scan3A_991, %rem3A_1288 : i32
      %broadcast_in_dim3A_1290 = vector.broadcast %rem3A_1289 : i32 to vector<16xi32>
      %broadcast_in_dim3A_1291 = vector.broadcast %add3A_1281 : i32 to vector<16xi32>
      %gather3A_1292 = tpu.vector_load_idx %arg19[%iota3A_859, %broadcast_in_dim3A_1290] : memref<16x128xf32, #tpu.memory_space<vmem>>[vector<16xi32>, vector<16xi32>], vector<16xf32>,
      tpu.vector_store_idx %arg12[%iota3A_859, %broadcast_in_dim3A_1291], %gather3A_1292 : memref<32x512xf32, #tpu.memory_space<vmem>>[vector<16xi32>, vector<16xi32>], vector<16xf32>,
      %add3A_1293 = arith.constant 8 : i32
      %add3A_1294 = arith.addi %add3A_1281, %add3A_1293 : i32
      %min3A_1295 = arith.constant 511 : i32
      %min3A_1296 = arith.minsi %add3A_1294, %min3A_1295 : i32
      %shift_right_logical3A_1297 = arith.constant 4 : i32
      %shift_right_logical3A_1298 = arith.shrui %min3A_1296, %shift_right_logical3A_1297 : i32
      %get3A_1299 = arith.index_cast %shift_right_logical3A_1298 : i32 to index
      %get3A_1300 = arith.constant 0 : index
      %get3A_1301 = tpu.vector_load %arg10[%get3A_1299, %get3A_1300] {strides = array<i32>} : memref<32x16xi32, #tpu.memory_space<vmem>>, vector<16xi32>,
      %and3A_1302 = arith.constant 15 : i32
      %and3A_1303 = arith.andi %min3A_1296, %and3A_1302 : i32
      %eq3A_1304 = vector.broadcast %and3A_1303 : i32 to vector<16xi32>
      %eq3A_1305 = arith.cmpi eq, %iota3A, %eq3A_1304 : vector<16xi32>
      %jit3A_1306 = arith.constant -1 : i32
      %broadcast_in_dim3A_1307 = vector.broadcast %jit3A_1306 : i32 to vector<16xi32>
      %select_n3A_1308 = arith.select %eq3A_1305, %get3A_1301, %broadcast_in_dim3A_1307 : vector<16xi1>, vector<16xi32>
      %reduce_max3A_1309 = arith.constant true
      %reduce_max3A_1310 = vector.broadcast %reduce_max3A_1309 : i1 to vector<16xi1>
      %reduce_max3A_1311 = arith.constant -2147483648 : i32
      %reduce_max3A_1312 = vector.broadcast %reduce_max3A_1311 : i32 to vector<16xi32>
      %reduce_max3A_1313 = arith.xori %select_n3A_1308, %reduce_max3A_1312 : vector<16xi32>
      %reduce_max3A_1314 = tpu.scan <max>, %reduce_max3A_1313 masked %reduce_max3A_1310 : vector<16xi32>, vector<16xi1> -> vector<16xi32>
      %reduce_max3A_1315 = arith.xori %reduce_max3A_1314, %reduce_max3A_1312 : vector<16xi32>
      %reduce_max3A_1316 = vector.extract %reduce_max3A_1315[15] : i32 from vector<16xi32>
      %shift_right_logical3A_1317 = arith.constant 7 : i32
      %shift_right_logical3A_1318 = arith.shrui %reduce_max3A_1316, %shift_right_logical3A_1317 : i32
      %mul3A_1319 = arith.constant 128 : i32
      %mul3A_1320 = arith.muli %shift_right_logical3A_1318, %mul3A_1319 : i32
      %multiple_of3A_1321 = tpu.assume_multiple %mul3A_1320, 128 : i32
      %dma_start3A_1322 = arith.constant 0 : i32
      %dma_start3A_1323 = tpu.memref_slice %arg2[%dma_start3A_1322, %multiple_of3A_1321] : memref<16x1000000xf32, #tpu.memory_space<hbm>> -> memref<16x128xf32, #tpu.memory_space<hbm>>
      %dma_start3A_1324 = arith.constant 0 : i32
      %dma_start3A_1325 = tpu.memref_slice %arg2[%dma_start3A_1324, %multiple_of3A_1321] : memref<16x1000000xf32, #tpu.memory_space<hbm>> -> memref<16x128xf32, #tpu.memory_space<hbm>>
      tpu.enqueue_dma source(%dma_start3A_1325 : memref<16x128xf32, #tpu.memory_space<hbm>>) target(%arg19 : memref<16x128xf32, #tpu.memory_space<vmem>>) target_semaphore(%arg29 : memref<!tpu.dma_semaphore, #tpu.memory_space<semaphore_mem>>)
      %mul3A_1326 = arith.constant 8 : i32
      %mul3A_1327 = arith.muli %scan3A_984, %mul3A_1326 : i32
      %add3A_1328 = arith.constant 7 : i32
      %add3A_1329 = arith.addi %mul3A_1327, %add3A_1328 : i32
      %dma_wait3A_1330 = arith.constant 0 : i32
      %dma_wait3A_1331 = arith.constant 0 : i32
      %dma_wait3A_1332 = tpu.memref_slice %arg2[%dma_wait3A_1330, %dma_wait3A_1331] : memref<16x1000000xf32, #tpu.memory_space<hbm>> -> memref<16x128xf32, #tpu.memory_space<hbm>>
      %dma_wait3A_1333 = arith.constant 0 : i32
      %dma_wait3A_1334 = arith.constant 0 : i32
      %dma_wait3A_1335 = tpu.memref_slice %arg2[%dma_wait3A_1333, %dma_wait3A_1334] : memref<16x1000000xf32, #tpu.memory_space<hbm>> -> memref<16x128xf32, #tpu.memory_space<hbm>>
      tpu.wait_dma2 semaphore(%arg30 : memref<!tpu.dma_semaphore, #tpu.memory_space<semaphore_mem>>) src(%dma_wait3A_1335 : memref<16x128xf32, #tpu.memory_space<hbm>>) dst(%arg20 : memref<16x128xf32, #tpu.memory_space<vmem>>)
      %rem3A_1336 = arith.constant 128 : i32
      %rem3A_1337 = arith.remsi %scan3A_992, %rem3A_1336 : i32
      %broadcast_in_dim3A_1338 = vector.broadcast %rem3A_1337 : i32 to vector<16xi32>
      %broadcast_in_dim3A_1339 = vector.broadcast %add3A_1329 : i32 to vector<16xi32>
      %gather3A_1340 = tpu.vector_load_idx %arg20[%iota3A_859, %broadcast_in_dim3A_1338] : memref<16x128xf32, #tpu.memory_space<vmem>>[vector<16xi32>, vector<16xi32>], vector<16xf32>,
      tpu.vector_store_idx %arg12[%iota3A_859, %broadcast_in_dim3A_1339], %gather3A_1340 : memref<32x512xf32, #tpu.memory_space<vmem>>[vector<16xi32>, vector<16xi32>], vector<16xf32>,
      %add3A_1341 = arith.constant 8 : i32
      %add3A_1342 = arith.addi %add3A_1329, %add3A_1341 : i32
      %min3A_1343 = arith.constant 511 : i32
      %min3A_1344 = arith.minsi %add3A_1342, %min3A_1343 : i32
      %shift_right_logical3A_1345 = arith.constant 4 : i32
      %shift_right_logical3A_1346 = arith.shrui %min3A_1344, %shift_right_logical3A_1345 : i32
      %get3A_1347 = arith.index_cast %shift_right_logical3A_1346 : i32 to index
      %get3A_1348 = arith.constant 0 : index
      %get3A_1349 = tpu.vector_load %arg10[%get3A_1347, %get3A_1348] {strides = array<i32>} : memref<32x16xi32, #tpu.memory_space<vmem>>, vector<16xi32>,
      %and3A_1350 = arith.constant 15 : i32
      %and3A_1351 = arith.andi %min3A_1344, %and3A_1350 : i32
      %eq3A_1352 = vector.broadcast %and3A_1351 : i32 to vector<16xi32>
      %eq3A_1353 = arith.cmpi eq, %iota3A, %eq3A_1352 : vector<16xi32>
      %jit3A_1354 = arith.constant -1 : i32
      %broadcast_in_dim3A_1355 = vector.broadcast %jit3A_1354 : i32 to vector<16xi32>
      %select_n3A_1356 = arith.select %eq3A_1353, %get3A_1349, %broadcast_in_dim3A_1355 : vector<16xi1>, vector<16xi32>
      %reduce_max3A_1357 = arith.constant true
      %reduce_max3A_1358 = vector.broadcast %reduce_max3A_1357 : i1 to vector<16xi1>
      %reduce_max3A_1359 = arith.constant -2147483648 : i32
      %reduce_max3A_1360 = vector.broadcast %reduce_max3A_1359 : i32 to vector<16xi32>
      %reduce_max3A_1361 = arith.xori %select_n3A_1356, %reduce_max3A_1360 : vector<16xi32>
      %reduce_max3A_1362 = tpu.scan <max>, %reduce_max3A_1361 masked %reduce_max3A_1358 : vector<16xi32>, vector<16xi1> -> vector<16xi32>
      %reduce_max3A_1363 = arith.xori %reduce_max3A_1362, %reduce_max3A_1360 : vector<16xi32>
      %reduce_max3A_1364 = vector.extract %reduce_max3A_1363[15] : i32 from vector<16xi32>
      %shift_right_logical3A_1365 = arith.constant 7 : i32
      %shift_right_logical3A_1366 = arith.shrui %reduce_max3A_1364, %shift_right_logical3A_1365 : i32
      %mul3A_1367 = arith.constant 128 : i32
      %mul3A_1368 = arith.muli %shift_right_logical3A_1366, %mul3A_1367 : i32
      %multiple_of3A_1369 = tpu.assume_multiple %mul3A_1368, 128 : i32
      %dma_start3A_1370 = arith.constant 0 : i32
      %dma_start3A_1371 = tpu.memref_slice %arg2[%dma_start3A_1370, %multiple_of3A_1369] : memref<16x1000000xf32, #tpu.memory_space<hbm>> -> memref<16x128xf32, #tpu.memory_space<hbm>>
      %dma_start3A_1372 = arith.constant 0 : i32
      %dma_start3A_1373 = tpu.memref_slice %arg2[%dma_start3A_1372, %multiple_of3A_1369] : memref<16x1000000xf32, #tpu.memory_space<hbm>> -> memref<16x128xf32, #tpu.memory_space<hbm>>
      tpu.enqueue_dma source(%dma_start3A_1373 : memref<16x128xf32, #tpu.memory_space<hbm>>) target(%arg20 : memref<16x128xf32, #tpu.memory_space<vmem>>) target_semaphore(%arg30 : memref<!tpu.dma_semaphore, #tpu.memory_space<semaphore_mem>>)
      scf.yield %reduce_max3A_1028, %reduce_max3A_1076, %reduce_max3A_1124, %reduce_max3A_1172, %reduce_max3A_1220, %reduce_max3A_1268, %reduce_max3A_1316, %reduce_max3A_1364 : i32, i32, i32, i32, i32, i32, i32, i32
    }
    %scan3A_924 = arith.constant 16 : i32
    %dma_wait3A_925 = arith.constant 384 : i32
    %dma_wait3A_926 = tpu.memref_slice %arg9[%dma_wait3A_925] : memref<512xi32, #tpu.memory_space<vmem>> -> memref<128xi32, #tpu.memory_space<vmem>>
    %dma_wait3A_927 = arith.constant 0 : i32
    %dma_wait3A_928 = arith.constant 0 : i32
    %dma_wait3A_929 = tpu.memref_slice %arg3[%dma_wait3A_927, %dma_wait3A_928] : memref<12500x128xf32, #tpu.memory_space<hbm>> -> memref<12500x128xf32, #tpu.memory_space<hbm>>
    tpu.wait_indirect_dma semaphore(%arg32 : memref<!tpu.dma_semaphore, #tpu.memory_space<semaphore_mem>>) src(%dma_wait3A_929 : memref<12500x128xf32, #tpu.memory_space<hbm>>) dst(%arg22 : memref<128x128xf32, #tpu.memory_space<vmem>>)
    %scan3A_930 = arith.constant 0 : i32
    %scan3A_931 = arith.constant 0 : i32
    %scan3A_932 = arith.constant 128 : i32
    %scan3A_933 = arith.addi %scan3A_931, %scan3A_932 : i32
    %scan3A_934 = arith.constant 1 : i32
    scf.for %scan3A_984 = %scan3A_931 to %scan3A_933 step %scan3A_934  : i32 {
      %add3A_985 = arith.constant 384 : i32
      %add3A_986 = arith.addi %add3A_985, %scan3A_984 : i32
      %shift_right_logical3A_987 = arith.constant 4 : i32
      %shift_right_logical3A_988 = arith.shrui %add3A_986, %shift_right_logical3A_987 : i32
      %get3A_989 = arith.index_cast %shift_right_logical3A_988 : i32 to index
      %get3A_990 = arith.constant 0 : index
      %get3A_991 = tpu.vector_load %arg11[%get3A_989, %get3A_990] {strides = array<i32>} : memref<32x16xi32, #tpu.memory_space<vmem>>, vector<16xi32>,
      %and3A_992 = arith.constant 15 : i32
      %and3A_993 = arith.andi %add3A_986, %and3A_992 : i32
      %eq3A_994 = vector.broadcast %and3A_993 : i32 to vector<16xi32>
      %eq3A_995 = arith.cmpi eq, %iota3A, %eq3A_994 : vector<16xi32>
      %jit3A_996 = arith.constant -1 : i32
      %broadcast_in_dim3A_997 = vector.broadcast %jit3A_996 : i32 to vector<16xi32>
      %select_n3A_998 = arith.select %eq3A_995, %get3A_991, %broadcast_in_dim3A_997 : vector<16xi1>, vector<16xi32>
      %reduce_max3A_999 = arith.constant true
      %reduce_max3A_1000 = vector.broadcast %reduce_max3A_999 : i1 to vector<16xi1>
      %reduce_max3A_1001 = arith.constant -2147483648 : i32
      %reduce_max3A_1002 = vector.broadcast %reduce_max3A_1001 : i32 to vector<16xi32>
      %reduce_max3A_1003 = arith.xori %select_n3A_998, %reduce_max3A_1002 : vector<16xi32>
      %reduce_max3A_1004 = tpu.scan <max>, %reduce_max3A_1003 masked %reduce_max3A_1000 : vector<16xi32>, vector<16xi1> -> vector<16xi32>
      %reduce_max3A_1005 = arith.xori %reduce_max3A_1004, %reduce_max3A_1002 : vector<16xi32>
      %reduce_max3A_1006 = vector.extract %reduce_max3A_1005[15] : i32 from vector<16xi32>
      %and3A_1007 = arith.constant 7 : i32
      %and3A_1008 = arith.andi %reduce_max3A_1006, %and3A_1007 : i32
      %mul3A_1009 = arith.constant 16 : i32
      %mul3A_1010 = arith.muli %and3A_1008, %mul3A_1009 : i32
      %broadcast_in_dim3A_1011 = vector.broadcast %mul3A_1010 : i32 to vector<16xi32>
      %add3A_1012 = arith.addi %broadcast_in_dim3A_1011, %iota3A_859 : vector<16xi32>
      %broadcast_in_dim3A_1013 = vector.broadcast %scan3A_984 : i32 to vector<16xi32>
      %gather3A = tpu.vector_load_idx %arg22[%broadcast_in_dim3A_1013, %add3A_1012] : memref<128x128xf32, #tpu.memory_space<vmem>>[vector<16xi32>, vector<16xi32>], vector<16xf32>,
      %add3A_1014 = arith.constant 16 : i32
      %add3A_1015 = vector.broadcast %add3A_1014 : i32 to vector<16xi32>
      %add3A_1016 = arith.addi %iota3A_859, %add3A_1015 : vector<16xi32>
      %broadcast_in_dim3A_1017 = vector.broadcast %add3A_986 : i32 to vector<16xi32>
      tpu.vector_store_idx %arg12[%add3A_1016, %broadcast_in_dim3A_1017], %gather3A : memref<32x512xf32, #tpu.memory_space<vmem>>[vector<16xi32>, vector<16xi32>], vector<16xf32>,
    }
    %scan3A_935 = arith.constant 128 : i32
    %dma_wait3A_936 = arith.constant 0 : i32
    %dma_wait3A_937 = arith.constant 0 : i32
    %dma_wait3A_938 = tpu.memref_slice %arg2[%dma_wait3A_936, %dma_wait3A_937] : memref<16x1000000xf32, #tpu.memory_space<hbm>> -> memref<16x128xf32, #tpu.memory_space<hbm>>
    %dma_wait3A_939 = arith.constant 0 : i32
    %dma_wait3A_940 = arith.constant 0 : i32
    %dma_wait3A_941 = tpu.memref_slice %arg2[%dma_wait3A_939, %dma_wait3A_940] : memref<16x1000000xf32, #tpu.memory_space<hbm>> -> memref<16x128xf32, #tpu.memory_space<hbm>>
    tpu.wait_dma2 semaphore(%arg23 : memref<!tpu.dma_semaphore, #tpu.memory_space<semaphore_mem>>) src(%dma_wait3A_941 : memref<16x128xf32, #tpu.memory_space<hbm>>) dst(%arg13 : memref<16x128xf32, #tpu.memory_space<vmem>>)
    %dma_wait3A_942 = arith.constant 0 : i32
    %dma_wait3A_943 = arith.constant 0 : i32
    %dma_wait3A_944 = tpu.memref_slice %arg2[%dma_wait3A_942, %dma_wait3A_943] : memref<16x1000000xf32, #tpu.memory_space<hbm>> -> memref<16x128xf32, #tpu.memory_space<hbm>>
    %dma_wait3A_945 = arith.constant 0 : i32
    %dma_wait3A_946 = arith.constant 0 : i32
    %dma_wait3A_947 = tpu.memref_slice %arg2[%dma_wait3A_945, %dma_wait3A_946] : memref<16x1000000xf32, #tpu.memory_space<hbm>> -> memref<16x128xf32, #tpu.memory_space<hbm>>
    tpu.wait_dma2 semaphore(%arg24 : memref<!tpu.dma_semaphore, #tpu.memory_space<semaphore_mem>>) src(%dma_wait3A_947 : memref<16x128xf32, #tpu.memory_space<hbm>>) dst(%arg14 : memref<16x128xf32, #tpu.memory_space<vmem>>)
    %dma_wait3A_948 = arith.constant 0 : i32
    %dma_wait3A_949 = arith.constant 0 : i32
    %dma_wait3A_950 = tpu.memref_slice %arg2[%dma_wait3A_948, %dma_wait3A_949] : memref<16x1000000xf32, #tpu.memory_space<hbm>> -> memref<16x128xf32, #tpu.memory_space<hbm>>
    %dma_wait3A_951 = arith.constant 0 : i32
    %dma_wait3A_952 = arith.constant 0 : i32
    %dma_wait3A_953 = tpu.memref_slice %arg2[%dma_wait3A_951, %dma_wait3A_952] : memref<16x1000000xf32, #tpu.memory_space<hbm>> -> memref<16x128xf32, #tpu.memory_space<hbm>>
    tpu.wait_dma2 semaphore(%arg25 : memref<!tpu.dma_semaphore, #tpu.memory_space<semaphore_mem>>) src(%dma_wait3A_953 : memref<16x128xf32, #tpu.memory_space<hbm>>) dst(%arg15 : memref<16x128xf32, #tpu.memory_space<vmem>>)
    %dma_wait3A_954 = arith.constant 0 : i32
    %dma_wait3A_955 = arith.constant 0 : i32
    %dma_wait3A_956 = tpu.memref_slice %arg2[%dma_wait3A_954, %dma_wait3A_955] : memref<16x1000000xf32, #tpu.memory_space<hbm>> -> memref<16x128xf32, #tpu.memory_space<hbm>>
    %dma_wait3A_957 = arith.constant 0 : i32
    %dma_wait3A_958 = arith.constant 0 : i32
    %dma_wait3A_959 = tpu.memref_slice %arg2[%dma_wait3A_957, %dma_wait3A_958] : memref<16x1000000xf32, #tpu.memory_space<hbm>> -> memref<16x128xf32, #tpu.memory_space<hbm>>
    tpu.wait_dma2 semaphore(%arg26 : memref<!tpu.dma_semaphore, #tpu.memory_space<semaphore_mem>>) src(%dma_wait3A_959 : memref<16x128xf32, #tpu.memory_space<hbm>>) dst(%arg16 : memref<16x128xf32, #tpu.memory_space<vmem>>)
    %dma_wait3A_960 = arith.constant 0 : i32
    %dma_wait3A_961 = arith.constant 0 : i32
    %dma_wait3A_962 = tpu.memref_slice %arg2[%dma_wait3A_960, %dma_wait3A_961] : memref<16x1000000xf32, #tpu.memory_space<hbm>> -> memref<16x128xf32, #tpu.memory_space<hbm>>
    %dma_wait3A_963 = arith.constant 0 : i32
    %dma_wait3A_964 = arith.constant 0 : i32
    %dma_wait3A_965 = tpu.memref_slice %arg2[%dma_wait3A_963, %dma_wait3A_964] : memref<16x1000000xf32, #tpu.memory_space<hbm>> -> memref<16x128xf32, #tpu.memory_space<hbm>>
    tpu.wait_dma2 semaphore(%arg27 : memref<!tpu.dma_semaphore, #tpu.memory_space<semaphore_mem>>) src(%dma_wait3A_965 : memref<16x128xf32, #tpu.memory_space<hbm>>) dst(%arg17 : memref<16x128xf32, #tpu.memory_space<vmem>>)
    %dma_wait3A_966 = arith.constant 0 : i32
    %dma_wait3A_967 = arith.constant 0 : i32
    %dma_wait3A_968 = tpu.memref_slice %arg2[%dma_wait3A_966, %dma_wait3A_967] : memref<16x1000000xf32, #tpu.memory_space<hbm>> -> memref<16x128xf32, #tpu.memory_space<hbm>>
    %dma_wait3A_969 = arith.constant 0 : i32
    %dma_wait3A_970 = arith.constant 0 : i32
    %dma_wait3A_971 = tpu.memref_slice %arg2[%dma_wait3A_969, %dma_wait3A_970] : memref<16x1000000xf32, #tpu.memory_space<hbm>> -> memref<16x128xf32, #tpu.memory_space<hbm>>
    tpu.wait_dma2 semaphore(%arg28 : memref<!tpu.dma_semaphore, #tpu.memory_space<semaphore_mem>>) src(%dma_wait3A_971 : memref<16x128xf32, #tpu.memory_space<hbm>>) dst(%arg18 : memref<16x128xf32, #tpu.memory_space<vmem>>)
    %dma_wait3A_972 = arith.constant 0 : i32
    %dma_wait3A_973 = arith.constant 0 : i32
    %dma_wait3A_974 = tpu.memref_slice %arg2[%dma_wait3A_972, %dma_wait3A_973] : memref<16x1000000xf32, #tpu.memory_space<hbm>> -> memref<16x128xf32, #tpu.memory_space<hbm>>
    %dma_wait3A_975 = arith.constant 0 : i32
    %dma_wait3A_976 = arith.constant 0 : i32
    %dma_wait3A_977 = tpu.memref_slice %arg2[%dma_wait3A_975, %dma_wait3A_976] : memref<16x1000000xf32, #tpu.memory_space<hbm>> -> memref<16x128xf32, #tpu.memory_space<hbm>>
    tpu.wait_dma2 semaphore(%arg29 : memref<!tpu.dma_semaphore, #tpu.memory_space<semaphore_mem>>) src(%dma_wait3A_977 : memref<16x128xf32, #tpu.memory_space<hbm>>) dst(%arg19 : memref<16x128xf32, #tpu.memory_space<vmem>>)
    %dma_wait3A_978 = arith.constant 0 : i32
    %dma_wait3A_979 = arith.constant 0 : i32
    %dma_wait3A_980 = tpu.memref_slice %arg2[%dma_wait3A_978, %dma_wait3A_979] : memref<16x1000000xf32, #tpu.memory_space<hbm>> -> memref<16x128xf32, #tpu.memory_space<hbm>>
    %dma_wait3A_981 = arith.constant 0 : i32
    %dma_wait3A_982 = arith.constant 0 : i32
    %dma_wait3A_983 = tpu.memref_slice %arg2[%dma_wait3A_981, %dma_wait3A_982] : memref<16x1000000xf32, #tpu.memory_space<hbm>> -> memref<16x128xf32, #tpu.memory_space<hbm>>
    tpu.wait_dma2 semaphore(%arg30 : memref<!tpu.dma_semaphore, #tpu.memory_space<semaphore_mem>>) src(%dma_wait3A_983 : memref<16x128xf32, #tpu.memory_space<hbm>>) dst(%arg20 : memref<16x128xf32, #tpu.memory_space<vmem>>)
    "tpu.region"() ({
      %run_scoped3A = tpu.sem_alloc : memref<!tpu.dma_semaphore, #tpu.memory_space<semaphore_mem>>
      %dma_start3A_984 = arith.constant 0 : i32
      %dma_start3A_985 = tpu.memref_slice %arg6[%dma_start3A_984, %multiple_of3A] : memref<32x16384xf32, #tpu.memory_space<hbm>> -> memref<32x512xf32, #tpu.memory_space<hbm>>
      %dma_start3A_986 = arith.constant 0 : i32
      %dma_start3A_987 = tpu.memref_slice %arg6[%dma_start3A_986, %multiple_of3A] : memref<32x16384xf32, #tpu.memory_space<hbm>> -> memref<32x512xf32, #tpu.memory_space<hbm>>
      tpu.enqueue_dma source(%arg12 : memref<32x512xf32, #tpu.memory_space<vmem>>) target(%dma_start3A_987 : memref<32x512xf32, #tpu.memory_space<hbm>>) target_semaphore(%run_scoped3A : memref<!tpu.dma_semaphore, #tpu.memory_space<semaphore_mem>>)
      %dma_wait3A_988 = arith.constant 0 : i32
      %dma_wait3A_989 = tpu.memref_slice %arg6[%dma_wait3A_988, %multiple_of3A] : memref<32x16384xf32, #tpu.memory_space<hbm>> -> memref<32x512xf32, #tpu.memory_space<hbm>>
      %dma_wait3A_990 = arith.constant 0 : i32
      %dma_wait3A_991 = tpu.memref_slice %arg6[%dma_wait3A_990, %multiple_of3A] : memref<32x16384xf32, #tpu.memory_space<hbm>> -> memref<32x512xf32, #tpu.memory_space<hbm>>
      tpu.wait_dma2 semaphore(%run_scoped3A : memref<!tpu.dma_semaphore, #tpu.memory_space<semaphore_mem>>) src(%arg12 : memref<32x512xf32, #tpu.memory_space<vmem>>) dst(%dma_wait3A_991 : memref<32x512xf32, #tpu.memory_space<hbm>>)
      tpu.yield
    }) : () -> ()
    return
  }
}

module attributes {stable_mosaic.version = 14 : i64} {
  func.func @_mlp_body(%arg0: i32, %arg1: memref<32x2048xf32, #tpu.memory_space<vmem>>, %arg2: memref<128x32xf32, #tpu.memory_space<vmem>>, %arg3: memref<128x1xf32, #tpu.memory_space<vmem>>, %arg4: memref<64x128xf32, #tpu.memory_space<vmem>>, %arg5: memref<64x1xf32, #tpu.memory_space<vmem>>, %arg6: memref<1x64xf32, #tpu.memory_space<vmem>>, %arg7: memref<1x1xf32, #tpu.memory_space<vmem>>, %arg8: memref<1x2048xf32, #tpu.memory_space<vmem>>) attributes {dimension_semantics = [#tpu.dimension_semantics<arbitrary>], iteration_bounds = array<i64: 8>, scalar_prefetch = 0 : i64, scratch_operands = 0 : i64, tpu.core_type = #tpu.core_type<tc>, window_params = [{transform_indices = @transform_0, window_bounds = array<i64: 32, 2048>}, {pipeline_mode = #tpu.pipeline_mode<synchronous>, transform_indices = @transform_1, window_bounds = array<i64: 128, 32>}, {pipeline_mode = #tpu.pipeline_mode<synchronous>, transform_indices = @transform_2, window_bounds = array<i64: 128, 1>}, {pipeline_mode = #tpu.pipeline_mode<synchronous>, transform_indices = @transform_3, window_bounds = array<i64: 64, 128>}, {pipeline_mode = #tpu.pipeline_mode<synchronous>, transform_indices = @transform_4, window_bounds = array<i64: 64, 1>}, {pipeline_mode = #tpu.pipeline_mode<synchronous>, transform_indices = @transform_5, window_bounds = array<i64: 1, 64>}, {pipeline_mode = #tpu.pipeline_mode<synchronous>, transform_indices = @transform_6, window_bounds = array<i64: 1, 1>}, {transform_indices = @transform_7, window_bounds = array<i64: 1, 2048>}]} {
    %get3A = arith.constant 0 : index
    %get3A_0 = arith.constant 0 : index
    %get3A_1 = vector.load %arg2[%get3A, %get3A_0] : memref<128x32xf32, #tpu.memory_space<vmem>>, vector<128x32xf32>
    %get3A_2 = arith.constant 0 : index
    %get3A_3 = arith.constant 0 : index
    %get3A_4 = vector.load %arg1[%get3A_2, %get3A_3] : memref<32x2048xf32, #tpu.memory_space<vmem>>, vector<32x2048xf32>
    %dot_general3A = arith.constant dense<0.000000e+00> : vector<128x2048xf32>
    %dot_general3A_5 = tpu.matmul %get3A_1, %get3A_4, %dot_general3A {dimension_numbers = #tpu.dot_dimension_numbers<[1], [0], [0], [1], [0, 0, 1, 1], [], []>, transpose_lhs_hint = false} : vector<128x32xf32>, vector<32x2048xf32>, vector<128x2048xf32> -> vector<128x2048xf32>
    %get3A_6 = arith.constant 0 : index
    %get3A_7 = arith.constant 0 : index
    %get3A_8 = vector.load %arg3[%get3A_6, %get3A_7] : memref<128x1xf32, #tpu.memory_space<vmem>>, vector<128x1xf32>
    %add3A = vector.broadcast %get3A_8 : vector<128x1xf32> to vector<128x2048xf32>
    %add3A_9 = arith.addf %dot_general3A_5, %add3A : vector<128x2048xf32>
    %max3A = arith.constant 0.000000e+00 : f32
    %max3A_10 = vector.broadcast %max3A : f32 to vector<128x2048xf32>
    %max3A_11 = arith.maximumf %add3A_9, %max3A_10 : vector<128x2048xf32>
    %get3A_12 = arith.constant 0 : index
    %get3A_13 = arith.constant 0 : index
    %get3A_14 = vector.load %arg4[%get3A_12, %get3A_13] : memref<64x128xf32, #tpu.memory_space<vmem>>, vector<64x128xf32>
    %dot_general3A_15 = arith.constant dense<0.000000e+00> : vector<64x2048xf32>
    %dot_general3A_16 = tpu.matmul %get3A_14, %max3A_11, %dot_general3A_15 {dimension_numbers = #tpu.dot_dimension_numbers<[1], [0], [0], [1], [0, 0, 1, 1], [], []>, transpose_lhs_hint = false} : vector<64x128xf32>, vector<128x2048xf32>, vector<64x2048xf32> -> vector<64x2048xf32>
    %get3A_17 = arith.constant 0 : index
    %get3A_18 = arith.constant 0 : index
    %get3A_19 = vector.load %arg5[%get3A_17, %get3A_18] : memref<64x1xf32, #tpu.memory_space<vmem>>, vector<64x1xf32>
    %add3A_20 = vector.broadcast %get3A_19 : vector<64x1xf32> to vector<64x2048xf32>
    %add3A_21 = arith.addf %dot_general3A_16, %add3A_20 : vector<64x2048xf32>
    %max3A_22 = arith.constant 0.000000e+00 : f32
    %max3A_23 = vector.broadcast %max3A_22 : f32 to vector<64x2048xf32>
    %max3A_24 = arith.maximumf %add3A_21, %max3A_23 : vector<64x2048xf32>
    %get3A_25 = arith.constant 0 : index
    %get3A_26 = arith.constant 0 : index
    %get3A_27 = vector.load %arg6[%get3A_25, %get3A_26] : memref<1x64xf32, #tpu.memory_space<vmem>>, vector<1x64xf32>
    %dot_general3A_28 = arith.constant dense<0.000000e+00> : vector<1x2048xf32>
    %dot_general3A_29 = tpu.matmul %get3A_27, %max3A_24, %dot_general3A_28 {dimension_numbers = #tpu.dot_dimension_numbers<[1], [0], [0], [1], [0, 0, 1, 1], [], []>, transpose_lhs_hint = false} : vector<1x64xf32>, vector<64x2048xf32>, vector<1x2048xf32> -> vector<1x2048xf32>
    %get3A_30 = arith.constant 0 : index
    %get3A_31 = arith.constant 0 : index
    %get3A_32 = vector.load %arg7[%get3A_30, %get3A_31] : memref<1x1xf32, #tpu.memory_space<vmem>>, vector<1x1xf32>
    %add3A_33 = vector.broadcast %get3A_32 : vector<1x1xf32> to vector<1x2048xf32>
    %add3A_34 = arith.addf %dot_general3A_29, %add3A_33 : vector<1x2048xf32>
    %swap3A = arith.constant 0 : index
    %swap3A_35 = arith.constant 0 : index
    %swap3A_36 = vector.load %arg8[%swap3A, %swap3A_35] : memref<1x2048xf32, #tpu.memory_space<vmem>>, vector<1x2048xf32>
    tpu.vector_store %arg8[%swap3A, %swap3A_35], %add3A_34 {strides = array<i32>} : memref<1x2048xf32, #tpu.memory_space<vmem>>, vector<1x2048xf32>,
    return
  }
  func.func @transform_0(%arg0: i32) -> (i32, i32) {
    %c0_i32 = arith.constant 0 : i32
    %c0_i32_0 = arith.constant 0 : i32
    return %c0_i32, %arg0 : i32, i32
  }
  func.func @transform_1(%arg0: i32) -> (i32, i32) {
    %c0_i32 = arith.constant 0 : i32
    %c0_i32_0 = arith.constant 0 : i32
    %c0_i32_1 = arith.constant 0 : i32
    return %c0_i32, %c0_i32_0 : i32, i32
  }
  func.func @transform_2(%arg0: i32) -> (i32, i32) {
    %c0_i32 = arith.constant 0 : i32
    %c0_i32_0 = arith.constant 0 : i32
    %c0_i32_1 = arith.constant 0 : i32
    return %c0_i32, %c0_i32_0 : i32, i32
  }
  func.func @transform_3(%arg0: i32) -> (i32, i32) {
    %c0_i32 = arith.constant 0 : i32
    %c0_i32_0 = arith.constant 0 : i32
    %c0_i32_1 = arith.constant 0 : i32
    return %c0_i32, %c0_i32_0 : i32, i32
  }
  func.func @transform_4(%arg0: i32) -> (i32, i32) {
    %c0_i32 = arith.constant 0 : i32
    %c0_i32_0 = arith.constant 0 : i32
    %c0_i32_1 = arith.constant 0 : i32
    return %c0_i32, %c0_i32_0 : i32, i32
  }
  func.func @transform_5(%arg0: i32) -> (i32, i32) {
    %c0_i32 = arith.constant 0 : i32
    %c0_i32_0 = arith.constant 0 : i32
    %c0_i32_1 = arith.constant 0 : i32
    return %c0_i32, %c0_i32_0 : i32, i32
  }
  func.func @transform_6(%arg0: i32) -> (i32, i32) {
    %c0_i32 = arith.constant 0 : i32
    %c0_i32_0 = arith.constant 0 : i32
    %c0_i32_1 = arith.constant 0 : i32
    return %c0_i32, %c0_i32_0 : i32, i32
  }
  func.func @transform_7(%arg0: i32) -> (i32, i32) {
    %c0_i32 = arith.constant 0 : i32
    %c0_i32_0 = arith.constant 0 : i32
    return %c0_i32, %arg0 : i32, i32
  }
}

</mosaic_0001>

<sc_bundles>
// kernel: kernel.4.cloned.1.call-start
scs
__scs_entry_jumppad:
0x0: {  	(pc) =	sbr.rel $0x88, $3  }
0x1: {  	(tag) =	ssettag $0x0;
	lr =	simm.s32 $0x1  }
0x2: {  	[smem:$0x3F97] =	sst lr;
	_ =	strace $0xD0000000  }
0x3: {  	_ = 	snop  }
0x4: {  	_ = 	snop  }
0x5: {  	_ = 	snop  }
0x6: {  	_ = 	snop  }
0x7: {  	_ = 	snop  }
__scs_overlays_trampoline_lowered:
0x8: {  	[smem:$0x3FA6] =	sst s0  }
0x9: {  	[smem:$0x3FA7] =	sst s1  }
0xa: {  	[smem:$0x3FA8] =	sst s2  }
0xb: {  	[smem:$0x3FA9] =	sst s3  }
0xc: {  	[smem:$0x3FAA] =	sst s4  }
0xd: {  	[smem:$0x3FAB] =	sst s5  }
0xe: {  	[smem:$0x3FAC] =	sst s6  }
0xf: {  	[smem:$0x3FAD] =	sst s7  }
0x10: {  	[smem:$0x3FAE] =	sst s8  }
0x11: {  	[smem:$0x3FAF] =	sst s9;
	s0 =	simm.s32 @!p0 $0x0  }
0x12: {  	s1 =	sld [smem:$0x3F95];
	s0 =	simm.s32 @p0 $0x1  }
0x13: {  	[smem:$0x3FB0] =	sst s0;
	s0 =	simm.s32 @!p1 $0x0  }
0x14: {  	s2 =	sld [smem:$0x3F94];
	s0 =	simm.s32 @p1 $0x1  }
0x15: {  	[smem:$0x3FB1] =	sst s0;
	s0 =	simm.s32 @!p2 $0x0  }
0x16: {  	s3 =	sld [smem:$0x3FDB];
	s0 =	simm.s32 @p2 $0x1  }
0x17: {  	s4 =	simm.s32 $0x1BF5;
	[smem:$0x3FB3] =	sst s0  }
0x18: {  	s0 =	sld [smem:$0x3F96];
	_ =	swait.ge [sflag:s4], $0x0  }
0x19: {  	s7 =	sld [smem:$0x3F97]  }
0x1a: {  	s8 =	sadd.s32 $0xFFFFE003, lr  }
0x1b: {  	s9 =	sadd.s32 $0xFFFFFEF7, lr;
	s5 =	simm.s32 $0xFFFFFFFF;
	p2 =	slt.u32 s8, $0xFFFFF086  }
0x1c: {  	p1 =	slt.u32 s9, $0xF7A;
	s5 =	simm.s32 @!p2 $0x0  }
0x1d: {  	s5 =	simm.s32 @p1 $0x1;
	p0 =	seq.s32 s7, s2  }
0x1e: {  	s7 =	smul.u32 @!p0 $0xF7A, s2;
	p2 =	seq.s32 @!p0 s5, $0x0  }
0x1f: {  	s9 =	smul.u32 $0xF7A, s1;
	s8 =	simm.s32 @!p0 $0x1BF5;
	p2 =	por !p2, p0  }
0x20: {  	[sflag:s8] =	ssyncset.s32 @!p0 $0xFFFFF086;
	s6 =	sadd.s32 @!p0 s3, s7;
	s7 =	simm.s32 @!p0 $0x108  }
0x21: {  	s3 =	sadd.s32 s3, s9;
	s6 =	sadd.s32 @!p0 $0x88, s6;
	s7 =	simm.s32 @p2 $0x1082  }
0x22: {  	[simem:s7], [sflag:s8] =	dma.local @!p0 [hbm:s6], $0xF7A  }
0x23: {  	s9 =	sor.u32 $0xD0000000, s2;
	s6 =	simm.s32 $0x108;
	_ =	swait.ge @!p0 [sflag:s8], $0x0  }
0x24: {  	s3 =	sadd.s32 $0x88, s3;
	s6 =	simm.s32 @!p1 $0x1082;
	[sflag:s4] =	ssyncset.s32 $0xFFFFF086  }
0x25: {  	[simem:s6], [sflag:s4] =	dma.local [hbm:s3], $0xF7A  }
0x26: {  	[smem:$0x3F97] =	sst s1;
	(tag) =	ssettag s2;
	_ =	strace s9  }
0x27: {  	s1 =	sld [smem:$0x3FA7]  }
0x28: {  	s2 =	sld [smem:$0x3FA8]  }
0x29: {  	s4 =	sld [smem:$0x3FAA]  }
0x2a: {  	p0 =	seq.s32 s5, $0x0;
	s5 =	sld [smem:$0x3FAB]  }
0x2b: {  	s6 =	sld [smem:$0x3FAC]  }
0x2c: {  	s7 =	sld [smem:$0x3FAD]  }
0x2d: {  	s3 =	simm.s32 $0x108;
	s8 =	sld [smem:$0x3FAE]  }
0x2e: {  	s3 =	simm.s32 @!p0 $0x1082;
	s9 =	sld [smem:$0x3FAF]  }
0x2f: {  	lr =	sadd.s32 s0, s3;
	s0 =	sld [smem:$0x3FA6]  }
0x30: {  	s3 =	sld [smem:$0x3FA9]  }
0x31: {  	[smem:$0x3FB2] =	sst s10  }
0x32: {  	s10 =	sld [smem:$0x3FB0];
	_ =	sdelay $0x3  }
0x33: {  	p0 =	seq.s32 s10, $0x1;
	s10 =	sld [smem:$0x3FB2];
	_ =	sdelay $0x3  }
0x34: {  	[smem:$0x3FB2] =	sst s10  }
0x35: {  	s10 =	sld [smem:$0x3FB1];
	_ =	sdelay $0x3  }
0x36: {  	p1 =	seq.s32 s10, $0x1;
	s10 =	sld [smem:$0x3FB2];
	_ =	sdelay $0x3  }
0x37: {  	[smem:$0x3FB2] =	sst s10  }
0x38: {  	s10 =	sld [smem:$0x3FB3]  }
0x39: {  	_ = 	snop;
	(pc) =	sbr.ind lr, $3  }
0x3a: {  	_ = 	snop  }
0x3b: {  	_ = 	snop  }
0x3c: {  	p2 =	seq.s32 s10, $0x1;
	s10 =	sld [smem:$0x3FB2]  }
0x3d: {  	_ =	shalt  }
0x3e: {  	_ =	shalt  }
0x3f: {  	_ =	shalt  }
0x40: {  	_ =	shalt  }
0x41: {  	_ =	shalt  }
0x42: {  	_ =	shalt  }
0x43: {  	_ =	shalt  }
0x44: {  	_ =	shalt  }
0x45: {  	_ =	shalt  }
0x46: {  	_ =	shalt  }
0x47: {  	_ =	shalt  }
0x48: {  	_ =	shalt  }
0x49: {  	_ =	shalt  }
0x4a: {  	_ =	shalt  }
0x4b: {  	_ =	shalt  }
0x4c: {  	_ =	shalt  }
0x4d: {  	_ =	shalt  }
0x4e: {  	_ =	shalt  }
0x4f: {  	_ =	shalt  }
0x50: {  	_ =	shalt  }
0x51: {  	_ =	shalt  }
0x52: {  	_ =	shalt  }
0x53: {  	_ =	shalt  }
0x54: {  	_ =	shalt  }
0x55: {  	_ =	shalt  }
0x56: {  	_ =	shalt  }
0x57: {  	_ =	shalt  }
0x58: {  	_ =	shalt  }
0x59: {  	_ =	shalt  }
0x5a: {  	_ =	shalt  }
0x5b: {  	_ =	shalt  }
0x5c: {  	_ =	shalt  }
0x5d: {  	_ =	shalt  }
0x5e: {  	_ =	shalt  }
0x5f: {  	_ =	shalt  }
0x60: {  	_ =	shalt  }
0x61: {  	_ =	shalt  }
0x62: {  	_ =	shalt  }
0x63: {  	_ =	shalt  }
0x64: {  	_ =	shalt  }
0x65: {  	_ =	shalt  }
0x66: {  	_ =	shalt  }
0x67: {  	_ =	shalt  }
0x68: {  	_ =	shalt  }
0x69: {  	_ =	shalt  }
0x6a: {  	_ =	shalt  }
0x6b: {  	_ =	shalt  }
0x6c: {  	_ =	shalt  }
0x6d: {  	_ =	shalt  }
0x6e: {  	_ =	shalt  }
0x6f: {  	_ =	shalt  }
0x70: {  	_ =	shalt  }
0x71: {  	_ =	shalt  }
0x72: {  	_ =	shalt  }
0x73: {  	_ =	shalt  }
0x74: {  	_ =	shalt  }
0x75: {  	_ =	shalt  }
0x76: {  	_ =	shalt  }
0x77: {  	_ =	shalt  }
0x78: {  	_ =	shalt  }
0x79: {  	_ =	shalt  }
0x7a: {  	_ =	shalt  }
0x7b: {  	_ =	shalt  }
0x7c: {  	_ =	shalt  }
0x7d: {  	_ =	shalt  }
0x7e: {  	_ =	shalt  }
0x7f: {  	_ =	shalt  }
0x80: {  	_ =	shalt  }
0x81: {  	_ =	shalt  }
0x82: {  	_ =	shalt  }
0x83: {  	_ =	shalt  }
0x84: {  	_ =	shalt  }
0x85: {  	_ =	shalt  }
0x86: {  	_ =	shalt  }
0x87: {  	_ =	shalt  }
.Lfunc_end0:
.L_simem_size_0:
called_computation_lowered:
.L_overlay_start_0:
0x88: {  	s2 =	sld [smem:$0x3FD9]  }
0x89: {  	s3 =	sld [smem:$0x3FFE];
	_ =	sdelay $0x1  }
0x8a: {  	s1 =	srdreg.scid  }
0x8b: {  	s0 =	sand.u32 $0x1, s1  }
0x8c: {  	s17 =	sshll.u32 s0, $0xA;
	s2 =	sadd.s32 s3, s2  }
0x8d: {  	s2 =	sadd.s32 s2, s17  }
0x8e: {  	[smem:$0x3FBE] =	sst s2  }
0x8f: {  	_ = 	snop  }
0x90: {  	s2 =	sld [smem:$0x3FC9]  }
0x91: {  	s18 =	sld [smem:$0x3FC8]  }
0x92: {  	s4 =	sld [smem:$0x3FC7];
	(tm) =	ssettm $0x1  }
0x93: {  	s5 =	sld [smem:$0x3FFB];
	_ =	sdelay $0x3  }
0x94: {  	_ =	strace s5  }
0x95: {  	s5 =	sld [smem:$0x3FFC];
	_ =	sdelay $0x3  }
0x96: {  	_ =	strace s5  }
0x97: {  	s5 =	sld [smem:$0x3FFD];
	_ =	sdelay $0x3  }
0x98: {  	_ =	strace s5  }
0x99: {  	_ =	strace $0x8FFFFFFF  }
0x9a: {  	s19 =	sld [smem:$0x3FDB];
	_ =	sdelay $0x1  }
0x9b: {  	s6 =	simm.s32 $_scs_section_size  }
0x9c: {  	s7 =	simm.s32 $_size__tile_overlayer_lowered;
	s8 =	simm.s32 $_tile_overlayer_lowered  }
0x9d: {  	s22 =	simm.s32 $0x1BFF;
	s21 =	sshll.u32 s8, $0x1;
	s5 =	sadd.s32 s6, s19  }
0x9e: {  	s9 =	simm.s32 $0x0;
	s20 =	sshll.u32 s7, $0x1;
	s7 =	sadd.s32 s21, s5  }
0x9f: {  	[timem:s9], [sflag:s22] =	dma.local [hbm:s7], s20  }
0xa0: {  	_ =	swait.ge [sflag:s22], s20  }
0xa1: {  	s6 =	ssub.s32 $0x0, s20;
	[sflag:s22] =	ssyncset.done $0x0  }
0xa2: {  	[sflag:s22] =	ssyncadd.s32 s6;
	_ =	sdelay $0x1  }
0xa3: {  	s23 =	simm.s32 $0x1B8B  }
0xa4: {  	_ =	swait.ge [sflag:s23], $0x1  }
0xa5: {  	[sflag:s23] =	ssyncset.done $0x0  }
0xa6: {  	s25 =	simm.s32 $0x1B8E;
	s24 =	sld [smem:$0x3FFE];
	[sflag:s23] =	ssyncadd.s32 $0xFFFFFFFF  }
0xa7: {  	s26 =	simm.s32 $execute0_lowered;
	[smem:$0x3FD2] =	sst s25  }
0xa8: {  	s7 =	sshll.u32 s26, $0x1;
	_ =	strace $0x80000046;
	[dreg:$0x1] =	wrdreg $0xFFFFFFFF  }
0xa9: {  	s28 =	simm.s32 $_size_execute0_lowered;
	s5 =	sadd.s32 s5, s7;
	[dreg:$0x0] =	wrdreg $0x0  }
0xaa: {  	s7 =	sshll.u32 s28, $0x1;
	[dreg:$0x2] =	wrdreg s5  }
0xab: {  	[dreg:$0x3] =	wrdreg s7  }
0xac: {  	[dreg:$0x4] =	wrdreg $0xC0  }
0xad: {  	_ =	task [dreg:s9], $0x5FFFF  }
0xae: {  	[dreg:$0x1] =	wrdreg $0xFFFFFFFF  }
0xaf: {  	[dreg:$0x0] =	wrdreg $0x60  }
0xb0: {  	[dreg:$0x2] =	wrdreg s4  }
0xb1: {  	[dreg:$0x3] =	wrdreg s24  }
0xb2: {  	[dreg:$0x4] =	wrdreg s2  }
0xb3: {  	[dreg:$0x5] =	wrdreg s18  }
0xb4: {  	[dreg:$0x6] =	wrdreg $0x9  }
0xb5: {  	_ =	task.clear_ibuf [dreg:s9], $0x7FFFF;
	_ =	strace $0x90000046  }
0xb6: {  	s29 =	simm.s32 $0x9;
	_ =	strace $0x80000048  }
0xb7: {  	_ =	swait.ge [sflag:s29], $0x1  }
0xb8: {  	[sflag:s29] =	ssyncadd.s32 $0xFFFFFFFF  }
0xb9: {  	_ =	strace $0x90000048  }
0xba: {  	_ =	sfence  }
0xbb: {  	s30 =	sld [smem:$0x0];
	_ =	sdelay $0x2  }
0xbc: {  	s31 =	sshll.u32 s1, $0xD;
	s1 =	sshrl.u32 s1, $0x2  }
0xbd: {  	s3 =	sand.u32 $0x4000, s31;
	s1 =	sadd.s32 s1, s30  }
0xbe: {  	s0 =	sor.u32 s3, s0;
	s1 =	sshll.u32 s1, $0x11  }
0xbf: {  	s0 =	sor.u32 s1, s0  }
0xc0: {  	s0 =	sadd.s32 $0x8F2B, s0  }
0xc1: {  	[sflag:s0] =	ssyncadd.remote.s32 $0x1  }
0xc2: {  	_ =	sfence.sel $0xFFFF  }
0xc3: {  	[dreg:$0x0] =	wrdreg $0xFFFFFFFF;
	(pc) =	sbr.abs _section_cstart, $3  }
0xc4: {  	[dreg:$0x1] =	wrdreg $0xFFFFFFFF  }
0xc5: {  	_ =	task.clear_ibuf [dreg:s9], $0x2FFFF;
	_ =	strace $0x9FFFFFFF  }
0xc6: {  	(tm) =	ssettm $0x7FFFFFFF  }
0xc7: {  	_ =	shalt  }
tec
execute0_lowered:
.L_overlay_start_1:
0x0: {  	(tag) =	ssettag $0x1  }
0x1: {  	vm0 =	vmmov $0x1;
	vm1 =	vcmask $0x308;
	vm2 =	vcmask $0x70C  }
0x2: {  	vm3 =	vcmask $0xB10;
	v0 =	vimm.s32 $0x1380;
	vm5 =	vcmask $0x300  }
0x3: {  	vm4 =	vcmask $0xF14;
	vm6 =	vcmask $0x704;
	vm7 =	vcmask $0xB08  }
0x4: {  	v1 =	vimm.s32 $0x3380;
	v2 =	vimm.s32 $0x3780;
	v3 =	vimm.s32 $0x3B80  }
0x5: {  	v4 =	vimm.s32 $0x3F80;
	vm8 =	vcmask $0x3330;
	v0 =	vsel vm5, $0x0, v0  }
0x6: {  	v1 =	vsel vm5, $0x2000, v1;
	v2 =	vsel vm5, $0x2400, v2;
	v3 =	vsel vm5, $0x2800, v3  }
0x7: {  	v4 =	vsel vm5, $0x2C00, v4;
	vm5 =	vcmask $0xF0C;
	v0 =	vsel vm6, $0x80, v0  }
0x8: {  	v1 =	vsel vm6, $0x2080, v1;
	v2 =	vsel vm6, $0x2480, v2;
	v3 =	vsel vm6, $0x2880, v3  }
0x9: {  	v4 =	vsel vm6, $0x2C80, v4;
	vm6 =	vcmask $0x1310;
	v0 =	vsel vm7, $0x100, v0  }
0xa: {  	v1 =	vsel vm7, $0x2100, v1;
	v2 =	vsel vm7, $0x2500, v2;
	v3 =	vsel vm7, $0x2900, v3  }
0xb: {  	v4 =	vsel vm7, $0x2D00, v4;
	vm7 =	vcmask $0x1714;
	v0 =	vsel vm5, $0x180, v0  }
0xc: {  	v1 =	vsel vm5, $0x2180, v1;
	v2 =	vsel vm5, $0x2580, v2;
	v3 =	vsel vm5, $0x2980, v3  }
0xd: {  	v4 =	vsel vm5, $0x2D80, v4;
	vm5 =	vcmask $0x1B18;
	v0 =	vsel vm6, $0x200, v0  }
0xe: {  	v1 =	vsel vm6, $0x2200, v1;
	v2 =	vsel vm6, $0x2600, v2;
	v3 =	vsel vm6, $0x2A00, v3  }
0xf: {  	v4 =	vsel vm6, $0x2E00, v4;
	vm6 =	vcmask $0x1F1C;
	v0 =	vsel vm7, $0x280, v0  }
0x10: {  	v1 =	vsel vm7, $0x2280, v1;
	v2 =	vsel vm7, $0x2680, v2;
	v3 =	vsel vm7, $0x2A80, v3  }
0x11: {  	v4 =	vsel vm7, $0x2E80, v4;
	vm7 =	vcmask $0x2320;
	v0 =	vsel vm5, $0x300, v0  }
0x12: {  	v1 =	vsel vm5, $0x2300, v1;
	v2 =	vsel vm5, $0x2700, v2;
	v3 =	vsel vm5, $0x2B00, v3  }
0x13: {  	v4 =	vsel vm5, $0x2F00, v4;
	vm5 =	vcmask $0x2724;
	v0 =	vsel vm6, $0x380, v0  }
0x14: {  	s0 =	rddreg [dreg:$0x0];
	v1 =	vsel vm6, $0x2380, v1;
	v2 =	vsel vm6, $0x2780, v2;
	v3 =	vsel vm6, $0x2B80, v3  }
0x15: {  	s1 =	rddreg [dreg:$0x1];
	v4 =	vsel vm6, $0x2F80, v4;
	vm6 =	vcmask $0x2B28;
	v0 =	vsel vm7, $0x1000, v0  }
0x16: {  	s2 =	rddreg [dreg:$0x2];
	s4 =	simm.s32 $0x0;
	v1 =	vsel vm7, $0x3000, v1;
	v2 =	vsel vm7, $0x3400, v2;
	v3 =	vsel vm7, $0x3800, v3  }
0x17: {  	s28 =	srdreg.scid;
	s11 =	simm.s32 $0x400;
	s12 =	simm.s32 $0xA600;
	v4 =	vsel vm7, $0x3C00, v4;
	vm7 =	vcmask $0x2F2C;
	v0 =	vsel vm5, $0x1080, v0  }
0x18: {  	s5 =	stileid.u32;
	s15 =	simm.s32 $0xE600;
	s16 =	simm.s32 $0x7A1400;
	v1 =	vsel vm5, $0x3080, v1;
	v2 =	vsel vm5, $0x3480, v2;
	v3 =	vsel vm5, $0x3880, v3  }
0x19: {  	s19 =	simm.s32 $0x6600;
	s13 =	simm.s32 $0x6E00;
	s9 =	simm.s32 $0x7600;
	v4 =	vsel vm5, $0x3C80, v4;
	vm5 =	vcmask $0x1318;
	v0 =	vsel vm6, $0x1100, v0  }
0x1a: {  	s10 =	simm.s32 $0x7E00;
	s8 =	simm.s32 $0x8600;
	s25 =	simm.s32 $0x9E00;
	v1 =	vsel vm6, $0x3100, v1;
	v2 =	vsel vm6, $0x3500, v2;
	v3 =	vsel vm6, $0x3900, v3  }
0x1b: {  	[smem:$0x7FF] =	sst s4;
	s4 =	sand.u32 $0x1, s28;
	s5 =	sshll.u32 s5, $0xA;
	v4 =	vsel vm6, $0x3D00, v4;
	vm6 =	vcmask $0x3734;
	v0 =	vsel vm7, $0x1180, v0  }
0x1c: {  	s3 =	rddreg [dreg:$0x3];
	s7 =	sadd.s32 $0x187A00, s1;
	s6 =	sshll.u32 s4, $0x9;
	v1 =	vsel vm7, $0x3180, v1;
	v2 =	vsel vm7, $0x3580, v2;
	v3 =	vsel vm7, $0x3980, v3  }
0x1d: {  	s26 =	simm.s32 $0x2600;
	_ =	strace $0x80000047;
	s5 =	sor.u32 s6, s5;
	v4 =	vsel vm7, $0x3D80, v4;
	vm7 =	vcmask $0x3B38;
	v0 =	vsel vm8, $0x1200, v0  }
0x1e: {  	s4 =	ssub.s32 $0x2, s4;
	s1 =	sadd.s32 s5, s1;
	s5 =	sshrl.u32 s5, $0x3;
	v5 =	vsel vm6, $0x1280, v0;
	v0 =	vsel vm8, $0x3200, v1;
	v1 =	vsel vm8, $0x3600, v2  }
0x1f: {  	[dreg:$0x5] =	wrdreg s7;
	s7 =	simm.s32 $0x8E00;
	s2 =	sadd.s32 s2, s5;
	v2 =	vsel vm8, $0x3A00, v3;
	v3 =	vsel vm8, $0x3E00, v4;
	v4 =	vsel vm6, $0x3280, v0  }
0x20: {  	s29 =	sshrl.u32 s4, $0x1;
	s30 =	sadd.s32 s3, s5;
	[dreg:$0x6] =	wrdreg s2;
	v6 =	vsel vm6, $0x3680, v1;
	v7 =	vsel vm6, $0x3A80, v2;
	v8 =	vsel vm6, $0x3E80, v3  }
0x21: {  	s4 =	ssub.s32 s4, s29;
	s1 =	sadd.s32 $0x1000, s1;
	[dreg:$0x7] =	wrdreg s30;
	vm6 =	vcmask $0x171C;
	v0 =	vlaneseq.u32;
	v1 =	vsel vm7, $0x1300, v5  }
0x22: {  	s31 =	smax.u32 s4, $0x1;
	s5 =	simm.s32 $0xB;
	[dreg:$0x8] =	wrdreg s1;
	v2 =	vsel vm7, $0x3300, v4;
	v3 =	vsel vm7, $0x3700, v6;
	v4 =	vsel vm7, $0x3B00, v7  }
0x23: {  	s3 =	simm.s32 $0x9600;
	[dreg:$0x9] =	wrdreg s31;
	s1 =	simm.s32 $0x0;
	v5 =	vsel vm7, $0x3F00, v8;
	vm7 =	vcmask $0x1B20;
	v6 =	vmul.u32 $0x80, v0  }
.LBB2_1:
0x24: {  	[dreg:$0xa] =	wrdreg s1  }
0x25: {  	s2 =	simm.s32 $0x0;
	s4 =	rddreg [dreg:$0x6]  }
0x26: {  	[tilespmem:s2], [sflag:$0xB] =	stream.linear.gather [hbm4b:s4+s2], $0x200, $0x38;
	[tilespmem:$0x12600] =	vst v63  }
0x27: {  	_ =	swait.ge [sflag:s5], $0x200  }
0x28: {  	[sflag:s5] =	ssyncset.done $0x0  }
0x29: {  	s6 =	simm.s32 $0x200;
	s17 =	rddreg [dreg:$0x7];
	[sflag:s5] =	ssyncadd.s32 $0xFFFFFE00  }
0x2a: {  	[tilespmem:s6], [sflag:$0xB] =	stream.linear.gather [hbm4b:s17+s2], $0x200, $0x38;
	[tilespmem:$0x12600] =	vst v63  }
0x2b: {  	_ =	swait.ge [sflag:s5], $0x200  }
0x2c: {  	[sflag:s5] =	ssyncset.done $0x0  }
0x2d: {  	[sflag:s5] =	ssyncadd.s32 $0xFFFFFE00  }
0x2e: {  	v7 =	vld [tilespmem:$0x0]  }
0x2f: {  	v8 =	vld [tilespmem:$0x200]  }
0x30: {  	v9 =	vld [tilespmem:$0x10]  }
0x31: {  	v10 =	vld [tilespmem:$0x210];
	_ =	sdelay $0x1  }
0x32: {  	v34 =	vld [tilespmem:$0x30];
	[tilespmem:$0x600] =	vst v7  }
0x33: {  	v35 =	vld [tilespmem:$0x230];
	[tilespmem:$0x1600] =	vst v8  }
0x34: {  	v36 =	vld [tilespmem:$0x50];
	[tilespmem:$0x680] =	vst v9  }
0x35: {  	v7 =	vshrl.u32 v8, $0x3;
	v8 =	vld [tilespmem:$0x20];
	[tilespmem:$0x1680] =	vst v10  }
0x36: {  	[tilespmem:$0x400] =	vst v7;
	v7 =	vld [tilespmem:$0x220]  }
0x37: {  	[tilespmem:$0x780] =	vst v34  }
0x38: {  	v37 =	vld [tilespmem:$0x250];
	[tilespmem:$0x1780] =	vst v35  }
0x39: {  	v38 =	vld [tilespmem:$0x70];
	[tilespmem:$0x880] =	vst v36  }
0x3a: {  	v39 =	vld [tilespmem:$0x270];
	[tilespmem:$0x700] =	vst v8  }
0x3b: {  	v8 =	vld [tilespmem:$0x40];
	[tilespmem:$0x1700] =	vst v7;
	v7 =	vshrl.u32 v7, $0x3  }
0x3c: {  	[tilespmem:$0x420] =	vst v7;
	v7 =	vld [tilespmem:$0x240]  }
0x3d: {  	[tilespmem:$0x1880] =	vst v37  }
0x3e: {  	v40 =	vld [tilespmem:$0x90];
	[tilespmem:$0x980] =	vst v38  }
0x3f: {  	v41 =	vld [tilespmem:$0x290];
	[tilespmem:$0x1980] =	vst v39  }
0x40: {  	v42 =	vld [tilespmem:$0xB0];
	[tilespmem:$0x800] =	vst v8  }
0x41: {  	v8 =	vld [tilespmem:$0x60];
	[tilespmem:$0x1800] =	vst v7;
	v7 =	vshrl.u32 v7, $0x3  }
0x42: {  	[tilespmem:$0x440] =	vst v7;
	v7 =	vld [tilespmem:$0x260]  }
0x43: {  	[tilespmem:$0xA80] =	vst v40  }
0x44: {  	v43 =	vld [tilespmem:$0x2B0];
	[tilespmem:$0x1A80] =	vst v41  }
0x45: {  	v44 =	vld [tilespmem:$0xD0];
	[tilespmem:$0xB80] =	vst v42  }
0x46: {  	v45 =	vld [tilespmem:$0x2D0];
	[tilespmem:$0x900] =	vst v8  }
0x47: {  	v8 =	vld [tilespmem:$0x80];
	[tilespmem:$0x1900] =	vst v7;
	v7 =	vshrl.u32 v7, $0x3  }
0x48: {  	[tilespmem:$0x460] =	vst v7;
	v7 =	vld [tilespmem:$0x280]  }
0x49: {  	[tilespmem:$0x1B80] =	vst v43  }
0x4a: {  	v46 =	vld [tilespmem:$0xF0];
	[tilespmem:$0xC80] =	vst v44  }
0x4b: {  	v47 =	vld [tilespmem:$0x2F0];
	[tilespmem:$0x1C80] =	vst v45  }
0x4c: {  	v48 =	vld [tilespmem:$0x110];
	[tilespmem:$0xA00] =	vst v8  }
0x4d: {  	v8 =	vld [tilespmem:$0xA0];
	[tilespmem:$0x1A00] =	vst v7;
	v7 =	vshrl.u32 v7, $0x3  }
0x4e: {  	[tilespmem:$0x480] =	vst v7;
	v7 =	vld [tilespmem:$0x2A0]  }
0x4f: {  	[tilespmem:$0xD80] =	vst v46  }
0x50: {  	v49 =	vld [tilespmem:$0x310];
	[tilespmem:$0x1D80] =	vst v47  }
0x51: {  	v50 =	vld [tilespmem:$0x130];
	[tilespmem:$0xE80] =	vst v48  }
0x52: {  	v51 =	vld [tilespmem:$0x330];
	[tilespmem:$0xB00] =	vst v8  }
0x53: {  	v8 =	vld [tilespmem:$0xC0];
	[tilespmem:$0x1B00] =	vst v7;
	v7 =	vshrl.u32 v7, $0x3  }
0x54: {  	[tilespmem:$0x4A0] =	vst v7;
	v7 =	vld [tilespmem:$0x2C0]  }
0x55: {  	[tilespmem:$0x1E80] =	vst v49  }
0x56: {  	v52 =	vld [tilespmem:$0x150];
	[tilespmem:$0xF80] =	vst v50  }
0x57: {  	v53 =	vld [tilespmem:$0x350];
	[tilespmem:$0x1F80] =	vst v51  }
0x58: {  	v54 =	vld [tilespmem:$0x170];
	[tilespmem:$0xC00] =	vst v8  }
0x59: {  	v8 =	vld [tilespmem:$0xE0];
	[tilespmem:$0x1C00] =	vst v7;
	v7 =	vshrl.u32 v7, $0x3  }
0x5a: {  	[tilespmem:$0x4C0] =	vst v7;
	v7 =	vld [tilespmem:$0x2E0]  }
0x5b: {  	[tilespmem:$0x1080] =	vst v52  }
0x5c: {  	v55 =	vld [tilespmem:$0x370];
	[tilespmem:$0x2080] =	vst v53  }
0x5d: {  	v56 =	vld [tilespmem:$0x190];
	[tilespmem:$0x1180] =	vst v54  }
0x5e: {  	v57 =	vld [tilespmem:$0x390];
	[tilespmem:$0xD00] =	vst v8  }
0x5f: {  	v8 =	vld [tilespmem:$0x100];
	[tilespmem:$0x1D00] =	vst v7;
	v7 =	vshrl.u32 v7, $0x3  }
0x60: {  	[tilespmem:$0x4E0] =	vst v7;
	v7 =	vld [tilespmem:$0x300]  }
0x61: {  	[tilespmem:$0x2180] =	vst v55  }
0x62: {  	v58 =	vld [tilespmem:$0x1B0];
	[tilespmem:$0x1280] =	vst v56  }
0x63: {  	v59 =	vld [tilespmem:$0x3B0];
	[tilespmem:$0x2280] =	vst v57  }
0x64: {  	v60 =	vld [tilespmem:$0x1D0];
	[tilespmem:$0xE00] =	vst v8  }
0x65: {  	v8 =	vld [tilespmem:$0x120];
	[tilespmem:$0x1E00] =	vst v7;
	v7 =	vshrl.u32 v7, $0x3  }
0x66: {  	[tilespmem:$0x500] =	vst v7;
	v7 =	vld [tilespmem:$0x320]  }
0x67: {  	[tilespmem:$0x1380] =	vst v58  }
0x68: {  	v61 =	vld [tilespmem:$0x3D0];
	[tilespmem:$0x2380] =	vst v59  }
0x69: {  	v62 =	vld [tilespmem:$0x1F0];
	[tilespmem:$0x1480] =	vst v60  }
0x6a: {  	v63 =	vld [tilespmem:$0x3F0];
	[tilespmem:$0xF00] =	vst v8  }
0x6b: {  	v8 =	vld [tilespmem:$0x140];
	[tilespmem:$0x1F00] =	vst v7;
	v7 =	vshrl.u32 v7, $0x3  }
0x6c: {  	[tilespmem:$0x520] =	vst v7;
	v7 =	vld [tilespmem:$0x340]  }
0x6d: {  	[tilespmem:$0x2480] =	vst v61  }
0x6e: {  	[tilespmem:$0x1580] =	vst v62  }
0x6f: {  	[tilespmem:$0x2580] =	vst v63  }
0x70: {  	[tilespmem:$0x1000] =	vst v8  }
0x71: {  	v8 =	vld [tilespmem:$0x160];
	[tilespmem:$0x2000] =	vst v7;
	v7 =	vshrl.u32 v7, $0x3  }
0x72: {  	v33 =	vshrl.u32 v10, $0x3;
	[tilespmem:$0x540] =	vst v7;
	v7 =	vld [tilespmem:$0x360]  }
0x73: {  	v9 =	vshrl.u32 v35, $0x3;
	[tilespmem:$0x410] =	vst v33  }
0x74: {  	[tilespmem:$0x430] =	vst v9;
	v9 =	vshrl.u32 v37, $0x3  }
0x75: {  	[tilespmem:$0x450] =	vst v9  }
0x76: {  	[tilespmem:$0x1100] =	vst v8  }
0x77: {  	v8 =	vld [tilespmem:$0x180];
	[tilespmem:$0x2100] =	vst v7;
	v7 =	vshrl.u32 v7, $0x3  }
0x78: {  	v9 =	vshrl.u32 v39, $0x3;
	[tilespmem:$0x560] =	vst v7;
	v7 =	vld [tilespmem:$0x380]  }
0x79: {  	[tilespmem:$0x470] =	vst v9;
	v9 =	vshrl.u32 v41, $0x3  }
0x7a: {  	[tilespmem:$0x490] =	vst v9;
	v9 =	vshrl.u32 v43, $0x3  }
0x7b: {  	[tilespmem:$0x4B0] =	vst v9  }
0x7c: {  	[tilespmem:$0x1200] =	vst v8  }
0x7d: {  	v8 =	vld [tilespmem:$0x1A0];
	[tilespmem:$0x2200] =	vst v7;
	v7 =	vshrl.u32 v7, $0x3  }
0x7e: {  	v9 =	vshrl.u32 v45, $0x3;
	[tilespmem:$0x580] =	vst v7;
	v7 =	vld [tilespmem:$0x3A0]  }
0x7f: {  	[tilespmem:$0x4D0] =	vst v9;
	v9 =	vshrl.u32 v47, $0x3  }
0x80: {  	[tilespmem:$0x4F0] =	vst v9;
	v9 =	vshrl.u32 v49, $0x3  }
0x81: {  	[tilespmem:$0x510] =	vst v9  }
0x82: {  	[tilespmem:$0x1300] =	vst v8  }
0x83: {  	v8 =	vld [tilespmem:$0x1C0];
	[tilespmem:$0x2300] =	vst v7;
	v7 =	vshrl.u32 v7, $0x3  }
0x84: {  	v9 =	vshrl.u32 v51, $0x3;
	[tilespmem:$0x5A0] =	vst v7;
	v7 =	vld [tilespmem:$0x3C0]  }
0x85: {  	[tilespmem:$0x530] =	vst v9;
	v9 =	vshrl.u32 v53, $0x3  }
0x86: {  	[tilespmem:$0x550] =	vst v9;
	v9 =	vshrl.u32 v55, $0x3  }
0x87: {  	[tilespmem:$0x570] =	vst v9  }
0x88: {  	[tilespmem:$0x1400] =	vst v8  }
0x89: {  	v8 =	vld [tilespmem:$0x1E0];
	[tilespmem:$0x2400] =	vst v7;
	v7 =	vshrl.u32 v7, $0x3  }
0x8a: {  	v9 =	vshrl.u32 v57, $0x3;
	[tilespmem:$0x5C0] =	vst v7;
	v7 =	vld [tilespmem:$0x3E0]  }
0x8b: {  	[tilespmem:$0x590] =	vst v9;
	v9 =	vshrl.u32 v59, $0x3  }
0x8c: {  	[tilespmem:$0x5B0] =	vst v9;
	v9 =	vshrl.u32 v61, $0x3  }
0x8d: {  	[tilespmem:$0x5D0] =	vst v9  }
0x8e: {  	[tilespmem:$0x1500] =	vst v8  }
0x8f: {  	[tilespmem:$0x2500] =	vst v7;
	v7 =	vshrl.u32 v7, $0x3  }
0x90: {  	[tilespmem:$0x5E0] =	vst v7;
	v7 =	vshrl.u32 v63, $0x3  }
0x91: {  	s18 =	simm.s32 $0x80;
	s20 =	rddreg [dreg:$0x5];
	[tilespmem:$0x5F0] =	vst v7  }
0x92: {  	[tilespmem:s12], [sflag:$0x9] =	stream.indirect.gather [hbm4b:s20+s18], $0x80, s11, s18, $0xb8;
	[tilespmem:$0x12600] =	vst v63  }
0x93: {  	s21 =	simm.s32 $0x480  }
0x94: {  	[tilespmem:s15], [sflag:$0xA] =	stream.indirect.gather [hbm4b:s20+s18], $0x80, s21, s18, $0xb8;
	[tilespmem:$0x12600] =	vst v63  }
0x95: {  	v7 =	vld [tilespmem:$0x600];
	_ =	sdelay $0x4  }
0x96: {  	v7 =	vnsel vm0, $0xFFFFFFFF, v7  }
0x97: {  	v7 =	vxor.u32 $0x80000000, v7  }
0x98: {  	(xrf0) =	vmax.scan.msk.u32 $0xffff, v7;
	_ =	sdelay $0x5  }
0x99: {  	v7, _, _ =	vpop (xrf0)  }
0x9a: {  	(v2sf) =	vpush v7, $0xF;
	_ =	sdelay $0xe  }
0x9b: {  	s5 =	spop (v2sf)  }
0x9c: {  	s22 =	sand.u32 $0xFFFFF80, s5  }
0x9d: {  	s2 =	sadd.s32 s0, s22  }
0x9e: {  	[tilespmem:s19], [sflag:$0x1] =	stream.strided.gather [hbm4b:s2+s11], $0x800, s16, s11, $0x38;
	[tilespmem:$0x12600] =	vst v63  }
0x9f: {  	v7 =	vld [tilespmem:$0x600];
	_ =	sdelay $0x4  }
0xa0: {  	v7 =	vsel vm1, $0xFFFFFFFF, v7  }
0xa1: {  	v7 =	vxor.u32 $0x80000000, v7  }
0xa2: {  	(xrf0) =	vmax.scan.msk.u32 $0xffff, v7;
	_ =	sdelay $0x5  }
0xa3: {  	v7, _, _ =	vpop (xrf0)  }
0xa4: {  	(v2sf) =	vpush v7, $0xF;
	_ =	sdelay $0xe  }
0xa5: {  	s4 =	spop (v2sf)  }
0xa6: {  	s23 =	sand.u32 $0xFFFFF80, s4  }
0xa7: {  	s2 =	sadd.s32 s0, s23  }
0xa8: {  	[tilespmem:s13], [sflag:$0x2] =	stream.strided.gather [hbm4b:s2+s11], $0x800, s16, s11, $0x38;
	[tilespmem:$0x12600] =	vst v63  }
0xa9: {  	v7 =	vld [tilespmem:$0x600];
	_ =	sdelay $0x4  }
0xaa: {  	v7 =	vsel vm2, $0xFFFFFFFF, v7  }
0xab: {  	v7 =	vxor.u32 $0x80000000, v7  }
0xac: {  	(xrf0) =	vmax.scan.msk.u32 $0xffff, v7;
	_ =	sdelay $0x5  }
0xad: {  	v7, _, _ =	vpop (xrf0)  }
0xae: {  	(v2sf) =	vpush v7, $0xF;
	_ =	sdelay $0xe  }
0xaf: {  	s2 =	spop (v2sf)  }
0xb0: {  	s24 =	sand.u32 $0xFFFFF80, s2  }
0xb1: {  	s6 =	sadd.s32 s0, s24  }
0xb2: {  	[tilespmem:s9], [sflag:$0x3] =	stream.strided.gather [hbm4b:s6+s11], $0x800, s16, s11, $0x38;
	[tilespmem:$0x12600] =	vst v63  }
0xb3: {  	v7 =	vld [tilespmem:$0x600];
	_ =	sdelay $0x4  }
0xb4: {  	v7 =	vsel vm3, $0xFFFFFFFF, v7  }
0xb5: {  	v7 =	vxor.u32 $0x80000000, v7  }
0xb6: {  	(xrf0) =	vmax.scan.msk.u32 $0xffff, v7;
	_ =	sdelay $0x5  }
0xb7: {  	v7, _, _ =	vpop (xrf0)  }
0xb8: {  	(v2sf) =	vpush v7, $0xF;
	_ =	sdelay $0xe  }
0xb9: {  	s1 =	spop (v2sf)  }
0xba: {  	s14 =	sand.u32 $0xFFFFF80, s1  }
0xbb: {  	s6 =	sadd.s32 s0, s14  }
0xbc: {  	[tilespmem:s10], [sflag:$0x4] =	stream.strided.gather [hbm4b:s6+s11], $0x800, s16, s11, $0x38;
	[tilespmem:$0x12600] =	vst v63  }
0xbd: {  	v7 =	vld [tilespmem:$0x600];
	_ =	sdelay $0x4  }
0xbe: {  	v7 =	vsel vm4, $0xFFFFFFFF, v7  }
0xbf: {  	v7 =	vxor.u32 $0x80000000, v7  }
0xc0: {  	(xrf0) =	vmax.scan.msk.u32 $0xffff, v7;
	_ =	sdelay $0x5  }
0xc1: {  	v7, _, _ =	vpop (xrf0)  }
0xc2: {  	(v2sf) =	vpush v7, $0xF;
	_ =	sdelay $0xe  }
0xc3: {  	s17 =	spop (v2sf)  }
0xc4: {  	s18 =	sand.u32 $0xFFFFF80, s17  }
0xc5: {  	s6 =	sadd.s32 s0, s18  }
0xc6: {  	[tilespmem:s8], [sflag:$0x5] =	stream.strided.gather [hbm4b:s6+s11], $0x800, s16, s11, $0x38;
	[tilespmem:$0x12600] =	vst v63  }
0xc7: {  	v7 =	vld [tilespmem:$0x600];
	_ =	sdelay $0x4  }
0xc8: {  	v7 =	vsel vm5, $0xFFFFFFFF, v7  }
0xc9: {  	v7 =	vxor.u32 $0x80000000, v7  }
0xca: {  	(xrf0) =	vmax.scan.msk.u32 $0xffff, v7;
	_ =	sdelay $0x5  }
0xcb: {  	v7, _, _ =	vpop (xrf0)  }
0xcc: {  	(v2sf) =	vpush v7, $0xF;
	_ =	sdelay $0xe  }
0xcd: {  	s20 =	spop (v2sf)  }
0xce: {  	s21 =	sand.u32 $0xFFFFF80, s20  }
0xcf: {  	s6 =	sadd.s32 s0, s21  }
0xd0: {  	[tilespmem:s7], [sflag:$0x6] =	stream.strided.gather [hbm4b:s6+s11], $0x800, s16, s11, $0x38;
	[tilespmem:$0x12600] =	vst v63  }
0xd1: {  	v7 =	vld [tilespmem:$0x600];
	_ =	sdelay $0x4  }
0xd2: {  	v7 =	vsel vm6, $0xFFFFFFFF, v7  }
0xd3: {  	v7 =	vxor.u32 $0x80000000, v7  }
0xd4: {  	(xrf0) =	vmax.scan.msk.u32 $0xffff, v7;
	_ =	sdelay $0x5  }
0xd5: {  	v7, _, _ =	vpop (xrf0)  }
0xd6: {  	(v2sf) =	vpush v7, $0xF;
	_ =	sdelay $0xe  }
0xd7: {  	s22 =	spop (v2sf)  }
0xd8: {  	s23 =	sand.u32 $0xFFFFF80, s22  }
0xd9: {  	s6 =	sadd.s32 s0, s23  }
0xda: {  	[tilespmem:s3], [sflag:$0x7] =	stream.strided.gather [hbm4b:s6+s11], $0x800, s16, s11, $0x38;
	[tilespmem:$0x12600] =	vst v63  }
0xdb: {  	v7 =	vld [tilespmem:$0x600];
	_ =	sdelay $0x4  }
0xdc: {  	v7 =	vsel vm7, $0xFFFFFFFF, v7  }
0xdd: {  	v7 =	vxor.u32 $0x80000000, v7  }
0xde: {  	(xrf0) =	vmax.scan.msk.u32 $0xffff, v7;
	_ =	sdelay $0x5  }
0xdf: {  	v7, _, _ =	vpop (xrf0)  }
0xe0: {  	(v2sf) =	vpush v7, $0xF;
	_ =	sdelay $0x9  }
0xe1: {  	s31 =	simm.s32 $0x3  }
0xe2: {  	s30 =	simm.s32 $0x2;
	s29 =	simm.s32 $0x1;
	s28 =	simm.s32 $0x9E00  }
0xe3: {  	s4 =	sxor.u32 $0x80000000, s4;
	s2 =	sxor.u32 $0x80000000, s2;
	s9 =	sxor.u32 $0x80000000, s5  }
0xe4: {  	s5 =	simm.s32 $0xF;
	s13 =	sxor.u32 $0x80000000, s1;
	s1 =	simm.s32 $0x4  }
0xe5: {  	s10 =	simm.s32 $0x6;
	s8 =	sxor.u32 $0x80000000, s20;
	s20 =	simm.s32 $0x6E00  }
0xe6: {  	s21 =	simm.s32 $0x7;
	s7 =	sxor.u32 $0x80000000, s22;
	s24 =	spop (v2sf)  }
0xe7: {  	s22 =	simm.s32 $0x7E00;
	s23 =	simm.s32 $0x8;
	s14 =	sand.u32 $0xFFFFF80, s24  }
0xe8: {  	s3 =	simm.s32 $0x5;
	s6 =	sxor.u32 $0x80000000, s24;
	s14 =	sadd.s32 s0, s14  }
0xe9: {  	[tilespmem:s25], [sflag:$0x8] =	stream.strided.gather [hbm4b:s14+s11], $0x800, s16, s11, $0x38;
	[tilespmem:$0x12600] =	vst v63  }
0xea: {  	s24 =	simm.s32 $0x8E00;
	s14 =	sxor.u32 $0x80000000, s17;
	s17 =	simm.s32 $0x78  }
.LBB2_2:
0xeb: {  	s18 =	sshra.s32 s9, $0x1F  }
0xec: {  	s18 =	sshrl.u32 s18, $0x19  }
0xed: {  	s18 =	sadd.s32 s18, s9  }
0xee: {  	s18 =	sand.u32 $0xFFFFFF80, s18  }
0xef: {  	s18 =	ssub.s32 s9, s18  }
0xf0: {  	v7 =	vadd.s32 s18, v6;
	_ =	sdelay $0x1  }
0xf1: {  	_ =	swait.ge [sflag:s29], $0x800  }
0xf2: {  	[sflag:s29] =	ssyncset.done $0x0  }
0xf3: {  	s25 =	sadd.s32 $0xFFFFFFF1, s5;
	[sflag:s29] =	ssyncadd.s32 $0xFFFFF800  }
0xf4: {  	v8 =	vor.u32 s25, v1;
	v7 =	vld.idx.msk [tilespmem:v7+s19+$0x0], $0xffff;
	_ =	sdelay $0x3  }
0xf5: {  	s18 =	sadd.s32 $0xFFFFFFC8, s17  }
0xf6: {  	s9 =	sand.u32 $0x780, s18;
	[tilespmem:v8+s26+$0x0] =	vst.idx.msk $0xffff, v7  }
0xf7: {  	v7 =	vld [tilespmem:s9+$0x600];
	_ =	sdelay $0x1  }
0xf8: {  	s25 =	sadd.s32 $0xFFFFFFF9, s5  }
0xf9: {  	s9 =	sand.u32 $0x8, s25  }
0xfa: {  	v8 =	vmov s9  }
0xfb: {  	vm8 =	veq.s32 v8, v0;
	v7 =	vxor.u32 $0x80000000, v7  }
0xfc: {  	v7 =	vnsel vm8, $0x7FFFFFFF, v7  }
0xfd: {  	(xrf0) =	vmax.scan.msk.u32 $0xffff, v7;
	_ =	sdelay $0x5  }
0xfe: {  	v7, _, _ =	vpop (xrf0)  }
0xff: {  	(v2sf) =	vpush v7, $0xF;
	_ =	sdelay $0xb  }
0x100: {  	s18 =	sshra.s32 s4, $0x1F  }
0x101: {  	s9 =	sshrl.u32 s18, $0x19  }
0x102: {  	s25 =	sadd.s32 s9, s4  }
0x103: {  	s18 =	sand.u32 $0xFFFFFF80, s25;
	s9 =	spop (v2sf)  }
0x104: {  	s4 =	ssub.s32 s4, s18;
	s25 =	sand.u32 $0xFFFFF80, s9  }
0x105: {  	v7 =	vadd.s32 s4, v6;
	s18 =	sadd.s32 s0, s25  }
0x106: {  	[tilespmem:s19], [sflag:$0x1] =	stream.strided.gather [hbm4b:s18+s11], $0x800, s16, s11, $0x38;
	[tilespmem:$0x12600] =	vst v63  }
0x107: {  	_ =	swait.ge [sflag:s30], $0x800  }
0x108: {  	[sflag:s30] =	ssyncset.done $0x0  }
0x109: {  	s25 =	sadd.s32 $0xFFFFFFF2, s5;
	[sflag:s30] =	ssyncadd.s32 $0xFFFFF800  }
0x10a: {  	v8 =	vor.u32 s25, v1;
	v7 =	vld.idx.msk [tilespmem:v7+s20+$0x0], $0xffff;
	_ =	sdelay $0x3  }
0x10b: {  	s18 =	sadd.s32 $0xFFFFFFD0, s17  }
0x10c: {  	s4 =	sand.u32 $0x780, s18;
	[tilespmem:v8+s26+$0x0] =	vst.idx.msk $0xffff, v7  }
0x10d: {  	v7 =	vld [tilespmem:s4+$0x600];
	_ =	sdelay $0x1  }
0x10e: {  	s25 =	sadd.s32 $0xFFFFFFFA, s5  }
0x10f: {  	s4 =	sand.u32 $0x9, s25  }
0x110: {  	v8 =	vmov s4  }
0x111: {  	vm8 =	veq.s32 v8, v0;
	v7 =	vxor.u32 $0x80000000, v7  }
0x112: {  	v7 =	vnsel vm8, $0x7FFFFFFF, v7  }
0x113: {  	(xrf0) =	vmax.scan.msk.u32 $0xffff, v7;
	_ =	sdelay $0x5  }
0x114: {  	v7, _, _ =	vpop (xrf0)  }
0x115: {  	(v2sf) =	vpush v7, $0xF;
	_ =	sdelay $0xb  }
0x116: {  	s18 =	sshra.s32 s2, $0x1F  }
0x117: {  	s4 =	sshrl.u32 s18, $0x19  }
0x118: {  	s25 =	sadd.s32 s4, s2  }
0x119: {  	s18 =	sand.u32 $0xFFFFFF80, s25;
	s4 =	spop (v2sf)  }
0x11a: {  	s2 =	ssub.s32 s2, s18;
	s25 =	sand.u32 $0xFFFFF80, s4  }
0x11b: {  	v7 =	vadd.s32 s2, v6;
	s18 =	sadd.s32 s0, s25  }
0x11c: {  	[tilespmem:s20], [sflag:$0x2] =	stream.strided.gather [hbm4b:s18+s11], $0x800, s16, s11, $0x38;
	[tilespmem:$0x12600] =	vst v63  }
0x11d: {  	_ =	swait.ge [sflag:s31], $0x800  }
0x11e: {  	[sflag:s31] =	ssyncset.done $0x0  }
0x11f: {  	s25 =	simm.s32 $0x7600;
	s18 =	sadd.s32 $0xFFFFFFF3, s5;
	[sflag:s31] =	ssyncadd.s32 $0xFFFFF800  }
0x120: {  	v8 =	vor.u32 s18, v1;
	v7 =	vld.idx.msk [tilespmem:v7+s25+$0x0], $0xffff;
	_ =	sdelay $0x3  }
0x121: {  	s18 =	sadd.s32 $0xFFFFFFD8, s17  }
0x122: {  	s2 =	sand.u32 $0x780, s18;
	[tilespmem:v8+s26+$0x0] =	vst.idx.msk $0xffff, v7  }
0x123: {  	v7 =	vld [tilespmem:s2+$0x600];
	_ =	sdelay $0x1  }
0x124: {  	s18 =	sadd.s32 $0xFFFFFFFB, s5  }
0x125: {  	s2 =	sand.u32 $0xA, s18  }
0x126: {  	v8 =	vmov s2  }
0x127: {  	vm8 =	veq.s32 v8, v0;
	v7 =	vxor.u32 $0x80000000, v7  }
0x128: {  	v7 =	vnsel vm8, $0x7FFFFFFF, v7  }
0x129: {  	(xrf0) =	vmax.scan.msk.u32 $0xffff, v7;
	_ =	sdelay $0x5  }
0x12a: {  	v7, _, _ =	vpop (xrf0)  }
0x12b: {  	(v2sf) =	vpush v7, $0xF;
	_ =	sdelay $0xb  }
0x12c: {  	s18 =	sshra.s32 s13, $0x1F  }
0x12d: {  	s2 =	sshrl.u32 s18, $0x19  }
0x12e: {  	s18 =	sadd.s32 s2, s13  }
0x12f: {  	s18 =	sand.u32 $0xFFFFFF80, s18;
	s2 =	spop (v2sf)  }
0x130: {  	s13 =	ssub.s32 s13, s18;
	s18 =	sand.u32 $0xFFFFF80, s2  }
0x131: {  	v7 =	vadd.s32 s13, v6;
	s18 =	sadd.s32 s0, s18  }
0x132: {  	[tilespmem:s25], [sflag:$0x3] =	stream.strided.gather [hbm4b:s18+s11], $0x800, s16, s11, $0x38;
	[tilespmem:$0x12600] =	vst v63  }
0x133: {  	_ =	swait.ge [sflag:s1], $0x800  }
0x134: {  	[sflag:s1] =	ssyncset.done $0x0  }
0x135: {  	s25 =	sadd.s32 $0xFFFFFFF4, s5;
	[sflag:s1] =	ssyncadd.s32 $0xFFFFF800  }
0x136: {  	v8 =	vor.u32 s25, v1;
	v7 =	vld.idx.msk [tilespmem:v7+s22+$0x0], $0xffff;
	_ =	sdelay $0x3  }
0x137: {  	s18 =	sadd.s32 $0xFFFFFFE0, s17  }
0x138: {  	s13 =	sand.u32 $0x780, s18;
	[tilespmem:v8+s26+$0x0] =	vst.idx.msk $0xffff, v7  }
0x139: {  	v7 =	vld [tilespmem:s13+$0x600];
	_ =	sdelay $0x1  }
0x13a: {  	s25 =	sadd.s32 $0xFFFFFFFC, s5  }
0x13b: {  	s13 =	sand.u32 $0xB, s25  }
0x13c: {  	v8 =	vmov s13  }
0x13d: {  	vm8 =	veq.s32 v8, v0;
	v7 =	vxor.u32 $0x80000000, v7  }
0x13e: {  	v7 =	vnsel vm8, $0x7FFFFFFF, v7  }
0x13f: {  	(xrf0) =	vmax.scan.msk.u32 $0xffff, v7;
	_ =	sdelay $0x5  }
0x140: {  	v7, _, _ =	vpop (xrf0)  }
0x141: {  	(v2sf) =	vpush v7, $0xF;
	_ =	sdelay $0xb  }
0x142: {  	s18 =	sshra.s32 s14, $0x1F  }
0x143: {  	s13 =	sshrl.u32 s18, $0x19  }
0x144: {  	s25 =	sadd.s32 s13, s14  }
0x145: {  	s18 =	sand.u32 $0xFFFFFF80, s25;
	s13 =	spop (v2sf)  }
0x146: {  	s14 =	ssub.s32 s14, s18;
	s25 =	sand.u32 $0xFFFFF80, s13  }
0x147: {  	v7 =	vadd.s32 s14, v6;
	s18 =	sadd.s32 s0, s25  }
0x148: {  	[tilespmem:s22], [sflag:$0x4] =	stream.strided.gather [hbm4b:s18+s11], $0x800, s16, s11, $0x38;
	[tilespmem:$0x12600] =	vst v63  }
0x149: {  	_ =	swait.ge [sflag:s3], $0x800  }
0x14a: {  	[sflag:s3] =	ssyncset.done $0x0  }
0x14b: {  	s25 =	simm.s32 $0x8600;
	s18 =	sadd.s32 $0xFFFFFFF5, s5;
	[sflag:s3] =	ssyncadd.s32 $0xFFFFF800  }
0x14c: {  	v8 =	vor.u32 s18, v1;
	v7 =	vld.idx.msk [tilespmem:v7+s25+$0x0], $0xffff;
	_ =	sdelay $0x3  }
0x14d: {  	s18 =	sadd.s32 $0xFFFFFFE8, s17  }
0x14e: {  	s14 =	sand.u32 $0x780, s18;
	[tilespmem:v8+s26+$0x0] =	vst.idx.msk $0xffff, v7  }
0x14f: {  	v7 =	vld [tilespmem:s14+$0x600];
	_ =	sdelay $0x1  }
0x150: {  	s18 =	sadd.s32 $0xFFFFFFFD, s5  }
0x151: {  	s14 =	sand.u32 $0xC, s18  }
0x152: {  	v8 =	vmov s14  }
0x153: {  	vm8 =	veq.s32 v8, v0;
	v7 =	vxor.u32 $0x80000000, v7  }
0x154: {  	v7 =	vnsel vm8, $0x7FFFFFFF, v7  }
0x155: {  	(xrf0) =	vmax.scan.msk.u32 $0xffff, v7;
	_ =	sdelay $0x5  }
0x156: {  	v7, _, _ =	vpop (xrf0)  }
0x157: {  	(v2sf) =	vpush v7, $0xF;
	_ =	sdelay $0xb  }
0x158: {  	s18 =	sshra.s32 s8, $0x1F  }
0x159: {  	s14 =	sshrl.u32 s18, $0x19  }
0x15a: {  	s18 =	sadd.s32 s14, s8  }
0x15b: {  	s18 =	sand.u32 $0xFFFFFF80, s18;
	s14 =	spop (v2sf)  }
0x15c: {  	s8 =	ssub.s32 s8, s18;
	s18 =	sand.u32 $0xFFFFF80, s14  }
0x15d: {  	v7 =	vadd.s32 s8, v6;
	s18 =	sadd.s32 s0, s18  }
0x15e: {  	[tilespmem:s25], [sflag:$0x5] =	stream.strided.gather [hbm4b:s18+s11], $0x800, s16, s11, $0x38;
	[tilespmem:$0x12600] =	vst v63  }
0x15f: {  	_ =	swait.ge [sflag:s10], $0x800  }
0x160: {  	[sflag:s10] =	ssyncset.done $0x0  }
0x161: {  	s25 =	sadd.s32 $0xFFFFFFF6, s5;
	[sflag:s10] =	ssyncadd.s32 $0xFFFFF800  }
0x162: {  	v8 =	vor.u32 s25, v1;
	v7 =	vld.idx.msk [tilespmem:v7+s24+$0x0], $0xffff;
	_ =	sdelay $0x3  }
0x163: {  	s18 =	sadd.s32 $0xFFFFFFF0, s17  }
0x164: {  	s8 =	sand.u32 $0x780, s18;
	[tilespmem:v8+s26+$0x0] =	vst.idx.msk $0xffff, v7  }
0x165: {  	v7 =	vld [tilespmem:s8+$0x600];
	_ =	sdelay $0x1  }
0x166: {  	s25 =	sadd.s32 $0xFFFFFFFE, s5  }
0x167: {  	s8 =	sand.u32 $0xD, s25  }
0x168: {  	v8 =	vmov s8  }
0x169: {  	vm8 =	veq.s32 v8, v0;
	v7 =	vxor.u32 $0x80000000, v7  }
0x16a: {  	v7 =	vnsel vm8, $0x7FFFFFFF, v7  }
0x16b: {  	(xrf0) =	vmax.scan.msk.u32 $0xffff, v7;
	_ =	sdelay $0x5  }
0x16c: {  	v7, _, _ =	vpop (xrf0)  }
0x16d: {  	(v2sf) =	vpush v7, $0xF;
	_ =	sdelay $0xb  }
0x16e: {  	s18 =	sshra.s32 s7, $0x1F  }
0x16f: {  	s8 =	sshrl.u32 s18, $0x19  }
0x170: {  	s8 =	sadd.s32 s8, s7  }
0x171: {  	s8 =	sand.u32 $0xFFFFFF80, s8;
	s18 =	spop (v2sf)  }
0x172: {  	s7 =	ssub.s32 s7, s8;
	s25 =	sand.u32 $0xFFFFF80, s18  }
0x173: {  	v7 =	vadd.s32 s7, v6;
	s8 =	sadd.s32 s0, s25  }
0x174: {  	[tilespmem:s24], [sflag:$0x6] =	stream.strided.gather [hbm4b:s8+s11], $0x800, s16, s11, $0x38;
	[tilespmem:$0x12600] =	vst v63  }
0x175: {  	_ =	swait.ge [sflag:s21], $0x800  }
0x176: {  	[sflag:s21] =	ssyncset.done $0x0  }
0x177: {  	s25 =	simm.s32 $0x9600;
	s8 =	sadd.s32 $0xFFFFFFF7, s5;
	[sflag:s21] =	ssyncadd.s32 $0xFFFFF800  }
0x178: {  	v8 =	vor.u32 s8, v1;
	v7 =	vld.idx.msk [tilespmem:v7+s25+$0x0], $0xffff;
	_ =	sdelay $0x3  }
0x179: {  	s8 =	sadd.s32 $0xFFFFFFF8, s17  }
0x17a: {  	s7 =	sand.u32 $0x780, s8;
	[tilespmem:v8+s26+$0x0] =	vst.idx.msk $0xffff, v7  }
0x17b: {  	v7 =	vld [tilespmem:s7+$0x600];
	_ =	sdelay $0x1  }
0x17c: {  	s8 =	sadd.s32 $0xFFFFFFFF, s5  }
0x17d: {  	s7 =	sand.u32 $0xE, s8  }
0x17e: {  	v8 =	vmov s7  }
0x17f: {  	vm8 =	veq.s32 v8, v0;
	v7 =	vxor.u32 $0x80000000, v7  }
0x180: {  	v7 =	vnsel vm8, $0x7FFFFFFF, v7  }
0x181: {  	(xrf0) =	vmax.scan.msk.u32 $0xffff, v7;
	_ =	sdelay $0x5  }
0x182: {  	v7, _, _ =	vpop (xrf0)  }
0x183: {  	(v2sf) =	vpush v7, $0xF;
	_ =	sdelay $0xb  }
0x184: {  	s8 =	sshra.s32 s6, $0x1F  }
0x185: {  	s7 =	sshrl.u32 s8, $0x19  }
0x186: {  	s7 =	sadd.s32 s7, s6  }
0x187: {  	s7 =	sand.u32 $0xFFFFFF80, s7;
	s8 =	spop (v2sf)  }
0x188: {  	s6 =	ssub.s32 s6, s7;
	s7 =	sand.u32 $0xFFFFF80, s8  }
0x189: {  	v7 =	vadd.s32 s6, v6;
	s7 =	sadd.s32 s0, s7  }
0x18a: {  	[tilespmem:s25], [sflag:$0x7] =	stream.strided.gather [hbm4b:s7+s11], $0x800, s16, s11, $0x38;
	[tilespmem:$0x12600] =	vst v63  }
0x18b: {  	_ =	swait.ge [sflag:s23], $0x800  }
0x18c: {  	[sflag:s23] =	ssyncset.done $0x0  }
0x18d: {  	s7 =	sadd.s32 $0xFFFFFFF8, s5;
	[sflag:s23] =	ssyncadd.s32 $0xFFFFF800  }
0x18e: {  	v8 =	vor.u32 s7, v1;
	v7 =	vld.idx.msk [tilespmem:v7+s28+$0x0], $0xffff;
	_ =	sdelay $0x4  }
0x18f: {  	s25 =	sand.u32 $0x780, s17;
	[tilespmem:v8+s26+$0x0] =	vst.idx.msk $0xffff, v7  }
0x190: {  	v7 =	vld [tilespmem:s25+$0x600];
	_ =	sdelay $0x2  }
0x191: {  	s7 =	sand.u32 $0xF, s5  }
0x192: {  	v8 =	vmov s7  }
0x193: {  	vm8 =	veq.s32 v8, v0;
	v7 =	vxor.u32 $0x80000000, v7  }
0x194: {  	v7 =	vnsel vm8, $0x7FFFFFFF, v7  }
0x195: {  	(xrf0) =	vmax.scan.msk.u32 $0xffff, v7;
	_ =	sdelay $0x5  }
0x196: {  	v7, _, _ =	vpop (xrf0)  }
0x197: {  	(v2sf) =	vpush v7, $0xF;
	_ =	sdelay $0xd  }
0x198: {  	p0 =	sne.s32 s5, $0x87;
	s9 =	sxor.u32 $0x80000000, s9;
	s4 =	sxor.u32 $0x80000000, s4  }
.Ltmp0:
0x199: {  	s2 =	sxor.u32 $0x80000000, s2;
	s6 =	spop (v2sf);
	(pc) =	sbr.rel @p0 .LBB2_2-.Ltmp0, $4  }
0x19a: {  	s13 =	sxor.u32 $0x80000000, s13;
	s14 =	sxor.u32 $0x80000000, s14;
	s25 =	sand.u32 $0xFFFFF80, s6  }
0x19b: {  	s17 =	sadd.s32 $0x40, s17;
	s5 =	sadd.s32 $0x8, s5;
	s7 =	sadd.s32 s0, s25  }
0x19c: {  	[tilespmem:s28], [sflag:$0x8] =	stream.strided.gather [hbm4b:s7+s11], $0x800, s16, s11, $0x38;
	[tilespmem:$0x12600] =	vst v63  }
0x19d: {  	s6 =	sxor.u32 $0x80000000, s6;
	s7 =	sxor.u32 $0x80000000, s8;
	s8 =	sxor.u32 $0x80000000, s18  }
0x19e: {  	s1 =	simm.s32 $0x9  }
0x19f: {  	_ =	swait.ge [sflag:s1], $0x4000  }
0x1a0: {  	s5 =	simm.s32 $0x0;
	s17 =	simm.s32 $0x1;
	[sflag:s1] =	ssyncset.done $0x0  }
0x1a1: {  	s18 =	simm.s32 $0x0;
	s19 =	sand.u32 $0x380, s5;
	[sflag:s1] =	ssyncadd.s32 $0xFFFFC000  }
.LBB2_4:
0x1a2: {  	p0 =	sne.s32 s17, $0x7F;
	v7 =	vld [tilespmem:s19+$0x1600];
	_ =	sdelay $0x2  }
0x1a3: {  	s19 =	sand.u32 $0xF, s5  }
0x1a4: {  	v8 =	vmov s19  }
0x1a5: {  	vm8 =	veq.s32 v8, v0;
	v7 =	vxor.u32 $0x80000000, v7  }
0x1a6: {  	v7 =	vnsel vm8, $0x7FFFFFFF, v7  }
0x1a7: {  	(xrf0) =	vmax.scan.msk.u32 $0xffff, v7;
	_ =	sdelay $0x5  }
0x1a8: {  	v7, _, _ =	vpop (xrf0)  }
0x1a9: {  	(v2sf) =	vpush v7, $0xF;
	_ =	sdelay $0xe  }
0x1aa: {  	s19 =	spop (v2sf)  }
0x1ab: {  	v7 =	vmov s5;
	s19 =	sshll.u32 s19, $0x4  }
0x1ac: {  	v7 =	vshll.u32 v7, $0x7;
	s19 =	sand.u32 $0x70, s19  }
0x1ad: {  	v7 =	vor.u32 s19, v7  }
0x1ae: {  	v7 =	vor.u32 v0, v7;
	_ =	sdelay $0x4  }
0x1af: {  	v7 =	vld.idx.msk [tilespmem:v7+s12+$0x0], $0xffff  }
0x1b0: {  	v8 =	vor.u32 s5, v2;
	s5 =	smov.u32 s17  }
.Ltmp1:
0x1b1: {  	(pc) =	sbr.rel @p0 .LBB2_4-.Ltmp1, $3  }
0x1b2: {  	_ =	sdelay $0x1  }
0x1b3: {  	s18 =	sadd.s32 $0x8, s18  }
0x1b4: {  	s17 =	sadd.s32 $0x1, s17;
	s19 =	sand.u32 $0x380, s18;
	[tilespmem:v8+s26+$0x0] =	vst.idx.msk $0xffff, v7  }
0x1b5: {  	v7 =	vld [tilespmem:s19+$0x1600];
	_ =	sdelay $0x2  }
0x1b6: {  	s17 =	sand.u32 $0xF, s5  }
0x1b7: {  	v8 =	vmov s17  }
0x1b8: {  	vm8 =	veq.s32 v8, v0;
	v7 =	vxor.u32 $0x80000000, v7  }
0x1b9: {  	v7 =	vnsel vm8, $0x7FFFFFFF, v7  }
0x1ba: {  	(xrf0) =	vmax.scan.msk.u32 $0xffff, v7;
	_ =	sdelay $0x5  }
0x1bb: {  	v7, _, _ =	vpop (xrf0)  }
0x1bc: {  	(v2sf) =	vpush v7, $0xF;
	_ =	sdelay $0xe  }
0x1bd: {  	s24 =	spop (v2sf)  }
0x1be: {  	v7 =	vmov s5;
	s17 =	sshll.u32 s24, $0x4  }
0x1bf: {  	v7 =	vshll.u32 v7, $0x7;
	s17 =	sand.u32 $0x70, s17  }
0x1c0: {  	v7 =	vor.u32 s17, v7  }
0x1c1: {  	v7 =	vor.u32 v0, v7;
	_ =	sdelay $0x4  }
0x1c2: {  	v8 =	vor.u32 s5, v2;
	v7 =	vld.idx.msk [tilespmem:v7+s12+$0x0], $0xffff  }
0x1c3: {  	s3 =	rddreg [dreg:$0x5];
	s25 =	simm.s32 $0x80;
	s1 =	simm.s32 $0x500  }
0x1c4: {  	s22 =	simm.s32 $0x7E00;
	s23 =	simm.s32 $0x8600;
	s19 =	simm.s32 $0x9600  }
0x1c5: {  	s28 =	simm.s32 $0x1;
	s29 =	simm.s32 $0x2;
	s30 =	simm.s32 $0x3  }
0x1c6: {  	s31 =	simm.s32 $0x4;
	s10 =	simm.s32 $0x7;
	s20 =	simm.s32 $0x8  }
0x1c7: {  	s5 =	simm.s32 $0x8F;
	s24 =	simm.s32 $0x8E00;
	s17 =	simm.s32 $0x478;
	[tilespmem:v8+s26+$0x0] =	vst.idx.msk $0xffff, v7  }
0x1c8: {  	[tilespmem:s12], [sflag:$0x9] =	stream.indirect.gather [hbm4b:s3+s25], $0x80, s1, s25, $0xb8;
	[tilespmem:$0x12600] =	vst v63  }
0x1c9: {  	s25 =	simm.s32 $0x9E00;
	s1 =	simm.s32 $0x5;
	s3 =	simm.s32 $0x6  }
.LBB2_6:
0x1ca: {  	s18 =	sshra.s32 s9, $0x1F  }
0x1cb: {  	s18 =	sshrl.u32 s18, $0x19  }
0x1cc: {  	s18 =	sadd.s32 s18, s9  }
0x1cd: {  	s18 =	sand.u32 $0xFFFFFF80, s18  }
0x1ce: {  	s18 =	ssub.s32 s9, s18  }
0x1cf: {  	s21 =	sadd.s32 $0xFFFFFFF1, s5;
	v7 =	vadd.s32 s18, v6  }
0x1d0: {  	v8 =	vmov s21  }
0x1d1: {  	_ =	swait.ge [sflag:s28], $0x800;
	v9 =	vshll.u32 v8, $0x3  }
0x1d2: {  	[sflag:s28] =	ssyncset.done $0x0;
	v8 =	vand.u32 $0x78, v8;
	v9 =	vand.u32 $0x400, v9  }
0x1d3: {  	s21 =	simm.s32 $0x6600;
	[sflag:s28] =	ssyncadd.s32 $0xFFFFF800;
	v8 =	vor.u32 v9, v8  }
0x1d4: {  	v8 =	vor.u32 v1, v8;
	v7 =	vld.idx.msk [tilespmem:v7+s21+$0x0], $0xffff;
	_ =	sdelay $0x3  }
0x1d5: {  	s18 =	sadd.s32 $0xFFFFFFC8, s17  }
0x1d6: {  	s9 =	sand.u32 $0xF80, s18;
	[tilespmem:v8+s26+$0x0] =	vst.idx.msk $0xffff, v7  }
0x1d7: {  	v7 =	vld [tilespmem:s9+$0x600];
	_ =	sdelay $0x1  }
0x1d8: {  	s18 =	sadd.s32 $0xFFFFFFF9, s5  }
0x1d9: {  	s9 =	sand.u32 $0x8, s18  }
0x1da: {  	v8 =	vmov s9  }
0x1db: {  	vm8 =	veq.s32 v8, v0;
	v7 =	vxor.u32 $0x80000000, v7  }
0x1dc: {  	v7 =	vnsel vm8, $0x7FFFFFFF, v7  }
0x1dd: {  	(xrf0) =	vmax.scan.msk.u32 $0xffff, v7;
	_ =	sdelay $0x5  }
0x1de: {  	v7, _, _ =	vpop (xrf0)  }
0x1df: {  	(v2sf) =	vpush v7, $0xF;
	_ =	sdelay $0xb  }
0x1e0: {  	s18 =	sshra.s32 s4, $0x1F  }
0x1e1: {  	s9 =	sshrl.u32 s18, $0x19  }
0x1e2: {  	s18 =	sadd.s32 s9, s4  }
0x1e3: {  	s18 =	sand.u32 $0xFFFFFF80, s18;
	s9 =	spop (v2sf)  }
0x1e4: {  	s4 =	ssub.s32 s4, s18;
	s18 =	sand.u32 $0xFFFFF80, s9  }
0x1e5: {  	v7 =	vadd.s32 s4, v6;
	s4 =	sadd.s32 $0xFFFFFFF2, s5;
	s18 =	sadd.s32 s0, s18  }
0x1e6: {  	v8 =	vmov s4;
	[tilespmem:s21], [sflag:$0x1] =	stream.strided.gather [hbm4b:s18+s11], $0x800, s16, s11, $0x38;
	[tilespmem:$0x12600] =	vst v63  }
0x1e7: {  	v57 =	vshll.u32 v8, $0x3;
	_ =	swait.ge [sflag:s29], $0x800  }
0x1e8: {  	v8 =	vand.u32 $0x79, v8;
	v9 =	vand.u32 $0x400, v57;
	[sflag:s29] =	ssyncset.done $0x0  }
0x1e9: {  	v8 =	vor.u32 v9, v8;
	s21 =	simm.s32 $0x6E00;
	[sflag:s29] =	ssyncadd.s32 $0xFFFFF800  }
0x1ea: {  	v8 =	vor.u32 v1, v8;
	v7 =	vld.idx.msk [tilespmem:v7+s21+$0x0], $0xffff;
	_ =	sdelay $0x3  }
0x1eb: {  	s18 =	sadd.s32 $0xFFFFFFD0, s17  }
0x1ec: {  	s4 =	sand.u32 $0xF80, s18;
	[tilespmem:v8+s26+$0x0] =	vst.idx.msk $0xffff, v7  }
0x1ed: {  	v7 =	vld [tilespmem:s4+$0x600];
	_ =	sdelay $0x1  }
0x1ee: {  	s18 =	sadd.s32 $0xFFFFFFFA, s5  }
0x1ef: {  	s4 =	sand.u32 $0x9, s18  }
0x1f0: {  	v8 =	vmov s4  }
0x1f1: {  	vm8 =	veq.s32 v8, v0;
	v7 =	vxor.u32 $0x80000000, v7  }
0x1f2: {  	v7 =	vnsel vm8, $0x7FFFFFFF, v7  }
0x1f3: {  	(xrf0) =	vmax.scan.msk.u32 $0xffff, v7;
	_ =	sdelay $0x5  }
0x1f4: {  	v7, _, _ =	vpop (xrf0)  }
0x1f5: {  	(v2sf) =	vpush v7, $0xF;
	_ =	sdelay $0xb  }
0x1f6: {  	s18 =	sshra.s32 s2, $0x1F  }
0x1f7: {  	s4 =	sshrl.u32 s18, $0x19  }
0x1f8: {  	s18 =	sadd.s32 s4, s2  }
0x1f9: {  	s18 =	sand.u32 $0xFFFFFF80, s18;
	s4 =	spop (v2sf)  }
0x1fa: {  	s2 =	ssub.s32 s2, s18;
	s18 =	sand.u32 $0xFFFFF80, s4  }
0x1fb: {  	v7 =	vadd.s32 s2, v6;
	s2 =	sadd.s32 $0xFFFFFFF3, s5;
	s18 =	sadd.s32 s0, s18  }
0x1fc: {  	v8 =	vmov s2;
	[tilespmem:s21], [sflag:$0x2] =	stream.strided.gather [hbm4b:s18+s11], $0x800, s16, s11, $0x38;
	[tilespmem:$0x12600] =	vst v63  }
0x1fd: {  	v58 =	vshll.u32 v8, $0x3;
	_ =	swait.ge [sflag:s30], $0x800  }
0x1fe: {  	v8 =	vand.u32 $0x7A, v8;
	v9 =	vand.u32 $0x400, v58;
	[sflag:s30] =	ssyncset.done $0x0  }
0x1ff: {  	v8 =	vor.u32 v9, v8;
	s21 =	simm.s32 $0x7600;
	[sflag:s30] =	ssyncadd.s32 $0xFFFFF800  }
0x200: {  	v8 =	vor.u32 v1, v8;
	v7 =	vld.idx.msk [tilespmem:v7+s21+$0x0], $0xffff;
	_ =	sdelay $0x3  }
0x201: {  	s18 =	sadd.s32 $0xFFFFFFD8, s17  }
0x202: {  	s2 =	sand.u32 $0xF80, s18;
	[tilespmem:v8+s26+$0x0] =	vst.idx.msk $0xffff, v7  }
0x203: {  	v7 =	vld [tilespmem:s2+$0x600];
	_ =	sdelay $0x1  }
0x204: {  	s18 =	sadd.s32 $0xFFFFFFFB, s5  }
0x205: {  	s2 =	sand.u32 $0xA, s18  }
0x206: {  	v8 =	vmov s2  }
0x207: {  	vm8 =	veq.s32 v8, v0;
	v7 =	vxor.u32 $0x80000000, v7  }
0x208: {  	v7 =	vnsel vm8, $0x7FFFFFFF, v7  }
0x209: {  	(xrf0) =	vmax.scan.msk.u32 $0xffff, v7;
	_ =	sdelay $0x5  }
0x20a: {  	v7, _, _ =	vpop (xrf0)  }
0x20b: {  	(v2sf) =	vpush v7, $0xF;
	_ =	sdelay $0xb  }
0x20c: {  	s18 =	sshra.s32 s13, $0x1F  }
0x20d: {  	s2 =	sshrl.u32 s18, $0x19  }
0x20e: {  	s18 =	sadd.s32 s2, s13  }
0x20f: {  	s18 =	sand.u32 $0xFFFFFF80, s18;
	s2 =	spop (v2sf)  }
0x210: {  	s13 =	ssub.s32 s13, s18;
	s18 =	sand.u32 $0xFFFFF80, s2  }
0x211: {  	v7 =	vadd.s32 s13, v6;
	s13 =	sadd.s32 $0xFFFFFFF4, s5;
	s18 =	sadd.s32 s0, s18  }
0x212: {  	v8 =	vmov s13;
	[tilespmem:s21], [sflag:$0x3] =	stream.strided.gather [hbm4b:s18+s11], $0x800, s16, s11, $0x38;
	[tilespmem:$0x12600] =	vst v63  }
0x213: {  	v59 =	vshll.u32 v8, $0x3;
	_ =	swait.ge [sflag:s31], $0x800  }
0x214: {  	v8 =	vand.u32 $0x7B, v8;
	v9 =	vand.u32 $0x400, v59;
	[sflag:s31] =	ssyncset.done $0x0  }
0x215: {  	v8 =	vor.u32 v9, v8;
	[sflag:s31] =	ssyncadd.s32 $0xFFFFF800  }
0x216: {  	v8 =	vor.u32 v1, v8;
	v7 =	vld.idx.msk [tilespmem:v7+s22+$0x0], $0xffff;
	_ =	sdelay $0x3  }
0x217: {  	s18 =	sadd.s32 $0xFFFFFFE0, s17  }
0x218: {  	s13 =	sand.u32 $0xF80, s18;
	[tilespmem:v8+s26+$0x0] =	vst.idx.msk $0xffff, v7  }
0x219: {  	v7 =	vld [tilespmem:s13+$0x600];
	_ =	sdelay $0x1  }
0x21a: {  	s21 =	sadd.s32 $0xFFFFFFFC, s5  }
0x21b: {  	s13 =	sand.u32 $0xB, s21  }
0x21c: {  	v8 =	vmov s13  }
0x21d: {  	vm8 =	veq.s32 v8, v0;
	v7 =	vxor.u32 $0x80000000, v7  }
0x21e: {  	v7 =	vnsel vm8, $0x7FFFFFFF, v7  }
0x21f: {  	(xrf0) =	vmax.scan.msk.u32 $0xffff, v7;
	_ =	sdelay $0x5  }
0x220: {  	v7, _, _ =	vpop (xrf0)  }
0x221: {  	(v2sf) =	vpush v7, $0xF;
	_ =	sdelay $0xb  }
0x222: {  	s18 =	sshra.s32 s14, $0x1F  }
0x223: {  	s13 =	sshrl.u32 s18, $0x19  }
0x224: {  	s21 =	sadd.s32 s13, s14  }
0x225: {  	s18 =	sand.u32 $0xFFFFFF80, s21;
	s13 =	spop (v2sf)  }
0x226: {  	s14 =	ssub.s32 s14, s18;
	s21 =	sand.u32 $0xFFFFF80, s13  }
0x227: {  	v7 =	vadd.s32 s14, v6;
	s18 =	sadd.s32 s0, s21;
	s21 =	sadd.s32 $0xFFFFFFF5, s5  }
0x228: {  	[tilespmem:s22], [sflag:$0x4] =	stream.strided.gather [hbm4b:s18+s11], $0x800, s16, s11, $0x38;
	v8 =	vmov s21;
	[tilespmem:$0x12600] =	vst v63  }
0x229: {  	_ =	swait.ge [sflag:s1], $0x800;
	v60 =	vshll.u32 v8, $0x3  }
0x22a: {  	v8 =	vand.u32 $0x7C, v8;
	[sflag:s1] =	ssyncset.done $0x0;
	v9 =	vand.u32 $0x400, v60  }
0x22b: {  	[sflag:s1] =	ssyncadd.s32 $0xFFFFF800;
	v8 =	vor.u32 v9, v8  }
0x22c: {  	v7 =	vld.idx.msk [tilespmem:v7+s23+$0x0], $0xffff;
	v8 =	vor.u32 v1, v8;
	_ =	sdelay $0x3  }
0x22d: {  	s18 =	sadd.s32 $0xFFFFFFE8, s17  }
0x22e: {  	s14 =	sand.u32 $0xF80, s18;
	[tilespmem:v8+s26+$0x0] =	vst.idx.msk $0xffff, v7  }
0x22f: {  	v7 =	vld [tilespmem:s14+$0x600];
	_ =	sdelay $0x1  }
0x230: {  	s21 =	sadd.s32 $0xFFFFFFFD, s5  }
0x231: {  	s14 =	sand.u32 $0xC, s21  }
0x232: {  	v8 =	vmov s14  }
0x233: {  	vm8 =	veq.s32 v8, v0;
	v7 =	vxor.u32 $0x80000000, v7  }
0x234: {  	v7 =	vnsel vm8, $0x7FFFFFFF, v7  }
0x235: {  	(xrf0) =	vmax.scan.msk.u32 $0xffff, v7;
	_ =	sdelay $0x5  }
0x236: {  	v7, _, _ =	vpop (xrf0)  }
0x237: {  	(v2sf) =	vpush v7, $0xF;
	_ =	sdelay $0xb  }
0x238: {  	s18 =	sshra.s32 s8, $0x1F  }
0x239: {  	s14 =	sshrl.u32 s18, $0x19  }
0x23a: {  	s21 =	sadd.s32 s14, s8  }
0x23b: {  	s18 =	sand.u32 $0xFFFFFF80, s21;
	s14 =	spop (v2sf)  }
0x23c: {  	s8 =	ssub.s32 s8, s18;
	s21 =	sand.u32 $0xFFFFF80, s14  }
0x23d: {  	v7 =	vadd.s32 s8, v6;
	s18 =	sadd.s32 s0, s21;
	s21 =	sadd.s32 $0xFFFFFFF6, s5  }
0x23e: {  	[tilespmem:s23], [sflag:$0x5] =	stream.strided.gather [hbm4b:s18+s11], $0x800, s16, s11, $0x38;
	v8 =	vmov s21;
	[tilespmem:$0x12600] =	vst v63  }
0x23f: {  	_ =	swait.ge [sflag:s3], $0x800;
	v61 =	vshll.u32 v8, $0x3  }
0x240: {  	v8 =	vand.u32 $0x7D, v8;
	[sflag:s3] =	ssyncset.done $0x0;
	v9 =	vand.u32 $0x400, v61  }
0x241: {  	[sflag:s3] =	ssyncadd.s32 $0xFFFFF800;
	v8 =	vor.u32 v9, v8  }
0x242: {  	v7 =	vld.idx.msk [tilespmem:v7+s24+$0x0], $0xffff;
	v8 =	vor.u32 v1, v8;
	_ =	sdelay $0x3  }
0x243: {  	s18 =	sadd.s32 $0xFFFFFFF0, s17  }
0x244: {  	s8 =	sand.u32 $0xF80, s18;
	[tilespmem:v8+s26+$0x0] =	vst.idx.msk $0xffff, v7  }
0x245: {  	v7 =	vld [tilespmem:s8+$0x600];
	_ =	sdelay $0x1  }
0x246: {  	s21 =	sadd.s32 $0xFFFFFFFE, s5  }
0x247: {  	s8 =	sand.u32 $0xD, s21  }
0x248: {  	v8 =	vmov s8  }
0x249: {  	vm8 =	veq.s32 v8, v0;
	v7 =	vxor.u32 $0x80000000, v7  }
0x24a: {  	v7 =	vnsel vm8, $0x7FFFFFFF, v7  }
0x24b: {  	(xrf0) =	vmax.scan.msk.u32 $0xffff, v7;
	_ =	sdelay $0x5  }
0x24c: {  	v7, _, _ =	vpop (xrf0)  }
0x24d: {  	(v2sf) =	vpush v7, $0xF;
	_ =	sdelay $0xb  }
0x24e: {  	s18 =	sshra.s32 s7, $0x1F  }
0x24f: {  	s8 =	sshrl.u32 s18, $0x19  }
0x250: {  	s21 =	sadd.s32 s8, s7  }
0x251: {  	s18 =	sand.u32 $0xFFFFFF80, s21;
	s8 =	spop (v2sf)  }
0x252: {  	s7 =	ssub.s32 s7, s18;
	s21 =	sand.u32 $0xFFFFF80, s8  }
0x253: {  	v7 =	vadd.s32 s7, v6;
	s18 =	sadd.s32 s0, s21;
	s21 =	sadd.s32 $0xFFFFFFF7, s5  }
0x254: {  	[tilespmem:s24], [sflag:$0x6] =	stream.strided.gather [hbm4b:s18+s11], $0x800, s16, s11, $0x38;
	v8 =	vmov s21;
	[tilespmem:$0x12600] =	vst v63  }
0x255: {  	_ =	swait.ge [sflag:s10], $0x800;
	v62 =	vshll.u32 v8, $0x3  }
0x256: {  	v8 =	vand.u32 $0x7E, v8;
	[sflag:s10] =	ssyncset.done $0x0;
	v9 =	vand.u32 $0x400, v62  }
0x257: {  	[sflag:s10] =	ssyncadd.s32 $0xFFFFF800;
	v8 =	vor.u32 v9, v8  }
0x258: {  	v7 =	vld.idx.msk [tilespmem:v7+s19+$0x0], $0xffff;
	v8 =	vor.u32 v1, v8;
	_ =	sdelay $0x3  }
0x259: {  	s18 =	sadd.s32 $0xFFFFFFF8, s17  }
0x25a: {  	s7 =	sand.u32 $0xF80, s18;
	[tilespmem:v8+s26+$0x0] =	vst.idx.msk $0xffff, v7  }
0x25b: {  	v7 =	vld [tilespmem:s7+$0x600];
	_ =	sdelay $0x1  }
0x25c: {  	s21 =	sadd.s32 $0xFFFFFFFF, s5  }
0x25d: {  	s7 =	sand.u32 $0xE, s21  }
0x25e: {  	v8 =	vmov s7  }
0x25f: {  	vm8 =	veq.s32 v8, v0;
	v7 =	vxor.u32 $0x80000000, v7  }
0x260: {  	v7 =	vnsel vm8, $0x7FFFFFFF, v7  }
0x261: {  	(xrf0) =	vmax.scan.msk.u32 $0xffff, v7;
	_ =	sdelay $0x5  }
0x262: {  	v7, _, _ =	vpop (xrf0)  }
0x263: {  	(v2sf) =	vpush v7, $0xF;
	_ =	sdelay $0xb  }
0x264: {  	s18 =	sshra.s32 s6, $0x1F  }
0x265: {  	s7 =	sshrl.u32 s18, $0x19  }
0x266: {  	s7 =	sadd.s32 s7, s6  }
0x267: {  	s7 =	sand.u32 $0xFFFFFF80, s7;
	s18 =	spop (v2sf)  }
0x268: {  	s6 =	ssub.s32 s6, s7;
	s21 =	sand.u32 $0xFFFFF80, s18  }
0x269: {  	v7 =	vadd.s32 s6, v6;
	s7 =	sadd.s32 s0, s21;
	s21 =	sadd.s32 $0xFFFFFFF8, s5  }
0x26a: {  	[tilespmem:s19], [sflag:$0x7] =	stream.strided.gather [hbm4b:s7+s11], $0x800, s16, s11, $0x38;
	v8 =	vmov s21;
	[tilespmem:$0x12600] =	vst v63  }
0x26b: {  	_ =	swait.ge [sflag:s20], $0x800;
	v63 =	vshll.u32 v8, $0x3  }
0x26c: {  	v8 =	vand.u32 $0x7F, v8;
	[sflag:s20] =	ssyncset.done $0x0;
	v9 =	vand.u32 $0x400, v63  }
0x26d: {  	[sflag:s20] =	ssyncadd.s32 $0xFFFFF800;
	v8 =	vor.u32 v9, v8  }
0x26e: {  	v7 =	vld.idx.msk [tilespmem:v7+s25+$0x0], $0xffff;
	v8 =	vor.u32 v1, v8;
	_ =	sdelay $0x4  }
0x26f: {  	s21 =	sand.u32 $0xF80, s17;
	[tilespmem:v8+s26+$0x0] =	vst.idx.msk $0xffff, v7  }
0x270: {  	v7 =	vld [tilespmem:s21+$0x600];
	_ =	sdelay $0x2  }
0x271: {  	s7 =	sand.u32 $0xF, s5  }
0x272: {  	v8 =	vmov s7  }
0x273: {  	vm8 =	veq.s32 v8, v0;
	v7 =	vxor.u32 $0x80000000, v7  }
0x274: {  	v7 =	vnsel vm8, $0x7FFFFFFF, v7  }
0x275: {  	(xrf0) =	vmax.scan.msk.u32 $0xffff, v7;
	_ =	sdelay $0x5  }
0x276: {  	v7, _, _ =	vpop (xrf0)  }
0x277: {  	(v2sf) =	vpush v7, $0xF;
	_ =	sdelay $0xd  }
0x278: {  	p0 =	sne.s32 s5, $0x107;
	s9 =	sxor.u32 $0x80000000, s9;
	s4 =	sxor.u32 $0x80000000, s4  }
.Ltmp2:
0x279: {  	s2 =	sxor.u32 $0x80000000, s2;
	s6 =	spop (v2sf);
	(pc) =	sbr.rel @p0 .LBB2_6-.Ltmp2, $4  }
0x27a: {  	s13 =	sxor.u32 $0x80000000, s13;
	s14 =	sxor.u32 $0x80000000, s14;
	s21 =	sand.u32 $0xFFFFF80, s6  }
0x27b: {  	s8 =	sxor.u32 $0x80000000, s8;
	s17 =	sadd.s32 $0x40, s17;
	s7 =	sadd.s32 s0, s21  }
0x27c: {  	[tilespmem:s25], [sflag:$0x8] =	stream.strided.gather [hbm4b:s7+s11], $0x800, s16, s11, $0x38;
	[tilespmem:$0x12600] =	vst v63  }
0x27d: {  	s5 =	sadd.s32 $0x8, s5;
	s6 =	sxor.u32 $0x80000000, s6;
	s7 =	sxor.u32 $0x80000000, s18  }
0x27e: {  	s5 =	simm.s32 $0xA  }
0x27f: {  	_ =	swait.ge [sflag:s5], $0x4000  }
0x280: {  	s17 =	simm.s32 $0x400;
	s18 =	simm.s32 $0x1;
	[sflag:s5] =	ssyncset.done $0x0  }
0x281: {  	s19 =	sand.u32 $0x780, s17;
	[sflag:s5] =	ssyncadd.s32 $0xFFFFC000;
	s5 =	simm.s32 $0x0  }
.LBB2_8:
0x282: {  	p0 =	sne.s32 s18, $0x7F;
	v7 =	vld [tilespmem:s19+$0x1600];
	_ =	sdelay $0x2  }
0x283: {  	s19 =	sand.u32 $0xF, s5  }
0x284: {  	v8 =	vmov s19  }
0x285: {  	vm8 =	veq.s32 v8, v0;
	v7 =	vxor.u32 $0x80000000, v7  }
0x286: {  	v7 =	vnsel vm8, $0x7FFFFFFF, v7  }
0x287: {  	(xrf0) =	vmax.scan.msk.u32 $0xffff, v7;
	_ =	sdelay $0x5  }
0x288: {  	v7, _, _ =	vpop (xrf0)  }
0x289: {  	(v2sf) =	vpush v7, $0xF;
	_ =	sdelay $0xe  }
0x28a: {  	s19 =	spop (v2sf)  }
0x28b: {  	s19 =	sshll.u32 s19, $0x4  }
0x28c: {  	s20 =	sshll.u32 s5, $0x7;
	s19 =	sand.u32 $0x70, s19  }
0x28d: {  	s19 =	sor.u32 s20, s19  }
0x28e: {  	v7 =	vor.u32 s19, v0  }
0x28f: {  	s19 =	sadd.s32 $0x80, s5;
	s5 =	smov.u32 s18  }
0x290: {  	v8 =	vmov s19  }
0x291: {  	v8 =	vand.u32 $0x7F, v8  }
0x292: {  	v8 =	vbroadcast v8, $0x0  }
0x293: {  	v7 =	vld.idx.msk [tilespmem:v7+s15+$0x0], $0xffff  }
0x294: {  	v8 =	vor.u32 v3, v8  }
.Ltmp3:
0x295: {  	(pc) =	sbr.rel @p0 .LBB2_8-.Ltmp3, $3  }
0x296: {  	_ =	sdelay $0x1  }
0x297: {  	s17 =	sadd.s32 $0x8, s17  }
0x298: {  	s18 =	sadd.s32 $0x1, s18;
	s19 =	sand.u32 $0x780, s17;
	[tilespmem:v8+s26+$0x0] =	vst.idx.msk $0xffff, v7  }
0x299: {  	v7 =	vld [tilespmem:s19+$0x1600];
	_ =	sdelay $0x2  }
0x29a: {  	s17 =	sand.u32 $0xF, s5  }
0x29b: {  	v8 =	vmov s17  }
0x29c: {  	vm8 =	veq.s32 v8, v0;
	v7 =	vxor.u32 $0x80000000, v7  }
0x29d: {  	v7 =	vnsel vm8, $0x7FFFFFFF, v7  }
0x29e: {  	(xrf0) =	vmax.scan.msk.u32 $0xffff, v7;
	_ =	sdelay $0x5  }
0x29f: {  	v7, _, _ =	vpop (xrf0)  }
0x2a0: {  	(v2sf) =	vpush v7, $0xF;
	_ =	sdelay $0xe  }
0x2a1: {  	s20 =	spop (v2sf)  }
0x2a2: {  	s17 =	sshll.u32 s20, $0x4  }
0x2a3: {  	s18 =	sshll.u32 s5, $0x7;
	s17 =	sand.u32 $0x70, s17  }
0x2a4: {  	s17 =	sor.u32 s18, s17  }
0x2a5: {  	s21 =	sadd.s32 $0x80, s5;
	v7 =	vor.u32 s17, v0  }
0x2a6: {  	v8 =	vmov s21  }
0x2a7: {  	v8 =	vand.u32 $0x7F, v8  }
0x2a8: {  	v8 =	vbroadcast v8, $0x0;
	_ =	sdelay $0x1  }
0x2a9: {  	v8 =	vor.u32 v3, v8;
	v7 =	vld.idx.msk [tilespmem:v7+s15+$0x0], $0xffff;
	_ =	sdelay $0x2  }
0x2aa: {  	s22 =	rddreg [dreg:$0x5]  }
0x2ab: {  	s23 =	simm.s32 $0x80;
	s24 =	simm.s32 $0x580;
	s5 =	simm.s32 $0x10F  }
0x2ac: {  	s19 =	simm.s32 $0x9600;
	s20 =	simm.s32 $0x8;
	s17 =	simm.s32 $0x878;
	[tilespmem:v8+s26+$0x0] =	vst.idx.msk $0xffff, v7  }
0x2ad: {  	[tilespmem:s15], [sflag:$0xA] =	stream.indirect.gather [hbm4b:s22+s23], $0x80, s24, s23, $0xb8;
	[tilespmem:$0x12600] =	vst v63  }
0x2ae: {  	s22 =	simm.s32 $0x7E00;
	s23 =	simm.s32 $0x8600;
	s24 =	simm.s32 $0x8E00  }
.LBB2_10:
0x2af: {  	s18 =	sshra.s32 s9, $0x1F  }
0x2b0: {  	s18 =	sshrl.u32 s18, $0x19  }
0x2b1: {  	s18 =	sadd.s32 s18, s9  }
0x2b2: {  	s18 =	sand.u32 $0xFFFFFF80, s18  }
0x2b3: {  	s18 =	ssub.s32 s9, s18  }
0x2b4: {  	s21 =	sadd.s32 $0xFFFFFFF1, s5;
	v7 =	vadd.s32 s18, v6  }
0x2b5: {  	v8 =	vmov s21  }
0x2b6: {  	_ =	swait.ge [sflag:s28], $0x800;
	v9 =	vshll.u32 v8, $0x3  }
0x2b7: {  	[sflag:s28] =	ssyncset.done $0x0;
	v8 =	vand.u32 $0x78, v8;
	v9 =	vand.u32 $0xC00, v9  }
0x2b8: {  	s21 =	simm.s32 $0x6600;
	[sflag:s28] =	ssyncadd.s32 $0xFFFFF800;
	v8 =	vor.u32 v9, v8  }
0x2b9: {  	v8 =	vor.u32 v1, v8;
	v7 =	vld.idx.msk [tilespmem:v7+s21+$0x0], $0xffff;
	_ =	sdelay $0x3  }
0x2ba: {  	s18 =	sadd.s32 $0xFFFFFFC8, s17  }
0x2bb: {  	s9 =	sand.u32 $0x1F80, s18;
	[tilespmem:v8+s26+$0x0] =	vst.idx.msk $0xffff, v7  }
0x2bc: {  	v7 =	vld [tilespmem:s9+$0x600];
	_ =	sdelay $0x1  }
0x2bd: {  	s18 =	sadd.s32 $0xFFFFFFF9, s5  }
0x2be: {  	s9 =	sand.u32 $0x8, s18  }
0x2bf: {  	v8 =	vmov s9  }
0x2c0: {  	vm8 =	veq.s32 v8, v0;
	v7 =	vxor.u32 $0x80000000, v7  }
0x2c1: {  	v7 =	vnsel vm8, $0x7FFFFFFF, v7  }
0x2c2: {  	(xrf0) =	vmax.scan.msk.u32 $0xffff, v7;
	_ =	sdelay $0x5  }
0x2c3: {  	v7, _, _ =	vpop (xrf0)  }
0x2c4: {  	(v2sf) =	vpush v7, $0xF;
	_ =	sdelay $0xb  }
0x2c5: {  	s18 =	sshra.s32 s4, $0x1F  }
0x2c6: {  	s9 =	sshrl.u32 s18, $0x19  }
0x2c7: {  	s18 =	sadd.s32 s9, s4  }
0x2c8: {  	s18 =	sand.u32 $0xFFFFFF80, s18;
	s9 =	spop (v2sf)  }
0x2c9: {  	s4 =	ssub.s32 s4, s18;
	s18 =	sand.u32 $0xFFFFF80, s9  }
0x2ca: {  	v7 =	vadd.s32 s4, v6;
	s4 =	sadd.s32 $0xFFFFFFF2, s5;
	s18 =	sadd.s32 s0, s18  }
0x2cb: {  	v8 =	vmov s4;
	[tilespmem:s21], [sflag:$0x1] =	stream.strided.gather [hbm4b:s18+s11], $0x800, s16, s11, $0x38;
	[tilespmem:$0x12600] =	vst v63  }
0x2cc: {  	v57 =	vshll.u32 v8, $0x3;
	_ =	swait.ge [sflag:s29], $0x800  }
0x2cd: {  	v8 =	vand.u32 $0x79, v8;
	v9 =	vand.u32 $0xC00, v57;
	[sflag:s29] =	ssyncset.done $0x0  }
0x2ce: {  	v8 =	vor.u32 v9, v8;
	s21 =	simm.s32 $0x6E00;
	[sflag:s29] =	ssyncadd.s32 $0xFFFFF800  }
0x2cf: {  	v8 =	vor.u32 v1, v8;
	v7 =	vld.idx.msk [tilespmem:v7+s21+$0x0], $0xffff;
	_ =	sdelay $0x3  }
0x2d0: {  	s18 =	sadd.s32 $0xFFFFFFD0, s17  }
0x2d1: {  	s4 =	sand.u32 $0x1F80, s18;
	[tilespmem:v8+s26+$0x0] =	vst.idx.msk $0xffff, v7  }
0x2d2: {  	v7 =	vld [tilespmem:s4+$0x600];
	_ =	sdelay $0x1  }
0x2d3: {  	s18 =	sadd.s32 $0xFFFFFFFA, s5  }
0x2d4: {  	s4 =	sand.u32 $0x9, s18  }
0x2d5: {  	v8 =	vmov s4  }
0x2d6: {  	vm8 =	veq.s32 v8, v0;
	v7 =	vxor.u32 $0x80000000, v7  }
0x2d7: {  	v7 =	vnsel vm8, $0x7FFFFFFF, v7  }
0x2d8: {  	(xrf0) =	vmax.scan.msk.u32 $0xffff, v7;
	_ =	sdelay $0x5  }
0x2d9: {  	v7, _, _ =	vpop (xrf0)  }
0x2da: {  	(v2sf) =	vpush v7, $0xF;
	_ =	sdelay $0xb  }
0x2db: {  	s18 =	sshra.s32 s2, $0x1F  }
0x2dc: {  	s4 =	sshrl.u32 s18, $0x19  }
0x2dd: {  	s18 =	sadd.s32 s4, s2  }
0x2de: {  	s18 =	sand.u32 $0xFFFFFF80, s18;
	s4 =	spop (v2sf)  }
0x2df: {  	s2 =	ssub.s32 s2, s18;
	s18 =	sand.u32 $0xFFFFF80, s4  }
0x2e0: {  	v7 =	vadd.s32 s2, v6;
	s2 =	sadd.s32 $0xFFFFFFF3, s5;
	s18 =	sadd.s32 s0, s18  }
0x2e1: {  	v8 =	vmov s2;
	[tilespmem:s21], [sflag:$0x2] =	stream.strided.gather [hbm4b:s18+s11], $0x800, s16, s11, $0x38;
	[tilespmem:$0x12600] =	vst v63  }
0x2e2: {  	v58 =	vshll.u32 v8, $0x3;
	_ =	swait.ge [sflag:s30], $0x800  }
0x2e3: {  	v8 =	vand.u32 $0x7A, v8;
	v9 =	vand.u32 $0xC00, v58;
	[sflag:s30] =	ssyncset.done $0x0  }
0x2e4: {  	v8 =	vor.u32 v9, v8;
	s21 =	simm.s32 $0x7600;
	[sflag:s30] =	ssyncadd.s32 $0xFFFFF800  }
0x2e5: {  	v8 =	vor.u32 v1, v8;
	v7 =	vld.idx.msk [tilespmem:v7+s21+$0x0], $0xffff;
	_ =	sdelay $0x3  }
0x2e6: {  	s18 =	sadd.s32 $0xFFFFFFD8, s17  }
0x2e7: {  	s2 =	sand.u32 $0x1F80, s18;
	[tilespmem:v8+s26+$0x0] =	vst.idx.msk $0xffff, v7  }
0x2e8: {  	v7 =	vld [tilespmem:s2+$0x600];
	_ =	sdelay $0x1  }
0x2e9: {  	s18 =	sadd.s32 $0xFFFFFFFB, s5  }
0x2ea: {  	s2 =	sand.u32 $0xA, s18  }
0x2eb: {  	v8 =	vmov s2  }
0x2ec: {  	vm8 =	veq.s32 v8, v0;
	v7 =	vxor.u32 $0x80000000, v7  }
0x2ed: {  	v7 =	vnsel vm8, $0x7FFFFFFF, v7  }
0x2ee: {  	(xrf0) =	vmax.scan.msk.u32 $0xffff, v7;
	_ =	sdelay $0x5  }
0x2ef: {  	v7, _, _ =	vpop (xrf0)  }
0x2f0: {  	(v2sf) =	vpush v7, $0xF;
	_ =	sdelay $0xb  }
0x2f1: {  	s18 =	sshra.s32 s13, $0x1F  }
0x2f2: {  	s2 =	sshrl.u32 s18, $0x19  }
0x2f3: {  	s18 =	sadd.s32 s2, s13  }
0x2f4: {  	s18 =	sand.u32 $0xFFFFFF80, s18;
	s2 =	spop (v2sf)  }
0x2f5: {  	s13 =	ssub.s32 s13, s18;
	s18 =	sand.u32 $0xFFFFF80, s2  }
0x2f6: {  	v7 =	vadd.s32 s13, v6;
	s13 =	sadd.s32 $0xFFFFFFF4, s5;
	s18 =	sadd.s32 s0, s18  }
0x2f7: {  	v8 =	vmov s13;
	[tilespmem:s21], [sflag:$0x3] =	stream.strided.gather [hbm4b:s18+s11], $0x800, s16, s11, $0x38;
	[tilespmem:$0x12600] =	vst v63  }
0x2f8: {  	v59 =	vshll.u32 v8, $0x3;
	_ =	swait.ge [sflag:s31], $0x800  }
0x2f9: {  	v8 =	vand.u32 $0x7B, v8;
	v9 =	vand.u32 $0xC00, v59;
	[sflag:s31] =	ssyncset.done $0x0  }
0x2fa: {  	v8 =	vor.u32 v9, v8;
	[sflag:s31] =	ssyncadd.s32 $0xFFFFF800  }
0x2fb: {  	v8 =	vor.u32 v1, v8;
	v7 =	vld.idx.msk [tilespmem:v7+s22+$0x0], $0xffff;
	_ =	sdelay $0x3  }
0x2fc: {  	s18 =	sadd.s32 $0xFFFFFFE0, s17  }
0x2fd: {  	s13 =	sand.u32 $0x1F80, s18;
	[tilespmem:v8+s26+$0x0] =	vst.idx.msk $0xffff, v7  }
0x2fe: {  	v7 =	vld [tilespmem:s13+$0x600];
	_ =	sdelay $0x1  }
0x2ff: {  	s21 =	sadd.s32 $0xFFFFFFFC, s5  }
0x300: {  	s13 =	sand.u32 $0xB, s21  }
0x301: {  	v8 =	vmov s13  }
0x302: {  	vm8 =	veq.s32 v8, v0;
	v7 =	vxor.u32 $0x80000000, v7  }
0x303: {  	v7 =	vnsel vm8, $0x7FFFFFFF, v7  }
0x304: {  	(xrf0) =	vmax.scan.msk.u32 $0xffff, v7;
	_ =	sdelay $0x5  }
0x305: {  	v7, _, _ =	vpop (xrf0)  }
0x306: {  	(v2sf) =	vpush v7, $0xF;
	_ =	sdelay $0xb  }
0x307: {  	s18 =	sshra.s32 s14, $0x1F  }
0x308: {  	s13 =	sshrl.u32 s18, $0x19  }
0x309: {  	s21 =	sadd.s32 s13, s14  }
0x30a: {  	s18 =	sand.u32 $0xFFFFFF80, s21;
	s13 =	spop (v2sf)  }
0x30b: {  	s14 =	ssub.s32 s14, s18;
	s21 =	sand.u32 $0xFFFFF80, s13  }
0x30c: {  	v7 =	vadd.s32 s14, v6;
	s18 =	sadd.s32 s0, s21;
	s21 =	sadd.s32 $0xFFFFFFF5, s5  }
0x30d: {  	[tilespmem:s22], [sflag:$0x4] =	stream.strided.gather [hbm4b:s18+s11], $0x800, s16, s11, $0x38;
	v8 =	vmov s21;
	[tilespmem:$0x12600] =	vst v63  }
0x30e: {  	_ =	swait.ge [sflag:s1], $0x800;
	v60 =	vshll.u32 v8, $0x3  }
0x30f: {  	v8 =	vand.u32 $0x7C, v8;
	[sflag:s1] =	ssyncset.done $0x0;
	v9 =	vand.u32 $0xC00, v60  }
0x310: {  	[sflag:s1] =	ssyncadd.s32 $0xFFFFF800;
	v8 =	vor.u32 v9, v8  }
0x311: {  	v7 =	vld.idx.msk [tilespmem:v7+s23+$0x0], $0xffff;
	v8 =	vor.u32 v1, v8;
	_ =	sdelay $0x3  }
0x312: {  	s18 =	sadd.s32 $0xFFFFFFE8, s17  }
0x313: {  	s14 =	sand.u32 $0x1F80, s18;
	[tilespmem:v8+s26+$0x0] =	vst.idx.msk $0xffff, v7  }
0x314: {  	v7 =	vld [tilespmem:s14+$0x600];
	_ =	sdelay $0x1  }
0x315: {  	s21 =	sadd.s32 $0xFFFFFFFD, s5  }
0x316: {  	s14 =	sand.u32 $0xC, s21  }
0x317: {  	v8 =	vmov s14  }
0x318: {  	vm8 =	veq.s32 v8, v0;
	v7 =	vxor.u32 $0x80000000, v7  }
0x319: {  	v7 =	vnsel vm8, $0x7FFFFFFF, v7  }
0x31a: {  	(xrf0) =	vmax.scan.msk.u32 $0xffff, v7;
	_ =	sdelay $0x5  }
0x31b: {  	v7, _, _ =	vpop (xrf0)  }
0x31c: {  	(v2sf) =	vpush v7, $0xF;
	_ =	sdelay $0xb  }
0x31d: {  	s18 =	sshra.s32 s8, $0x1F  }
0x31e: {  	s14 =	sshrl.u32 s18, $0x19  }
0x31f: {  	s21 =	sadd.s32 s14, s8  }
0x320: {  	s18 =	sand.u32 $0xFFFFFF80, s21;
	s14 =	spop (v2sf)  }
0x321: {  	s8 =	ssub.s32 s8, s18;
	s21 =	sand.u32 $0xFFFFF80, s14  }
0x322: {  	v7 =	vadd.s32 s8, v6;
	s18 =	sadd.s32 s0, s21;
	s21 =	sadd.s32 $0xFFFFFFF6, s5  }
0x323: {  	[tilespmem:s23], [sflag:$0x5] =	stream.strided.gather [hbm4b:s18+s11], $0x800, s16, s11, $0x38;
	v8 =	vmov s21;
	[tilespmem:$0x12600] =	vst v63  }
0x324: {  	_ =	swait.ge [sflag:s3], $0x800;
	v61 =	vshll.u32 v8, $0x3  }
0x325: {  	v8 =	vand.u32 $0x7D, v8;
	[sflag:s3] =	ssyncset.done $0x0;
	v9 =	vand.u32 $0xC00, v61  }
0x326: {  	[sflag:s3] =	ssyncadd.s32 $0xFFFFF800;
	v8 =	vor.u32 v9, v8  }
0x327: {  	v7 =	vld.idx.msk [tilespmem:v7+s24+$0x0], $0xffff;
	v8 =	vor.u32 v1, v8;
	_ =	sdelay $0x3  }
0x328: {  	s18 =	sadd.s32 $0xFFFFFFF0, s17  }
0x329: {  	s8 =	sand.u32 $0x1F80, s18;
	[tilespmem:v8+s26+$0x0] =	vst.idx.msk $0xffff, v7  }
0x32a: {  	v7 =	vld [tilespmem:s8+$0x600];
	_ =	sdelay $0x1  }
0x32b: {  	s21 =	sadd.s32 $0xFFFFFFFE, s5  }
0x32c: {  	s8 =	sand.u32 $0xD, s21  }
0x32d: {  	v8 =	vmov s8  }
0x32e: {  	vm8 =	veq.s32 v8, v0;
	v7 =	vxor.u32 $0x80000000, v7  }
0x32f: {  	v7 =	vnsel vm8, $0x7FFFFFFF, v7  }
0x330: {  	(xrf0) =	vmax.scan.msk.u32 $0xffff, v7;
	_ =	sdelay $0x5  }
0x331: {  	v7, _, _ =	vpop (xrf0)  }
0x332: {  	(v2sf) =	vpush v7, $0xF;
	_ =	sdelay $0xb  }
0x333: {  	s18 =	sshra.s32 s7, $0x1F  }
0x334: {  	s8 =	sshrl.u32 s18, $0x19  }
0x335: {  	s21 =	sadd.s32 s8, s7  }
0x336: {  	s18 =	sand.u32 $0xFFFFFF80, s21;
	s8 =	spop (v2sf)  }
0x337: {  	s7 =	ssub.s32 s7, s18;
	s21 =	sand.u32 $0xFFFFF80, s8  }
0x338: {  	v7 =	vadd.s32 s7, v6;
	s18 =	sadd.s32 s0, s21;
	s21 =	sadd.s32 $0xFFFFFFF7, s5  }
0x339: {  	[tilespmem:s24], [sflag:$0x6] =	stream.strided.gather [hbm4b:s18+s11], $0x800, s16, s11, $0x38;
	v8 =	vmov s21;
	[tilespmem:$0x12600] =	vst v63  }
0x33a: {  	_ =	swait.ge [sflag:s10], $0x800;
	v62 =	vshll.u32 v8, $0x3  }
0x33b: {  	v8 =	vand.u32 $0x7E, v8;
	[sflag:s10] =	ssyncset.done $0x0;
	v9 =	vand.u32 $0xC00, v62  }
0x33c: {  	[sflag:s10] =	ssyncadd.s32 $0xFFFFF800;
	v8 =	vor.u32 v9, v8  }
0x33d: {  	v7 =	vld.idx.msk [tilespmem:v7+s19+$0x0], $0xffff;
	v8 =	vor.u32 v1, v8;
	_ =	sdelay $0x3  }
0x33e: {  	s18 =	sadd.s32 $0xFFFFFFF8, s17  }
0x33f: {  	s7 =	sand.u32 $0x1F80, s18;
	[tilespmem:v8+s26+$0x0] =	vst.idx.msk $0xffff, v7  }
0x340: {  	v7 =	vld [tilespmem:s7+$0x600];
	_ =	sdelay $0x1  }
0x341: {  	s21 =	sadd.s32 $0xFFFFFFFF, s5  }
0x342: {  	s7 =	sand.u32 $0xE, s21  }
0x343: {  	v8 =	vmov s7  }
0x344: {  	vm8 =	veq.s32 v8, v0;
	v7 =	vxor.u32 $0x80000000, v7  }
0x345: {  	v7 =	vnsel vm8, $0x7FFFFFFF, v7  }
0x346: {  	(xrf0) =	vmax.scan.msk.u32 $0xffff, v7;
	_ =	sdelay $0x5  }
0x347: {  	v7, _, _ =	vpop (xrf0)  }
0x348: {  	(v2sf) =	vpush v7, $0xF;
	_ =	sdelay $0xb  }
0x349: {  	s18 =	sshra.s32 s6, $0x1F  }
0x34a: {  	s7 =	sshrl.u32 s18, $0x19  }
0x34b: {  	s7 =	sadd.s32 s7, s6  }
0x34c: {  	s7 =	sand.u32 $0xFFFFFF80, s7;
	s18 =	spop (v2sf)  }
0x34d: {  	s6 =	ssub.s32 s6, s7;
	s21 =	sand.u32 $0xFFFFF80, s18  }
0x34e: {  	v7 =	vadd.s32 s6, v6;
	s7 =	sadd.s32 s0, s21;
	s21 =	sadd.s32 $0xFFFFFFF8, s5  }
0x34f: {  	[tilespmem:s19], [sflag:$0x7] =	stream.strided.gather [hbm4b:s7+s11], $0x800, s16, s11, $0x38;
	v8 =	vmov s21;
	[tilespmem:$0x12600] =	vst v63  }
0x350: {  	_ =	swait.ge [sflag:s20], $0x800;
	v63 =	vshll.u32 v8, $0x3  }
0x351: {  	v8 =	vand.u32 $0x7F, v8;
	[sflag:s20] =	ssyncset.done $0x0;
	v9 =	vand.u32 $0xC00, v63  }
0x352: {  	[sflag:s20] =	ssyncadd.s32 $0xFFFFF800;
	v8 =	vor.u32 v9, v8  }
0x353: {  	v7 =	vld.idx.msk [tilespmem:v7+s25+$0x0], $0xffff;
	v8 =	vor.u32 v1, v8;
	_ =	sdelay $0x4  }
0x354: {  	s21 =	sand.u32 $0x1F80, s17;
	[tilespmem:v8+s26+$0x0] =	vst.idx.msk $0xffff, v7  }
0x355: {  	v7 =	vld [tilespmem:s21+$0x600];
	_ =	sdelay $0x2  }
0x356: {  	s7 =	sand.u32 $0xF, s5  }
0x357: {  	v8 =	vmov s7  }
0x358: {  	vm8 =	veq.s32 v8, v0;
	v7 =	vxor.u32 $0x80000000, v7  }
0x359: {  	v7 =	vnsel vm8, $0x7FFFFFFF, v7  }
0x35a: {  	(xrf0) =	vmax.scan.msk.u32 $0xffff, v7;
	_ =	sdelay $0x5  }
0x35b: {  	v7, _, _ =	vpop (xrf0)  }
0x35c: {  	(v2sf) =	vpush v7, $0xF;
	_ =	sdelay $0xd  }
0x35d: {  	p0 =	sne.s32 s5, $0x187;
	s9 =	sxor.u32 $0x80000000, s9;
	s4 =	sxor.u32 $0x80000000, s4  }
.Ltmp4:
0x35e: {  	s2 =	sxor.u32 $0x80000000, s2;
	s6 =	spop (v2sf);
	(pc) =	sbr.rel @p0 .LBB2_10-.Ltmp4, $4  }
0x35f: {  	s13 =	sxor.u32 $0x80000000, s13;
	s14 =	sxor.u32 $0x80000000, s14;
	s21 =	sand.u32 $0xFFFFF80, s6  }
0x360: {  	s8 =	sxor.u32 $0x80000000, s8;
	s17 =	sadd.s32 $0x40, s17;
	s7 =	sadd.s32 s0, s21  }
0x361: {  	[tilespmem:s25], [sflag:$0x8] =	stream.strided.gather [hbm4b:s7+s11], $0x800, s16, s11, $0x38;
	[tilespmem:$0x12600] =	vst v63  }
0x362: {  	s5 =	sadd.s32 $0x8, s5;
	s6 =	sxor.u32 $0x80000000, s6;
	s7 =	sxor.u32 $0x80000000, s18  }
0x363: {  	s5 =	simm.s32 $0x9  }
0x364: {  	_ =	swait.ge [sflag:s5], $0x4000  }
0x365: {  	[sflag:s5] =	ssyncset.done $0x0  }
0x366: {  	s17 =	simm.s32 $0x800;
	[sflag:s5] =	ssyncadd.s32 $0xFFFFC000;
	s5 =	simm.s32 $0x0  }
.LBB2_12:
0x367: {  	s18 =	sand.u32 $0xB80, s17  }
0x368: {  	v7 =	vld [tilespmem:s18+$0x1600];
	_ =	sdelay $0x2  }
0x369: {  	s22 =	sand.u32 $0xF, s5  }
0x36a: {  	v8 =	vmov s22  }
0x36b: {  	vm8 =	veq.s32 v8, v0;
	v7 =	vxor.u32 $0x80000000, v7  }
0x36c: {  	v7 =	vnsel vm8, $0x7FFFFFFF, v7  }
0x36d: {  	(xrf0) =	vmax.scan.msk.u32 $0xffff, v7;
	_ =	sdelay $0x5  }
0x36e: {  	v7, _, _ =	vpop (xrf0)  }
0x36f: {  	(v2sf) =	vpush v7, $0xF;
	_ =	sdelay $0xe  }
0x370: {  	s23 =	spop (v2sf)  }
0x371: {  	s18 =	sshll.u32 s23, $0x4  }
0x372: {  	s19 =	sshll.u32 s5, $0x7;
	s18 =	sand.u32 $0x70, s18  }
0x373: {  	s18 =	sor.u32 s19, s18  }
0x374: {  	s24 =	sadd.s32 $0x100, s5;
	v7 =	vor.u32 s18, v0  }
0x375: {  	v8 =	vmov s24  }
0x376: {  	v8 =	vand.u32 $0x7F, v8  }
0x377: {  	v8 =	vbroadcast v8, $0x0;
	_ =	sdelay $0x1  }
0x378: {  	p0 =	sne.s32 s5, $0x7F;
	v8 =	vor.u32 v4, v8;
	v7 =	vld.idx.msk [tilespmem:v7+s12+$0x0], $0xffff  }
.Ltmp5:
0x379: {  	_ = 	snop;
	(pc) =	sbr.rel @p0 .LBB2_12-.Ltmp5, $2  }
0x37a: {  	_ =	sdelay $0x2  }
0x37b: {  	s17 =	sadd.s32 $0x8, s17;
	s5 =	sadd.s32 $0x1, s5;
	[tilespmem:v8+s26+$0x0] =	vst.idx.msk $0xffff, v7  }
0x37c: {  	s5 =	simm.s32 $0x180  }
0x37d: {  	s19 =	simm.s32 $0x6600;
	s20 =	simm.s32 $0x7E00;
	s21 =	simm.s32 $0x8600  }
0x37e: {  	s22 =	simm.s32 $0x8E00;
	s23 =	simm.s32 $0x9600;
	s24 =	simm.s32 $0x8  }
.LBB2_14:
0x37f: {  	s17 =	sshra.s32 s9, $0x1F  }
0x380: {  	s17 =	sshrl.u32 s17, $0x19  }
0x381: {  	s17 =	sadd.s32 s17, s9  }
0x382: {  	s17 =	sand.u32 $0xFFFFFF80, s17  }
0x383: {  	s18 =	ssub.s32 s9, s17  }
0x384: {  	v7 =	vadd.s32 s18, v6  }
0x385: {  	v8 =	vmov s5  }
0x386: {  	_ =	swait.ge [sflag:s28], $0x800;
	v9 =	vshll.u32 v8, $0x3  }
0x387: {  	[sflag:s28] =	ssyncset.done $0x0;
	v8 =	vand.u32 $0x78, v8;
	v9 =	vand.u32 $0xC00, v9  }
0x388: {  	[sflag:s28] =	ssyncadd.s32 $0xFFFFF800;
	v8 =	vor.u32 v9, v8  }
0x389: {  	v8 =	vor.u32 v1, v8;
	v7 =	vld.idx.msk [tilespmem:v7+s19+$0x0], $0xffff;
	_ =	sdelay $0x1  }
0x38a: {  	s17 =	smin.u32 s5, $0x1F7  }
0x38b: {  	s9 =	sadd.s32 $0x8, s17  }
0x38c: {  	s18 =	sshll.u32 s9, $0x3  }
0x38d: {  	s17 =	sand.u32 $0x1F80, s18;
	[tilespmem:v8+s26+$0x0] =	vst.idx.msk $0xffff, v7  }
0x38e: {  	v7 =	vld [tilespmem:s17+$0x600];
	_ =	sdelay $0x2  }
0x38f: {  	s9 =	sand.u32 $0xF, s9  }
0x390: {  	v8 =	vmov s9  }
0x391: {  	vm8 =	veq.s32 v8, v0;
	v7 =	vxor.u32 $0x80000000, v7  }
0x392: {  	v7 =	vnsel vm8, $0x7FFFFFFF, v7  }
0x393: {  	(xrf0) =	vmax.scan.msk.u32 $0xffff, v7;
	_ =	sdelay $0x5  }
0x394: {  	v7, _, _ =	vpop (xrf0)  }
0x395: {  	(v2sf) =	vpush v7, $0xF;
	_ =	sdelay $0xb  }
0x396: {  	s17 =	sshra.s32 s4, $0x1F  }
0x397: {  	s9 =	sshrl.u32 s17, $0x19  }
0x398: {  	s18 =	sadd.s32 s9, s4  }
0x399: {  	s17 =	sand.u32 $0xFFFFFF80, s18;
	s9 =	spop (v2sf)  }
0x39a: {  	s4 =	ssub.s32 s4, s17;
	s18 =	sand.u32 $0xFFFFF80, s9  }
0x39b: {  	v7 =	vadd.s32 s4, v6;
	s17 =	sadd.s32 s0, s18;
	s18 =	sadd.s32 $0x1, s5  }
0x39c: {  	[tilespmem:s19], [sflag:$0x1] =	stream.strided.gather [hbm4b:s17+s11], $0x800, s16, s11, $0x38;
	v8 =	vmov s18;
	[tilespmem:$0x12600] =	vst v63  }
0x39d: {  	_ =	swait.ge [sflag:s29], $0x800;
	v57 =	vshll.u32 v8, $0x3  }
0x39e: {  	v8 =	vand.u32 $0x79, v8;
	[sflag:s29] =	ssyncset.done $0x0;
	v9 =	vand.u32 $0xC00, v57  }
0x39f: {  	s18 =	simm.s32 $0x6E00;
	[sflag:s29] =	ssyncadd.s32 $0xFFFFF800;
	v8 =	vor.u32 v9, v8  }
0x3a0: {  	v7 =	vld.idx.msk [tilespmem:v7+s18+$0x0], $0xffff;
	v8 =	vor.u32 v1, v8;
	_ =	sdelay $0x1  }
0x3a1: {  	s17 =	smin.u32 s5, $0x1F6  }
0x3a2: {  	s4 =	sadd.s32 $0x9, s17  }
0x3a3: {  	s17 =	sshll.u32 s4, $0x3  }
0x3a4: {  	s17 =	sand.u32 $0x1F80, s17;
	[tilespmem:v8+s26+$0x0] =	vst.idx.msk $0xffff, v7  }
0x3a5: {  	v7 =	vld [tilespmem:s17+$0x600];
	_ =	sdelay $0x2  }
0x3a6: {  	s4 =	sand.u32 $0xF, s4  }
0x3a7: {  	v8 =	vmov s4  }
0x3a8: {  	vm8 =	veq.s32 v8, v0;
	v7 =	vxor.u32 $0x80000000, v7  }
0x3a9: {  	v7 =	vnsel vm8, $0x7FFFFFFF, v7  }
0x3aa: {  	(xrf0) =	vmax.scan.msk.u32 $0xffff, v7;
	_ =	sdelay $0x5  }
0x3ab: {  	v7, _, _ =	vpop (xrf0)  }
0x3ac: {  	(v2sf) =	vpush v7, $0xF;
	_ =	sdelay $0xb  }
0x3ad: {  	s17 =	sshra.s32 s2, $0x1F  }
0x3ae: {  	s4 =	sshrl.u32 s17, $0x19  }
0x3af: {  	s17 =	sadd.s32 s4, s2  }
0x3b0: {  	s17 =	sand.u32 $0xFFFFFF80, s17;
	s4 =	spop (v2sf)  }
0x3b1: {  	s2 =	ssub.s32 s2, s17;
	s17 =	sand.u32 $0xFFFFF80, s4  }
0x3b2: {  	v7 =	vadd.s32 s2, v6;
	s2 =	sadd.s32 $0x2, s5;
	s17 =	sadd.s32 s0, s17  }
0x3b3: {  	v8 =	vmov s2;
	[tilespmem:s18], [sflag:$0x2] =	stream.strided.gather [hbm4b:s17+s11], $0x800, s16, s11, $0x38;
	[tilespmem:$0x12600] =	vst v63  }
0x3b4: {  	v58 =	vshll.u32 v8, $0x3;
	_ =	swait.ge [sflag:s30], $0x800  }
0x3b5: {  	v8 =	vand.u32 $0x7A, v8;
	v9 =	vand.u32 $0xC00, v58;
	[sflag:s30] =	ssyncset.done $0x0  }
0x3b6: {  	v8 =	vor.u32 v9, v8;
	s18 =	simm.s32 $0x7600;
	[sflag:s30] =	ssyncadd.s32 $0xFFFFF800  }
0x3b7: {  	v8 =	vor.u32 v1, v8;
	v7 =	vld.idx.msk [tilespmem:v7+s18+$0x0], $0xffff;
	_ =	sdelay $0x1  }
0x3b8: {  	s17 =	smin.u32 s5, $0x1F5  }
0x3b9: {  	s2 =	sadd.s32 $0xA, s17  }
0x3ba: {  	s17 =	sshll.u32 s2, $0x3  }
0x3bb: {  	s17 =	sand.u32 $0x1F80, s17;
	[tilespmem:v8+s26+$0x0] =	vst.idx.msk $0xffff, v7  }
0x3bc: {  	v7 =	vld [tilespmem:s17+$0x600];
	_ =	sdelay $0x2  }
0x3bd: {  	s2 =	sand.u32 $0xF, s2  }
0x3be: {  	v8 =	vmov s2  }
0x3bf: {  	vm8 =	veq.s32 v8, v0;
	v7 =	vxor.u32 $0x80000000, v7  }
0x3c0: {  	v7 =	vnsel vm8, $0x7FFFFFFF, v7  }
0x3c1: {  	(xrf0) =	vmax.scan.msk.u32 $0xffff, v7;
	_ =	sdelay $0x5  }
0x3c2: {  	v7, _, _ =	vpop (xrf0)  }
0x3c3: {  	(v2sf) =	vpush v7, $0xF;
	_ =	sdelay $0xb  }
0x3c4: {  	s17 =	sshra.s32 s13, $0x1F  }
0x3c5: {  	s2 =	sshrl.u32 s17, $0x19  }
0x3c6: {  	s17 =	sadd.s32 s2, s13  }
0x3c7: {  	s17 =	sand.u32 $0xFFFFFF80, s17;
	s2 =	spop (v2sf)  }
0x3c8: {  	s13 =	ssub.s32 s13, s17;
	s17 =	sand.u32 $0xFFFFF80, s2  }
0x3c9: {  	v7 =	vadd.s32 s13, v6;
	s13 =	sadd.s32 $0x3, s5;
	s17 =	sadd.s32 s0, s17  }
0x3ca: {  	v8 =	vmov s13;
	[tilespmem:s18], [sflag:$0x3] =	stream.strided.gather [hbm4b:s17+s11], $0x800, s16, s11, $0x38;
	[tilespmem:$0x12600] =	vst v63  }
0x3cb: {  	v59 =	vshll.u32 v8, $0x3;
	_ =	swait.ge [sflag:s31], $0x800  }
0x3cc: {  	v8 =	vand.u32 $0x7B, v8;
	v9 =	vand.u32 $0xC00, v59;
	[sflag:s31] =	ssyncset.done $0x0  }
0x3cd: {  	v8 =	vor.u32 v9, v8;
	[sflag:s31] =	ssyncadd.s32 $0xFFFFF800  }
0x3ce: {  	v8 =	vor.u32 v1, v8;
	v7 =	vld.idx.msk [tilespmem:v7+s20+$0x0], $0xffff;
	_ =	sdelay $0x1  }
0x3cf: {  	s17 =	smin.u32 s5, $0x1F4  }
0x3d0: {  	s13 =	sadd.s32 $0xB, s17  }
0x3d1: {  	s18 =	sshll.u32 s13, $0x3  }
0x3d2: {  	s17 =	sand.u32 $0x1F80, s18;
	[tilespmem:v8+s26+$0x0] =	vst.idx.msk $0xffff, v7  }
0x3d3: {  	v7 =	vld [tilespmem:s17+$0x600];
	_ =	sdelay $0x2  }
0x3d4: {  	s13 =	sand.u32 $0xF, s13  }
0x3d5: {  	v8 =	vmov s13  }
0x3d6: {  	vm8 =	veq.s32 v8, v0;
	v7 =	vxor.u32 $0x80000000, v7  }
0x3d7: {  	v7 =	vnsel vm8, $0x7FFFFFFF, v7  }
0x3d8: {  	(xrf0) =	vmax.scan.msk.u32 $0xffff, v7;
	_ =	sdelay $0x5  }
0x3d9: {  	v7, _, _ =	vpop (xrf0)  }
0x3da: {  	(v2sf) =	vpush v7, $0xF;
	_ =	sdelay $0xb  }
0x3db: {  	s17 =	sshra.s32 s14, $0x1F  }
0x3dc: {  	s13 =	sshrl.u32 s17, $0x19  }
0x3dd: {  	s18 =	sadd.s32 s13, s14  }
0x3de: {  	s17 =	sand.u32 $0xFFFFFF80, s18;
	s13 =	spop (v2sf)  }
0x3df: {  	s14 =	ssub.s32 s14, s17;
	s18 =	sand.u32 $0xFFFFF80, s13  }
0x3e0: {  	v7 =	vadd.s32 s14, v6;
	s17 =	sadd.s32 s0, s18;
	s18 =	sadd.s32 $0x4, s5  }
0x3e1: {  	[tilespmem:s20], [sflag:$0x4] =	stream.strided.gather [hbm4b:s17+s11], $0x800, s16, s11, $0x38;
	v8 =	vmov s18;
	[tilespmem:$0x12600] =	vst v63  }
0x3e2: {  	_ =	swait.ge [sflag:s1], $0x800;
	v60 =	vshll.u32 v8, $0x3  }
0x3e3: {  	v8 =	vand.u32 $0x7C, v8;
	[sflag:s1] =	ssyncset.done $0x0;
	v9 =	vand.u32 $0xC00, v60  }
0x3e4: {  	[sflag:s1] =	ssyncadd.s32 $0xFFFFF800;
	v8 =	vor.u32 v9, v8  }
0x3e5: {  	v7 =	vld.idx.msk [tilespmem:v7+s21+$0x0], $0xffff;
	v8 =	vor.u32 v1, v8;
	_ =	sdelay $0x1  }
0x3e6: {  	s17 =	smin.u32 s5, $0x1F3  }
0x3e7: {  	s14 =	sadd.s32 $0xC, s17  }
0x3e8: {  	s18 =	sshll.u32 s14, $0x3  }
0x3e9: {  	s17 =	sand.u32 $0x1F80, s18;
	[tilespmem:v8+s26+$0x0] =	vst.idx.msk $0xffff, v7  }
0x3ea: {  	v7 =	vld [tilespmem:s17+$0x600];
	_ =	sdelay $0x2  }
0x3eb: {  	s14 =	sand.u32 $0xF, s14  }
0x3ec: {  	v8 =	vmov s14  }
0x3ed: {  	vm8 =	veq.s32 v8, v0;
	v7 =	vxor.u32 $0x80000000, v7  }
0x3ee: {  	v7 =	vnsel vm8, $0x7FFFFFFF, v7  }
0x3ef: {  	(xrf0) =	vmax.scan.msk.u32 $0xffff, v7;
	_ =	sdelay $0x5  }
0x3f0: {  	v7, _, _ =	vpop (xrf0)  }
0x3f1: {  	(v2sf) =	vpush v7, $0xF;
	_ =	sdelay $0xb  }
0x3f2: {  	s17 =	sshra.s32 s8, $0x1F  }
0x3f3: {  	s14 =	sshrl.u32 s17, $0x19  }
0x3f4: {  	s18 =	sadd.s32 s14, s8  }
0x3f5: {  	s17 =	sand.u32 $0xFFFFFF80, s18;
	s14 =	spop (v2sf)  }
0x3f6: {  	s8 =	ssub.s32 s8, s17;
	s18 =	sand.u32 $0xFFFFF80, s14  }
0x3f7: {  	v7 =	vadd.s32 s8, v6;
	s17 =	sadd.s32 s0, s18;
	s18 =	sadd.s32 $0x5, s5  }
0x3f8: {  	[tilespmem:s21], [sflag:$0x5] =	stream.strided.gather [hbm4b:s17+s11], $0x800, s16, s11, $0x38;
	v8 =	vmov s18;
	[tilespmem:$0x12600] =	vst v63  }
0x3f9: {  	_ =	swait.ge [sflag:s3], $0x800;
	v61 =	vshll.u32 v8, $0x3  }
0x3fa: {  	v8 =	vand.u32 $0x7D, v8;
	[sflag:s3] =	ssyncset.done $0x0;
	v9 =	vand.u32 $0xC00, v61  }
0x3fb: {  	[sflag:s3] =	ssyncadd.s32 $0xFFFFF800;
	v8 =	vor.u32 v9, v8  }
0x3fc: {  	v7 =	vld.idx.msk [tilespmem:v7+s22+$0x0], $0xffff;
	v8 =	vor.u32 v1, v8;
	_ =	sdelay $0x1  }
0x3fd: {  	s17 =	smin.u32 s5, $0x1F2  }
0x3fe: {  	s8 =	sadd.s32 $0xD, s17  }
0x3ff: {  	s18 =	sshll.u32 s8, $0x3  }
0x400: {  	s17 =	sand.u32 $0x1F80, s18;
	[tilespmem:v8+s26+$0x0] =	vst.idx.msk $0xffff, v7  }
0x401: {  	v7 =	vld [tilespmem:s17+$0x600];
	_ =	sdelay $0x2  }
0x402: {  	s8 =	sand.u32 $0xF, s8  }
0x403: {  	v8 =	vmov s8  }
0x404: {  	vm8 =	veq.s32 v8, v0;
	v7 =	vxor.u32 $0x80000000, v7  }
0x405: {  	v7 =	vnsel vm8, $0x7FFFFFFF, v7  }
0x406: {  	(xrf0) =	vmax.scan.msk.u32 $0xffff, v7;
	_ =	sdelay $0x5  }
0x407: {  	v7, _, _ =	vpop (xrf0)  }
0x408: {  	(v2sf) =	vpush v7, $0xF;
	_ =	sdelay $0xb  }
0x409: {  	s17 =	sshra.s32 s7, $0x1F  }
0x40a: {  	s8 =	sshrl.u32 s17, $0x19  }
0x40b: {  	s18 =	sadd.s32 s8, s7  }
0x40c: {  	s17 =	sand.u32 $0xFFFFFF80, s18;
	s8 =	spop (v2sf)  }
0x40d: {  	s7 =	ssub.s32 s7, s17;
	s18 =	sand.u32 $0xFFFFF80, s8  }
0x40e: {  	v7 =	vadd.s32 s7, v6;
	s17 =	sadd.s32 s0, s18;
	s18 =	sadd.s32 $0x6, s5  }
0x40f: {  	[tilespmem:s22], [sflag:$0x6] =	stream.strided.gather [hbm4b:s17+s11], $0x800, s16, s11, $0x38;
	v8 =	vmov s18;
	[tilespmem:$0x12600] =	vst v63  }
0x410: {  	_ =	swait.ge [sflag:s10], $0x800;
	v62 =	vshll.u32 v8, $0x3  }
0x411: {  	v8 =	vand.u32 $0x7E, v8;
	[sflag:s10] =	ssyncset.done $0x0;
	v9 =	vand.u32 $0xC00, v62  }
0x412: {  	[sflag:s10] =	ssyncadd.s32 $0xFFFFF800;
	v8 =	vor.u32 v9, v8  }
0x413: {  	v7 =	vld.idx.msk [tilespmem:v7+s23+$0x0], $0xffff;
	v8 =	vor.u32 v1, v8;
	_ =	sdelay $0x1  }
0x414: {  	s17 =	smin.u32 s5, $0x1F1  }
0x415: {  	s7 =	sadd.s32 $0xE, s17  }
0x416: {  	s18 =	sshll.u32 s7, $0x3  }
0x417: {  	s17 =	sand.u32 $0x1F80, s18;
	[tilespmem:v8+s26+$0x0] =	vst.idx.msk $0xffff, v7  }
0x418: {  	v7 =	vld [tilespmem:s17+$0x600];
	_ =	sdelay $0x2  }
0x419: {  	s7 =	sand.u32 $0xF, s7  }
0x41a: {  	v8 =	vmov s7  }
0x41b: {  	vm8 =	veq.s32 v8, v0;
	v7 =	vxor.u32 $0x80000000, v7  }
0x41c: {  	v7 =	vnsel vm8, $0x7FFFFFFF, v7  }
0x41d: {  	(xrf0) =	vmax.scan.msk.u32 $0xffff, v7;
	_ =	sdelay $0x5  }
0x41e: {  	v7, _, _ =	vpop (xrf0)  }
0x41f: {  	(v2sf) =	vpush v7, $0xF;
	_ =	sdelay $0xb  }
0x420: {  	s17 =	sshra.s32 s6, $0x1F  }
0x421: {  	s7 =	sshrl.u32 s17, $0x19  }
0x422: {  	s7 =	sadd.s32 s7, s6  }
0x423: {  	s7 =	sand.u32 $0xFFFFFF80, s7;
	s17 =	spop (v2sf)  }
0x424: {  	s6 =	ssub.s32 s6, s7;
	s18 =	sand.u32 $0xFFFFF80, s17  }
0x425: {  	v7 =	vadd.s32 s6, v6;
	s7 =	sadd.s32 s0, s18;
	s18 =	sadd.s32 $0x7, s5  }
0x426: {  	[tilespmem:s23], [sflag:$0x7] =	stream.strided.gather [hbm4b:s7+s11], $0x800, s16, s11, $0x38;
	v8 =	vmov s18;
	[tilespmem:$0x12600] =	vst v63  }
0x427: {  	_ =	swait.ge [sflag:s24], $0x800;
	v63 =	vshll.u32 v8, $0x3  }
0x428: {  	v8 =	vand.u32 $0x7F, v8;
	[sflag:s24] =	ssyncset.done $0x0;
	v9 =	vand.u32 $0xC00, v63  }
0x429: {  	[sflag:s24] =	ssyncadd.s32 $0xFFFFF800;
	v8 =	vor.u32 v9, v8  }
0x42a: {  	v7 =	vld.idx.msk [tilespmem:v7+s25+$0x0], $0xffff;
	v8 =	vor.u32 v1, v8;
	_ =	sdelay $0x1  }
0x42b: {  	s7 =	smin.u32 s5, $0x1F0  }
0x42c: {  	s6 =	sadd.s32 $0xF, s7  }
0x42d: {  	s18 =	sshll.u32 s6, $0x3  }
0x42e: {  	s7 =	sand.u32 $0x1F80, s18;
	[tilespmem:v8+s26+$0x0] =	vst.idx.msk $0xffff, v7  }
0x42f: {  	v7 =	vld [tilespmem:s7+$0x600];
	_ =	sdelay $0x2  }
0x430: {  	s6 =	sand.u32 $0xF, s6  }
0x431: {  	v8 =	vmov s6  }
0x432: {  	vm8 =	veq.s32 v8, v0;
	v7 =	vxor.u32 $0x80000000, v7  }
0x433: {  	v7 =	vnsel vm8, $0x7FFFFFFF, v7  }
0x434: {  	(xrf0) =	vmax.scan.msk.u32 $0xffff, v7;
	_ =	sdelay $0x5  }
0x435: {  	v7, _, _ =	vpop (xrf0)  }
0x436: {  	(v2sf) =	vpush v7, $0xF;
	_ =	sdelay $0xd  }
0x437: {  	p0 =	sne.s32 s5, $0x1F8;
	s9 =	sxor.u32 $0x80000000, s9  }
.Ltmp6:
0x438: {  	s4 =	sxor.u32 $0x80000000, s4;
	s6 =	spop (v2sf);
	(pc) =	sbr.rel @p0 .LBB2_14-.Ltmp6, $4  }
0x439: {  	s2 =	sxor.u32 $0x80000000, s2;
	s13 =	sxor.u32 $0x80000000, s13;
	s18 =	sand.u32 $0xFFFFF80, s6  }
0x43a: {  	s14 =	sxor.u32 $0x80000000, s14;
	s8 =	sxor.u32 $0x80000000, s8;
	s7 =	sadd.s32 s0, s18  }
0x43b: {  	[tilespmem:s25], [sflag:$0x8] =	stream.strided.gather [hbm4b:s7+s11], $0x800, s16, s11, $0x38;
	[tilespmem:$0x12600] =	vst v63  }
0x43c: {  	s5 =	sadd.s32 $0x8, s5;
	s6 =	sxor.u32 $0x80000000, s6;
	s7 =	sxor.u32 $0x80000000, s17  }
0x43d: {  	s2 =	simm.s32 $0xA  }
0x43e: {  	_ =	swait.ge [sflag:s2], $0x4000  }
0x43f: {  	s4 =	simm.s32 $0xC00;
	s5 =	simm.s32 $0x1;
	[sflag:s2] =	ssyncset.done $0x0  }
0x440: {  	s6 =	sand.u32 $0xF80, s4;
	[sflag:s2] =	ssyncadd.s32 $0xFFFFC000;
	s2 =	simm.s32 $0x0  }
.LBB2_16:
0x441: {  	p0 =	sne.s32 s5, $0x7F;
	v7 =	vld [tilespmem:s6+$0x1600];
	_ =	sdelay $0x2  }
0x442: {  	s6 =	sand.u32 $0xF, s2  }
0x443: {  	v8 =	vmov s6  }
0x444: {  	vm8 =	veq.s32 v8, v0;
	v7 =	vxor.u32 $0x80000000, v7  }
0x445: {  	v7 =	vnsel vm8, $0x7FFFFFFF, v7  }
0x446: {  	(xrf0) =	vmax.scan.msk.u32 $0xffff, v7;
	_ =	sdelay $0x5  }
0x447: {  	v7, _, _ =	vpop (xrf0)  }
0x448: {  	(v2sf) =	vpush v7, $0xF;
	_ =	sdelay $0xe  }
0x449: {  	s6 =	spop (v2sf)  }
0x44a: {  	s6 =	sshll.u32 s6, $0x4  }
0x44b: {  	s7 =	sshll.u32 s2, $0x7;
	s6 =	sand.u32 $0x70, s6  }
0x44c: {  	s6 =	sor.u32 s7, s6  }
0x44d: {  	v7 =	vor.u32 s6, v0  }
0x44e: {  	s6 =	sadd.s32 $0x180, s2;
	s2 =	smov.u32 s5  }
0x44f: {  	v8 =	vmov s6  }
0x450: {  	v8 =	vand.u32 $0x7F, v8  }
0x451: {  	v8 =	vbroadcast v8, $0x0  }
0x452: {  	v7 =	vld.idx.msk [tilespmem:v7+s15+$0x0], $0xffff  }
0x453: {  	v8 =	vor.u32 v5, v8  }
.Ltmp7:
0x454: {  	(pc) =	sbr.rel @p0 .LBB2_16-.Ltmp7, $3  }
0x455: {  	_ =	sdelay $0x1  }
0x456: {  	s4 =	sadd.s32 $0x8, s4  }
0x457: {  	s5 =	sadd.s32 $0x1, s5;
	s6 =	sand.u32 $0xF80, s4;
	[tilespmem:v8+s26+$0x0] =	vst.idx.msk $0xffff, v7  }
0x458: {  	v7 =	vld [tilespmem:s6+$0x1600];
	_ =	sdelay $0x2  }
0x459: {  	s4 =	sand.u32 $0xF, s2  }
0x45a: {  	v8 =	vmov s4  }
0x45b: {  	vm8 =	veq.s32 v8, v0;
	v7 =	vxor.u32 $0x80000000, v7  }
0x45c: {  	v7 =	vnsel vm8, $0x7FFFFFFF, v7  }
0x45d: {  	(xrf0) =	vmax.scan.msk.u32 $0xffff, v7;
	_ =	sdelay $0x5  }
0x45e: {  	v7, _, _ =	vpop (xrf0)  }
0x45f: {  	(v2sf) =	vpush v7, $0xF;
	_ =	sdelay $0xe  }
0x460: {  	s21 =	spop (v2sf)  }
0x461: {  	s4 =	sshll.u32 s21, $0x4  }
0x462: {  	s5 =	sshll.u32 s2, $0x7;
	s4 =	sand.u32 $0x70, s4  }
0x463: {  	s4 =	sor.u32 s5, s4  }
0x464: {  	s22 =	sadd.s32 $0x180, s2;
	v7 =	vor.u32 s4, v0  }
0x465: {  	v8 =	vmov s22  }
0x466: {  	v8 =	vand.u32 $0x7F, v8  }
0x467: {  	v8 =	vbroadcast v8, $0x0;
	_ =	sdelay $0x1  }
0x468: {  	v8 =	vor.u32 v5, v8;
	v7 =	vld.idx.msk [tilespmem:v7+s15+$0x0], $0xffff;
	_ =	sdelay $0x4  }
0x469: {  	[tilespmem:v8+s26+$0x0] =	vst.idx.msk $0xffff, v7  }
0x46a: {  	_ =	swait.ge [sflag:s28], $0x800  }
0x46b: {  	[sflag:s28] =	ssyncset.done $0x0  }
0x46c: {  	[sflag:s28] =	ssyncadd.s32 $0xFFFFF800  }
0x46d: {  	_ =	swait.ge [sflag:s29], $0x800  }
0x46e: {  	[sflag:s29] =	ssyncset.done $0x0  }
0x46f: {  	[sflag:s29] =	ssyncadd.s32 $0xFFFFF800  }
0x470: {  	_ =	swait.ge [sflag:s30], $0x800  }
0x471: {  	[sflag:s30] =	ssyncset.done $0x0  }
0x472: {  	[sflag:s30] =	ssyncadd.s32 $0xFFFFF800  }
0x473: {  	_ =	swait.ge [sflag:s31], $0x800  }
0x474: {  	[sflag:s31] =	ssyncset.done $0x0  }
0x475: {  	[sflag:s31] =	ssyncadd.s32 $0xFFFFF800  }
0x476: {  	_ =	swait.ge [sflag:s1], $0x800  }
0x477: {  	[sflag:s1] =	ssyncset.done $0x0  }
0x478: {  	[sflag:s1] =	ssyncadd.s32 $0xFFFFF800  }
0x479: {  	_ =	swait.ge [sflag:s3], $0x800  }
0x47a: {  	[sflag:s3] =	ssyncset.done $0x0  }
0x47b: {  	[sflag:s3] =	ssyncadd.s32 $0xFFFFF800  }
0x47c: {  	_ =	swait.ge [sflag:s10], $0x800  }
0x47d: {  	[sflag:s10] =	ssyncset.done $0x0  }
0x47e: {  	s23 =	simm.s32 $0x8;
	[sflag:s10] =	ssyncadd.s32 $0xFFFFF800  }
0x47f: {  	_ =	swait.ge [sflag:s23], $0x800  }
0x480: {  	s5 =	simm.s32 $0xB;
	s28 =	simm.s32 $0x1000;
	[sflag:s23] =	ssyncset.done $0x0  }
0x481: {  	s29 =	simm.s32 $0x20000;
	s24 =	rddreg [dreg:$0x8];
	[sflag:s23] =	ssyncadd.s32 $0xFFFFF800  }
0x482: {  	[hbm4b:s24+s28] =	stream.strided.scatter [tilespmem:s26], [sflag:$0xB], $0x4000, s29, s28, $0x38;
	[tilespmem:$0x12600] =	vst v63  }
0x483: {  	_ =	swait.ge [sflag:s5], $0x4000  }
0x484: {  	s30 =	rddreg [dreg:$0xa]  }
0x485: {  	s31 =	rddreg [dreg:$0x9];
	s1 =	sadd.s32 $0x1, s30  }
0x486: {  	p0 =	sne.s32 s1, s31  }
.Ltmp8:
0x487: {  	_ = 	snop;
	(pc) =	sbr.rel @p0 .LBB2_1-.Ltmp8, $4  }
0x488: {  	_ = 	snop  }
0x489: {  	s7 =	simm.s32 $0x8E00;
	s8 =	simm.s32 $0x8600  }
0x48a: {  	s9 =	simm.s32 $0x7600;
	s13 =	simm.s32 $0x6E00;
	[sflag:s5] =	ssyncset.done $0x0  }
0x48b: {  	s3 =	simm.s32 $0x9600;
	s10 =	simm.s32 $0x7E00;
	[sflag:s5] =	ssyncadd.s32 $0xFFFFC000  }
0x48c: {  	_ =	sfence.sel $0x180000  }
0x48d: {  	[bflag:$0x0] =	sbarrier.arrive $0xFFFF  }
0x48e: {  	_ =	strace $0x90000047  }
0x48f: {  	s0 =	stileid.u32;
	[bflag:$0x2] =	sbarrier.arrive $0xFFFF  }
0x490: {  	p0 =	sne.s32 s0, $0x0;
	s0 =	rddreg [dreg:$0x4]  }
0x491: {  	s0 =	sadd.s32 @!p0 $0x100000, s0  }
0x492: {  	[sflag:s0] =	ssyncadd.tile.s32 @!p0 $0x1;
	_ =	shalt  }
.Lfunc_end2:
_tile_overlayer_lowered:
.L_overlay_start_2:
0x493: {  	(tag) =	ssettag $0x2  }
0x494: {  	s0 =	rddreg [dreg:$0x0];
	s2 =	stileid.u32  }
0x495: {  	s1 =	rddreg [dreg:$0x1];
	p0 =	sne.s32 s2, $0x0  }
0x496: {  	s3 =	rddreg [dreg:$0x2];
	[bflag:$0x3] =	sbarrier.arrive $0xFFFF;
	s2 =	simm.s32 @!p0 $0x1C0B  }
0x497: {  	[timem:s3], [sflag:s2] =	dma.local @!p0 [hbm:s0], s1  }
0x498: {  	s0 =	simm.s32 @!p0 $0xB  }
0x499: {  	_ =	swait.ge @!p0 [sflag:s0], s1  }
0x49a: {  	s1 =	ssub.s32 @!p0 $0x0, s1;
	[sflag:s0] =	ssyncset.done @!p0 $0x0  }
0x49b: {  	[sflag:s0] =	ssyncadd.s32 @!p0 s1  }
0x49c: {  	[bflag:$0x3] =	sbarrier.arrive $0xFFFF  }
0x49d: {  	_ =	shalt  }

</sc_bundles>
